<compile_context>
chip_gen: v7x
topology: tpu7x:2x2x1
jax: 0.10.2.dev20260603
libtpu: 0.0.44.dev20260713+nightly
codegen_flags: <defaults>
</compile_context>

<pallas_src>
import functools

import jax
import jax.numpy as jnp
from jax.experimental import pallas as pl

TOPK = 48
NRBF = 16
MAXREL = 32
BLK = 128

_QA = [0, 2, 3, 4, 1, 1, 1, 1, 0, 0, 0, 4, 4, 3, 0, 2, 3, 4, 2, 3, 4, 2, 3, 2]
_NA = [0, 2, 3, 4, 0, 2, 3, 4, 2, 3, 4, 2, 3, 2, 1, 1, 1, 1, 0, 0, 0, 4, 4, 3]


def _dot(a, b, precision=None):
    return jax.lax.dot_general(a, b, (((1,), (0,)), ((), ())),
                               preferred_element_type=jnp.float32,
                               precision=precision)


def _fused_kernel(tq_ref, caT_ref, texp_ref, wp_ref, wrbf_ref,
                  wn_ref, mu_ref, v_ref, e_ref, ei_ref, *, n):
    tq = tq_ref[...]
    ca = caT_ref[0]
    texp = texp_ref[0]
    mu = mu_ref[...]
    zeros7 = jnp.zeros((BLK, 7), jnp.float32)

    qcoords = tq[:, 0:72]
    qc = tq[:, 72:73]
    qm = tq[:, 73:74]
    qr = tq[:, 74:75]
    qx = tq[:, 75:76]
    qy = tq[:, 76:77]
    qz = tq[:, 77:78]

    lane128 = jax.lax.broadcasted_iota(jnp.int32, (BLK, 128), 1)

    ohm = (lane128 == qm.astype(jnp.int32)).astype(jnp.float32)
    v_ref[...] = _dot(ohm, wn_ref[...])

    dx = qx - ca[0:1, :]
    dy = qy - ca[1:2, :]
    dz = qz - ca[2:3, :]
    D = jnp.sqrt(dx * dx + dy * dy + dz * dz + 1e-6)

    iota = jax.lax.broadcasted_iota(jnp.int32, (BLK, n), 1)
    Dw = D
    idx_cols = []
    for t in range(TOPK):
        m = jnp.max(Dw, axis=1, keepdims=True)
        cand = jnp.where(Dw == m, iota, n)
        idx = jnp.min(cand, axis=1, keepdims=True)
        ohb = iota == idx
        oh = ohb.astype(jnp.float32)
        Dw = jnp.where(ohb, -jnp.inf, Dw)
        g = _dot(oh, texp, precision=jax.lax.Precision.HIGHEST)

        diff = qcoords - g[:, 0:72]
        dsq = diff * diff
        d24 = dsq[:, 0:24] + dsq[:, 24:48] + dsq[:, 48:72]
        d32 = jnp.concatenate([m, jnp.sqrt(d24 + 1e-6), zeros7], axis=1)
        drep = jnp.concatenate([d32] * NRBF, axis=1)
        z = (drep - mu) * jnp.float32(1.0 / 1.25)
        rbf = jnp.exp(-(z * z))

        off = qr - g[:, 73:74]
        ech = (qc == g[:, 72:73]).astype(jnp.float32)
        dpos = jnp.clip(off + 32.0, 0.0, 64.0) * ech + (1.0 - ech) * 65.0
        ohd = (lane128 == dpos.astype(jnp.int32)).astype(jnp.float32)

        et = _dot(ohd, wp_ref[...]) + _dot(rbf, wrbf_ref[...])
        e_ref[:, t * 128:(t + 1) * 128] = et
        idx_cols.append(idx)
    ei_ref[...] = jnp.concatenate(idx_cols, axis=1)


def kernel(X, mask, R_idx, chain_labels, membrane_per_residue_labels,
           W_pos, b_pos, W_edge, b_edge, W_node, b_node):
    B, N = X.shape[0], X.shape[1]
    f32 = jnp.float32

    Nat = X[:, :, 0, :]
    Ca = X[:, :, 1, :]
    Cc = X[:, :, 2, :]
    Oa = X[:, :, 3, :]
    bb = Ca - Nat
    cc = Cc - Ca
    aa = jnp.cross(bb, cc, axis=-1)
    Cb = -0.58273431 * aa + 0.56802827 * bb - 0.54067466 * cc + Ca
    A5 = jnp.stack([Nat, Ca, Cc, Oa, Cb], axis=2)

    qa = jnp.array(_QA, dtype=jnp.int32)
    na = jnp.array(_NA, dtype=jnp.int32)
    Qp = jnp.transpose(A5[:, :, qa, :], (0, 1, 3, 2)).reshape(B, N, 72)
    Np = jnp.transpose(A5[:, :, na, :], (0, 1, 3, 2)).reshape(B, N, 72)

    chain_f = chain_labels.astype(f32)[..., None]
    mem_f = membrane_per_residue_labels.astype(f32)[..., None]
    ridx_f = R_idx.astype(f32)[..., None]

    tq = jnp.concatenate([Qp, chain_f, mem_f, ridx_f, Ca], axis=-1)
    tq = jnp.pad(tq, ((0, 0), (0, 0), (0, 128 - tq.shape[-1])))
    tq2 = tq.reshape(B * N, 128)

    texp = jnp.concatenate([Np, chain_f, ridx_f], axis=-1)
    texp = jnp.pad(texp, ((0, 0), (0, 0), (0, 128 - texp.shape[-1])))

    caT = jnp.pad(jnp.transpose(Ca, (0, 2, 1)), ((0, 0), (0, 5), (0, 0)))

    bf = (b_pos @ W_edge[0:16] + b_edge)[None, :]
    wp = (jnp.zeros((128, 128), f32).at[0:66].set(W_pos @ W_edge[0:16])
          + bf)
    wrbf = jnp.pad(
        jnp.transpose(W_edge[16:16 + 25 * NRBF].reshape(25, NRBF, 128),
                      (1, 0, 2)),
        ((0, 0), (0, 7), (0, 0))).reshape(32 * NRBF, 128)
    wn = jnp.zeros((128, 128), f32).at[0:3].set(W_node) + b_node[None, :]
    mu = jnp.repeat(jnp.linspace(2.0, 22.0, NRBF, dtype=f32), 32)[None, :]

    nblk = N // BLK
    grid = (B, nblk)
    row_map = lambda b, i: (b * nblk + i, 0)
    batch_map = lambda b, i: (b, 0, 0)
    w2_map = lambda b, i: (0, 0)

    out = pl.pallas_call(
        functools.partial(_fused_kernel, n=N),
        grid=grid,
        in_specs=[
            pl.BlockSpec((BLK, 128), row_map),
            pl.BlockSpec((1, 8, N), batch_map),
            pl.BlockSpec((1, N, 128), batch_map),
            pl.BlockSpec((128, 128), w2_map),
            pl.BlockSpec((32 * NRBF, 128), w2_map),
            pl.BlockSpec((128, 128), w2_map),
            pl.BlockSpec((1, 32 * NRBF), w2_map),
        ],
        out_specs=[
            pl.BlockSpec((BLK, 128), row_map),
            pl.BlockSpec((BLK, TOPK * 128), row_map),
            pl.BlockSpec((BLK, TOPK), row_map),
        ],
        out_shape=[
            jax.ShapeDtypeStruct((B * N, 128), f32),
            jax.ShapeDtypeStruct((B * N, TOPK * 128), f32),
            jax.ShapeDtypeStruct((B * N, TOPK), jnp.int32),
        ],
    )(tq2, caT, texp, wp, wrbf, wn, mu)

    V = out[0].reshape(B, N, 128)
    E = out[1].reshape(B, N, TOPK, 128)
    E_idx = out[2].reshape(B, N, TOPK)
    return (V, E, E_idx)

# --- scband reference (transcript-rebuilt; emitter-appended) ---
"""Pipeline reference for scband-protein-features-membrane-42176578846968 (READ-ONLY COPY).

The authoritative reference and input builder live on the scoring server;
editing this copy changes nothing except your own understanding.
"""

import jax, jax.numpy as jnp
import numpy as np

TOP_K = 48
NUM_RBF = 16
MAX_REL = 32
NUM_CLASSES = 3
NODE_F = 128
EDGE_F = 128
NUM_PE = 16


def gather_edges(edges, neighbor_idx):
    # edges: [B, N, N, C]; neighbor_idx: [B, N, K] -> [B, N, K, C]
    B, N, _, C = edges.shape
    K = neighbor_idx.shape[2]
    idx = jnp.broadcast_to(neighbor_idx[:, :, :, None], (B, N, K, C))
    return jnp.take_along_axis(edges, idx, axis=2)


def _rbf(D):
    D_mu = jnp.linspace(2.0, 22.0, NUM_RBF)[None, None, None, :]
    D_sigma = (22.0 - 2.0) / NUM_RBF
    return jnp.exp(-((D[..., None] - D_mu) / D_sigma) ** 2)


def _get_rbf(A, Bm, E_idx):
    D = jnp.sqrt(jnp.sum((A[:, :, None, :] - Bm[:, None, :, :]) ** 2, axis=-1) + 1e-6)
    Dn = gather_edges(D[:, :, :, None], E_idx)[:, :, :, 0]
    return _rbf(Dn)


def setup_inputs(seed: int = 0):
    key = jax.random.key(seed)
    ks = jax.random.split(key, 10)
    B, N = 2, 1024
    return {
        "X": jax.random.normal(ks[0], (B, N, 4, 3), dtype=jnp.float32),
        "mask": jnp.ones((B, N), dtype=jnp.float32),
        "R_idx": jnp.arange(B * N, dtype=jnp.int32).reshape(B, N),
        "chain_labels": jax.random.randint(ks[1], (B, N), 0, 2),
        "membrane_per_residue_labels": jax.random.randint(ks[2], (B, N), 0, 3),
        "W_pos": jax.random.normal(ks[3], (2 * MAX_REL + 2, NUM_PE), dtype=jnp.float32) * 0.05,
        "b_pos": jnp.zeros((NUM_PE,), dtype=jnp.float32),
        "W_edge": jax.random.normal(ks[4], (NUM_PE + NUM_RBF * 25, EDGE_F), dtype=jnp.float32) * 0.05,
        "b_edge": jnp.zeros((EDGE_F,), dtype=jnp.float32),
        "W_node": jax.random.normal(ks[5], (NUM_CLASSES, NODE_F), dtype=jnp.float32) * 0.05,
        "b_node": jnp.zeros((NODE_F,), dtype=jnp.float32),
    }


def reference(X, mask, R_idx, chain_labels, membrane_per_residue_labels,
              W_pos, b_pos, W_edge, b_edge, W_node, b_node):
    b = X[:, :, 1, :] - X[:, :, 0, :]
    c = X[:, :, 2, :] - X[:, :, 1, :]
    a = jnp.cross(b, c, axis=-1)
    Cb = -0.58273431 * a + 0.56802827 * b - 0.54067466 * c + X[:, :, 1, :]
    Ca = X[:, :, 1, :]
    Nat = X[:, :, 0, :]
    Cat = X[:, :, 2, :]
    Oat = X[:, :, 3, :]

    # _dist
    mask_2D = mask[:, None, :] * mask[:, :, None]
    dX = Ca[:, None, :, :] - Ca[:, :, None, :]
    D = mask_2D * jnp.sqrt(jnp.sum(dX ** 2, axis=3) + 1e-6)
    D_max = jnp.max(D, axis=-1, keepdims=True)
    D_adjust = D + (1.0 - mask_2D) * D_max
    k = min(TOP_K, Ca.shape[1])
    D_neighbors, E_idx = jax.lax.top_k(D_adjust, k)

    RBF_all = [_rbf(D_neighbors)]
    pair_list = [(Nat, Nat), (Cat, Cat), (Oat, Oat), (Cb, Cb), (Ca, Nat), (Ca, Cat),
                 (Ca, Oat), (Ca, Cb), (Nat, Cat), (Nat, Oat), (Nat, Cb), (Cb, Cat),
                 (Cb, Oat), (Oat, Cat), (Nat, Ca), (Cat, Ca), (Oat, Ca), (Cb, Ca),
                 (Cat, Nat), (Oat, Nat), (Cb, Nat), (Cat, Cb), (Oat, Cb), (Cat, Oat)]
    for A_, B_ in pair_list:
        RBF_all.append(_get_rbf(A_, B_, E_idx))
    RBF_all = jnp.concatenate(tuple(RBF_all), axis=-1)

    offset = R_idx[:, :, None] - R_idx[:, None, :]
    offset = gather_edges(offset[:, :, :, None], E_idx)[:, :, :, 0]
    d_chains = (chain_labels[:, :, None] - chain_labels[:, None, :] == 0).astype(jnp.int32)
    E_chains = gather_edges(d_chains[:, :, :, None], E_idx)[:, :, :, 0]

    # positional encodings
    d = jnp.clip(offset.astype(jnp.int32) + MAX_REL, 0, 2 * MAX_REL)
    d = d * E_chains + (1 - E_chains) * (2 * MAX_REL + 1)
    d_onehot = jax.nn.one_hot(d, 2 * MAX_REL + 1 + 1).astype(jnp.float32)
    E_positional = d_onehot @ W_pos + b_pos

    E = jnp.concatenate((E_positional, RBF_all), axis=-1)
    E = E @ W_edge + b_edge
    C_1hot = jax.nn.one_hot(membrane_per_residue_labels, NUM_CLASSES)
    V = C_1hot @ W_node + b_node
    return (V, E, E_idx)

if __name__ == "__main__":
    import jax
    _d = setup_inputs()
    print(jax.jit(kernel)(*tuple(_d.values())))

</pallas_src>

<mosaic_0001>
module attributes {stable_mosaic.version = 14 : i64} {
  func.func @_fused_kernel(%arg0: i32, %arg1: i32, %arg2: memref<128x128xf32, #tpu.memory_space<vmem>>, %arg3: memref<1x8x1024xf32, #tpu.memory_space<vmem>>, %arg4: memref<1x1024x128xf32, #tpu.memory_space<vmem>>, %arg5: memref<128x128xf32, #tpu.memory_space<vmem>>, %arg6: memref<512x128xf32, #tpu.memory_space<vmem>>, %arg7: memref<128x128xf32, #tpu.memory_space<vmem>>, %arg8: memref<1x512xf32, #tpu.memory_space<vmem>>, %arg9: memref<128x128xf32, #tpu.memory_space<vmem>>, %arg10: memref<128x6144xf32, #tpu.memory_space<vmem>>, %arg11: memref<128x48xi32, #tpu.memory_space<vmem>>) attributes {dimension_semantics = [#tpu.dimension_semantics<arbitrary>, #tpu.dimension_semantics<arbitrary>], iteration_bounds = array<i64: 2, 8>, scalar_prefetch = 0 : i64, scratch_operands = 0 : i64, tpu.core_type = #tpu.core_type<tc>, window_params = [{transform_indices = @transform_0, window_bounds = array<i64: 128, 128>}, {transform_indices = @transform_1, window_bounds = array<i64: 1, 8, 1024>}, {transform_indices = @transform_2, window_bounds = array<i64: 1, 1024, 128>}, {pipeline_mode = #tpu.pipeline_mode<synchronous>, transform_indices = @transform_3, window_bounds = array<i64: 128, 128>}, {pipeline_mode = #tpu.pipeline_mode<synchronous>, transform_indices = @transform_4, window_bounds = array<i64: 512, 128>}, {pipeline_mode = #tpu.pipeline_mode<synchronous>, transform_indices = @transform_5, window_bounds = array<i64: 128, 128>}, {pipeline_mode = #tpu.pipeline_mode<synchronous>, transform_indices = @transform_6, window_bounds = array<i64: 1, 512>}, {transform_indices = @transform_7, window_bounds = array<i64: 128, 128>}, {transform_indices = @transform_8, window_bounds = array<i64: 128, 6144>}, {transform_indices = @transform_9, window_bounds = array<i64: 128, 48>}]} {
    %get3A = arith.constant 0 : index
    %get3A_0 = arith.constant 0 : index
    %get3A_1 = vector.load %arg2[%get3A, %get3A_0] : memref<128x128xf32, #tpu.memory_space<vmem>>, vector<128x128xf32>
    %get3A_2 = arith.constant 0 : index
    %get3A_3 = arith.constant 0 : index
    %get3A_4 = arith.constant 0 : index
    %get3A_5 = vector.load %arg3[%get3A_2, %get3A_3, %get3A_4] : memref<1x8x1024xf32, #tpu.memory_space<vmem>>, vector<1x8x1024xf32>
    %get3A_6 = vector.shape_cast %get3A_5 : vector<1x8x1024xf32> to vector<8x1024xf32>
    %get3A_7 = arith.constant 0 : index
    %get3A_8 = arith.constant 0 : index
    %get3A_9 = arith.constant 0 : index
    %get3A_10 = vector.load %arg4[%get3A_7, %get3A_8, %get3A_9] : memref<1x1024x128xf32, #tpu.memory_space<vmem>>, vector<1x1024x128xf32>
    %get3A_11 = vector.shape_cast %get3A_10 : vector<1x1024x128xf32> to vector<1024x128xf32>
    %get3A_12 = arith.constant 0 : index
    %get3A_13 = arith.constant 0 : index
    %get3A_14 = vector.load %arg8[%get3A_12, %get3A_13] : memref<1x512xf32, #tpu.memory_space<vmem>>, vector<1x512xf32>
    %broadcast_in_dim3A = arith.constant 0.000000e+00 : f32
    %broadcast_in_dim3A_15 = vector.broadcast %broadcast_in_dim3A : f32 to vector<128x7xf32>
    %slice3A = vector.extract_strided_slice %get3A_1 {offsets = [0, 0], sizes = [128, 72], strides = [1, 1]} : vector<128x128xf32> to vector<128x72xf32>
    %slice3A_16 = vector.extract_strided_slice %get3A_1 {offsets = [0, 72], sizes = [128, 1], strides = [1, 1]} : vector<128x128xf32> to vector<128x1xf32>
    %slice3A_17 = vector.extract_strided_slice %get3A_1 {offsets = [0, 73], sizes = [128, 1], strides = [1, 1]} : vector<128x128xf32> to vector<128x1xf32>
    %slice3A_18 = vector.extract_strided_slice %get3A_1 {offsets = [0, 74], sizes = [128, 1], strides = [1, 1]} : vector<128x128xf32> to vector<128x1xf32>
    %slice3A_19 = vector.extract_strided_slice %get3A_1 {offsets = [0, 75], sizes = [128, 1], strides = [1, 1]} : vector<128x128xf32> to vector<128x1xf32>
    %slice3A_20 = vector.extract_strided_slice %get3A_1 {offsets = [0, 76], sizes = [128, 1], strides = [1, 1]} : vector<128x128xf32> to vector<128x1xf32>
    %slice3A_21 = vector.extract_strided_slice %get3A_1 {offsets = [0, 77], sizes = [128, 1], strides = [1, 1]} : vector<128x128xf32> to vector<128x1xf32>
    %iota3A = tpu.iota {dimensions = array<i32: 1>} : vector<128x128xi32>
    %convert_element_type3A = arith.fptosi %slice3A_17 : vector<128x1xf32> to vector<128x1xi32>
    %eq3A = vector.broadcast %convert_element_type3A : vector<128x1xi32> to vector<128x128xi32>
    %eq3A_22 = arith.cmpi eq, %iota3A, %eq3A : vector<128x128xi32>
    %convert_element_type3A_23 = arith.extui %eq3A_22 : vector<128x128xi1> to vector<128x128xi32>
    %convert_element_type3A_24 = arith.sitofp %convert_element_type3A_23 : vector<128x128xi32> to vector<128x128xf32>
    %get3A_25 = arith.constant 0 : index
    %get3A_26 = arith.constant 0 : index
    %get3A_27 = vector.load %arg7[%get3A_25, %get3A_26] : memref<128x128xf32, #tpu.memory_space<vmem>>, vector<128x128xf32>
    %dot_general3A = arith.constant dense<0.000000e+00> : vector<128x128xf32>
    %dot_general3A_28 = tpu.matmul %convert_element_type3A_24, %get3A_27, %dot_general3A {dimension_numbers = #tpu.dot_dimension_numbers<[1], [0], [0], [1], [0, 0, 1, 1], [], []>, transpose_lhs_hint = false} : vector<128x128xf32>, vector<128x128xf32>, vector<128x128xf32> -> vector<128x128xf32>
    %swap3A = arith.constant 0 : index
    %swap3A_29 = arith.constant 0 : index
    %swap3A_30 = vector.load %arg9[%swap3A, %swap3A_29] : memref<128x128xf32, #tpu.memory_space<vmem>>, vector<128x128xf32>
    tpu.vector_store %arg9[%swap3A, %swap3A_29], %dot_general3A_28 {strides = array<i32>} : memref<128x128xf32, #tpu.memory_space<vmem>>, vector<128x128xf32>,
    %slice3A_31 = vector.extract_strided_slice %get3A_6 {offsets = [0, 0], sizes = [1, 1024], strides = [1, 1]} : vector<8x1024xf32> to vector<1x1024xf32>
    %sub3A = vector.broadcast %slice3A_19 : vector<128x1xf32> to vector<128x1024xf32>
    %sub3A_32 = vector.broadcast %slice3A_31 : vector<1x1024xf32> to vector<128x1024xf32>
    %sub3A_33 = arith.subf %sub3A, %sub3A_32 : vector<128x1024xf32>
    %slice3A_34 = vector.extract_strided_slice %get3A_6 {offsets = [1, 0], sizes = [1, 1024], strides = [1, 1]} : vector<8x1024xf32> to vector<1x1024xf32>
    %sub3A_35 = vector.broadcast %slice3A_20 : vector<128x1xf32> to vector<128x1024xf32>
    %sub3A_36 = vector.broadcast %slice3A_34 : vector<1x1024xf32> to vector<128x1024xf32>
    %sub3A_37 = arith.subf %sub3A_35, %sub3A_36 : vector<128x1024xf32>
    %slice3A_38 = vector.extract_strided_slice %get3A_6 {offsets = [2, 0], sizes = [1, 1024], strides = [1, 1]} : vector<8x1024xf32> to vector<1x1024xf32>
    %sub3A_39 = vector.broadcast %slice3A_21 : vector<128x1xf32> to vector<128x1024xf32>
    %sub3A_40 = vector.broadcast %slice3A_38 : vector<1x1024xf32> to vector<128x1024xf32>
    %sub3A_41 = arith.subf %sub3A_39, %sub3A_40 : vector<128x1024xf32>
    %mul3A = arith.mulf %sub3A_33, %sub3A_33 : vector<128x1024xf32>
    %mul3A_42 = arith.mulf %sub3A_37, %sub3A_37 : vector<128x1024xf32>
    %add3A = arith.addf %mul3A, %mul3A_42 : vector<128x1024xf32>
    %mul3A_43 = arith.mulf %sub3A_41, %sub3A_41 : vector<128x1024xf32>
    %add3A_44 = arith.addf %add3A, %mul3A_43 : vector<128x1024xf32>
    %add3A_45 = arith.constant 9.99999997E-7 : f32
    %add3A_46 = vector.broadcast %add3A_45 : f32 to vector<128x1024xf32>
    %add3A_47 = arith.addf %add3A_44, %add3A_46 : vector<128x1024xf32>
    %sqrt3A = math.sqrt %add3A_47 : vector<128x1024xf32>
    %iota3A_48 = tpu.iota {dimensions = array<i32: 1>} : vector<128x1024xi32>
    %reduce_max3A = arith.constant dense<0xFF800000> : vector<128xf32>
    %reduce_max3A_49 = vector.multi_reduction <maximumf>, %sqrt3A, %reduce_max3A [1] : vector<128x1024xf32> to vector<128xf32>
    %broadcast_in_dim3A_50 = vector.shape_cast %reduce_max3A_49 : vector<128xf32> to vector<128x1xf32>
    %eq3A_51 = vector.broadcast %broadcast_in_dim3A_50 : vector<128x1xf32> to vector<128x1024xf32>
    %eq3A_52 = arith.cmpf oeq, %sqrt3A, %eq3A_51 : vector<128x1024xf32>
    %jit3A = arith.constant 1024 : i32
    %broadcast_in_dim3A_53 = vector.broadcast %jit3A : i32 to vector<128x1024xi32>
    %select_n3A = arith.select %eq3A_52, %iota3A_48, %broadcast_in_dim3A_53 : vector<128x1024xi1>, vector<128x1024xi32>
    %reduce_min3A = arith.constant dense<2147483647> : vector<128xi32>
    %reduce_min3A_54 = vector.multi_reduction <minsi>, %select_n3A, %reduce_min3A [1] : vector<128x1024xi32> to vector<128xi32>
    %broadcast_in_dim3A_55 = vector.shape_cast %reduce_min3A_54 : vector<128xi32> to vector<128x1xi32>
    %eq3A_56 = vector.broadcast %broadcast_in_dim3A_55 : vector<128x1xi32> to vector<128x1024xi32>
    %eq3A_57 = arith.cmpi eq, %iota3A_48, %eq3A_56 : vector<128x1024xi32>
    %convert_element_type3A_58 = arith.extui %eq3A_57 : vector<128x1024xi1> to vector<128x1024xi32>
    %convert_element_type3A_59 = arith.sitofp %convert_element_type3A_58 : vector<128x1024xi32> to vector<128x1024xf32>
    %jit3A_60 = arith.constant 0xFF800000 : f32
    %broadcast_in_dim3A_61 = vector.broadcast %jit3A_60 : f32 to vector<128x1024xf32>
    %select_n3A_62 = arith.select %eq3A_57, %broadcast_in_dim3A_61, %sqrt3A : vector<128x1024xi1>, vector<128x1024xf32>
    %dot_general3A_63 = arith.constant dense<0.000000e+00> : vector<128x128xf32>
    %dot_general3A_64 = tpu.matmul %convert_element_type3A_59, %get3A_11, %dot_general3A_63 {dimension_numbers = #tpu.dot_dimension_numbers<[1], [0], [0], [1], [0, 0, 1, 1], [], []>, precision = #tpu.contract_precision<fp32>, transpose_lhs_hint = false} : vector<128x1024xf32>, vector<1024x128xf32>, vector<128x128xf32> -> vector<128x128xf32>
    %slice3A_65 = vector.extract_strided_slice %dot_general3A_64 {offsets = [0, 0], sizes = [128, 72], strides = [1, 1]} : vector<128x128xf32> to vector<128x72xf32>
    %sub3A_66 = arith.subf %slice3A, %slice3A_65 : vector<128x72xf32>
    %mul3A_67 = arith.mulf %sub3A_66, %sub3A_66 : vector<128x72xf32>
    %slice3A_68 = vector.extract_strided_slice %mul3A_67 {offsets = [0, 0], sizes = [128, 24], strides = [1, 1]} : vector<128x72xf32> to vector<128x24xf32>
    %slice3A_69 = vector.extract_strided_slice %mul3A_67 {offsets = [0, 24], sizes = [128, 24], strides = [1, 1]} : vector<128x72xf32> to vector<128x24xf32>
    %add3A_70 = arith.addf %slice3A_68, %slice3A_69 : vector<128x24xf32>
    %slice3A_71 = vector.extract_strided_slice %mul3A_67 {offsets = [0, 48], sizes = [128, 24], strides = [1, 1]} : vector<128x72xf32> to vector<128x24xf32>
    %add3A_72 = arith.addf %add3A_70, %slice3A_71 : vector<128x24xf32>
    %add3A_73 = arith.constant 9.99999997E-7 : f32
    %add3A_74 = vector.broadcast %add3A_73 : f32 to vector<128x24xf32>
    %add3A_75 = arith.addf %add3A_72, %add3A_74 : vector<128x24xf32>
    %sqrt3A_76 = math.sqrt %add3A_75 : vector<128x24xf32>
    %concatenate3A = tpu.concatenate %broadcast_in_dim3A_50, %sqrt3A_76, %broadcast_in_dim3A_15 in 1 : vector<128x1xf32>, vector<128x24xf32>, vector<128x7xf32> -> vector<128x32xf32>
    %concatenate3A_77 = tpu.concatenate %concatenate3A, %concatenate3A, %concatenate3A, %concatenate3A, %concatenate3A, %concatenate3A, %concatenate3A, %concatenate3A, %concatenate3A, %concatenate3A, %concatenate3A, %concatenate3A, %concatenate3A, %concatenate3A, %concatenate3A, %concatenate3A in 1 : vector<128x32xf32>, vector<128x32xf32>, vector<128x32xf32>, vector<128x32xf32>, vector<128x32xf32>, vector<128x32xf32>, vector<128x32xf32>, vector<128x32xf32>, vector<128x32xf32>, vector<128x32xf32>, vector<128x32xf32>, vector<128x32xf32>, vector<128x32xf32>, vector<128x32xf32>, vector<128x32xf32>, vector<128x32xf32> -> vector<128x512xf32>
    %sub3A_78 = vector.broadcast %get3A_14 : vector<1x512xf32> to vector<128x512xf32>
    %sub3A_79 = arith.subf %concatenate3A_77, %sub3A_78 : vector<128x512xf32>
    %mul3A_80 = arith.constant 8.000000e-01 : f32
    %mul3A_81 = vector.broadcast %mul3A_80 : f32 to vector<128x512xf32>
    %mul3A_82 = arith.mulf %sub3A_79, %mul3A_81 : vector<128x512xf32>
    %mul3A_83 = arith.mulf %mul3A_82, %mul3A_82 : vector<128x512xf32>
    %neg3A = arith.constant 0.000000e+00 : f32
    %neg3A_84 = vector.broadcast %neg3A : f32 to vector<128x512xf32>
    %neg3A_85 = arith.subf %neg3A_84, %mul3A_83 : vector<128x512xf32>
    %exp3A = math.exp %neg3A_85 : vector<128x512xf32>
    %slice3A_86 = vector.extract_strided_slice %dot_general3A_64 {offsets = [0, 73], sizes = [128, 1], strides = [1, 1]} : vector<128x128xf32> to vector<128x1xf32>
    %sub3A_87 = arith.subf %slice3A_18, %slice3A_86 : vector<128x1xf32>
    %slice3A_88 = vector.extract_strided_slice %dot_general3A_64 {offsets = [0, 72], sizes = [128, 1], strides = [1, 1]} : vector<128x128xf32> to vector<128x1xf32>
    %eq3A_89 = arith.cmpf oeq, %slice3A_16, %slice3A_88 : vector<128x1xf32>
    %convert_element_type3A_90 = arith.extui %eq3A_89 : vector<128x1xi1> to vector<128x1xi32>
    %convert_element_type3A_91 = arith.sitofp %convert_element_type3A_90 : vector<128x1xi32> to vector<128x1xf32>
    %add3A_92 = arith.constant 3.200000e+01 : f32
    %add3A_93 = vector.broadcast %add3A_92 : f32 to vector<128x1xf32>
    %add3A_94 = arith.addf %sub3A_87, %add3A_93 : vector<128x1xf32>
    %jit3A_95 = arith.constant 0.000000e+00 : f32
    %jit3A_96 = arith.constant 6.400000e+01 : f32
    %max3A = vector.broadcast %jit3A_95 : f32 to vector<128x1xf32>
    %max3A_97 = arith.maximumf %max3A, %add3A_94 : vector<128x1xf32>
    %min3A = vector.broadcast %jit3A_96 : f32 to vector<128x1xf32>
    %min3A_98 = arith.minimumf %min3A, %max3A_97 : vector<128x1xf32>
    %mul3A_99 = arith.mulf %min3A_98, %convert_element_type3A_91 : vector<128x1xf32>
    %sub3A_100 = arith.constant 1.000000e+00 : f32
    %sub3A_101 = vector.broadcast %sub3A_100 : f32 to vector<128x1xf32>
    %sub3A_102 = arith.subf %sub3A_101, %convert_element_type3A_91 : vector<128x1xf32>
    %mul3A_103 = arith.constant 6.500000e+01 : f32
    %mul3A_104 = vector.broadcast %mul3A_103 : f32 to vector<128x1xf32>
    %mul3A_105 = arith.mulf %sub3A_102, %mul3A_104 : vector<128x1xf32>
    %add3A_106 = arith.addf %mul3A_99, %mul3A_105 : vector<128x1xf32>
    %convert_element_type3A_107 = arith.fptosi %add3A_106 : vector<128x1xf32> to vector<128x1xi32>
    %eq3A_108 = vector.broadcast %convert_element_type3A_107 : vector<128x1xi32> to vector<128x128xi32>
    %eq3A_109 = arith.cmpi eq, %iota3A, %eq3A_108 : vector<128x128xi32>
    %convert_element_type3A_110 = arith.extui %eq3A_109 : vector<128x128xi1> to vector<128x128xi32>
    %convert_element_type3A_111 = arith.sitofp %convert_element_type3A_110 : vector<128x128xi32> to vector<128x128xf32>
    %get3A_112 = arith.constant 0 : index
    %get3A_113 = arith.constant 0 : index
    %get3A_114 = vector.load %arg5[%get3A_112, %get3A_113] : memref<128x128xf32, #tpu.memory_space<vmem>>, vector<128x128xf32>
    %dot_general3A_115 = arith.constant dense<0.000000e+00> : vector<128x128xf32>
    %dot_general3A_116 = tpu.matmul %convert_element_type3A_111, %get3A_114, %dot_general3A_115 {dimension_numbers = #tpu.dot_dimension_numbers<[1], [0], [0], [1], [0, 0, 1, 1], [], []>, transpose_lhs_hint = false} : vector<128x128xf32>, vector<128x128xf32>, vector<128x128xf32> -> vector<128x128xf32>
    %get3A_117 = arith.constant 0 : index
    %get3A_118 = arith.constant 0 : index
    %get3A_119 = vector.load %arg6[%get3A_117, %get3A_118] : memref<512x128xf32, #tpu.memory_space<vmem>>, vector<512x128xf32>
    %dot_general3A_120 = arith.constant dense<0.000000e+00> : vector<128x128xf32>
    %dot_general3A_121 = tpu.matmul %exp3A, %get3A_119, %dot_general3A_120 {dimension_numbers = #tpu.dot_dimension_numbers<[1], [0], [0], [1], [0, 0, 1, 1], [], []>, transpose_lhs_hint = false} : vector<128x512xf32>, vector<512x128xf32>, vector<128x128xf32> -> vector<128x128xf32>
    %add3A_122 = arith.addf %dot_general3A_116, %dot_general3A_121 : vector<128x128xf32>
    %swap3A_123 = arith.constant 0 : index
    %swap3A_124 = arith.constant 0 : index
    %swap3A_125 = vector.load %arg10[%swap3A_123, %swap3A_124] : memref<128x6144xf32, #tpu.memory_space<vmem>>, vector<128x128xf32>
    tpu.vector_store %arg10[%swap3A_123, %swap3A_124], %add3A_122 {strides = array<i32>} : memref<128x6144xf32, #tpu.memory_space<vmem>>, vector<128x128xf32>,
    %reduce_max3A_126 = arith.constant dense<0xFF800000> : vector<128xf32>
    %reduce_max3A_127 = vector.multi_reduction <maximumf>, %select_n3A_62, %reduce_max3A_126 [1] : vector<128x1024xf32> to vector<128xf32>
    %broadcast_in_dim3A_128 = vector.shape_cast %reduce_max3A_127 : vector<128xf32> to vector<128x1xf32>
    %eq3A_129 = vector.broadcast %broadcast_in_dim3A_128 : vector<128x1xf32> to vector<128x1024xf32>
    %eq3A_130 = arith.cmpf oeq, %select_n3A_62, %eq3A_129 : vector<128x1024xf32>
    %jit3A_131 = arith.constant 1024 : i32
    %broadcast_in_dim3A_132 = vector.broadcast %jit3A_131 : i32 to vector<128x1024xi32>
    %select_n3A_133 = arith.select %eq3A_130, %iota3A_48, %broadcast_in_dim3A_132 : vector<128x1024xi1>, vector<128x1024xi32>
    %reduce_min3A_134 = arith.constant dense<2147483647> : vector<128xi32>
    %reduce_min3A_135 = vector.multi_reduction <minsi>, %select_n3A_133, %reduce_min3A_134 [1] : vector<128x1024xi32> to vector<128xi32>
    %broadcast_in_dim3A_136 = vector.shape_cast %reduce_min3A_135 : vector<128xi32> to vector<128x1xi32>
    %eq3A_137 = vector.broadcast %broadcast_in_dim3A_136 : vector<128x1xi32> to vector<128x1024xi32>
    %eq3A_138 = arith.cmpi eq, %iota3A_48, %eq3A_137 : vector<128x1024xi32>
    %convert_element_type3A_139 = arith.extui %eq3A_138 : vector<128x1024xi1> to vector<128x1024xi32>
    %convert_element_type3A_140 = arith.sitofp %convert_element_type3A_139 : vector<128x1024xi32> to vector<128x1024xf32>
    %jit3A_141 = arith.constant 0xFF800000 : f32
    %broadcast_in_dim3A_142 = vector.broadcast %jit3A_141 : f32 to vector<128x1024xf32>
    %select_n3A_143 = arith.select %eq3A_138, %broadcast_in_dim3A_142, %select_n3A_62 : vector<128x1024xi1>, vector<128x1024xf32>
    %dot_general3A_144 = arith.constant dense<0.000000e+00> : vector<128x128xf32>
    %dot_general3A_145 = tpu.matmul %convert_element_type3A_140, %get3A_11, %dot_general3A_144 {dimension_numbers = #tpu.dot_dimension_numbers<[1], [0], [0], [1], [0, 0, 1, 1], [], []>, precision = #tpu.contract_precision<fp32>, transpose_lhs_hint = false} : vector<128x1024xf32>, vector<1024x128xf32>, vector<128x128xf32> -> vector<128x128xf32>
    %slice3A_146 = vector.extract_strided_slice %dot_general3A_145 {offsets = [0, 0], sizes = [128, 72], strides = [1, 1]} : vector<128x128xf32> to vector<128x72xf32>
    %sub3A_147 = arith.subf %slice3A, %slice3A_146 : vector<128x72xf32>
    %mul3A_148 = arith.mulf %sub3A_147, %sub3A_147 : vector<128x72xf32>
    %slice3A_149 = vector.extract_strided_slice %mul3A_148 {offsets = [0, 0], sizes = [128, 24], strides = [1, 1]} : vector<128x72xf32> to vector<128x24xf32>
    %slice3A_150 = vector.extract_strided_slice %mul3A_148 {offsets = [0, 24], sizes = [128, 24], strides = [1, 1]} : vector<128x72xf32> to vector<128x24xf32>
    %add3A_151 = arith.addf %slice3A_149, %slice3A_150 : vector<128x24xf32>
    %slice3A_152 = vector.extract_strided_slice %mul3A_148 {offsets = [0, 48], sizes = [128, 24], strides = [1, 1]} : vector<128x72xf32> to vector<128x24xf32>
    %add3A_153 = arith.addf %add3A_151, %slice3A_152 : vector<128x24xf32>
    %add3A_154 = arith.constant 9.99999997E-7 : f32
    %add3A_155 = vector.broadcast %add3A_154 : f32 to vector<128x24xf32>
    %add3A_156 = arith.addf %add3A_153, %add3A_155 : vector<128x24xf32>
    %sqrt3A_157 = math.sqrt %add3A_156 : vector<128x24xf32>
    %concatenate3A_158 = tpu.concatenate %broadcast_in_dim3A_128, %sqrt3A_157, %broadcast_in_dim3A_15 in 1 : vector<128x1xf32>, vector<128x24xf32>, vector<128x7xf32> -> vector<128x32xf32>
    %concatenate3A_159 = tpu.concatenate %concatenate3A_158, %concatenate3A_158, %concatenate3A_158, %concatenate3A_158, %concatenate3A_158, %concatenate3A_158, %concatenate3A_158, %concatenate3A_158, %concatenate3A_158, %concatenate3A_158, %concatenate3A_158, %concatenate3A_158, %concatenate3A_158, %concatenate3A_158, %concatenate3A_158, %concatenate3A_158 in 1 : vector<128x32xf32>, vector<128x32xf32>, vector<128x32xf32>, vector<128x32xf32>, vector<128x32xf32>, vector<128x32xf32>, vector<128x32xf32>, vector<128x32xf32>, vector<128x32xf32>, vector<128x32xf32>, vector<128x32xf32>, vector<128x32xf32>, vector<128x32xf32>, vector<128x32xf32>, vector<128x32xf32>, vector<128x32xf32> -> vector<128x512xf32>
    %sub3A_160 = vector.broadcast %get3A_14 : vector<1x512xf32> to vector<128x512xf32>
    %sub3A_161 = arith.subf %concatenate3A_159, %sub3A_160 : vector<128x512xf32>
    %mul3A_162 = arith.constant 8.000000e-01 : f32
    %mul3A_163 = vector.broadcast %mul3A_162 : f32 to vector<128x512xf32>
    %mul3A_164 = arith.mulf %sub3A_161, %mul3A_163 : vector<128x512xf32>
    %mul3A_165 = arith.mulf %mul3A_164, %mul3A_164 : vector<128x512xf32>
    %neg3A_166 = arith.constant 0.000000e+00 : f32
    %neg3A_167 = vector.broadcast %neg3A_166 : f32 to vector<128x512xf32>
    %neg3A_168 = arith.subf %neg3A_167, %mul3A_165 : vector<128x512xf32>
    %exp3A_169 = math.exp %neg3A_168 : vector<128x512xf32>
    %slice3A_170 = vector.extract_strided_slice %dot_general3A_145 {offsets = [0, 73], sizes = [128, 1], strides = [1, 1]} : vector<128x128xf32> to vector<128x1xf32>
    %sub3A_171 = arith.subf %slice3A_18, %slice3A_170 : vector<128x1xf32>
    %slice3A_172 = vector.extract_strided_slice %dot_general3A_145 {offsets = [0, 72], sizes = [128, 1], strides = [1, 1]} : vector<128x128xf32> to vector<128x1xf32>
    %eq3A_173 = arith.cmpf oeq, %slice3A_16, %slice3A_172 : vector<128x1xf32>
    %convert_element_type3A_174 = arith.extui %eq3A_173 : vector<128x1xi1> to vector<128x1xi32>
    %convert_element_type3A_175 = arith.sitofp %convert_element_type3A_174 : vector<128x1xi32> to vector<128x1xf32>
    %add3A_176 = arith.constant 3.200000e+01 : f32
    %add3A_177 = vector.broadcast %add3A_176 : f32 to vector<128x1xf32>
    %add3A_178 = arith.addf %sub3A_171, %add3A_177 : vector<128x1xf32>
    %jit3A_179 = arith.constant 0.000000e+00 : f32
    %jit3A_180 = arith.constant 6.400000e+01 : f32
    %max3A_181 = vector.broadcast %jit3A_179 : f32 to vector<128x1xf32>
    %max3A_182 = arith.maximumf %max3A_181, %add3A_178 : vector<128x1xf32>
    %min3A_183 = vector.broadcast %jit3A_180 : f32 to vector<128x1xf32>
    %min3A_184 = arith.minimumf %min3A_183, %max3A_182 : vector<128x1xf32>
    %mul3A_185 = arith.mulf %min3A_184, %convert_element_type3A_175 : vector<128x1xf32>
    %sub3A_186 = arith.constant 1.000000e+00 : f32
    %sub3A_187 = vector.broadcast %sub3A_186 : f32 to vector<128x1xf32>
    %sub3A_188 = arith.subf %sub3A_187, %convert_element_type3A_175 : vector<128x1xf32>
    %mul3A_189 = arith.constant 6.500000e+01 : f32
    %mul3A_190 = vector.broadcast %mul3A_189 : f32 to vector<128x1xf32>
    %mul3A_191 = arith.mulf %sub3A_188, %mul3A_190 : vector<128x1xf32>
    %add3A_192 = arith.addf %mul3A_185, %mul3A_191 : vector<128x1xf32>
    %convert_element_type3A_193 = arith.fptosi %add3A_192 : vector<128x1xf32> to vector<128x1xi32>
    %eq3A_194 = vector.broadcast %convert_element_type3A_193 : vector<128x1xi32> to vector<128x128xi32>
    %eq3A_195 = arith.cmpi eq, %iota3A, %eq3A_194 : vector<128x128xi32>
    %convert_element_type3A_196 = arith.extui %eq3A_195 : vector<128x128xi1> to vector<128x128xi32>
    %convert_element_type3A_197 = arith.sitofp %convert_element_type3A_196 : vector<128x128xi32> to vector<128x128xf32>
    %get3A_198 = arith.constant 0 : index
    %get3A_199 = arith.constant 0 : index
    %get3A_200 = vector.load %arg5[%get3A_198, %get3A_199] : memref<128x128xf32, #tpu.memory_space<vmem>>, vector<128x128xf32>
    %dot_general3A_201 = arith.constant dense<0.000000e+00> : vector<128x128xf32>
    %dot_general3A_202 = tpu.matmul %convert_element_type3A_197, %get3A_200, %dot_general3A_201 {dimension_numbers = #tpu.dot_dimension_numbers<[1], [0], [0], [1], [0, 0, 1, 1], [], []>, transpose_lhs_hint = false} : vector<128x128xf32>, vector<128x128xf32>, vector<128x128xf32> -> vector<128x128xf32>
    %get3A_203 = arith.constant 0 : index
    %get3A_204 = arith.constant 0 : index
    %get3A_205 = vector.load %arg6[%get3A_203, %get3A_204] : memref<512x128xf32, #tpu.memory_space<vmem>>, vector<512x128xf32>
    %dot_general3A_206 = arith.constant dense<0.000000e+00> : vector<128x128xf32>
    %dot_general3A_207 = tpu.matmul %exp3A_169, %get3A_205, %dot_general3A_206 {dimension_numbers = #tpu.dot_dimension_numbers<[1], [0], [0], [1], [0, 0, 1, 1], [], []>, transpose_lhs_hint = false} : vector<128x512xf32>, vector<512x128xf32>, vector<128x128xf32> -> vector<128x128xf32>
    %add3A_208 = arith.addf %dot_general3A_202, %dot_general3A_207 : vector<128x128xf32>
    %swap3A_209 = arith.constant 0 : index
    %swap3A_210 = arith.constant 128 : index
    %swap3A_211 = vector.load %arg10[%swap3A_209, %swap3A_210] : memref<128x6144xf32, #tpu.memory_space<vmem>>, vector<128x128xf32>
    tpu.vector_store %arg10[%swap3A_209, %swap3A_210], %add3A_208 {strides = array<i32>} : memref<128x6144xf32, #tpu.memory_space<vmem>>, vector<128x128xf32>,
    %reduce_max3A_212 = arith.constant dense<0xFF800000> : vector<128xf32>
    %reduce_max3A_213 = vector.multi_reduction <maximumf>, %select_n3A_143, %reduce_max3A_212 [1] : vector<128x1024xf32> to vector<128xf32>
    %broadcast_in_dim3A_214 = vector.shape_cast %reduce_max3A_213 : vector<128xf32> to vector<128x1xf32>
    %eq3A_215 = vector.broadcast %broadcast_in_dim3A_214 : vector<128x1xf32> to vector<128x1024xf32>
    %eq3A_216 = arith.cmpf oeq, %select_n3A_143, %eq3A_215 : vector<128x1024xf32>
    %jit3A_217 = arith.constant 1024 : i32
    %broadcast_in_dim3A_218 = vector.broadcast %jit3A_217 : i32 to vector<128x1024xi32>
    %select_n3A_219 = arith.select %eq3A_216, %iota3A_48, %broadcast_in_dim3A_218 : vector<128x1024xi1>, vector<128x1024xi32>
    %reduce_min3A_220 = arith.constant dense<2147483647> : vector<128xi32>
    %reduce_min3A_221 = vector.multi_reduction <minsi>, %select_n3A_219, %reduce_min3A_220 [1] : vector<128x1024xi32> to vector<128xi32>
    %broadcast_in_dim3A_222 = vector.shape_cast %reduce_min3A_221 : vector<128xi32> to vector<128x1xi32>
    %eq3A_223 = vector.broadcast %broadcast_in_dim3A_222 : vector<128x1xi32> to vector<128x1024xi32>
    %eq3A_224 = arith.cmpi eq, %iota3A_48, %eq3A_223 : vector<128x1024xi32>
    %convert_element_type3A_225 = arith.extui %eq3A_224 : vector<128x1024xi1> to vector<128x1024xi32>
    %convert_element_type3A_226 = arith.sitofp %convert_element_type3A_225 : vector<128x1024xi32> to vector<128x1024xf32>
    %jit3A_227 = arith.constant 0xFF800000 : f32
    %broadcast_in_dim3A_228 = vector.broadcast %jit3A_227 : f32 to vector<128x1024xf32>
    %select_n3A_229 = arith.select %eq3A_224, %broadcast_in_dim3A_228, %select_n3A_143 : vector<128x1024xi1>, vector<128x1024xf32>
    %dot_general3A_230 = arith.constant dense<0.000000e+00> : vector<128x128xf32>
    %dot_general3A_231 = tpu.matmul %convert_element_type3A_226, %get3A_11, %dot_general3A_230 {dimension_numbers = #tpu.dot_dimension_numbers<[1], [0], [0], [1], [0, 0, 1, 1], [], []>, precision = #tpu.contract_precision<fp32>, transpose_lhs_hint = false} : vector<128x1024xf32>, vector<1024x128xf32>, vector<128x128xf32> -> vector<128x128xf32>
    %slice3A_232 = vector.extract_strided_slice %dot_general3A_231 {offsets = [0, 0], sizes = [128, 72], strides = [1, 1]} : vector<128x128xf32> to vector<128x72xf32>
    %sub3A_233 = arith.subf %slice3A, %slice3A_232 : vector<128x72xf32>
    %mul3A_234 = arith.mulf %sub3A_233, %sub3A_233 : vector<128x72xf32>
    %slice3A_235 = vector.extract_strided_slice %mul3A_234 {offsets = [0, 0], sizes = [128, 24], strides = [1, 1]} : vector<128x72xf32> to vector<128x24xf32>
    %slice3A_236 = vector.extract_strided_slice %mul3A_234 {offsets = [0, 24], sizes = [128, 24], strides = [1, 1]} : vector<128x72xf32> to vector<128x24xf32>
    %add3A_237 = arith.addf %slice3A_235, %slice3A_236 : vector<128x24xf32>
    %slice3A_238 = vector.extract_strided_slice %mul3A_234 {offsets = [0, 48], sizes = [128, 24], strides = [1, 1]} : vector<128x72xf32> to vector<128x24xf32>
    %add3A_239 = arith.addf %add3A_237, %slice3A_238 : vector<128x24xf32>
    %add3A_240 = arith.constant 9.99999997E-7 : f32
    %add3A_241 = vector.broadcast %add3A_240 : f32 to vector<128x24xf32>
    %add3A_242 = arith.addf %add3A_239, %add3A_241 : vector<128x24xf32>
    %sqrt3A_243 = math.sqrt %add3A_242 : vector<128x24xf32>
    %concatenate3A_244 = tpu.concatenate %broadcast_in_dim3A_214, %sqrt3A_243, %broadcast_in_dim3A_15 in 1 : vector<128x1xf32>, vector<128x24xf32>, vector<128x7xf32> -> vector<128x32xf32>
    %concatenate3A_245 = tpu.concatenate %concatenate3A_244, %concatenate3A_244, %concatenate3A_244, %concatenate3A_244, %concatenate3A_244, %concatenate3A_244, %concatenate3A_244, %concatenate3A_244, %concatenate3A_244, %concatenate3A_244, %concatenate3A_244, %concatenate3A_244, %concatenate3A_244, %concatenate3A_244, %concatenate3A_244, %concatenate3A_244 in 1 : vector<128x32xf32>, vector<128x32xf32>, vector<128x32xf32>, vector<128x32xf32>, vector<128x32xf32>, vector<128x32xf32>, vector<128x32xf32>, vector<128x32xf32>, vector<128x32xf32>, vector<128x32xf32>, vector<128x32xf32>, vector<128x32xf32>, vector<128x32xf32>, vector<128x32xf32>, vector<128x32xf32>, vector<128x32xf32> -> vector<128x512xf32>
    %sub3A_246 = vector.broadcast %get3A_14 : vector<1x512xf32> to vector<128x512xf32>
    %sub3A_247 = arith.subf %concatenate3A_245, %sub3A_246 : vector<128x512xf32>
    %mul3A_248 = arith.constant 8.000000e-01 : f32
    %mul3A_249 = vector.broadcast %mul3A_248 : f32 to vector<128x512xf32>
    %mul3A_250 = arith.mulf %sub3A_247, %mul3A_249 : vector<128x512xf32>
    %mul3A_251 = arith.mulf %mul3A_250, %mul3A_250 : vector<128x512xf32>
    %neg3A_252 = arith.constant 0.000000e+00 : f32
    %neg3A_253 = vector.broadcast %neg3A_252 : f32 to vector<128x512xf32>
    %neg3A_254 = arith.subf %neg3A_253, %mul3A_251 : vector<128x512xf32>
    %exp3A_255 = math.exp %neg3A_254 : vector<128x512xf32>
    %slice3A_256 = vector.extract_strided_slice %dot_general3A_231 {offsets = [0, 73], sizes = [128, 1], strides = [1, 1]} : vector<128x128xf32> to vector<128x1xf32>
    %sub3A_257 = arith.subf %slice3A_18, %slice3A_256 : vector<128x1xf32>
    %slice3A_258 = vector.extract_strided_slice %dot_general3A_231 {offsets = [0, 72], sizes = [128, 1], strides = [1, 1]} : vector<128x128xf32> to vector<128x1xf32>
    %eq3A_259 = arith.cmpf oeq, %slice3A_16, %slice3A_258 : vector<128x1xf32>
    %convert_element_type3A_260 = arith.extui %eq3A_259 : vector<128x1xi1> to vector<128x1xi32>
    %convert_element_type3A_261 = arith.sitofp %convert_element_type3A_260 : vector<128x1xi32> to vector<128x1xf32>
    %add3A_262 = arith.constant 3.200000e+01 : f32
    %add3A_263 = vector.broadcast %add3A_262 : f32 to vector<128x1xf32>
    %add3A_264 = arith.addf %sub3A_257, %add3A_263 : vector<128x1xf32>
    %jit3A_265 = arith.constant 0.000000e+00 : f32
    %jit3A_266 = arith.constant 6.400000e+01 : f32
    %max3A_267 = vector.broadcast %jit3A_265 : f32 to vector<128x1xf32>
    %max3A_268 = arith.maximumf %max3A_267, %add3A_264 : vector<128x1xf32>
    %min3A_269 = vector.broadcast %jit3A_266 : f32 to vector<128x1xf32>
    %min3A_270 = arith.minimumf %min3A_269, %max3A_268 : vector<128x1xf32>
    %mul3A_271 = arith.mulf %min3A_270, %convert_element_type3A_261 : vector<128x1xf32>
    %sub3A_272 = arith.constant 1.000000e+00 : f32
    %sub3A_273 = vector.broadcast %sub3A_272 : f32 to vector<128x1xf32>
    %sub3A_274 = arith.subf %sub3A_273, %convert_element_type3A_261 : vector<128x1xf32>
    %mul3A_275 = arith.constant 6.500000e+01 : f32
    %mul3A_276 = vector.broadcast %mul3A_275 : f32 to vector<128x1xf32>
    %mul3A_277 = arith.mulf %sub3A_274, %mul3A_276 : vector<128x1xf32>
    %add3A_278 = arith.addf %mul3A_271, %mul3A_277 : vector<128x1xf32>
    %convert_element_type3A_279 = arith.fptosi %add3A_278 : vector<128x1xf32> to vector<128x1xi32>
    %eq3A_280 = vector.broadcast %convert_element_type3A_279 : vector<128x1xi32> to vector<128x128xi32>
    %eq3A_281 = arith.cmpi eq, %iota3A, %eq3A_280 : vector<128x128xi32>
    %convert_element_type3A_282 = arith.extui %eq3A_281 : vector<128x128xi1> to vector<128x128xi32>
    %convert_element_type3A_283 = arith.sitofp %convert_element_type3A_282 : vector<128x128xi32> to vector<128x128xf32>
    %get3A_284 = arith.constant 0 : index
    %get3A_285 = arith.constant 0 : index
    %get3A_286 = vector.load %arg5[%get3A_284, %get3A_285] : memref<128x128xf32, #tpu.memory_space<vmem>>, vector<128x128xf32>
    %dot_general3A_287 = arith.constant dense<0.000000e+00> : vector<128x128xf32>
    %dot_general3A_288 = tpu.matmul %convert_element_type3A_283, %get3A_286, %dot_general3A_287 {dimension_numbers = #tpu.dot_dimension_numbers<[1], [0], [0], [1], [0, 0, 1, 1], [], []>, transpose_lhs_hint = false} : vector<128x128xf32>, vector<128x128xf32>, vector<128x128xf32> -> vector<128x128xf32>
    %get3A_289 = arith.constant 0 : index
    %get3A_290 = arith.constant 0 : index
    %get3A_291 = vector.load %arg6[%get3A_289, %get3A_290] : memref<512x128xf32, #tpu.memory_space<vmem>>, vector<512x128xf32>
    %dot_general3A_292 = arith.constant dense<0.000000e+00> : vector<128x128xf32>
    %dot_general3A_293 = tpu.matmul %exp3A_255, %get3A_291, %dot_general3A_292 {dimension_numbers = #tpu.dot_dimension_numbers<[1], [0], [0], [1], [0, 0, 1, 1], [], []>, transpose_lhs_hint = false} : vector<128x512xf32>, vector<512x128xf32>, vector<128x128xf32> -> vector<128x128xf32>
    %add3A_294 = arith.addf %dot_general3A_288, %dot_general3A_293 : vector<128x128xf32>
    %swap3A_295 = arith.constant 0 : index
    %swap3A_296 = arith.constant 256 : index
    %swap3A_297 = vector.load %arg10[%swap3A_295, %swap3A_296] : memref<128x6144xf32, #tpu.memory_space<vmem>>, vector<128x128xf32>
    tpu.vector_store %arg10[%swap3A_295, %swap3A_296], %add3A_294 {strides = array<i32>} : memref<128x6144xf32, #tpu.memory_space<vmem>>, vector<128x128xf32>,
    %reduce_max3A_298 = arith.constant dense<0xFF800000> : vector<128xf32>
    %reduce_max3A_299 = vector.multi_reduction <maximumf>, %select_n3A_229, %reduce_max3A_298 [1] : vector<128x1024xf32> to vector<128xf32>
    %broadcast_in_dim3A_300 = vector.shape_cast %reduce_max3A_299 : vector<128xf32> to vector<128x1xf32>
    %eq3A_301 = vector.broadcast %broadcast_in_dim3A_300 : vector<128x1xf32> to vector<128x1024xf32>
    %eq3A_302 = arith.cmpf oeq, %select_n3A_229, %eq3A_301 : vector<128x1024xf32>
    %jit3A_303 = arith.constant 1024 : i32
    %broadcast_in_dim3A_304 = vector.broadcast %jit3A_303 : i32 to vector<128x1024xi32>
    %select_n3A_305 = arith.select %eq3A_302, %iota3A_48, %broadcast_in_dim3A_304 : vector<128x1024xi1>, vector<128x1024xi32>
    %reduce_min3A_306 = arith.constant dense<2147483647> : vector<128xi32>
    %reduce_min3A_307 = vector.multi_reduction <minsi>, %select_n3A_305, %reduce_min3A_306 [1] : vector<128x1024xi32> to vector<128xi32>
    %broadcast_in_dim3A_308 = vector.shape_cast %reduce_min3A_307 : vector<128xi32> to vector<128x1xi32>
    %eq3A_309 = vector.broadcast %broadcast_in_dim3A_308 : vector<128x1xi32> to vector<128x1024xi32>
    %eq3A_310 = arith.cmpi eq, %iota3A_48, %eq3A_309 : vector<128x1024xi32>
    %convert_element_type3A_311 = arith.extui %eq3A_310 : vector<128x1024xi1> to vector<128x1024xi32>
    %convert_element_type3A_312 = arith.sitofp %convert_element_type3A_311 : vector<128x1024xi32> to vector<128x1024xf32>
    %jit3A_313 = arith.constant 0xFF800000 : f32
    %broadcast_in_dim3A_314 = vector.broadcast %jit3A_313 : f32 to vector<128x1024xf32>
    %select_n3A_315 = arith.select %eq3A_310, %broadcast_in_dim3A_314, %select_n3A_229 : vector<128x1024xi1>, vector<128x1024xf32>
    %dot_general3A_316 = arith.constant dense<0.000000e+00> : vector<128x128xf32>
    %dot_general3A_317 = tpu.matmul %convert_element_type3A_312, %get3A_11, %dot_general3A_316 {dimension_numbers = #tpu.dot_dimension_numbers<[1], [0], [0], [1], [0, 0, 1, 1], [], []>, precision = #tpu.contract_precision<fp32>, transpose_lhs_hint = false} : vector<128x1024xf32>, vector<1024x128xf32>, vector<128x128xf32> -> vector<128x128xf32>
    %slice3A_318 = vector.extract_strided_slice %dot_general3A_317 {offsets = [0, 0], sizes = [128, 72], strides = [1, 1]} : vector<128x128xf32> to vector<128x72xf32>
    %sub3A_319 = arith.subf %slice3A, %slice3A_318 : vector<128x72xf32>
    %mul3A_320 = arith.mulf %sub3A_319, %sub3A_319 : vector<128x72xf32>
    %slice3A_321 = vector.extract_strided_slice %mul3A_320 {offsets = [0, 0], sizes = [128, 24], strides = [1, 1]} : vector<128x72xf32> to vector<128x24xf32>
    %slice3A_322 = vector.extract_strided_slice %mul3A_320 {offsets = [0, 24], sizes = [128, 24], strides = [1, 1]} : vector<128x72xf32> to vector<128x24xf32>
    %add3A_323 = arith.addf %slice3A_321, %slice3A_322 : vector<128x24xf32>
    %slice3A_324 = vector.extract_strided_slice %mul3A_320 {offsets = [0, 48], sizes = [128, 24], strides = [1, 1]} : vector<128x72xf32> to vector<128x24xf32>
    %add3A_325 = arith.addf %add3A_323, %slice3A_324 : vector<128x24xf32>
    %add3A_326 = arith.constant 9.99999997E-7 : f32
    %add3A_327 = vector.broadcast %add3A_326 : f32 to vector<128x24xf32>
    %add3A_328 = arith.addf %add3A_325, %add3A_327 : vector<128x24xf32>
    %sqrt3A_329 = math.sqrt %add3A_328 : vector<128x24xf32>
    %concatenate3A_330 = tpu.concatenate %broadcast_in_dim3A_300, %sqrt3A_329, %broadcast_in_dim3A_15 in 1 : vector<128x1xf32>, vector<128x24xf32>, vector<128x7xf32> -> vector<128x32xf32>
    %concatenate3A_331 = tpu.concatenate %concatenate3A_330, %concatenate3A_330, %concatenate3A_330, %concatenate3A_330, %concatenate3A_330, %concatenate3A_330, %concatenate3A_330, %concatenate3A_330, %concatenate3A_330, %concatenate3A_330, %concatenate3A_330, %concatenate3A_330, %concatenate3A_330, %concatenate3A_330, %concatenate3A_330, %concatenate3A_330 in 1 : vector<128x32xf32>, vector<128x32xf32>, vector<128x32xf32>, vector<128x32xf32>, vector<128x32xf32>, vector<128x32xf32>, vector<128x32xf32>, vector<128x32xf32>, vector<128x32xf32>, vector<128x32xf32>, vector<128x32xf32>, vector<128x32xf32>, vector<128x32xf32>, vector<128x32xf32>, vector<128x32xf32>, vector<128x32xf32> -> vector<128x512xf32>
    %sub3A_332 = vector.broadcast %get3A_14 : vector<1x512xf32> to vector<128x512xf32>
    %sub3A_333 = arith.subf %concatenate3A_331, %sub3A_332 : vector<128x512xf32>
    %mul3A_334 = arith.constant 8.000000e-01 : f32
    %mul3A_335 = vector.broadcast %mul3A_334 : f32 to vector<128x512xf32>
    %mul3A_336 = arith.mulf %sub3A_333, %mul3A_335 : vector<128x512xf32>
    %mul3A_337 = arith.mulf %mul3A_336, %mul3A_336 : vector<128x512xf32>
    %neg3A_338 = arith.constant 0.000000e+00 : f32
    %neg3A_339 = vector.broadcast %neg3A_338 : f32 to vector<128x512xf32>
    %neg3A_340 = arith.subf %neg3A_339, %mul3A_337 : vector<128x512xf32>
    %exp3A_341 = math.exp %neg3A_340 : vector<128x512xf32>
    %slice3A_342 = vector.extract_strided_slice %dot_general3A_317 {offsets = [0, 73], sizes = [128, 1], strides = [1, 1]} : vector<128x128xf32> to vector<128x1xf32>
    %sub3A_343 = arith.subf %slice3A_18, %slice3A_342 : vector<128x1xf32>
    %slice3A_344 = vector.extract_strided_slice %dot_general3A_317 {offsets = [0, 72], sizes = [128, 1], strides = [1, 1]} : vector<128x128xf32> to vector<128x1xf32>
    %eq3A_345 = arith.cmpf oeq, %slice3A_16, %slice3A_344 : vector<128x1xf32>
    %convert_element_type3A_346 = arith.extui %eq3A_345 : vector<128x1xi1> to vector<128x1xi32>
    %convert_element_type3A_347 = arith.sitofp %convert_element_type3A_346 : vector<128x1xi32> to vector<128x1xf32>
    %add3A_348 = arith.constant 3.200000e+01 : f32
    %add3A_349 = vector.broadcast %add3A_348 : f32 to vector<128x1xf32>
    %add3A_350 = arith.addf %sub3A_343, %add3A_349 : vector<128x1xf32>
    %jit3A_351 = arith.constant 0.000000e+00 : f32
    %jit3A_352 = arith.constant 6.400000e+01 : f32
    %max3A_353 = vector.broadcast %jit3A_351 : f32 to vector<128x1xf32>
    %max3A_354 = arith.maximumf %max3A_353, %add3A_350 : vector<128x1xf32>
    %min3A_355 = vector.broadcast %jit3A_352 : f32 to vector<128x1xf32>
    %min3A_356 = arith.minimumf %min3A_355, %max3A_354 : vector<128x1xf32>
    %mul3A_357 = arith.mulf %min3A_356, %convert_element_type3A_347 : vector<128x1xf32>
    %sub3A_358 = arith.constant 1.000000e+00 : f32
    %sub3A_359 = vector.broadcast %sub3A_358 : f32 to vector<128x1xf32>
    %sub3A_360 = arith.subf %sub3A_359, %convert_element_type3A_347 : vector<128x1xf32>
    %mul3A_361 = arith.constant 6.500000e+01 : f32
    %mul3A_362 = vector.broadcast %mul3A_361 : f32 to vector<128x1xf32>
    %mul3A_363 = arith.mulf %sub3A_360, %mul3A_362 : vector<128x1xf32>
    %add3A_364 = arith.addf %mul3A_357, %mul3A_363 : vector<128x1xf32>
    %convert_element_type3A_365 = arith.fptosi %add3A_364 : vector<128x1xf32> to vector<128x1xi32>
    %eq3A_366 = vector.broadcast %convert_element_type3A_365 : vector<128x1xi32> to vector<128x128xi32>
    %eq3A_367 = arith.cmpi eq, %iota3A, %eq3A_366 : vector<128x128xi32>
    %convert_element_type3A_368 = arith.extui %eq3A_367 : vector<128x128xi1> to vector<128x128xi32>
    %convert_element_type3A_369 = arith.sitofp %convert_element_type3A_368 : vector<128x128xi32> to vector<128x128xf32>
    %get3A_370 = arith.constant 0 : index
    %get3A_371 = arith.constant 0 : index
    %get3A_372 = vector.load %arg5[%get3A_370, %get3A_371] : memref<128x128xf32, #tpu.memory_space<vmem>>, vector<128x128xf32>
    %dot_general3A_373 = arith.constant dense<0.000000e+00> : vector<128x128xf32>
    %dot_general3A_374 = tpu.matmul %convert_element_type3A_369, %get3A_372, %dot_general3A_373 {dimension_numbers = #tpu.dot_dimension_numbers<[1], [0], [0], [1], [0, 0, 1, 1], [], []>, transpose_lhs_hint = false} : vector<128x128xf32>, vector<128x128xf32>, vector<128x128xf32> -> vector<128x128xf32>
    %get3A_375 = arith.constant 0 : index
    %get3A_376 = arith.constant 0 : index
    %get3A_377 = vector.load %arg6[%get3A_375, %get3A_376] : memref<512x128xf32, #tpu.memory_space<vmem>>, vector<512x128xf32>
    %dot_general3A_378 = arith.constant dense<0.000000e+00> : vector<128x128xf32>
    %dot_general3A_379 = tpu.matmul %exp3A_341, %get3A_377, %dot_general3A_378 {dimension_numbers = #tpu.dot_dimension_numbers<[1], [0], [0], [1], [0, 0, 1, 1], [], []>, transpose_lhs_hint = false} : vector<128x512xf32>, vector<512x128xf32>, vector<128x128xf32> -> vector<128x128xf32>
    %add3A_380 = arith.addf %dot_general3A_374, %dot_general3A_379 : vector<128x128xf32>
    %swap3A_381 = arith.constant 0 : index
    %swap3A_382 = arith.constant 384 : index
    %swap3A_383 = vector.load %arg10[%swap3A_381, %swap3A_382] : memref<128x6144xf32, #tpu.memory_space<vmem>>, vector<128x128xf32>
    tpu.vector_store %arg10[%swap3A_381, %swap3A_382], %add3A_380 {strides = array<i32>} : memref<128x6144xf32, #tpu.memory_space<vmem>>, vector<128x128xf32>,
    %reduce_max3A_384 = arith.constant dense<0xFF800000> : vector<128xf32>
    %reduce_max3A_385 = vector.multi_reduction <maximumf>, %select_n3A_315, %reduce_max3A_384 [1] : vector<128x1024xf32> to vector<128xf32>
    %broadcast_in_dim3A_386 = vector.shape_cast %reduce_max3A_385 : vector<128xf32> to vector<128x1xf32>
    %eq3A_387 = vector.broadcast %broadcast_in_dim3A_386 : vector<128x1xf32> to vector<128x1024xf32>
    %eq3A_388 = arith.cmpf oeq, %select_n3A_315, %eq3A_387 : vector<128x1024xf32>
    %jit3A_389 = arith.constant 1024 : i32
    %broadcast_in_dim3A_390 = vector.broadcast %jit3A_389 : i32 to vector<128x1024xi32>
    %select_n3A_391 = arith.select %eq3A_388, %iota3A_48, %broadcast_in_dim3A_390 : vector<128x1024xi1>, vector<128x1024xi32>
    %reduce_min3A_392 = arith.constant dense<2147483647> : vector<128xi32>
    %reduce_min3A_393 = vector.multi_reduction <minsi>, %select_n3A_391, %reduce_min3A_392 [1] : vector<128x1024xi32> to vector<128xi32>
    %broadcast_in_dim3A_394 = vector.shape_cast %reduce_min3A_393 : vector<128xi32> to vector<128x1xi32>
    %eq3A_395 = vector.broadcast %broadcast_in_dim3A_394 : vector<128x1xi32> to vector<128x1024xi32>
    %eq3A_396 = arith.cmpi eq, %iota3A_48, %eq3A_395 : vector<128x1024xi32>
    %convert_element_type3A_397 = arith.extui %eq3A_396 : vector<128x1024xi1> to vector<128x1024xi32>
    %convert_element_type3A_398 = arith.sitofp %convert_element_type3A_397 : vector<128x1024xi32> to vector<128x1024xf32>
    %jit3A_399 = arith.constant 0xFF800000 : f32
    %broadcast_in_dim3A_400 = vector.broadcast %jit3A_399 : f32 to vector<128x1024xf32>
    %select_n3A_401 = arith.select %eq3A_396, %broadcast_in_dim3A_400, %select_n3A_315 : vector<128x1024xi1>, vector<128x1024xf32>
    %dot_general3A_402 = arith.constant dense<0.000000e+00> : vector<128x128xf32>
    %dot_general3A_403 = tpu.matmul %convert_element_type3A_398, %get3A_11, %dot_general3A_402 {dimension_numbers = #tpu.dot_dimension_numbers<[1], [0], [0], [1], [0, 0, 1, 1], [], []>, precision = #tpu.contract_precision<fp32>, transpose_lhs_hint = false} : vector<128x1024xf32>, vector<1024x128xf32>, vector<128x128xf32> -> vector<128x128xf32>
    %slice3A_404 = vector.extract_strided_slice %dot_general3A_403 {offsets = [0, 0], sizes = [128, 72], strides = [1, 1]} : vector<128x128xf32> to vector<128x72xf32>
    %sub3A_405 = arith.subf %slice3A, %slice3A_404 : vector<128x72xf32>
    %mul3A_406 = arith.mulf %sub3A_405, %sub3A_405 : vector<128x72xf32>
    %slice3A_407 = vector.extract_strided_slice %mul3A_406 {offsets = [0, 0], sizes = [128, 24], strides = [1, 1]} : vector<128x72xf32> to vector<128x24xf32>
    %slice3A_408 = vector.extract_strided_slice %mul3A_406 {offsets = [0, 24], sizes = [128, 24], strides = [1, 1]} : vector<128x72xf32> to vector<128x24xf32>
    %add3A_409 = arith.addf %slice3A_407, %slice3A_408 : vector<128x24xf32>
    %slice3A_410 = vector.extract_strided_slice %mul3A_406 {offsets = [0, 48], sizes = [128, 24], strides = [1, 1]} : vector<128x72xf32> to vector<128x24xf32>
    %add3A_411 = arith.addf %add3A_409, %slice3A_410 : vector<128x24xf32>
    %add3A_412 = arith.constant 9.99999997E-7 : f32
    %add3A_413 = vector.broadcast %add3A_412 : f32 to vector<128x24xf32>
    %add3A_414 = arith.addf %add3A_411, %add3A_413 : vector<128x24xf32>
    %sqrt3A_415 = math.sqrt %add3A_414 : vector<128x24xf32>
    %concatenate3A_416 = tpu.concatenate %broadcast_in_dim3A_386, %sqrt3A_415, %broadcast_in_dim3A_15 in 1 : vector<128x1xf32>, vector<128x24xf32>, vector<128x7xf32> -> vector<128x32xf32>
    %concatenate3A_417 = tpu.concatenate %concatenate3A_416, %concatenate3A_416, %concatenate3A_416, %concatenate3A_416, %concatenate3A_416, %concatenate3A_416, %concatenate3A_416, %concatenate3A_416, %concatenate3A_416, %concatenate3A_416, %concatenate3A_416, %concatenate3A_416, %concatenate3A_416, %concatenate3A_416, %concatenate3A_416, %concatenate3A_416 in 1 : vector<128x32xf32>, vector<128x32xf32>, vector<128x32xf32>, vector<128x32xf32>, vector<128x32xf32>, vector<128x32xf32>, vector<128x32xf32>, vector<128x32xf32>, vector<128x32xf32>, vector<128x32xf32>, vector<128x32xf32>, vector<128x32xf32>, vector<128x32xf32>, vector<128x32xf32>, vector<128x32xf32>, vector<128x32xf32> -> vector<128x512xf32>
    %sub3A_418 = vector.broadcast %get3A_14 : vector<1x512xf32> to vector<128x512xf32>
    %sub3A_419 = arith.subf %concatenate3A_417, %sub3A_418 : vector<128x512xf32>
    %mul3A_420 = arith.constant 8.000000e-01 : f32
    %mul3A_421 = vector.broadcast %mul3A_420 : f32 to vector<128x512xf32>
    %mul3A_422 = arith.mulf %sub3A_419, %mul3A_421 : vector<128x512xf32>
    %mul3A_423 = arith.mulf %mul3A_422, %mul3A_422 : vector<128x512xf32>
    %neg3A_424 = arith.constant 0.000000e+00 : f32
    %neg3A_425 = vector.broadcast %neg3A_424 : f32 to vector<128x512xf32>
    %neg3A_426 = arith.subf %neg3A_425, %mul3A_423 : vector<128x512xf32>
    %exp3A_427 = math.exp %neg3A_426 : vector<128x512xf32>
    %slice3A_428 = vector.extract_strided_slice %dot_general3A_403 {offsets = [0, 73], sizes = [128, 1], strides = [1, 1]} : vector<128x128xf32> to vector<128x1xf32>
    %sub3A_429 = arith.subf %slice3A_18, %slice3A_428 : vector<128x1xf32>
    %slice3A_430 = vector.extract_strided_slice %dot_general3A_403 {offsets = [0, 72], sizes = [128, 1], strides = [1, 1]} : vector<128x128xf32> to vector<128x1xf32>
    %eq3A_431 = arith.cmpf oeq, %slice3A_16, %slice3A_430 : vector<128x1xf32>
    %convert_element_type3A_432 = arith.extui %eq3A_431 : vector<128x1xi1> to vector<128x1xi32>
    %convert_element_type3A_433 = arith.sitofp %convert_element_type3A_432 : vector<128x1xi32> to vector<128x1xf32>
    %add3A_434 = arith.constant 3.200000e+01 : f32
    %add3A_435 = vector.broadcast %add3A_434 : f32 to vector<128x1xf32>
    %add3A_436 = arith.addf %sub3A_429, %add3A_435 : vector<128x1xf32>
    %jit3A_437 = arith.constant 0.000000e+00 : f32
    %jit3A_438 = arith.constant 6.400000e+01 : f32
    %max3A_439 = vector.broadcast %jit3A_437 : f32 to vector<128x1xf32>
    %max3A_440 = arith.maximumf %max3A_439, %add3A_436 : vector<128x1xf32>
    %min3A_441 = vector.broadcast %jit3A_438 : f32 to vector<128x1xf32>
    %min3A_442 = arith.minimumf %min3A_441, %max3A_440 : vector<128x1xf32>
    %mul3A_443 = arith.mulf %min3A_442, %convert_element_type3A_433 : vector<128x1xf32>
    %sub3A_444 = arith.constant 1.000000e+00 : f32
    %sub3A_445 = vector.broadcast %sub3A_444 : f32 to vector<128x1xf32>
    %sub3A_446 = arith.subf %sub3A_445, %convert_element_type3A_433 : vector<128x1xf32>
    %mul3A_447 = arith.constant 6.500000e+01 : f32
    %mul3A_448 = vector.broadcast %mul3A_447 : f32 to vector<128x1xf32>
    %mul3A_449 = arith.mulf %sub3A_446, %mul3A_448 : vector<128x1xf32>
    %add3A_450 = arith.addf %mul3A_443, %mul3A_449 : vector<128x1xf32>
    %convert_element_type3A_451 = arith.fptosi %add3A_450 : vector<128x1xf32> to vector<128x1xi32>
    %eq3A_452 = vector.broadcast %convert_element_type3A_451 : vector<128x1xi32> to vector<128x128xi32>
    %eq3A_453 = arith.cmpi eq, %iota3A, %eq3A_452 : vector<128x128xi32>
    %convert_element_type3A_454 = arith.extui %eq3A_453 : vector<128x128xi1> to vector<128x128xi32>
    %convert_element_type3A_455 = arith.sitofp %convert_element_type3A_454 : vector<128x128xi32> to vector<128x128xf32>
    %get3A_456 = arith.constant 0 : index
    %get3A_457 = arith.constant 0 : index
    %get3A_458 = vector.load %arg5[%get3A_456, %get3A_457] : memref<128x128xf32, #tpu.memory_space<vmem>>, vector<128x128xf32>
    %dot_general3A_459 = arith.constant dense<0.000000e+00> : vector<128x128xf32>
    %dot_general3A_460 = tpu.matmul %convert_element_type3A_455, %get3A_458, %dot_general3A_459 {dimension_numbers = #tpu.dot_dimension_numbers<[1], [0], [0], [1], [0, 0, 1, 1], [], []>, transpose_lhs_hint = false} : vector<128x128xf32>, vector<128x128xf32>, vector<128x128xf32> -> vector<128x128xf32>
    %get3A_461 = arith.constant 0 : index
    %get3A_462 = arith.constant 0 : index
    %get3A_463 = vector.load %arg6[%get3A_461, %get3A_462] : memref<512x128xf32, #tpu.memory_space<vmem>>, vector<512x128xf32>
    %dot_general3A_464 = arith.constant dense<0.000000e+00> : vector<128x128xf32>
    %dot_general3A_465 = tpu.matmul %exp3A_427, %get3A_463, %dot_general3A_464 {dimension_numbers = #tpu.dot_dimension_numbers<[1], [0], [0], [1], [0, 0, 1, 1], [], []>, transpose_lhs_hint = false} : vector<128x512xf32>, vector<512x128xf32>, vector<128x128xf32> -> vector<128x128xf32>
    %add3A_466 = arith.addf %dot_general3A_460, %dot_general3A_465 : vector<128x128xf32>
    %swap3A_467 = arith.constant 0 : index
    %swap3A_468 = arith.constant 512 : index
    %swap3A_469 = vector.load %arg10[%swap3A_467, %swap3A_468] : memref<128x6144xf32, #tpu.memory_space<vmem>>, vector<128x128xf32>
    tpu.vector_store %arg10[%swap3A_467, %swap3A_468], %add3A_466 {strides = array<i32>} : memref<128x6144xf32, #tpu.memory_space<vmem>>, vector<128x128xf32>,
    %reduce_max3A_470 = arith.constant dense<0xFF800000> : vector<128xf32>
    %reduce_max3A_471 = vector.multi_reduction <maximumf>, %select_n3A_401, %reduce_max3A_470 [1] : vector<128x1024xf32> to vector<128xf32>
    %broadcast_in_dim3A_472 = vector.shape_cast %reduce_max3A_471 : vector<128xf32> to vector<128x1xf32>
    %eq3A_473 = vector.broadcast %broadcast_in_dim3A_472 : vector<128x1xf32> to vector<128x1024xf32>
    %eq3A_474 = arith.cmpf oeq, %select_n3A_401, %eq3A_473 : vector<128x1024xf32>
    %jit3A_475 = arith.constant 1024 : i32
    %broadcast_in_dim3A_476 = vector.broadcast %jit3A_475 : i32 to vector<128x1024xi32>
    %select_n3A_477 = arith.select %eq3A_474, %iota3A_48, %broadcast_in_dim3A_476 : vector<128x1024xi1>, vector<128x1024xi32>
    %reduce_min3A_478 = arith.constant dense<2147483647> : vector<128xi32>
    %reduce_min3A_479 = vector.multi_reduction <minsi>, %select_n3A_477, %reduce_min3A_478 [1] : vector<128x1024xi32> to vector<128xi32>
    %broadcast_in_dim3A_480 = vector.shape_cast %reduce_min3A_479 : vector<128xi32> to vector<128x1xi32>
    %eq3A_481 = vector.broadcast %broadcast_in_dim3A_480 : vector<128x1xi32> to vector<128x1024xi32>
    %eq3A_482 = arith.cmpi eq, %iota3A_48, %eq3A_481 : vector<128x1024xi32>
    %convert_element_type3A_483 = arith.extui %eq3A_482 : vector<128x1024xi1> to vector<128x1024xi32>
    %convert_element_type3A_484 = arith.sitofp %convert_element_type3A_483 : vector<128x1024xi32> to vector<128x1024xf32>
    %jit3A_485 = arith.constant 0xFF800000 : f32
    %broadcast_in_dim3A_486 = vector.broadcast %jit3A_485 : f32 to vector<128x1024xf32>
    %select_n3A_487 = arith.select %eq3A_482, %broadcast_in_dim3A_486, %select_n3A_401 : vector<128x1024xi1>, vector<128x1024xf32>
    %dot_general3A_488 = arith.constant dense<0.000000e+00> : vector<128x128xf32>
    %dot_general3A_489 = tpu.matmul %convert_element_type3A_484, %get3A_11, %dot_general3A_488 {dimension_numbers = #tpu.dot_dimension_numbers<[1], [0], [0], [1], [0, 0, 1, 1], [], []>, precision = #tpu.contract_precision<fp32>, transpose_lhs_hint = false} : vector<128x1024xf32>, vector<1024x128xf32>, vector<128x128xf32> -> vector<128x128xf32>
    %slice3A_490 = vector.extract_strided_slice %dot_general3A_489 {offsets = [0, 0], sizes = [128, 72], strides = [1, 1]} : vector<128x128xf32> to vector<128x72xf32>
    %sub3A_491 = arith.subf %slice3A, %slice3A_490 : vector<128x72xf32>
    %mul3A_492 = arith.mulf %sub3A_491, %sub3A_491 : vector<128x72xf32>
    %slice3A_493 = vector.extract_strided_slice %mul3A_492 {offsets = [0, 0], sizes = [128, 24], strides = [1, 1]} : vector<128x72xf32> to vector<128x24xf32>
    %slice3A_494 = vector.extract_strided_slice %mul3A_492 {offsets = [0, 24], sizes = [128, 24], strides = [1, 1]} : vector<128x72xf32> to vector<128x24xf32>
    %add3A_495 = arith.addf %slice3A_493, %slice3A_494 : vector<128x24xf32>
    %slice3A_496 = vector.extract_strided_slice %mul3A_492 {offsets = [0, 48], sizes = [128, 24], strides = [1, 1]} : vector<128x72xf32> to vector<128x24xf32>
    %add3A_497 = arith.addf %add3A_495, %slice3A_496 : vector<128x24xf32>
    %add3A_498 = arith.constant 9.99999997E-7 : f32
    %add3A_499 = vector.broadcast %add3A_498 : f32 to vector<128x24xf32>
    %add3A_500 = arith.addf %add3A_497, %add3A_499 : vector<128x24xf32>
    %sqrt3A_501 = math.sqrt %add3A_500 : vector<128x24xf32>
    %concatenate3A_502 = tpu.concatenate %broadcast_in_dim3A_472, %sqrt3A_501, %broadcast_in_dim3A_15 in 1 : vector<128x1xf32>, vector<128x24xf32>, vector<128x7xf32> -> vector<128x32xf32>
    %concatenate3A_503 = tpu.concatenate %concatenate3A_502, %concatenate3A_502, %concatenate3A_502, %concatenate3A_502, %concatenate3A_502, %concatenate3A_502, %concatenate3A_502, %concatenate3A_502, %concatenate3A_502, %concatenate3A_502, %concatenate3A_502, %concatenate3A_502, %concatenate3A_502, %concatenate3A_502, %concatenate3A_502, %concatenate3A_502 in 1 : vector<128x32xf32>, vector<128x32xf32>, vector<128x32xf32>, vector<128x32xf32>, vector<128x32xf32>, vector<128x32xf32>, vector<128x32xf32>, vector<128x32xf32>, vector<128x32xf32>, vector<128x32xf32>, vector<128x32xf32>, vector<128x32xf32>, vector<128x32xf32>, vector<128x32xf32>, vector<128x32xf32>, vector<128x32xf32> -> vector<128x512xf32>
    %sub3A_504 = vector.broadcast %get3A_14 : vector<1x512xf32> to vector<128x512xf32>
    %sub3A_505 = arith.subf %concatenate3A_503, %sub3A_504 : vector<128x512xf32>
    %mul3A_506 = arith.constant 8.000000e-01 : f32
    %mul3A_507 = vector.broadcast %mul3A_506 : f32 to vector<128x512xf32>
    %mul3A_508 = arith.mulf %sub3A_505, %mul3A_507 : vector<128x512xf32>
    %mul3A_509 = arith.mulf %mul3A_508, %mul3A_508 : vector<128x512xf32>
    %neg3A_510 = arith.constant 0.000000e+00 : f32
    %neg3A_511 = vector.broadcast %neg3A_510 : f32 to vector<128x512xf32>
    %neg3A_512 = arith.subf %neg3A_511, %mul3A_509 : vector<128x512xf32>
    %exp3A_513 = math.exp %neg3A_512 : vector<128x512xf32>
    %slice3A_514 = vector.extract_strided_slice %dot_general3A_489 {offsets = [0, 73], sizes = [128, 1], strides = [1, 1]} : vector<128x128xf32> to vector<128x1xf32>
    %sub3A_515 = arith.subf %slice3A_18, %slice3A_514 : vector<128x1xf32>
    %slice3A_516 = vector.extract_strided_slice %dot_general3A_489 {offsets = [0, 72], sizes = [128, 1], strides = [1, 1]} : vector<128x128xf32> to vector<128x1xf32>
    %eq3A_517 = arith.cmpf oeq, %slice3A_16, %slice3A_516 : vector<128x1xf32>
    %convert_element_type3A_518 = arith.extui %eq3A_517 : vector<128x1xi1> to vector<128x1xi32>
    %convert_element_type3A_519 = arith.sitofp %convert_element_type3A_518 : vector<128x1xi32> to vector<128x1xf32>
    %add3A_520 = arith.constant 3.200000e+01 : f32
    %add3A_521 = vector.broadcast %add3A_520 : f32 to vector<128x1xf32>
    %add3A_522 = arith.addf %sub3A_515, %add3A_521 : vector<128x1xf32>
    %jit3A_523 = arith.constant 0.000000e+00 : f32
    %jit3A_524 = arith.constant 6.400000e+01 : f32
    %max3A_525 = vector.broadcast %jit3A_523 : f32 to vector<128x1xf32>
    %max3A_526 = arith.maximumf %max3A_525, %add3A_522 : vector<128x1xf32>
    %min3A_527 = vector.broadcast %jit3A_524 : f32 to vector<128x1xf32>
    %min3A_528 = arith.minimumf %min3A_527, %max3A_526 : vector<128x1xf32>
    %mul3A_529 = arith.mulf %min3A_528, %convert_element_type3A_519 : vector<128x1xf32>
    %sub3A_530 = arith.constant 1.000000e+00 : f32
    %sub3A_531 = vector.broadcast %sub3A_530 : f32 to vector<128x1xf32>
    %sub3A_532 = arith.subf %sub3A_531, %convert_element_type3A_519 : vector<128x1xf32>
    %mul3A_533 = arith.constant 6.500000e+01 : f32
    %mul3A_534 = vector.broadcast %mul3A_533 : f32 to vector<128x1xf32>
    %mul3A_535 = arith.mulf %sub3A_532, %mul3A_534 : vector<128x1xf32>
    %add3A_536 = arith.addf %mul3A_529, %mul3A_535 : vector<128x1xf32>
    %convert_element_type3A_537 = arith.fptosi %add3A_536 : vector<128x1xf32> to vector<128x1xi32>
    %eq3A_538 = vector.broadcast %convert_element_type3A_537 : vector<128x1xi32> to vector<128x128xi32>
    %eq3A_539 = arith.cmpi eq, %iota3A, %eq3A_538 : vector<128x128xi32>
    %convert_element_type3A_540 = arith.extui %eq3A_539 : vector<128x128xi1> to vector<128x128xi32>
    %convert_element_type3A_541 = arith.sitofp %convert_element_type3A_540 : vector<128x128xi32> to vector<128x128xf32>
    %get3A_542 = arith.constant 0 : index
    %get3A_543 = arith.constant 0 : index
    %get3A_544 = vector.load %arg5[%get3A_542, %get3A_543] : memref<128x128xf32, #tpu.memory_space<vmem>>, vector<128x128xf32>
    %dot_general3A_545 = arith.constant dense<0.000000e+00> : vector<128x128xf32>
    %dot_general3A_546 = tpu.matmul %convert_element_type3A_541, %get3A_544, %dot_general3A_545 {dimension_numbers = #tpu.dot_dimension_numbers<[1], [0], [0], [1], [0, 0, 1, 1], [], []>, transpose_lhs_hint = false} : vector<128x128xf32>, vector<128x128xf32>, vector<128x128xf32> -> vector<128x128xf32>
    %get3A_547 = arith.constant 0 : index
    %get3A_548 = arith.constant 0 : index
    %get3A_549 = vector.load %arg6[%get3A_547, %get3A_548] : memref<512x128xf32, #tpu.memory_space<vmem>>, vector<512x128xf32>
    %dot_general3A_550 = arith.constant dense<0.000000e+00> : vector<128x128xf32>
    %dot_general3A_551 = tpu.matmul %exp3A_513, %get3A_549, %dot_general3A_550 {dimension_numbers = #tpu.dot_dimension_numbers<[1], [0], [0], [1], [0, 0, 1, 1], [], []>, transpose_lhs_hint = false} : vector<128x512xf32>, vector<512x128xf32>, vector<128x128xf32> -> vector<128x128xf32>
    %add3A_552 = arith.addf %dot_general3A_546, %dot_general3A_551 : vector<128x128xf32>
    %swap3A_553 = arith.constant 0 : index
    %swap3A_554 = arith.constant 640 : index
    %swap3A_555 = vector.load %arg10[%swap3A_553, %swap3A_554] : memref<128x6144xf32, #tpu.memory_space<vmem>>, vector<128x128xf32>
    tpu.vector_store %arg10[%swap3A_553, %swap3A_554], %add3A_552 {strides = array<i32>} : memref<128x6144xf32, #tpu.memory_space<vmem>>, vector<128x128xf32>,
    %reduce_max3A_556 = arith.constant dense<0xFF800000> : vector<128xf32>
    %reduce_max3A_557 = vector.multi_reduction <maximumf>, %select_n3A_487, %reduce_max3A_556 [1] : vector<128x1024xf32> to vector<128xf32>
    %broadcast_in_dim3A_558 = vector.shape_cast %reduce_max3A_557 : vector<128xf32> to vector<128x1xf32>
    %eq3A_559 = vector.broadcast %broadcast_in_dim3A_558 : vector<128x1xf32> to vector<128x1024xf32>
    %eq3A_560 = arith.cmpf oeq, %select_n3A_487, %eq3A_559 : vector<128x1024xf32>
    %jit3A_561 = arith.constant 1024 : i32
    %broadcast_in_dim3A_562 = vector.broadcast %jit3A_561 : i32 to vector<128x1024xi32>
    %select_n3A_563 = arith.select %eq3A_560, %iota3A_48, %broadcast_in_dim3A_562 : vector<128x1024xi1>, vector<128x1024xi32>
    %reduce_min3A_564 = arith.constant dense<2147483647> : vector<128xi32>
    %reduce_min3A_565 = vector.multi_reduction <minsi>, %select_n3A_563, %reduce_min3A_564 [1] : vector<128x1024xi32> to vector<128xi32>
    %broadcast_in_dim3A_566 = vector.shape_cast %reduce_min3A_565 : vector<128xi32> to vector<128x1xi32>
    %eq3A_567 = vector.broadcast %broadcast_in_dim3A_566 : vector<128x1xi32> to vector<128x1024xi32>
    %eq3A_568 = arith.cmpi eq, %iota3A_48, %eq3A_567 : vector<128x1024xi32>
    %convert_element_type3A_569 = arith.extui %eq3A_568 : vector<128x1024xi1> to vector<128x1024xi32>
    %convert_element_type3A_570 = arith.sitofp %convert_element_type3A_569 : vector<128x1024xi32> to vector<128x1024xf32>
    %jit3A_571 = arith.constant 0xFF800000 : f32
    %broadcast_in_dim3A_572 = vector.broadcast %jit3A_571 : f32 to vector<128x1024xf32>
    %select_n3A_573 = arith.select %eq3A_568, %broadcast_in_dim3A_572, %select_n3A_487 : vector<128x1024xi1>, vector<128x1024xf32>
    %dot_general3A_574 = arith.constant dense<0.000000e+00> : vector<128x128xf32>
    %dot_general3A_575 = tpu.matmul %convert_element_type3A_570, %get3A_11, %dot_general3A_574 {dimension_numbers = #tpu.dot_dimension_numbers<[1], [0], [0], [1], [0, 0, 1, 1], [], []>, precision = #tpu.contract_precision<fp32>, transpose_lhs_hint = false} : vector<128x1024xf32>, vector<1024x128xf32>, vector<128x128xf32> -> vector<128x128xf32>
    %slice3A_576 = vector.extract_strided_slice %dot_general3A_575 {offsets = [0, 0], sizes = [128, 72], strides = [1, 1]} : vector<128x128xf32> to vector<128x72xf32>
    %sub3A_577 = arith.subf %slice3A, %slice3A_576 : vector<128x72xf32>
    %mul3A_578 = arith.mulf %sub3A_577, %sub3A_577 : vector<128x72xf32>
    %slice3A_579 = vector.extract_strided_slice %mul3A_578 {offsets = [0, 0], sizes = [128, 24], strides = [1, 1]} : vector<128x72xf32> to vector<128x24xf32>
    %slice3A_580 = vector.extract_strided_slice %mul3A_578 {offsets = [0, 24], sizes = [128, 24], strides = [1, 1]} : vector<128x72xf32> to vector<128x24xf32>
    %add3A_581 = arith.addf %slice3A_579, %slice3A_580 : vector<128x24xf32>
    %slice3A_582 = vector.extract_strided_slice %mul3A_578 {offsets = [0, 48], sizes = [128, 24], strides = [1, 1]} : vector<128x72xf32> to vector<128x24xf32>
    %add3A_583 = arith.addf %add3A_581, %slice3A_582 : vector<128x24xf32>
    %add3A_584 = arith.constant 9.99999997E-7 : f32
    %add3A_585 = vector.broadcast %add3A_584 : f32 to vector<128x24xf32>
    %add3A_586 = arith.addf %add3A_583, %add3A_585 : vector<128x24xf32>
    %sqrt3A_587 = math.sqrt %add3A_586 : vector<128x24xf32>
    %concatenate3A_588 = tpu.concatenate %broadcast_in_dim3A_558, %sqrt3A_587, %broadcast_in_dim3A_15 in 1 : vector<128x1xf32>, vector<128x24xf32>, vector<128x7xf32> -> vector<128x32xf32>
    %concatenate3A_589 = tpu.concatenate %concatenate3A_588, %concatenate3A_588, %concatenate3A_588, %concatenate3A_588, %concatenate3A_588, %concatenate3A_588, %concatenate3A_588, %concatenate3A_588, %concatenate3A_588, %concatenate3A_588, %concatenate3A_588, %concatenate3A_588, %concatenate3A_588, %concatenate3A_588, %concatenate3A_588, %concatenate3A_588 in 1 : vector<128x32xf32>, vector<128x32xf32>, vector<128x32xf32>, vector<128x32xf32>, vector<128x32xf32>, vector<128x32xf32>, vector<128x32xf32>, vector<128x32xf32>, vector<128x32xf32>, vector<128x32xf32>, vector<128x32xf32>, vector<128x32xf32>, vector<128x32xf32>, vector<128x32xf32>, vector<128x32xf32>, vector<128x32xf32> -> vector<128x512xf32>
    %sub3A_590 = vector.broadcast %get3A_14 : vector<1x512xf32> to vector<128x512xf32>
    %sub3A_591 = arith.subf %concatenate3A_589, %sub3A_590 : vector<128x512xf32>
    %mul3A_592 = arith.constant 8.000000e-01 : f32
    %mul3A_593 = vector.broadcast %mul3A_592 : f32 to vector<128x512xf32>
    %mul3A_594 = arith.mulf %sub3A_591, %mul3A_593 : vector<128x512xf32>
    %mul3A_595 = arith.mulf %mul3A_594, %mul3A_594 : vector<128x512xf32>
    %neg3A_596 = arith.constant 0.000000e+00 : f32
    %neg3A_597 = vector.broadcast %neg3A_596 : f32 to vector<128x512xf32>
    %neg3A_598 = arith.subf %neg3A_597, %mul3A_595 : vector<128x512xf32>
    %exp3A_599 = math.exp %neg3A_598 : vector<128x512xf32>
    %slice3A_600 = vector.extract_strided_slice %dot_general3A_575 {offsets = [0, 73], sizes = [128, 1], strides = [1, 1]} : vector<128x128xf32> to vector<128x1xf32>
    %sub3A_601 = arith.subf %slice3A_18, %slice3A_600 : vector<128x1xf32>
    %slice3A_602 = vector.extract_strided_slice %dot_general3A_575 {offsets = [0, 72], sizes = [128, 1], strides = [1, 1]} : vector<128x128xf32> to vector<128x1xf32>
    %eq3A_603 = arith.cmpf oeq, %slice3A_16, %slice3A_602 : vector<128x1xf32>
    %convert_element_type3A_604 = arith.extui %eq3A_603 : vector<128x1xi1> to vector<128x1xi32>
    %convert_element_type3A_605 = arith.sitofp %convert_element_type3A_604 : vector<128x1xi32> to vector<128x1xf32>
    %add3A_606 = arith.constant 3.200000e+01 : f32
    %add3A_607 = vector.broadcast %add3A_606 : f32 to vector<128x1xf32>
    %add3A_608 = arith.addf %sub3A_601, %add3A_607 : vector<128x1xf32>
    %jit3A_609 = arith.constant 0.000000e+00 : f32
    %jit3A_610 = arith.constant 6.400000e+01 : f32
    %max3A_611 = vector.broadcast %jit3A_609 : f32 to vector<128x1xf32>
    %max3A_612 = arith.maximumf %max3A_611, %add3A_608 : vector<128x1xf32>
    %min3A_613 = vector.broadcast %jit3A_610 : f32 to vector<128x1xf32>
    %min3A_614 = arith.minimumf %min3A_613, %max3A_612 : vector<128x1xf32>
    %mul3A_615 = arith.mulf %min3A_614, %convert_element_type3A_605 : vector<128x1xf32>
    %sub3A_616 = arith.constant 1.000000e+00 : f32
    %sub3A_617 = vector.broadcast %sub3A_616 : f32 to vector<128x1xf32>
    %sub3A_618 = arith.subf %sub3A_617, %convert_element_type3A_605 : vector<128x1xf32>
    %mul3A_619 = arith.constant 6.500000e+01 : f32
    %mul3A_620 = vector.broadcast %mul3A_619 : f32 to vector<128x1xf32>
    %mul3A_621 = arith.mulf %sub3A_618, %mul3A_620 : vector<128x1xf32>
    %add3A_622 = arith.addf %mul3A_615, %mul3A_621 : vector<128x1xf32>
    %convert_element_type3A_623 = arith.fptosi %add3A_622 : vector<128x1xf32> to vector<128x1xi32>
    %eq3A_624 = vector.broadcast %convert_element_type3A_623 : vector<128x1xi32> to vector<128x128xi32>
    %eq3A_625 = arith.cmpi eq, %iota3A, %eq3A_624 : vector<128x128xi32>
    %convert_element_type3A_626 = arith.extui %eq3A_625 : vector<128x128xi1> to vector<128x128xi32>
    %convert_element_type3A_627 = arith.sitofp %convert_element_type3A_626 : vector<128x128xi32> to vector<128x128xf32>
    %get3A_628 = arith.constant 0 : index
    %get3A_629 = arith.constant 0 : index
    %get3A_630 = vector.load %arg5[%get3A_628, %get3A_629] : memref<128x128xf32, #tpu.memory_space<vmem>>, vector<128x128xf32>
    %dot_general3A_631 = arith.constant dense<0.000000e+00> : vector<128x128xf32>
    %dot_general3A_632 = tpu.matmul %convert_element_type3A_627, %get3A_630, %dot_general3A_631 {dimension_numbers = #tpu.dot_dimension_numbers<[1], [0], [0], [1], [0, 0, 1, 1], [], []>, transpose_lhs_hint = false} : vector<128x128xf32>, vector<128x128xf32>, vector<128x128xf32> -> vector<128x128xf32>
    %get3A_633 = arith.constant 0 : index
    %get3A_634 = arith.constant 0 : index
    %get3A_635 = vector.load %arg6[%get3A_633, %get3A_634] : memref<512x128xf32, #tpu.memory_space<vmem>>, vector<512x128xf32>
    %dot_general3A_636 = arith.constant dense<0.000000e+00> : vector<128x128xf32>
    %dot_general3A_637 = tpu.matmul %exp3A_599, %get3A_635, %dot_general3A_636 {dimension_numbers = #tpu.dot_dimension_numbers<[1], [0], [0], [1], [0, 0, 1, 1], [], []>, transpose_lhs_hint = false} : vector<128x512xf32>, vector<512x128xf32>, vector<128x128xf32> -> vector<128x128xf32>
    %add3A_638 = arith.addf %dot_general3A_632, %dot_general3A_637 : vector<128x128xf32>
    %swap3A_639 = arith.constant 0 : index
    %swap3A_640 = arith.constant 768 : index
    %swap3A_641 = vector.load %arg10[%swap3A_639, %swap3A_640] : memref<128x6144xf32, #tpu.memory_space<vmem>>, vector<128x128xf32>
    tpu.vector_store %arg10[%swap3A_639, %swap3A_640], %add3A_638 {strides = array<i32>} : memref<128x6144xf32, #tpu.memory_space<vmem>>, vector<128x128xf32>,
    %reduce_max3A_642 = arith.constant dense<0xFF800000> : vector<128xf32>
    %reduce_max3A_643 = vector.multi_reduction <maximumf>, %select_n3A_573, %reduce_max3A_642 [1] : vector<128x1024xf32> to vector<128xf32>
    %broadcast_in_dim3A_644 = vector.shape_cast %reduce_max3A_643 : vector<128xf32> to vector<128x1xf32>
    %eq3A_645 = vector.broadcast %broadcast_in_dim3A_644 : vector<128x1xf32> to vector<128x1024xf32>
    %eq3A_646 = arith.cmpf oeq, %select_n3A_573, %eq3A_645 : vector<128x1024xf32>
    %jit3A_647 = arith.constant 1024 : i32
    %broadcast_in_dim3A_648 = vector.broadcast %jit3A_647 : i32 to vector<128x1024xi32>
    %select_n3A_649 = arith.select %eq3A_646, %iota3A_48, %broadcast_in_dim3A_648 : vector<128x1024xi1>, vector<128x1024xi32>
    %reduce_min3A_650 = arith.constant dense<2147483647> : vector<128xi32>
    %reduce_min3A_651 = vector.multi_reduction <minsi>, %select_n3A_649, %reduce_min3A_650 [1] : vector<128x1024xi32> to vector<128xi32>
    %broadcast_in_dim3A_652 = vector.shape_cast %reduce_min3A_651 : vector<128xi32> to vector<128x1xi32>
    %eq3A_653 = vector.broadcast %broadcast_in_dim3A_652 : vector<128x1xi32> to vector<128x1024xi32>
    %eq3A_654 = arith.cmpi eq, %iota3A_48, %eq3A_653 : vector<128x1024xi32>
    %convert_element_type3A_655 = arith.extui %eq3A_654 : vector<128x1024xi1> to vector<128x1024xi32>
    %convert_element_type3A_656 = arith.sitofp %convert_element_type3A_655 : vector<128x1024xi32> to vector<128x1024xf32>
    %jit3A_657 = arith.constant 0xFF800000 : f32
    %broadcast_in_dim3A_658 = vector.broadcast %jit3A_657 : f32 to vector<128x1024xf32>
    %select_n3A_659 = arith.select %eq3A_654, %broadcast_in_dim3A_658, %select_n3A_573 : vector<128x1024xi1>, vector<128x1024xf32>
    %dot_general3A_660 = arith.constant dense<0.000000e+00> : vector<128x128xf32>
    %dot_general3A_661 = tpu.matmul %convert_element_type3A_656, %get3A_11, %dot_general3A_660 {dimension_numbers = #tpu.dot_dimension_numbers<[1], [0], [0], [1], [0, 0, 1, 1], [], []>, precision = #tpu.contract_precision<fp32>, transpose_lhs_hint = false} : vector<128x1024xf32>, vector<1024x128xf32>, vector<128x128xf32> -> vector<128x128xf32>
    %slice3A_662 = vector.extract_strided_slice %dot_general3A_661 {offsets = [0, 0], sizes = [128, 72], strides = [1, 1]} : vector<128x128xf32> to vector<128x72xf32>
    %sub3A_663 = arith.subf %slice3A, %slice3A_662 : vector<128x72xf32>
    %mul3A_664 = arith.mulf %sub3A_663, %sub3A_663 : vector<128x72xf32>
    %slice3A_665 = vector.extract_strided_slice %mul3A_664 {offsets = [0, 0], sizes = [128, 24], strides = [1, 1]} : vector<128x72xf32> to vector<128x24xf32>
    %slice3A_666 = vector.extract_strided_slice %mul3A_664 {offsets = [0, 24], sizes = [128, 24], strides = [1, 1]} : vector<128x72xf32> to vector<128x24xf32>
    %add3A_667 = arith.addf %slice3A_665, %slice3A_666 : vector<128x24xf32>
    %slice3A_668 = vector.extract_strided_slice %mul3A_664 {offsets = [0, 48], sizes = [128, 24], strides = [1, 1]} : vector<128x72xf32> to vector<128x24xf32>
    %add3A_669 = arith.addf %add3A_667, %slice3A_668 : vector<128x24xf32>
    %add3A_670 = arith.constant 9.99999997E-7 : f32
    %add3A_671 = vector.broadcast %add3A_670 : f32 to vector<128x24xf32>
    %add3A_672 = arith.addf %add3A_669, %add3A_671 : vector<128x24xf32>
    %sqrt3A_673 = math.sqrt %add3A_672 : vector<128x24xf32>
    %concatenate3A_674 = tpu.concatenate %broadcast_in_dim3A_644, %sqrt3A_673, %broadcast_in_dim3A_15 in 1 : vector<128x1xf32>, vector<128x24xf32>, vector<128x7xf32> -> vector<128x32xf32>
    %concatenate3A_675 = tpu.concatenate %concatenate3A_674, %concatenate3A_674, %concatenate3A_674, %concatenate3A_674, %concatenate3A_674, %concatenate3A_674, %concatenate3A_674, %concatenate3A_674, %concatenate3A_674, %concatenate3A_674, %concatenate3A_674, %concatenate3A_674, %concatenate3A_674, %concatenate3A_674, %concatenate3A_674, %concatenate3A_674 in 1 : vector<128x32xf32>, vector<128x32xf32>, vector<128x32xf32>, vector<128x32xf32>, vector<128x32xf32>, vector<128x32xf32>, vector<128x32xf32>, vector<128x32xf32>, vector<128x32xf32>, vector<128x32xf32>, vector<128x32xf32>, vector<128x32xf32>, vector<128x32xf32>, vector<128x32xf32>, vector<128x32xf32>, vector<128x32xf32> -> vector<128x512xf32>
    %sub3A_676 = vector.broadcast %get3A_14 : vector<1x512xf32> to vector<128x512xf32>
    %sub3A_677 = arith.subf %concatenate3A_675, %sub3A_676 : vector<128x512xf32>
    %mul3A_678 = arith.constant 8.000000e-01 : f32
    %mul3A_679 = vector.broadcast %mul3A_678 : f32 to vector<128x512xf32>
    %mul3A_680 = arith.mulf %sub3A_677, %mul3A_679 : vector<128x512xf32>
    %mul3A_681 = arith.mulf %mul3A_680, %mul3A_680 : vector<128x512xf32>
    %neg3A_682 = arith.constant 0.000000e+00 : f32
    %neg3A_683 = vector.broadcast %neg3A_682 : f32 to vector<128x512xf32>
    %neg3A_684 = arith.subf %neg3A_683, %mul3A_681 : vector<128x512xf32>
    %exp3A_685 = math.exp %neg3A_684 : vector<128x512xf32>
    %slice3A_686 = vector.extract_strided_slice %dot_general3A_661 {offsets = [0, 73], sizes = [128, 1], strides = [1, 1]} : vector<128x128xf32> to vector<128x1xf32>
    %sub3A_687 = arith.subf %slice3A_18, %slice3A_686 : vector<128x1xf32>
    %slice3A_688 = vector.extract_strided_slice %dot_general3A_661 {offsets = [0, 72], sizes = [128, 1], strides = [1, 1]} : vector<128x128xf32> to vector<128x1xf32>
    %eq3A_689 = arith.cmpf oeq, %slice3A_16, %slice3A_688 : vector<128x1xf32>
    %convert_element_type3A_690 = arith.extui %eq3A_689 : vector<128x1xi1> to vector<128x1xi32>
    %convert_element_type3A_691 = arith.sitofp %convert_element_type3A_690 : vector<128x1xi32> to vector<128x1xf32>
    %add3A_692 = arith.constant 3.200000e+01 : f32
    %add3A_693 = vector.broadcast %add3A_692 : f32 to vector<128x1xf32>
    %add3A_694 = arith.addf %sub3A_687, %add3A_693 : vector<128x1xf32>
    %jit3A_695 = arith.constant 0.000000e+00 : f32
    %jit3A_696 = arith.constant 6.400000e+01 : f32
    %max3A_697 = vector.broadcast %jit3A_695 : f32 to vector<128x1xf32>
    %max3A_698 = arith.maximumf %max3A_697, %add3A_694 : vector<128x1xf32>
    %min3A_699 = vector.broadcast %jit3A_696 : f32 to vector<128x1xf32>
    %min3A_700 = arith.minimumf %min3A_699, %max3A_698 : vector<128x1xf32>
    %mul3A_701 = arith.mulf %min3A_700, %convert_element_type3A_691 : vector<128x1xf32>
    %sub3A_702 = arith.constant 1.000000e+00 : f32
    %sub3A_703 = vector.broadcast %sub3A_702 : f32 to vector<128x1xf32>
    %sub3A_704 = arith.subf %sub3A_703, %convert_element_type3A_691 : vector<128x1xf32>
    %mul3A_705 = arith.constant 6.500000e+01 : f32
    %mul3A_706 = vector.broadcast %mul3A_705 : f32 to vector<128x1xf32>
    %mul3A_707 = arith.mulf %sub3A_704, %mul3A_706 : vector<128x1xf32>
    %add3A_708 = arith.addf %mul3A_701, %mul3A_707 : vector<128x1xf32>
    %convert_element_type3A_709 = arith.fptosi %add3A_708 : vector<128x1xf32> to vector<128x1xi32>
    %eq3A_710 = vector.broadcast %convert_element_type3A_709 : vector<128x1xi32> to vector<128x128xi32>
    %eq3A_711 = arith.cmpi eq, %iota3A, %eq3A_710 : vector<128x128xi32>
    %convert_element_type3A_712 = arith.extui %eq3A_711 : vector<128x128xi1> to vector<128x128xi32>
    %convert_element_type3A_713 = arith.sitofp %convert_element_type3A_712 : vector<128x128xi32> to vector<128x128xf32>
    %get3A_714 = arith.constant 0 : index
    %get3A_715 = arith.constant 0 : index
    %get3A_716 = vector.load %arg5[%get3A_714, %get3A_715] : memref<128x128xf32, #tpu.memory_space<vmem>>, vector<128x128xf32>
    %dot_general3A_717 = arith.constant dense<0.000000e+00> : vector<128x128xf32>
    %dot_general3A_718 = tpu.matmul %convert_element_type3A_713, %get3A_716, %dot_general3A_717 {dimension_numbers = #tpu.dot_dimension_numbers<[1], [0], [0], [1], [0, 0, 1, 1], [], []>, transpose_lhs_hint = false} : vector<128x128xf32>, vector<128x128xf32>, vector<128x128xf32> -> vector<128x128xf32>
    %get3A_719 = arith.constant 0 : index
    %get3A_720 = arith.constant 0 : index
    %get3A_721 = vector.load %arg6[%get3A_719, %get3A_720] : memref<512x128xf32, #tpu.memory_space<vmem>>, vector<512x128xf32>
    %dot_general3A_722 = arith.constant dense<0.000000e+00> : vector<128x128xf32>
    %dot_general3A_723 = tpu.matmul %exp3A_685, %get3A_721, %dot_general3A_722 {dimension_numbers = #tpu.dot_dimension_numbers<[1], [0], [0], [1], [0, 0, 1, 1], [], []>, transpose_lhs_hint = false} : vector<128x512xf32>, vector<512x128xf32>, vector<128x128xf32> -> vector<128x128xf32>
    %add3A_724 = arith.addf %dot_general3A_718, %dot_general3A_723 : vector<128x128xf32>
    %swap3A_725 = arith.constant 0 : index
    %swap3A_726 = arith.constant 896 : index
    %swap3A_727 = vector.load %arg10[%swap3A_725, %swap3A_726] : memref<128x6144xf32, #tpu.memory_space<vmem>>, vector<128x128xf32>
    tpu.vector_store %arg10[%swap3A_725, %swap3A_726], %add3A_724 {strides = array<i32>} : memref<128x6144xf32, #tpu.memory_space<vmem>>, vector<128x128xf32>,
    %reduce_max3A_728 = arith.constant dense<0xFF800000> : vector<128xf32>
    %reduce_max3A_729 = vector.multi_reduction <maximumf>, %select_n3A_659, %reduce_max3A_728 [1] : vector<128x1024xf32> to vector<128xf32>
    %broadcast_in_dim3A_730 = vector.shape_cast %reduce_max3A_729 : vector<128xf32> to vector<128x1xf32>
    %eq3A_731 = vector.broadcast %broadcast_in_dim3A_730 : vector<128x1xf32> to vector<128x1024xf32>
    %eq3A_732 = arith.cmpf oeq, %select_n3A_659, %eq3A_731 : vector<128x1024xf32>
    %jit3A_733 = arith.constant 1024 : i32
    %broadcast_in_dim3A_734 = vector.broadcast %jit3A_733 : i32 to vector<128x1024xi32>
    %select_n3A_735 = arith.select %eq3A_732, %iota3A_48, %broadcast_in_dim3A_734 : vector<128x1024xi1>, vector<128x1024xi32>
    %reduce_min3A_736 = arith.constant dense<2147483647> : vector<128xi32>
    %reduce_min3A_737 = vector.multi_reduction <minsi>, %select_n3A_735, %reduce_min3A_736 [1] : vector<128x1024xi32> to vector<128xi32>
    %broadcast_in_dim3A_738 = vector.shape_cast %reduce_min3A_737 : vector<128xi32> to vector<128x1xi32>
    %eq3A_739 = vector.broadcast %broadcast_in_dim3A_738 : vector<128x1xi32> to vector<128x1024xi32>
    %eq3A_740 = arith.cmpi eq, %iota3A_48, %eq3A_739 : vector<128x1024xi32>
    %convert_element_type3A_741 = arith.extui %eq3A_740 : vector<128x1024xi1> to vector<128x1024xi32>
    %convert_element_type3A_742 = arith.sitofp %convert_element_type3A_741 : vector<128x1024xi32> to vector<128x1024xf32>
    %jit3A_743 = arith.constant 0xFF800000 : f32
    %broadcast_in_dim3A_744 = vector.broadcast %jit3A_743 : f32 to vector<128x1024xf32>
    %select_n3A_745 = arith.select %eq3A_740, %broadcast_in_dim3A_744, %select_n3A_659 : vector<128x1024xi1>, vector<128x1024xf32>
    %dot_general3A_746 = arith.constant dense<0.000000e+00> : vector<128x128xf32>
    %dot_general3A_747 = tpu.matmul %convert_element_type3A_742, %get3A_11, %dot_general3A_746 {dimension_numbers = #tpu.dot_dimension_numbers<[1], [0], [0], [1], [0, 0, 1, 1], [], []>, precision = #tpu.contract_precision<fp32>, transpose_lhs_hint = false} : vector<128x1024xf32>, vector<1024x128xf32>, vector<128x128xf32> -> vector<128x128xf32>
    %slice3A_748 = vector.extract_strided_slice %dot_general3A_747 {offsets = [0, 0], sizes = [128, 72], strides = [1, 1]} : vector<128x128xf32> to vector<128x72xf32>
    %sub3A_749 = arith.subf %slice3A, %slice3A_748 : vector<128x72xf32>
    %mul3A_750 = arith.mulf %sub3A_749, %sub3A_749 : vector<128x72xf32>
    %slice3A_751 = vector.extract_strided_slice %mul3A_750 {offsets = [0, 0], sizes = [128, 24], strides = [1, 1]} : vector<128x72xf32> to vector<128x24xf32>
    %slice3A_752 = vector.extract_strided_slice %mul3A_750 {offsets = [0, 24], sizes = [128, 24], strides = [1, 1]} : vector<128x72xf32> to vector<128x24xf32>
    %add3A_753 = arith.addf %slice3A_751, %slice3A_752 : vector<128x24xf32>
    %slice3A_754 = vector.extract_strided_slice %mul3A_750 {offsets = [0, 48], sizes = [128, 24], strides = [1, 1]} : vector<128x72xf32> to vector<128x24xf32>
    %add3A_755 = arith.addf %add3A_753, %slice3A_754 : vector<128x24xf32>
    %add3A_756 = arith.constant 9.99999997E-7 : f32
    %add3A_757 = vector.broadcast %add3A_756 : f32 to vector<128x24xf32>
    %add3A_758 = arith.addf %add3A_755, %add3A_757 : vector<128x24xf32>
    %sqrt3A_759 = math.sqrt %add3A_758 : vector<128x24xf32>
    %concatenate3A_760 = tpu.concatenate %broadcast_in_dim3A_730, %sqrt3A_759, %broadcast_in_dim3A_15 in 1 : vector<128x1xf32>, vector<128x24xf32>, vector<128x7xf32> -> vector<128x32xf32>
    %concatenate3A_761 = tpu.concatenate %concatenate3A_760, %concatenate3A_760, %concatenate3A_760, %concatenate3A_760, %concatenate3A_760, %concatenate3A_760, %concatenate3A_760, %concatenate3A_760, %concatenate3A_760, %concatenate3A_760, %concatenate3A_760, %concatenate3A_760, %concatenate3A_760, %concatenate3A_760, %concatenate3A_760, %concatenate3A_760 in 1 : vector<128x32xf32>, vector<128x32xf32>, vector<128x32xf32>, vector<128x32xf32>, vector<128x32xf32>, vector<128x32xf32>, vector<128x32xf32>, vector<128x32xf32>, vector<128x32xf32>, vector<128x32xf32>, vector<128x32xf32>, vector<128x32xf32>, vector<128x32xf32>, vector<128x32xf32>, vector<128x32xf32>, vector<128x32xf32> -> vector<128x512xf32>
    %sub3A_762 = vector.broadcast %get3A_14 : vector<1x512xf32> to vector<128x512xf32>
    %sub3A_763 = arith.subf %concatenate3A_761, %sub3A_762 : vector<128x512xf32>
    %mul3A_764 = arith.constant 8.000000e-01 : f32
    %mul3A_765 = vector.broadcast %mul3A_764 : f32 to vector<128x512xf32>
    %mul3A_766 = arith.mulf %sub3A_763, %mul3A_765 : vector<128x512xf32>
    %mul3A_767 = arith.mulf %mul3A_766, %mul3A_766 : vector<128x512xf32>
    %neg3A_768 = arith.constant 0.000000e+00 : f32
    %neg3A_769 = vector.broadcast %neg3A_768 : f32 to vector<128x512xf32>
    %neg3A_770 = arith.subf %neg3A_769, %mul3A_767 : vector<128x512xf32>
    %exp3A_771 = math.exp %neg3A_770 : vector<128x512xf32>
    %slice3A_772 = vector.extract_strided_slice %dot_general3A_747 {offsets = [0, 73], sizes = [128, 1], strides = [1, 1]} : vector<128x128xf32> to vector<128x1xf32>
    %sub3A_773 = arith.subf %slice3A_18, %slice3A_772 : vector<128x1xf32>
    %slice3A_774 = vector.extract_strided_slice %dot_general3A_747 {offsets = [0, 72], sizes = [128, 1], strides = [1, 1]} : vector<128x128xf32> to vector<128x1xf32>
    %eq3A_775 = arith.cmpf oeq, %slice3A_16, %slice3A_774 : vector<128x1xf32>
    %convert_element_type3A_776 = arith.extui %eq3A_775 : vector<128x1xi1> to vector<128x1xi32>
    %convert_element_type3A_777 = arith.sitofp %convert_element_type3A_776 : vector<128x1xi32> to vector<128x1xf32>
    %add3A_778 = arith.constant 3.200000e+01 : f32
    %add3A_779 = vector.broadcast %add3A_778 : f32 to vector<128x1xf32>
    %add3A_780 = arith.addf %sub3A_773, %add3A_779 : vector<128x1xf32>
    %jit3A_781 = arith.constant 0.000000e+00 : f32
    %jit3A_782 = arith.constant 6.400000e+01 : f32
    %max3A_783 = vector.broadcast %jit3A_781 : f32 to vector<128x1xf32>
    %max3A_784 = arith.maximumf %max3A_783, %add3A_780 : vector<128x1xf32>
    %min3A_785 = vector.broadcast %jit3A_782 : f32 to vector<128x1xf32>
    %min3A_786 = arith.minimumf %min3A_785, %max3A_784 : vector<128x1xf32>
    %mul3A_787 = arith.mulf %min3A_786, %convert_element_type3A_777 : vector<128x1xf32>
    %sub3A_788 = arith.constant 1.000000e+00 : f32
    %sub3A_789 = vector.broadcast %sub3A_788 : f32 to vector<128x1xf32>
    %sub3A_790 = arith.subf %sub3A_789, %convert_element_type3A_777 : vector<128x1xf32>
    %mul3A_791 = arith.constant 6.500000e+01 : f32
    %mul3A_792 = vector.broadcast %mul3A_791 : f32 to vector<128x1xf32>
    %mul3A_793 = arith.mulf %sub3A_790, %mul3A_792 : vector<128x1xf32>
    %add3A_794 = arith.addf %mul3A_787, %mul3A_793 : vector<128x1xf32>
    %convert_element_type3A_795 = arith.fptosi %add3A_794 : vector<128x1xf32> to vector<128x1xi32>
    %eq3A_796 = vector.broadcast %convert_element_type3A_795 : vector<128x1xi32> to vector<128x128xi32>
    %eq3A_797 = arith.cmpi eq, %iota3A, %eq3A_796 : vector<128x128xi32>
    %convert_element_type3A_798 = arith.extui %eq3A_797 : vector<128x128xi1> to vector<128x128xi32>
    %convert_element_type3A_799 = arith.sitofp %convert_element_type3A_798 : vector<128x128xi32> to vector<128x128xf32>
    %get3A_800 = arith.constant 0 : index
    %get3A_801 = arith.constant 0 : index
    %get3A_802 = vector.load %arg5[%get3A_800, %get3A_801] : memref<128x128xf32, #tpu.memory_space<vmem>>, vector<128x128xf32>
    %dot_general3A_803 = arith.constant dense<0.000000e+00> : vector<128x128xf32>
    %dot_general3A_804 = tpu.matmul %convert_element_type3A_799, %get3A_802, %dot_general3A_803 {dimension_numbers = #tpu.dot_dimension_numbers<[1], [0], [0], [1], [0, 0, 1, 1], [], []>, transpose_lhs_hint = false} : vector<128x128xf32>, vector<128x128xf32>, vector<128x128xf32> -> vector<128x128xf32>
    %get3A_805 = arith.constant 0 : index
    %get3A_806 = arith.constant 0 : index
    %get3A_807 = vector.load %arg6[%get3A_805, %get3A_806] : memref<512x128xf32, #tpu.memory_space<vmem>>, vector<512x128xf32>
    %dot_general3A_808 = arith.constant dense<0.000000e+00> : vector<128x128xf32>
    %dot_general3A_809 = tpu.matmul %exp3A_771, %get3A_807, %dot_general3A_808 {dimension_numbers = #tpu.dot_dimension_numbers<[1], [0], [0], [1], [0, 0, 1, 1], [], []>, transpose_lhs_hint = false} : vector<128x512xf32>, vector<512x128xf32>, vector<128x128xf32> -> vector<128x128xf32>
    %add3A_810 = arith.addf %dot_general3A_804, %dot_general3A_809 : vector<128x128xf32>
    %swap3A_811 = arith.constant 0 : index
    %swap3A_812 = arith.constant 1024 : index
    %swap3A_813 = vector.load %arg10[%swap3A_811, %swap3A_812] : memref<128x6144xf32, #tpu.memory_space<vmem>>, vector<128x128xf32>
    tpu.vector_store %arg10[%swap3A_811, %swap3A_812], %add3A_810 {strides = array<i32>} : memref<128x6144xf32, #tpu.memory_space<vmem>>, vector<128x128xf32>,
    %reduce_max3A_814 = arith.constant dense<0xFF800000> : vector<128xf32>
    %reduce_max3A_815 = vector.multi_reduction <maximumf>, %select_n3A_745, %reduce_max3A_814 [1] : vector<128x1024xf32> to vector<128xf32>
    %broadcast_in_dim3A_816 = vector.shape_cast %reduce_max3A_815 : vector<128xf32> to vector<128x1xf32>
    %eq3A_817 = vector.broadcast %broadcast_in_dim3A_816 : vector<128x1xf32> to vector<128x1024xf32>
    %eq3A_818 = arith.cmpf oeq, %select_n3A_745, %eq3A_817 : vector<128x1024xf32>
    %jit3A_819 = arith.constant 1024 : i32
    %broadcast_in_dim3A_820 = vector.broadcast %jit3A_819 : i32 to vector<128x1024xi32>
    %select_n3A_821 = arith.select %eq3A_818, %iota3A_48, %broadcast_in_dim3A_820 : vector<128x1024xi1>, vector<128x1024xi32>
    %reduce_min3A_822 = arith.constant dense<2147483647> : vector<128xi32>
    %reduce_min3A_823 = vector.multi_reduction <minsi>, %select_n3A_821, %reduce_min3A_822 [1] : vector<128x1024xi32> to vector<128xi32>
    %broadcast_in_dim3A_824 = vector.shape_cast %reduce_min3A_823 : vector<128xi32> to vector<128x1xi32>
    %eq3A_825 = vector.broadcast %broadcast_in_dim3A_824 : vector<128x1xi32> to vector<128x1024xi32>
    %eq3A_826 = arith.cmpi eq, %iota3A_48, %eq3A_825 : vector<128x1024xi32>
    %convert_element_type3A_827 = arith.extui %eq3A_826 : vector<128x1024xi1> to vector<128x1024xi32>
    %convert_element_type3A_828 = arith.sitofp %convert_element_type3A_827 : vector<128x1024xi32> to vector<128x1024xf32>
    %jit3A_829 = arith.constant 0xFF800000 : f32
    %broadcast_in_dim3A_830 = vector.broadcast %jit3A_829 : f32 to vector<128x1024xf32>
    %select_n3A_831 = arith.select %eq3A_826, %broadcast_in_dim3A_830, %select_n3A_745 : vector<128x1024xi1>, vector<128x1024xf32>
    %dot_general3A_832 = arith.constant dense<0.000000e+00> : vector<128x128xf32>
    %dot_general3A_833 = tpu.matmul %convert_element_type3A_828, %get3A_11, %dot_general3A_832 {dimension_numbers = #tpu.dot_dimension_numbers<[1], [0], [0], [1], [0, 0, 1, 1], [], []>, precision = #tpu.contract_precision<fp32>, transpose_lhs_hint = false} : vector<128x1024xf32>, vector<1024x128xf32>, vector<128x128xf32> -> vector<128x128xf32>
    %slice3A_834 = vector.extract_strided_slice %dot_general3A_833 {offsets = [0, 0], sizes = [128, 72], strides = [1, 1]} : vector<128x128xf32> to vector<128x72xf32>
    %sub3A_835 = arith.subf %slice3A, %slice3A_834 : vector<128x72xf32>
    %mul3A_836 = arith.mulf %sub3A_835, %sub3A_835 : vector<128x72xf32>
    %slice3A_837 = vector.extract_strided_slice %mul3A_836 {offsets = [0, 0], sizes = [128, 24], strides = [1, 1]} : vector<128x72xf32> to vector<128x24xf32>
    %slice3A_838 = vector.extract_strided_slice %mul3A_836 {offsets = [0, 24], sizes = [128, 24], strides = [1, 1]} : vector<128x72xf32> to vector<128x24xf32>
    %add3A_839 = arith.addf %slice3A_837, %slice3A_838 : vector<128x24xf32>
    %slice3A_840 = vector.extract_strided_slice %mul3A_836 {offsets = [0, 48], sizes = [128, 24], strides = [1, 1]} : vector<128x72xf32> to vector<128x24xf32>
    %add3A_841 = arith.addf %add3A_839, %slice3A_840 : vector<128x24xf32>
    %add3A_842 = arith.constant 9.99999997E-7 : f32
    %add3A_843 = vector.broadcast %add3A_842 : f32 to vector<128x24xf32>
    %add3A_844 = arith.addf %add3A_841, %add3A_843 : vector<128x24xf32>
    %sqrt3A_845 = math.sqrt %add3A_844 : vector<128x24xf32>
    %concatenate3A_846 = tpu.concatenate %broadcast_in_dim3A_816, %sqrt3A_845, %broadcast_in_dim3A_15 in 1 : vector<128x1xf32>, vector<128x24xf32>, vector<128x7xf32> -> vector<128x32xf32>
    %concatenate3A_847 = tpu.concatenate %concatenate3A_846, %concatenate3A_846, %concatenate3A_846, %concatenate3A_846, %concatenate3A_846, %concatenate3A_846, %concatenate3A_846, %concatenate3A_846, %concatenate3A_846, %concatenate3A_846, %concatenate3A_846, %concatenate3A_846, %concatenate3A_846, %concatenate3A_846, %concatenate3A_846, %concatenate3A_846 in 1 : vector<128x32xf32>, vector<128x32xf32>, vector<128x32xf32>, vector<128x32xf32>, vector<128x32xf32>, vector<128x32xf32>, vector<128x32xf32>, vector<128x32xf32>, vector<128x32xf32>, vector<128x32xf32>, vector<128x32xf32>, vector<128x32xf32>, vector<128x32xf32>, vector<128x32xf32>, vector<128x32xf32>, vector<128x32xf32> -> vector<128x512xf32>
    %sub3A_848 = vector.broadcast %get3A_14 : vector<1x512xf32> to vector<128x512xf32>
    %sub3A_849 = arith.subf %concatenate3A_847, %sub3A_848 : vector<128x512xf32>
    %mul3A_850 = arith.constant 8.000000e-01 : f32
    %mul3A_851 = vector.broadcast %mul3A_850 : f32 to vector<128x512xf32>
    %mul3A_852 = arith.mulf %sub3A_849, %mul3A_851 : vector<128x512xf32>
    %mul3A_853 = arith.mulf %mul3A_852, %mul3A_852 : vector<128x512xf32>
    %neg3A_854 = arith.constant 0.000000e+00 : f32
    %neg3A_855 = vector.broadcast %neg3A_854 : f32 to vector<128x512xf32>
    %neg3A_856 = arith.subf %neg3A_855, %mul3A_853 : vector<128x512xf32>
    %exp3A_857 = math.exp %neg3A_856 : vector<128x512xf32>
    %slice3A_858 = vector.extract_strided_slice %dot_general3A_833 {offsets = [0, 73], sizes = [128, 1], strides = [1, 1]} : vector<128x128xf32> to vector<128x1xf32>
    %sub3A_859 = arith.subf %slice3A_18, %slice3A_858 : vector<128x1xf32>
    %slice3A_860 = vector.extract_strided_slice %dot_general3A_833 {offsets = [0, 72], sizes = [128, 1], strides = [1, 1]} : vector<128x128xf32> to vector<128x1xf32>
    %eq3A_861 = arith.cmpf oeq, %slice3A_16, %slice3A_860 : vector<128x1xf32>
    %convert_element_type3A_862 = arith.extui %eq3A_861 : vector<128x1xi1> to vector<128x1xi32>
    %convert_element_type3A_863 = arith.sitofp %convert_element_type3A_862 : vector<128x1xi32> to vector<128x1xf32>
    %add3A_864 = arith.constant 3.200000e+01 : f32
    %add3A_865 = vector.broadcast %add3A_864 : f32 to vector<128x1xf32>
    %add3A_866 = arith.addf %sub3A_859, %add3A_865 : vector<128x1xf32>
    %jit3A_867 = arith.constant 0.000000e+00 : f32
    %jit3A_868 = arith.constant 6.400000e+01 : f32
    %max3A_869 = vector.broadcast %jit3A_867 : f32 to vector<128x1xf32>
    %max3A_870 = arith.maximumf %max3A_869, %add3A_866 : vector<128x1xf32>
    %min3A_871 = vector.broadcast %jit3A_868 : f32 to vector<128x1xf32>
    %min3A_872 = arith.minimumf %min3A_871, %max3A_870 : vector<128x1xf32>
    %mul3A_873 = arith.mulf %min3A_872, %convert_element_type3A_863 : vector<128x1xf32>
    %sub3A_874 = arith.constant 1.000000e+00 : f32
    %sub3A_875 = vector.broadcast %sub3A_874 : f32 to vector<128x1xf32>
    %sub3A_876 = arith.subf %sub3A_875, %convert_element_type3A_863 : vector<128x1xf32>
    %mul3A_877 = arith.constant 6.500000e+01 : f32
    %mul3A_878 = vector.broadcast %mul3A_877 : f32 to vector<128x1xf32>
    %mul3A_879 = arith.mulf %sub3A_876, %mul3A_878 : vector<128x1xf32>
    %add3A_880 = arith.addf %mul3A_873, %mul3A_879 : vector<128x1xf32>
    %convert_element_type3A_881 = arith.fptosi %add3A_880 : vector<128x1xf32> to vector<128x1xi32>
    %eq3A_882 = vector.broadcast %convert_element_type3A_881 : vector<128x1xi32> to vector<128x128xi32>
    %eq3A_883 = arith.cmpi eq, %iota3A, %eq3A_882 : vector<128x128xi32>
    %convert_element_type3A_884 = arith.extui %eq3A_883 : vector<128x128xi1> to vector<128x128xi32>
    %convert_element_type3A_885 = arith.sitofp %convert_element_type3A_884 : vector<128x128xi32> to vector<128x128xf32>
    %get3A_886 = arith.constant 0 : index
    %get3A_887 = arith.constant 0 : index
    %get3A_888 = vector.load %arg5[%get3A_886, %get3A_887] : memref<128x128xf32, #tpu.memory_space<vmem>>, vector<128x128xf32>
    %dot_general3A_889 = arith.constant dense<0.000000e+00> : vector<128x128xf32>
    %dot_general3A_890 = tpu.matmul %convert_element_type3A_885, %get3A_888, %dot_general3A_889 {dimension_numbers = #tpu.dot_dimension_numbers<[1], [0], [0], [1], [0, 0, 1, 1], [], []>, transpose_lhs_hint = false} : vector<128x128xf32>, vector<128x128xf32>, vector<128x128xf32> -> vector<128x128xf32>
    %get3A_891 = arith.constant 0 : index
    %get3A_892 = arith.constant 0 : index
    %get3A_893 = vector.load %arg6[%get3A_891, %get3A_892] : memref<512x128xf32, #tpu.memory_space<vmem>>, vector<512x128xf32>
    %dot_general3A_894 = arith.constant dense<0.000000e+00> : vector<128x128xf32>
    %dot_general3A_895 = tpu.matmul %exp3A_857, %get3A_893, %dot_general3A_894 {dimension_numbers = #tpu.dot_dimension_numbers<[1], [0], [0], [1], [0, 0, 1, 1], [], []>, transpose_lhs_hint = false} : vector<128x512xf32>, vector<512x128xf32>, vector<128x128xf32> -> vector<128x128xf32>
    %add3A_896 = arith.addf %dot_general3A_890, %dot_general3A_895 : vector<128x128xf32>
    %swap3A_897 = arith.constant 0 : index
    %swap3A_898 = arith.constant 1152 : index
    %swap3A_899 = vector.load %arg10[%swap3A_897, %swap3A_898] : memref<128x6144xf32, #tpu.memory_space<vmem>>, vector<128x128xf32>
    tpu.vector_store %arg10[%swap3A_897, %swap3A_898], %add3A_896 {strides = array<i32>} : memref<128x6144xf32, #tpu.memory_space<vmem>>, vector<128x128xf32>,
    %reduce_max3A_900 = arith.constant dense<0xFF800000> : vector<128xf32>
    %reduce_max3A_901 = vector.multi_reduction <maximumf>, %select_n3A_831, %reduce_max3A_900 [1] : vector<128x1024xf32> to vector<128xf32>
    %broadcast_in_dim3A_902 = vector.shape_cast %reduce_max3A_901 : vector<128xf32> to vector<128x1xf32>
    %eq3A_903 = vector.broadcast %broadcast_in_dim3A_902 : vector<128x1xf32> to vector<128x1024xf32>
    %eq3A_904 = arith.cmpf oeq, %select_n3A_831, %eq3A_903 : vector<128x1024xf32>
    %jit3A_905 = arith.constant 1024 : i32
    %broadcast_in_dim3A_906 = vector.broadcast %jit3A_905 : i32 to vector<128x1024xi32>
    %select_n3A_907 = arith.select %eq3A_904, %iota3A_48, %broadcast_in_dim3A_906 : vector<128x1024xi1>, vector<128x1024xi32>
    %reduce_min3A_908 = arith.constant dense<2147483647> : vector<128xi32>
    %reduce_min3A_909 = vector.multi_reduction <minsi>, %select_n3A_907, %reduce_min3A_908 [1] : vector<128x1024xi32> to vector<128xi32>
    %broadcast_in_dim3A_910 = vector.shape_cast %reduce_min3A_909 : vector<128xi32> to vector<128x1xi32>
    %eq3A_911 = vector.broadcast %broadcast_in_dim3A_910 : vector<128x1xi32> to vector<128x1024xi32>
    %eq3A_912 = arith.cmpi eq, %iota3A_48, %eq3A_911 : vector<128x1024xi32>
    %convert_element_type3A_913 = arith.extui %eq3A_912 : vector<128x1024xi1> to vector<128x1024xi32>
    %convert_element_type3A_914 = arith.sitofp %convert_element_type3A_913 : vector<128x1024xi32> to vector<128x1024xf32>
    %jit3A_915 = arith.constant 0xFF800000 : f32
    %broadcast_in_dim3A_916 = vector.broadcast %jit3A_915 : f32 to vector<128x1024xf32>
    %select_n3A_917 = arith.select %eq3A_912, %broadcast_in_dim3A_916, %select_n3A_831 : vector<128x1024xi1>, vector<128x1024xf32>
    %dot_general3A_918 = arith.constant dense<0.000000e+00> : vector<128x128xf32>
    %dot_general3A_919 = tpu.matmul %convert_element_type3A_914, %get3A_11, %dot_general3A_918 {dimension_numbers = #tpu.dot_dimension_numbers<[1], [0], [0], [1], [0, 0, 1, 1], [], []>, precision = #tpu.contract_precision<fp32>, transpose_lhs_hint = false} : vector<128x1024xf32>, vector<1024x128xf32>, vector<128x128xf32> -> vector<128x128xf32>
    %slice3A_920 = vector.extract_strided_slice %dot_general3A_919 {offsets = [0, 0], sizes = [128, 72], strides = [1, 1]} : vector<128x128xf32> to vector<128x72xf32>
    %sub3A_921 = arith.subf %slice3A, %slice3A_920 : vector<128x72xf32>
    %mul3A_922 = arith.mulf %sub3A_921, %sub3A_921 : vector<128x72xf32>
    %slice3A_923 = vector.extract_strided_slice %mul3A_922 {offsets = [0, 0], sizes = [128, 24], strides = [1, 1]} : vector<128x72xf32> to vector<128x24xf32>
    %slice3A_924 = vector.extract_strided_slice %mul3A_922 {offsets = [0, 24], sizes = [128, 24], strides = [1, 1]} : vector<128x72xf32> to vector<128x24xf32>
    %add3A_925 = arith.addf %slice3A_923, %slice3A_924 : vector<128x24xf32>
    %slice3A_926 = vector.extract_strided_slice %mul3A_922 {offsets = [0, 48], sizes = [128, 24], strides = [1, 1]} : vector<128x72xf32> to vector<128x24xf32>
    %add3A_927 = arith.addf %add3A_925, %slice3A_926 : vector<128x24xf32>
    %add3A_928 = arith.constant 9.99999997E-7 : f32
    %add3A_929 = vector.broadcast %add3A_928 : f32 to vector<128x24xf32>
    %add3A_930 = arith.addf %add3A_927, %add3A_929 : vector<128x24xf32>
    %sqrt3A_931 = math.sqrt %add3A_930 : vector<128x24xf32>
    %concatenate3A_932 = tpu.concatenate %broadcast_in_dim3A_902, %sqrt3A_931, %broadcast_in_dim3A_15 in 1 : vector<128x1xf32>, vector<128x24xf32>, vector<128x7xf32> -> vector<128x32xf32>
    %concatenate3A_933 = tpu.concatenate %concatenate3A_932, %concatenate3A_932, %concatenate3A_932, %concatenate3A_932, %concatenate3A_932, %concatenate3A_932, %concatenate3A_932, %concatenate3A_932, %concatenate3A_932, %concatenate3A_932, %concatenate3A_932, %concatenate3A_932, %concatenate3A_932, %concatenate3A_932, %concatenate3A_932, %concatenate3A_932 in 1 : vector<128x32xf32>, vector<128x32xf32>, vector<128x32xf32>, vector<128x32xf32>, vector<128x32xf32>, vector<128x32xf32>, vector<128x32xf32>, vector<128x32xf32>, vector<128x32xf32>, vector<128x32xf32>, vector<128x32xf32>, vector<128x32xf32>, vector<128x32xf32>, vector<128x32xf32>, vector<128x32xf32>, vector<128x32xf32> -> vector<128x512xf32>
    %sub3A_934 = vector.broadcast %get3A_14 : vector<1x512xf32> to vector<128x512xf32>
    %sub3A_935 = arith.subf %concatenate3A_933, %sub3A_934 : vector<128x512xf32>
    %mul3A_936 = arith.constant 8.000000e-01 : f32
    %mul3A_937 = vector.broadcast %mul3A_936 : f32 to vector<128x512xf32>
    %mul3A_938 = arith.mulf %sub3A_935, %mul3A_937 : vector<128x512xf32>
    %mul3A_939 = arith.mulf %mul3A_938, %mul3A_938 : vector<128x512xf32>
    %neg3A_940 = arith.constant 0.000000e+00 : f32
    %neg3A_941 = vector.broadcast %neg3A_940 : f32 to vector<128x512xf32>
    %neg3A_942 = arith.subf %neg3A_941, %mul3A_939 : vector<128x512xf32>
    %exp3A_943 = math.exp %neg3A_942 : vector<128x512xf32>
    %slice3A_944 = vector.extract_strided_slice %dot_general3A_919 {offsets = [0, 73], sizes = [128, 1], strides = [1, 1]} : vector<128x128xf32> to vector<128x1xf32>
    %sub3A_945 = arith.subf %slice3A_18, %slice3A_944 : vector<128x1xf32>
    %slice3A_946 = vector.extract_strided_slice %dot_general3A_919 {offsets = [0, 72], sizes = [128, 1], strides = [1, 1]} : vector<128x128xf32> to vector<128x1xf32>
    %eq3A_947 = arith.cmpf oeq, %slice3A_16, %slice3A_946 : vector<128x1xf32>
    %convert_element_type3A_948 = arith.extui %eq3A_947 : vector<128x1xi1> to vector<128x1xi32>
    %convert_element_type3A_949 = arith.sitofp %convert_element_type3A_948 : vector<128x1xi32> to vector<128x1xf32>
    %add3A_950 = arith.constant 3.200000e+01 : f32
    %add3A_951 = vector.broadcast %add3A_950 : f32 to vector<128x1xf32>
    %add3A_952 = arith.addf %sub3A_945, %add3A_951 : vector<128x1xf32>
    %jit3A_953 = arith.constant 0.000000e+00 : f32
    %jit3A_954 = arith.constant 6.400000e+01 : f32
    %max3A_955 = vector.broadcast %jit3A_953 : f32 to vector<128x1xf32>
    %max3A_956 = arith.maximumf %max3A_955, %add3A_952 : vector<128x1xf32>
    %min3A_957 = vector.broadcast %jit3A_954 : f32 to vector<128x1xf32>
    %min3A_958 = arith.minimumf %min3A_957, %max3A_956 : vector<128x1xf32>
    %mul3A_959 = arith.mulf %min3A_958, %convert_element_type3A_949 : vector<128x1xf32>
    %sub3A_960 = arith.constant 1.000000e+00 : f32
    %sub3A_961 = vector.broadcast %sub3A_960 : f32 to vector<128x1xf32>
    %sub3A_962 = arith.subf %sub3A_961, %convert_element_type3A_949 : vector<128x1xf32>
    %mul3A_963 = arith.constant 6.500000e+01 : f32
    %mul3A_964 = vector.broadcast %mul3A_963 : f32 to vector<128x1xf32>
    %mul3A_965 = arith.mulf %sub3A_962, %mul3A_964 : vector<128x1xf32>
    %add3A_966 = arith.addf %mul3A_959, %mul3A_965 : vector<128x1xf32>
    %convert_element_type3A_967 = arith.fptosi %add3A_966 : vector<128x1xf32> to vector<128x1xi32>
    %eq3A_968 = vector.broadcast %convert_element_type3A_967 : vector<128x1xi32> to vector<128x128xi32>
    %eq3A_969 = arith.cmpi eq, %iota3A, %eq3A_968 : vector<128x128xi32>
    %convert_element_type3A_970 = arith.extui %eq3A_969 : vector<128x128xi1> to vector<128x128xi32>
    %convert_element_type3A_971 = arith.sitofp %convert_element_type3A_970 : vector<128x128xi32> to vector<128x128xf32>
    %get3A_972 = arith.constant 0 : index
    %get3A_973 = arith.constant 0 : index
    %get3A_974 = vector.load %arg5[%get3A_972, %get3A_973] : memref<128x128xf32, #tpu.memory_space<vmem>>, vector<128x128xf32>
    %dot_general3A_975 = arith.constant dense<0.000000e+00> : vector<128x128xf32>
    %dot_general3A_976 = tpu.matmul %convert_element_type3A_971, %get3A_974, %dot_general3A_975 {dimension_numbers = #tpu.dot_dimension_numbers<[1], [0], [0], [1], [0, 0, 1, 1], [], []>, transpose_lhs_hint = false} : vector<128x128xf32>, vector<128x128xf32>, vector<128x128xf32> -> vector<128x128xf32>
    %get3A_977 = arith.constant 0 : index
    %get3A_978 = arith.constant 0 : index
    %get3A_979 = vector.load %arg6[%get3A_977, %get3A_978] : memref<512x128xf32, #tpu.memory_space<vmem>>, vector<512x128xf32>
    %dot_general3A_980 = arith.constant dense<0.000000e+00> : vector<128x128xf32>
    %dot_general3A_981 = tpu.matmul %exp3A_943, %get3A_979, %dot_general3A_980 {dimension_numbers = #tpu.dot_dimension_numbers<[1], [0], [0], [1], [0, 0, 1, 1], [], []>, transpose_lhs_hint = false} : vector<128x512xf32>, vector<512x128xf32>, vector<128x128xf32> -> vector<128x128xf32>
    %add3A_982 = arith.addf %dot_general3A_976, %dot_general3A_981 : vector<128x128xf32>
    %swap3A_983 = arith.constant 0 : index
    %swap3A_984 = arith.constant 1280 : index
    %swap3A_985 = vector.load %arg10[%swap3A_983, %swap3A_984] : memref<128x6144xf32, #tpu.memory_space<vmem>>, vector<128x128xf32>
    tpu.vector_store %arg10[%swap3A_983, %swap3A_984], %add3A_982 {strides = array<i32>} : memref<128x6144xf32, #tpu.memory_space<vmem>>, vector<128x128xf32>,
    %reduce_max3A_986 = arith.constant dense<0xFF800000> : vector<128xf32>
    %reduce_max3A_987 = vector.multi_reduction <maximumf>, %select_n3A_917, %reduce_max3A_986 [1] : vector<128x1024xf32> to vector<128xf32>
    %broadcast_in_dim3A_988 = vector.shape_cast %reduce_max3A_987 : vector<128xf32> to vector<128x1xf32>
    %eq3A_989 = vector.broadcast %broadcast_in_dim3A_988 : vector<128x1xf32> to vector<128x1024xf32>
    %eq3A_990 = arith.cmpf oeq, %select_n3A_917, %eq3A_989 : vector<128x1024xf32>
    %jit3A_991 = arith.constant 1024 : i32
    %broadcast_in_dim3A_992 = vector.broadcast %jit3A_991 : i32 to vector<128x1024xi32>
    %select_n3A_993 = arith.select %eq3A_990, %iota3A_48, %broadcast_in_dim3A_992 : vector<128x1024xi1>, vector<128x1024xi32>
    %reduce_min3A_994 = arith.constant dense<2147483647> : vector<128xi32>
    %reduce_min3A_995 = vector.multi_reduction <minsi>, %select_n3A_993, %reduce_min3A_994 [1] : vector<128x1024xi32> to vector<128xi32>
    %broadcast_in_dim3A_996 = vector.shape_cast %reduce_min3A_995 : vector<128xi32> to vector<128x1xi32>
    %eq3A_997 = vector.broadcast %broadcast_in_dim3A_996 : vector<128x1xi32> to vector<128x1024xi32>
    %eq3A_998 = arith.cmpi eq, %iota3A_48, %eq3A_997 : vector<128x1024xi32>
    %convert_element_type3A_999 = arith.extui %eq3A_998 : vector<128x1024xi1> to vector<128x1024xi32>
    %convert_element_type3A_1000 = arith.sitofp %convert_element_type3A_999 : vector<128x1024xi32> to vector<128x1024xf32>
    %jit3A_1001 = arith.constant 0xFF800000 : f32
    %broadcast_in_dim3A_1002 = vector.broadcast %jit3A_1001 : f32 to vector<128x1024xf32>
    %select_n3A_1003 = arith.select %eq3A_998, %broadcast_in_dim3A_1002, %select_n3A_917 : vector<128x1024xi1>, vector<128x1024xf32>
    %dot_general3A_1004 = arith.constant dense<0.000000e+00> : vector<128x128xf32>
    %dot_general3A_1005 = tpu.matmul %convert_element_type3A_1000, %get3A_11, %dot_general3A_1004 {dimension_numbers = #tpu.dot_dimension_numbers<[1], [0], [0], [1], [0, 0, 1, 1], [], []>, precision = #tpu.contract_precision<fp32>, transpose_lhs_hint = false} : vector<128x1024xf32>, vector<1024x128xf32>, vector<128x128xf32> -> vector<128x128xf32>
    %slice3A_1006 = vector.extract_strided_slice %dot_general3A_1005 {offsets = [0, 0], sizes = [128, 72], strides = [1, 1]} : vector<128x128xf32> to vector<128x72xf32>
    %sub3A_1007 = arith.subf %slice3A, %slice3A_1006 : vector<128x72xf32>
    %mul3A_1008 = arith.mulf %sub3A_1007, %sub3A_1007 : vector<128x72xf32>
    %slice3A_1009 = vector.extract_strided_slice %mul3A_1008 {offsets = [0, 0], sizes = [128, 24], strides = [1, 1]} : vector<128x72xf32> to vector<128x24xf32>
    %slice3A_1010 = vector.extract_strided_slice %mul3A_1008 {offsets = [0, 24], sizes = [128, 24], strides = [1, 1]} : vector<128x72xf32> to vector<128x24xf32>
    %add3A_1011 = arith.addf %slice3A_1009, %slice3A_1010 : vector<128x24xf32>
    %slice3A_1012 = vector.extract_strided_slice %mul3A_1008 {offsets = [0, 48], sizes = [128, 24], strides = [1, 1]} : vector<128x72xf32> to vector<128x24xf32>
    %add3A_1013 = arith.addf %add3A_1011, %slice3A_1012 : vector<128x24xf32>
    %add3A_1014 = arith.constant 9.99999997E-7 : f32
    %add3A_1015 = vector.broadcast %add3A_1014 : f32 to vector<128x24xf32>
    %add3A_1016 = arith.addf %add3A_1013, %add3A_1015 : vector<128x24xf32>
    %sqrt3A_1017 = math.sqrt %add3A_1016 : vector<128x24xf32>
    %concatenate3A_1018 = tpu.concatenate %broadcast_in_dim3A_988, %sqrt3A_1017, %broadcast_in_dim3A_15 in 1 : vector<128x1xf32>, vector<128x24xf32>, vector<128x7xf32> -> vector<128x32xf32>
    %concatenate3A_1019 = tpu.concatenate %concatenate3A_1018, %concatenate3A_1018, %concatenate3A_1018, %concatenate3A_1018, %concatenate3A_1018, %concatenate3A_1018, %concatenate3A_1018, %concatenate3A_1018, %concatenate3A_1018, %concatenate3A_1018, %concatenate3A_1018, %concatenate3A_1018, %concatenate3A_1018, %concatenate3A_1018, %concatenate3A_1018, %concatenate3A_1018 in 1 : vector<128x32xf32>, vector<128x32xf32>, vector<128x32xf32>, vector<128x32xf32>, vector<128x32xf32>, vector<128x32xf32>, vector<128x32xf32>, vector<128x32xf32>, vector<128x32xf32>, vector<128x32xf32>, vector<128x32xf32>, vector<128x32xf32>, vector<128x32xf32>, vector<128x32xf32>, vector<128x32xf32>, vector<128x32xf32> -> vector<128x512xf32>
    %sub3A_1020 = vector.broadcast %get3A_14 : vector<1x512xf32> to vector<128x512xf32>
    %sub3A_1021 = arith.subf %concatenate3A_1019, %sub3A_1020 : vector<128x512xf32>
    %mul3A_1022 = arith.constant 8.000000e-01 : f32
    %mul3A_1023 = vector.broadcast %mul3A_1022 : f32 to vector<128x512xf32>
    %mul3A_1024 = arith.mulf %sub3A_1021, %mul3A_1023 : vector<128x512xf32>
    %mul3A_1025 = arith.mulf %mul3A_1024, %mul3A_1024 : vector<128x512xf32>
    %neg3A_1026 = arith.constant 0.000000e+00 : f32
    %neg3A_1027 = vector.broadcast %neg3A_1026 : f32 to vector<128x512xf32>
    %neg3A_1028 = arith.subf %neg3A_1027, %mul3A_1025 : vector<128x512xf32>
    %exp3A_1029 = math.exp %neg3A_1028 : vector<128x512xf32>
    %slice3A_1030 = vector.extract_strided_slice %dot_general3A_1005 {offsets = [0, 73], sizes = [128, 1], strides = [1, 1]} : vector<128x128xf32> to vector<128x1xf32>
    %sub3A_1031 = arith.subf %slice3A_18, %slice3A_1030 : vector<128x1xf32>
    %slice3A_1032 = vector.extract_strided_slice %dot_general3A_1005 {offsets = [0, 72], sizes = [128, 1], strides = [1, 1]} : vector<128x128xf32> to vector<128x1xf32>
    %eq3A_1033 = arith.cmpf oeq, %slice3A_16, %slice3A_1032 : vector<128x1xf32>
    %convert_element_type3A_1034 = arith.extui %eq3A_1033 : vector<128x1xi1> to vector<128x1xi32>
    %convert_element_type3A_1035 = arith.sitofp %convert_element_type3A_1034 : vector<128x1xi32> to vector<128x1xf32>
    %add3A_1036 = arith.constant 3.200000e+01 : f32
    %add3A_1037 = vector.broadcast %add3A_1036 : f32 to vector<128x1xf32>
    %add3A_1038 = arith.addf %sub3A_1031, %add3A_1037 : vector<128x1xf32>
    %jit3A_1039 = arith.constant 0.000000e+00 : f32
    %jit3A_1040 = arith.constant 6.400000e+01 : f32
    %max3A_1041 = vector.broadcast %jit3A_1039 : f32 to vector<128x1xf32>
    %max3A_1042 = arith.maximumf %max3A_1041, %add3A_1038 : vector<128x1xf32>
    %min3A_1043 = vector.broadcast %jit3A_1040 : f32 to vector<128x1xf32>
    %min3A_1044 = arith.minimumf %min3A_1043, %max3A_1042 : vector<128x1xf32>
    %mul3A_1045 = arith.mulf %min3A_1044, %convert_element_type3A_1035 : vector<128x1xf32>
    %sub3A_1046 = arith.constant 1.000000e+00 : f32
    %sub3A_1047 = vector.broadcast %sub3A_1046 : f32 to vector<128x1xf32>
    %sub3A_1048 = arith.subf %sub3A_1047, %convert_element_type3A_1035 : vector<128x1xf32>
    %mul3A_1049 = arith.constant 6.500000e+01 : f32
    %mul3A_1050 = vector.broadcast %mul3A_1049 : f32 to vector<128x1xf32>
    %mul3A_1051 = arith.mulf %sub3A_1048, %mul3A_1050 : vector<128x1xf32>
    %add3A_1052 = arith.addf %mul3A_1045, %mul3A_1051 : vector<128x1xf32>
    %convert_element_type3A_1053 = arith.fptosi %add3A_1052 : vector<128x1xf32> to vector<128x1xi32>
    %eq3A_1054 = vector.broadcast %convert_element_type3A_1053 : vector<128x1xi32> to vector<128x128xi32>
    %eq3A_1055 = arith.cmpi eq, %iota3A, %eq3A_1054 : vector<128x128xi32>
    %convert_element_type3A_1056 = arith.extui %eq3A_1055 : vector<128x128xi1> to vector<128x128xi32>
    %convert_element_type3A_1057 = arith.sitofp %convert_element_type3A_1056 : vector<128x128xi32> to vector<128x128xf32>
    %get3A_1058 = arith.constant 0 : index
    %get3A_1059 = arith.constant 0 : index
    %get3A_1060 = vector.load %arg5[%get3A_1058, %get3A_1059] : memref<128x128xf32, #tpu.memory_space<vmem>>, vector<128x128xf32>
    %dot_general3A_1061 = arith.constant dense<0.000000e+00> : vector<128x128xf32>
    %dot_general3A_1062 = tpu.matmul %convert_element_type3A_1057, %get3A_1060, %dot_general3A_1061 {dimension_numbers = #tpu.dot_dimension_numbers<[1], [0], [0], [1], [0, 0, 1, 1], [], []>, transpose_lhs_hint = false} : vector<128x128xf32>, vector<128x128xf32>, vector<128x128xf32> -> vector<128x128xf32>
    %get3A_1063 = arith.constant 0 : index
    %get3A_1064 = arith.constant 0 : index
    %get3A_1065 = vector.load %arg6[%get3A_1063, %get3A_1064] : memref<512x128xf32, #tpu.memory_space<vmem>>, vector<512x128xf32>
    %dot_general3A_1066 = arith.constant dense<0.000000e+00> : vector<128x128xf32>
    %dot_general3A_1067 = tpu.matmul %exp3A_1029, %get3A_1065, %dot_general3A_1066 {dimension_numbers = #tpu.dot_dimension_numbers<[1], [0], [0], [1], [0, 0, 1, 1], [], []>, transpose_lhs_hint = false} : vector<128x512xf32>, vector<512x128xf32>, vector<128x128xf32> -> vector<128x128xf32>
    %add3A_1068 = arith.addf %dot_general3A_1062, %dot_general3A_1067 : vector<128x128xf32>
    %swap3A_1069 = arith.constant 0 : index
    %swap3A_1070 = arith.constant 1408 : index
    %swap3A_1071 = vector.load %arg10[%swap3A_1069, %swap3A_1070] : memref<128x6144xf32, #tpu.memory_space<vmem>>, vector<128x128xf32>
    tpu.vector_store %arg10[%swap3A_1069, %swap3A_1070], %add3A_1068 {strides = array<i32>} : memref<128x6144xf32, #tpu.memory_space<vmem>>, vector<128x128xf32>,
    %reduce_max3A_1072 = arith.constant dense<0xFF800000> : vector<128xf32>
    %reduce_max3A_1073 = vector.multi_reduction <maximumf>, %select_n3A_1003, %reduce_max3A_1072 [1] : vector<128x1024xf32> to vector<128xf32>
    %broadcast_in_dim3A_1074 = vector.shape_cast %reduce_max3A_1073 : vector<128xf32> to vector<128x1xf32>
    %eq3A_1075 = vector.broadcast %broadcast_in_dim3A_1074 : vector<128x1xf32> to vector<128x1024xf32>
    %eq3A_1076 = arith.cmpf oeq, %select_n3A_1003, %eq3A_1075 : vector<128x1024xf32>
    %jit3A_1077 = arith.constant 1024 : i32
    %broadcast_in_dim3A_1078 = vector.broadcast %jit3A_1077 : i32 to vector<128x1024xi32>
    %select_n3A_1079 = arith.select %eq3A_1076, %iota3A_48, %broadcast_in_dim3A_1078 : vector<128x1024xi1>, vector<128x1024xi32>
    %reduce_min3A_1080 = arith.constant dense<2147483647> : vector<128xi32>
    %reduce_min3A_1081 = vector.multi_reduction <minsi>, %select_n3A_1079, %reduce_min3A_1080 [1] : vector<128x1024xi32> to vector<128xi32>
    %broadcast_in_dim3A_1082 = vector.shape_cast %reduce_min3A_1081 : vector<128xi32> to vector<128x1xi32>
    %eq3A_1083 = vector.broadcast %broadcast_in_dim3A_1082 : vector<128x1xi32> to vector<128x1024xi32>
    %eq3A_1084 = arith.cmpi eq, %iota3A_48, %eq3A_1083 : vector<128x1024xi32>
    %convert_element_type3A_1085 = arith.extui %eq3A_1084 : vector<128x1024xi1> to vector<128x1024xi32>
    %convert_element_type3A_1086 = arith.sitofp %convert_element_type3A_1085 : vector<128x1024xi32> to vector<128x1024xf32>
    %jit3A_1087 = arith.constant 0xFF800000 : f32
    %broadcast_in_dim3A_1088 = vector.broadcast %jit3A_1087 : f32 to vector<128x1024xf32>
    %select_n3A_1089 = arith.select %eq3A_1084, %broadcast_in_dim3A_1088, %select_n3A_1003 : vector<128x1024xi1>, vector<128x1024xf32>
    %dot_general3A_1090 = arith.constant dense<0.000000e+00> : vector<128x128xf32>
    %dot_general3A_1091 = tpu.matmul %convert_element_type3A_1086, %get3A_11, %dot_general3A_1090 {dimension_numbers = #tpu.dot_dimension_numbers<[1], [0], [0], [1], [0, 0, 1, 1], [], []>, precision = #tpu.contract_precision<fp32>, transpose_lhs_hint = false} : vector<128x1024xf32>, vector<1024x128xf32>, vector<128x128xf32> -> vector<128x128xf32>
    %slice3A_1092 = vector.extract_strided_slice %dot_general3A_1091 {offsets = [0, 0], sizes = [128, 72], strides = [1, 1]} : vector<128x128xf32> to vector<128x72xf32>
    %sub3A_1093 = arith.subf %slice3A, %slice3A_1092 : vector<128x72xf32>
    %mul3A_1094 = arith.mulf %sub3A_1093, %sub3A_1093 : vector<128x72xf32>
    %slice3A_1095 = vector.extract_strided_slice %mul3A_1094 {offsets = [0, 0], sizes = [128, 24], strides = [1, 1]} : vector<128x72xf32> to vector<128x24xf32>
    %slice3A_1096 = vector.extract_strided_slice %mul3A_1094 {offsets = [0, 24], sizes = [128, 24], strides = [1, 1]} : vector<128x72xf32> to vector<128x24xf32>
    %add3A_1097 = arith.addf %slice3A_1095, %slice3A_1096 : vector<128x24xf32>
    %slice3A_1098 = vector.extract_strided_slice %mul3A_1094 {offsets = [0, 48], sizes = [128, 24], strides = [1, 1]} : vector<128x72xf32> to vector<128x24xf32>
    %add3A_1099 = arith.addf %add3A_1097, %slice3A_1098 : vector<128x24xf32>
    %add3A_1100 = arith.constant 9.99999997E-7 : f32
    %add3A_1101 = vector.broadcast %add3A_1100 : f32 to vector<128x24xf32>
    %add3A_1102 = arith.addf %add3A_1099, %add3A_1101 : vector<128x24xf32>
    %sqrt3A_1103 = math.sqrt %add3A_1102 : vector<128x24xf32>
    %concatenate3A_1104 = tpu.concatenate %broadcast_in_dim3A_1074, %sqrt3A_1103, %broadcast_in_dim3A_15 in 1 : vector<128x1xf32>, vector<128x24xf32>, vector<128x7xf32> -> vector<128x32xf32>
    %concatenate3A_1105 = tpu.concatenate %concatenate3A_1104, %concatenate3A_1104, %concatenate3A_1104, %concatenate3A_1104, %concatenate3A_1104, %concatenate3A_1104, %concatenate3A_1104, %concatenate3A_1104, %concatenate3A_1104, %concatenate3A_1104, %concatenate3A_1104, %concatenate3A_1104, %concatenate3A_1104, %concatenate3A_1104, %concatenate3A_1104, %concatenate3A_1104 in 1 : vector<128x32xf32>, vector<128x32xf32>, vector<128x32xf32>, vector<128x32xf32>, vector<128x32xf32>, vector<128x32xf32>, vector<128x32xf32>, vector<128x32xf32>, vector<128x32xf32>, vector<128x32xf32>, vector<128x32xf32>, vector<128x32xf32>, vector<128x32xf32>, vector<128x32xf32>, vector<128x32xf32>, vector<128x32xf32> -> vector<128x512xf32>
    %sub3A_1106 = vector.broadcast %get3A_14 : vector<1x512xf32> to vector<128x512xf32>
    %sub3A_1107 = arith.subf %concatenate3A_1105, %sub3A_1106 : vector<128x512xf32>
    %mul3A_1108 = arith.constant 8.000000e-01 : f32
    %mul3A_1109 = vector.broadcast %mul3A_1108 : f32 to vector<128x512xf32>
    %mul3A_1110 = arith.mulf %sub3A_1107, %mul3A_1109 : vector<128x512xf32>
    %mul3A_1111 = arith.mulf %mul3A_1110, %mul3A_1110 : vector<128x512xf32>
    %neg3A_1112 = arith.constant 0.000000e+00 : f32
    %neg3A_1113 = vector.broadcast %neg3A_1112 : f32 to vector<128x512xf32>
    %neg3A_1114 = arith.subf %neg3A_1113, %mul3A_1111 : vector<128x512xf32>
    %exp3A_1115 = math.exp %neg3A_1114 : vector<128x512xf32>
    %slice3A_1116 = vector.extract_strided_slice %dot_general3A_1091 {offsets = [0, 73], sizes = [128, 1], strides = [1, 1]} : vector<128x128xf32> to vector<128x1xf32>
    %sub3A_1117 = arith.subf %slice3A_18, %slice3A_1116 : vector<128x1xf32>
    %slice3A_1118 = vector.extract_strided_slice %dot_general3A_1091 {offsets = [0, 72], sizes = [128, 1], strides = [1, 1]} : vector<128x128xf32> to vector<128x1xf32>
    %eq3A_1119 = arith.cmpf oeq, %slice3A_16, %slice3A_1118 : vector<128x1xf32>
    %convert_element_type3A_1120 = arith.extui %eq3A_1119 : vector<128x1xi1> to vector<128x1xi32>
    %convert_element_type3A_1121 = arith.sitofp %convert_element_type3A_1120 : vector<128x1xi32> to vector<128x1xf32>
    %add3A_1122 = arith.constant 3.200000e+01 : f32
    %add3A_1123 = vector.broadcast %add3A_1122 : f32 to vector<128x1xf32>
    %add3A_1124 = arith.addf %sub3A_1117, %add3A_1123 : vector<128x1xf32>
    %jit3A_1125 = arith.constant 0.000000e+00 : f32
    %jit3A_1126 = arith.constant 6.400000e+01 : f32
    %max3A_1127 = vector.broadcast %jit3A_1125 : f32 to vector<128x1xf32>
    %max3A_1128 = arith.maximumf %max3A_1127, %add3A_1124 : vector<128x1xf32>
    %min3A_1129 = vector.broadcast %jit3A_1126 : f32 to vector<128x1xf32>
    %min3A_1130 = arith.minimumf %min3A_1129, %max3A_1128 : vector<128x1xf32>
    %mul3A_1131 = arith.mulf %min3A_1130, %convert_element_type3A_1121 : vector<128x1xf32>
    %sub3A_1132 = arith.constant 1.000000e+00 : f32
    %sub3A_1133 = vector.broadcast %sub3A_1132 : f32 to vector<128x1xf32>
    %sub3A_1134 = arith.subf %sub3A_1133, %convert_element_type3A_1121 : vector<128x1xf32>
    %mul3A_1135 = arith.constant 6.500000e+01 : f32
    %mul3A_1136 = vector.broadcast %mul3A_1135 : f32 to vector<128x1xf32>
    %mul3A_1137 = arith.mulf %sub3A_1134, %mul3A_1136 : vector<128x1xf32>
    %add3A_1138 = arith.addf %mul3A_1131, %mul3A_1137 : vector<128x1xf32>
    %convert_element_type3A_1139 = arith.fptosi %add3A_1138 : vector<128x1xf32> to vector<128x1xi32>
    %eq3A_1140 = vector.broadcast %convert_element_type3A_1139 : vector<128x1xi32> to vector<128x128xi32>
    %eq3A_1141 = arith.cmpi eq, %iota3A, %eq3A_1140 : vector<128x128xi32>
    %convert_element_type3A_1142 = arith.extui %eq3A_1141 : vector<128x128xi1> to vector<128x128xi32>
    %convert_element_type3A_1143 = arith.sitofp %convert_element_type3A_1142 : vector<128x128xi32> to vector<128x128xf32>
    %get3A_1144 = arith.constant 0 : index
    %get3A_1145 = arith.constant 0 : index
    %get3A_1146 = vector.load %arg5[%get3A_1144, %get3A_1145] : memref<128x128xf32, #tpu.memory_space<vmem>>, vector<128x128xf32>
    %dot_general3A_1147 = arith.constant dense<0.000000e+00> : vector<128x128xf32>
    %dot_general3A_1148 = tpu.matmul %convert_element_type3A_1143, %get3A_1146, %dot_general3A_1147 {dimension_numbers = #tpu.dot_dimension_numbers<[1], [0], [0], [1], [0, 0, 1, 1], [], []>, transpose_lhs_hint = false} : vector<128x128xf32>, vector<128x128xf32>, vector<128x128xf32> -> vector<128x128xf32>
    %get3A_1149 = arith.constant 0 : index
    %get3A_1150 = arith.constant 0 : index
    %get3A_1151 = vector.load %arg6[%get3A_1149, %get3A_1150] : memref<512x128xf32, #tpu.memory_space<vmem>>, vector<512x128xf32>
    %dot_general3A_1152 = arith.constant dense<0.000000e+00> : vector<128x128xf32>
    %dot_general3A_1153 = tpu.matmul %exp3A_1115, %get3A_1151, %dot_general3A_1152 {dimension_numbers = #tpu.dot_dimension_numbers<[1], [0], [0], [1], [0, 0, 1, 1], [], []>, transpose_lhs_hint = false} : vector<128x512xf32>, vector<512x128xf32>, vector<128x128xf32> -> vector<128x128xf32>
    %add3A_1154 = arith.addf %dot_general3A_1148, %dot_general3A_1153 : vector<128x128xf32>
    %swap3A_1155 = arith.constant 0 : index
    %swap3A_1156 = arith.constant 1536 : index
    %swap3A_1157 = vector.load %arg10[%swap3A_1155, %swap3A_1156] : memref<128x6144xf32, #tpu.memory_space<vmem>>, vector<128x128xf32>
    tpu.vector_store %arg10[%swap3A_1155, %swap3A_1156], %add3A_1154 {strides = array<i32>} : memref<128x6144xf32, #tpu.memory_space<vmem>>, vector<128x128xf32>,
    %reduce_max3A_1158 = arith.constant dense<0xFF800000> : vector<128xf32>
    %reduce_max3A_1159 = vector.multi_reduction <maximumf>, %select_n3A_1089, %reduce_max3A_1158 [1] : vector<128x1024xf32> to vector<128xf32>
    %broadcast_in_dim3A_1160 = vector.shape_cast %reduce_max3A_1159 : vector<128xf32> to vector<128x1xf32>
    %eq3A_1161 = vector.broadcast %broadcast_in_dim3A_1160 : vector<128x1xf32> to vector<128x1024xf32>
    %eq3A_1162 = arith.cmpf oeq, %select_n3A_1089, %eq3A_1161 : vector<128x1024xf32>
    %jit3A_1163 = arith.constant 1024 : i32
    %broadcast_in_dim3A_1164 = vector.broadcast %jit3A_1163 : i32 to vector<128x1024xi32>
    %select_n3A_1165 = arith.select %eq3A_1162, %iota3A_48, %broadcast_in_dim3A_1164 : vector<128x1024xi1>, vector<128x1024xi32>
    %reduce_min3A_1166 = arith.constant dense<2147483647> : vector<128xi32>
    %reduce_min3A_1167 = vector.multi_reduction <minsi>, %select_n3A_1165, %reduce_min3A_1166 [1] : vector<128x1024xi32> to vector<128xi32>
    %broadcast_in_dim3A_1168 = vector.shape_cast %reduce_min3A_1167 : vector<128xi32> to vector<128x1xi32>
    %eq3A_1169 = vector.broadcast %broadcast_in_dim3A_1168 : vector<128x1xi32> to vector<128x1024xi32>
    %eq3A_1170 = arith.cmpi eq, %iota3A_48, %eq3A_1169 : vector<128x1024xi32>
    %convert_element_type3A_1171 = arith.extui %eq3A_1170 : vector<128x1024xi1> to vector<128x1024xi32>
    %convert_element_type3A_1172 = arith.sitofp %convert_element_type3A_1171 : vector<128x1024xi32> to vector<128x1024xf32>
    %jit3A_1173 = arith.constant 0xFF800000 : f32
    %broadcast_in_dim3A_1174 = vector.broadcast %jit3A_1173 : f32 to vector<128x1024xf32>
    %select_n3A_1175 = arith.select %eq3A_1170, %broadcast_in_dim3A_1174, %select_n3A_1089 : vector<128x1024xi1>, vector<128x1024xf32>
    %dot_general3A_1176 = arith.constant dense<0.000000e+00> : vector<128x128xf32>
    %dot_general3A_1177 = tpu.matmul %convert_element_type3A_1172, %get3A_11, %dot_general3A_1176 {dimension_numbers = #tpu.dot_dimension_numbers<[1], [0], [0], [1], [0, 0, 1, 1], [], []>, precision = #tpu.contract_precision<fp32>, transpose_lhs_hint = false} : vector<128x1024xf32>, vector<1024x128xf32>, vector<128x128xf32> -> vector<128x128xf32>
    %slice3A_1178 = vector.extract_strided_slice %dot_general3A_1177 {offsets = [0, 0], sizes = [128, 72], strides = [1, 1]} : vector<128x128xf32> to vector<128x72xf32>
    %sub3A_1179 = arith.subf %slice3A, %slice3A_1178 : vector<128x72xf32>
    %mul3A_1180 = arith.mulf %sub3A_1179, %sub3A_1179 : vector<128x72xf32>
    %slice3A_1181 = vector.extract_strided_slice %mul3A_1180 {offsets = [0, 0], sizes = [128, 24], strides = [1, 1]} : vector<128x72xf32> to vector<128x24xf32>
    %slice3A_1182 = vector.extract_strided_slice %mul3A_1180 {offsets = [0, 24], sizes = [128, 24], strides = [1, 1]} : vector<128x72xf32> to vector<128x24xf32>
    %add3A_1183 = arith.addf %slice3A_1181, %slice3A_1182 : vector<128x24xf32>
    %slice3A_1184 = vector.extract_strided_slice %mul3A_1180 {offsets = [0, 48], sizes = [128, 24], strides = [1, 1]} : vector<128x72xf32> to vector<128x24xf32>
    %add3A_1185 = arith.addf %add3A_1183, %slice3A_1184 : vector<128x24xf32>
    %add3A_1186 = arith.constant 9.99999997E-7 : f32
    %add3A_1187 = vector.broadcast %add3A_1186 : f32 to vector<128x24xf32>
    %add3A_1188 = arith.addf %add3A_1185, %add3A_1187 : vector<128x24xf32>
    %sqrt3A_1189 = math.sqrt %add3A_1188 : vector<128x24xf32>
    %concatenate3A_1190 = tpu.concatenate %broadcast_in_dim3A_1160, %sqrt3A_1189, %broadcast_in_dim3A_15 in 1 : vector<128x1xf32>, vector<128x24xf32>, vector<128x7xf32> -> vector<128x32xf32>
    %concatenate3A_1191 = tpu.concatenate %concatenate3A_1190, %concatenate3A_1190, %concatenate3A_1190, %concatenate3A_1190, %concatenate3A_1190, %concatenate3A_1190, %concatenate3A_1190, %concatenate3A_1190, %concatenate3A_1190, %concatenate3A_1190, %concatenate3A_1190, %concatenate3A_1190, %concatenate3A_1190, %concatenate3A_1190, %concatenate3A_1190, %concatenate3A_1190 in 1 : vector<128x32xf32>, vector<128x32xf32>, vector<128x32xf32>, vector<128x32xf32>, vector<128x32xf32>, vector<128x32xf32>, vector<128x32xf32>, vector<128x32xf32>, vector<128x32xf32>, vector<128x32xf32>, vector<128x32xf32>, vector<128x32xf32>, vector<128x32xf32>, vector<128x32xf32>, vector<128x32xf32>, vector<128x32xf32> -> vector<128x512xf32>
    %sub3A_1192 = vector.broadcast %get3A_14 : vector<1x512xf32> to vector<128x512xf32>
    %sub3A_1193 = arith.subf %concatenate3A_1191, %sub3A_1192 : vector<128x512xf32>
    %mul3A_1194 = arith.constant 8.000000e-01 : f32
    %mul3A_1195 = vector.broadcast %mul3A_1194 : f32 to vector<128x512xf32>
    %mul3A_1196 = arith.mulf %sub3A_1193, %mul3A_1195 : vector<128x512xf32>
    %mul3A_1197 = arith.mulf %mul3A_1196, %mul3A_1196 : vector<128x512xf32>
    %neg3A_1198 = arith.constant 0.000000e+00 : f32
    %neg3A_1199 = vector.broadcast %neg3A_1198 : f32 to vector<128x512xf32>
    %neg3A_1200 = arith.subf %neg3A_1199, %mul3A_1197 : vector<128x512xf32>
    %exp3A_1201 = math.exp %neg3A_1200 : vector<128x512xf32>
    %slice3A_1202 = vector.extract_strided_slice %dot_general3A_1177 {offsets = [0, 73], sizes = [128, 1], strides = [1, 1]} : vector<128x128xf32> to vector<128x1xf32>
    %sub3A_1203 = arith.subf %slice3A_18, %slice3A_1202 : vector<128x1xf32>
    %slice3A_1204 = vector.extract_strided_slice %dot_general3A_1177 {offsets = [0, 72], sizes = [128, 1], strides = [1, 1]} : vector<128x128xf32> to vector<128x1xf32>
    %eq3A_1205 = arith.cmpf oeq, %slice3A_16, %slice3A_1204 : vector<128x1xf32>
    %convert_element_type3A_1206 = arith.extui %eq3A_1205 : vector<128x1xi1> to vector<128x1xi32>
    %convert_element_type3A_1207 = arith.sitofp %convert_element_type3A_1206 : vector<128x1xi32> to vector<128x1xf32>
    %add3A_1208 = arith.constant 3.200000e+01 : f32
    %add3A_1209 = vector.broadcast %add3A_1208 : f32 to vector<128x1xf32>
    %add3A_1210 = arith.addf %sub3A_1203, %add3A_1209 : vector<128x1xf32>
    %jit3A_1211 = arith.constant 0.000000e+00 : f32
    %jit3A_1212 = arith.constant 6.400000e+01 : f32
    %max3A_1213 = vector.broadcast %jit3A_1211 : f32 to vector<128x1xf32>
    %max3A_1214 = arith.maximumf %max3A_1213, %add3A_1210 : vector<128x1xf32>
    %min3A_1215 = vector.broadcast %jit3A_1212 : f32 to vector<128x1xf32>
    %min3A_1216 = arith.minimumf %min3A_1215, %max3A_1214 : vector<128x1xf32>
    %mul3A_1217 = arith.mulf %min3A_1216, %convert_element_type3A_1207 : vector<128x1xf32>
    %sub3A_1218 = arith.constant 1.000000e+00 : f32
    %sub3A_1219 = vector.broadcast %sub3A_1218 : f32 to vector<128x1xf32>
    %sub3A_1220 = arith.subf %sub3A_1219, %convert_element_type3A_1207 : vector<128x1xf32>
    %mul3A_1221 = arith.constant 6.500000e+01 : f32
    %mul3A_1222 = vector.broadcast %mul3A_1221 : f32 to vector<128x1xf32>
    %mul3A_1223 = arith.mulf %sub3A_1220, %mul3A_1222 : vector<128x1xf32>
    %add3A_1224 = arith.addf %mul3A_1217, %mul3A_1223 : vector<128x1xf32>
    %convert_element_type3A_1225 = arith.fptosi %add3A_1224 : vector<128x1xf32> to vector<128x1xi32>
    %eq3A_1226 = vector.broadcast %convert_element_type3A_1225 : vector<128x1xi32> to vector<128x128xi32>
    %eq3A_1227 = arith.cmpi eq, %iota3A, %eq3A_1226 : vector<128x128xi32>
    %convert_element_type3A_1228 = arith.extui %eq3A_1227 : vector<128x128xi1> to vector<128x128xi32>
    %convert_element_type3A_1229 = arith.sitofp %convert_element_type3A_1228 : vector<128x128xi32> to vector<128x128xf32>
    %get3A_1230 = arith.constant 0 : index
    %get3A_1231 = arith.constant 0 : index
    %get3A_1232 = vector.load %arg5[%get3A_1230, %get3A_1231] : memref<128x128xf32, #tpu.memory_space<vmem>>, vector<128x128xf32>
    %dot_general3A_1233 = arith.constant dense<0.000000e+00> : vector<128x128xf32>
    %dot_general3A_1234 = tpu.matmul %convert_element_type3A_1229, %get3A_1232, %dot_general3A_1233 {dimension_numbers = #tpu.dot_dimension_numbers<[1], [0], [0], [1], [0, 0, 1, 1], [], []>, transpose_lhs_hint = false} : vector<128x128xf32>, vector<128x128xf32>, vector<128x128xf32> -> vector<128x128xf32>
    %get3A_1235 = arith.constant 0 : index
    %get3A_1236 = arith.constant 0 : index
    %get3A_1237 = vector.load %arg6[%get3A_1235, %get3A_1236] : memref<512x128xf32, #tpu.memory_space<vmem>>, vector<512x128xf32>
    %dot_general3A_1238 = arith.constant dense<0.000000e+00> : vector<128x128xf32>
    %dot_general3A_1239 = tpu.matmul %exp3A_1201, %get3A_1237, %dot_general3A_1238 {dimension_numbers = #tpu.dot_dimension_numbers<[1], [0], [0], [1], [0, 0, 1, 1], [], []>, transpose_lhs_hint = false} : vector<128x512xf32>, vector<512x128xf32>, vector<128x128xf32> -> vector<128x128xf32>
    %add3A_1240 = arith.addf %dot_general3A_1234, %dot_general3A_1239 : vector<128x128xf32>
    %swap3A_1241 = arith.constant 0 : index
    %swap3A_1242 = arith.constant 1664 : index
    %swap3A_1243 = vector.load %arg10[%swap3A_1241, %swap3A_1242] : memref<128x6144xf32, #tpu.memory_space<vmem>>, vector<128x128xf32>
    tpu.vector_store %arg10[%swap3A_1241, %swap3A_1242], %add3A_1240 {strides = array<i32>} : memref<128x6144xf32, #tpu.memory_space<vmem>>, vector<128x128xf32>,
    %reduce_max3A_1244 = arith.constant dense<0xFF800000> : vector<128xf32>
    %reduce_max3A_1245 = vector.multi_reduction <maximumf>, %select_n3A_1175, %reduce_max3A_1244 [1] : vector<128x1024xf32> to vector<128xf32>
    %broadcast_in_dim3A_1246 = vector.shape_cast %reduce_max3A_1245 : vector<128xf32> to vector<128x1xf32>
    %eq3A_1247 = vector.broadcast %broadcast_in_dim3A_1246 : vector<128x1xf32> to vector<128x1024xf32>
    %eq3A_1248 = arith.cmpf oeq, %select_n3A_1175, %eq3A_1247 : vector<128x1024xf32>
    %jit3A_1249 = arith.constant 1024 : i32
    %broadcast_in_dim3A_1250 = vector.broadcast %jit3A_1249 : i32 to vector<128x1024xi32>
    %select_n3A_1251 = arith.select %eq3A_1248, %iota3A_48, %broadcast_in_dim3A_1250 : vector<128x1024xi1>, vector<128x1024xi32>
    %reduce_min3A_1252 = arith.constant dense<2147483647> : vector<128xi32>
    %reduce_min3A_1253 = vector.multi_reduction <minsi>, %select_n3A_1251, %reduce_min3A_1252 [1] : vector<128x1024xi32> to vector<128xi32>
    %broadcast_in_dim3A_1254 = vector.shape_cast %reduce_min3A_1253 : vector<128xi32> to vector<128x1xi32>
    %eq3A_1255 = vector.broadcast %broadcast_in_dim3A_1254 : vector<128x1xi32> to vector<128x1024xi32>
    %eq3A_1256 = arith.cmpi eq, %iota3A_48, %eq3A_1255 : vector<128x1024xi32>
    %convert_element_type3A_1257 = arith.extui %eq3A_1256 : vector<128x1024xi1> to vector<128x1024xi32>
    %convert_element_type3A_1258 = arith.sitofp %convert_element_type3A_1257 : vector<128x1024xi32> to vector<128x1024xf32>
    %jit3A_1259 = arith.constant 0xFF800000 : f32
    %broadcast_in_dim3A_1260 = vector.broadcast %jit3A_1259 : f32 to vector<128x1024xf32>
    %select_n3A_1261 = arith.select %eq3A_1256, %broadcast_in_dim3A_1260, %select_n3A_1175 : vector<128x1024xi1>, vector<128x1024xf32>
    %dot_general3A_1262 = arith.constant dense<0.000000e+00> : vector<128x128xf32>
    %dot_general3A_1263 = tpu.matmul %convert_element_type3A_1258, %get3A_11, %dot_general3A_1262 {dimension_numbers = #tpu.dot_dimension_numbers<[1], [0], [0], [1], [0, 0, 1, 1], [], []>, precision = #tpu.contract_precision<fp32>, transpose_lhs_hint = false} : vector<128x1024xf32>, vector<1024x128xf32>, vector<128x128xf32> -> vector<128x128xf32>
    %slice3A_1264 = vector.extract_strided_slice %dot_general3A_1263 {offsets = [0, 0], sizes = [128, 72], strides = [1, 1]} : vector<128x128xf32> to vector<128x72xf32>
    %sub3A_1265 = arith.subf %slice3A, %slice3A_1264 : vector<128x72xf32>
    %mul3A_1266 = arith.mulf %sub3A_1265, %sub3A_1265 : vector<128x72xf32>
    %slice3A_1267 = vector.extract_strided_slice %mul3A_1266 {offsets = [0, 0], sizes = [128, 24], strides = [1, 1]} : vector<128x72xf32> to vector<128x24xf32>
    %slice3A_1268 = vector.extract_strided_slice %mul3A_1266 {offsets = [0, 24], sizes = [128, 24], strides = [1, 1]} : vector<128x72xf32> to vector<128x24xf32>
    %add3A_1269 = arith.addf %slice3A_1267, %slice3A_1268 : vector<128x24xf32>
    %slice3A_1270 = vector.extract_strided_slice %mul3A_1266 {offsets = [0, 48], sizes = [128, 24], strides = [1, 1]} : vector<128x72xf32> to vector<128x24xf32>
    %add3A_1271 = arith.addf %add3A_1269, %slice3A_1270 : vector<128x24xf32>
    %add3A_1272 = arith.constant 9.99999997E-7 : f32
    %add3A_1273 = vector.broadcast %add3A_1272 : f32 to vector<128x24xf32>
    %add3A_1274 = arith.addf %add3A_1271, %add3A_1273 : vector<128x24xf32>
    %sqrt3A_1275 = math.sqrt %add3A_1274 : vector<128x24xf32>
    %concatenate3A_1276 = tpu.concatenate %broadcast_in_dim3A_1246, %sqrt3A_1275, %broadcast_in_dim3A_15 in 1 : vector<128x1xf32>, vector<128x24xf32>, vector<128x7xf32> -> vector<128x32xf32>
    %concatenate3A_1277 = tpu.concatenate %concatenate3A_1276, %concatenate3A_1276, %concatenate3A_1276, %concatenate3A_1276, %concatenate3A_1276, %concatenate3A_1276, %concatenate3A_1276, %concatenate3A_1276, %concatenate3A_1276, %concatenate3A_1276, %concatenate3A_1276, %concatenate3A_1276, %concatenate3A_1276, %concatenate3A_1276, %concatenate3A_1276, %concatenate3A_1276 in 1 : vector<128x32xf32>, vector<128x32xf32>, vector<128x32xf32>, vector<128x32xf32>, vector<128x32xf32>, vector<128x32xf32>, vector<128x32xf32>, vector<128x32xf32>, vector<128x32xf32>, vector<128x32xf32>, vector<128x32xf32>, vector<128x32xf32>, vector<128x32xf32>, vector<128x32xf32>, vector<128x32xf32>, vector<128x32xf32> -> vector<128x512xf32>
    %sub3A_1278 = vector.broadcast %get3A_14 : vector<1x512xf32> to vector<128x512xf32>
    %sub3A_1279 = arith.subf %concatenate3A_1277, %sub3A_1278 : vector<128x512xf32>
    %mul3A_1280 = arith.constant 8.000000e-01 : f32
    %mul3A_1281 = vector.broadcast %mul3A_1280 : f32 to vector<128x512xf32>
    %mul3A_1282 = arith.mulf %sub3A_1279, %mul3A_1281 : vector<128x512xf32>
    %mul3A_1283 = arith.mulf %mul3A_1282, %mul3A_1282 : vector<128x512xf32>
    %neg3A_1284 = arith.constant 0.000000e+00 : f32
    %neg3A_1285 = vector.broadcast %neg3A_1284 : f32 to vector<128x512xf32>
    %neg3A_1286 = arith.subf %neg3A_1285, %mul3A_1283 : vector<128x512xf32>
    %exp3A_1287 = math.exp %neg3A_1286 : vector<128x512xf32>
    %slice3A_1288 = vector.extract_strided_slice %dot_general3A_1263 {offsets = [0, 73], sizes = [128, 1], strides = [1, 1]} : vector<128x128xf32> to vector<128x1xf32>
    %sub3A_1289 = arith.subf %slice3A_18, %slice3A_1288 : vector<128x1xf32>
    %slice3A_1290 = vector.extract_strided_slice %dot_general3A_1263 {offsets = [0, 72], sizes = [128, 1], strides = [1, 1]} : vector<128x128xf32> to vector<128x1xf32>
    %eq3A_1291 = arith.cmpf oeq, %slice3A_16, %slice3A_1290 : vector<128x1xf32>
    %convert_element_type3A_1292 = arith.extui %eq3A_1291 : vector<128x1xi1> to vector<128x1xi32>
    %convert_element_type3A_1293 = arith.sitofp %convert_element_type3A_1292 : vector<128x1xi32> to vector<128x1xf32>
    %add3A_1294 = arith.constant 3.200000e+01 : f32
    %add3A_1295 = vector.broadcast %add3A_1294 : f32 to vector<128x1xf32>
    %add3A_1296 = arith.addf %sub3A_1289, %add3A_1295 : vector<128x1xf32>
    %jit3A_1297 = arith.constant 0.000000e+00 : f32
    %jit3A_1298 = arith.constant 6.400000e+01 : f32
    %max3A_1299 = vector.broadcast %jit3A_1297 : f32 to vector<128x1xf32>
    %max3A_1300 = arith.maximumf %max3A_1299, %add3A_1296 : vector<128x1xf32>
    %min3A_1301 = vector.broadcast %jit3A_1298 : f32 to vector<128x1xf32>
    %min3A_1302 = arith.minimumf %min3A_1301, %max3A_1300 : vector<128x1xf32>
    %mul3A_1303 = arith.mulf %min3A_1302, %convert_element_type3A_1293 : vector<128x1xf32>
    %sub3A_1304 = arith.constant 1.000000e+00 : f32
    %sub3A_1305 = vector.broadcast %sub3A_1304 : f32 to vector<128x1xf32>
    %sub3A_1306 = arith.subf %sub3A_1305, %convert_element_type3A_1293 : vector<128x1xf32>
    %mul3A_1307 = arith.constant 6.500000e+01 : f32
    %mul3A_1308 = vector.broadcast %mul3A_1307 : f32 to vector<128x1xf32>
    %mul3A_1309 = arith.mulf %sub3A_1306, %mul3A_1308 : vector<128x1xf32>
    %add3A_1310 = arith.addf %mul3A_1303, %mul3A_1309 : vector<128x1xf32>
    %convert_element_type3A_1311 = arith.fptosi %add3A_1310 : vector<128x1xf32> to vector<128x1xi32>
    %eq3A_1312 = vector.broadcast %convert_element_type3A_1311 : vector<128x1xi32> to vector<128x128xi32>
    %eq3A_1313 = arith.cmpi eq, %iota3A, %eq3A_1312 : vector<128x128xi32>
    %convert_element_type3A_1314 = arith.extui %eq3A_1313 : vector<128x128xi1> to vector<128x128xi32>
    %convert_element_type3A_1315 = arith.sitofp %convert_element_type3A_1314 : vector<128x128xi32> to vector<128x128xf32>
    %get3A_1316 = arith.constant 0 : index
    %get3A_1317 = arith.constant 0 : index
    %get3A_1318 = vector.load %arg5[%get3A_1316, %get3A_1317] : memref<128x128xf32, #tpu.memory_space<vmem>>, vector<128x128xf32>
    %dot_general3A_1319 = arith.constant dense<0.000000e+00> : vector<128x128xf32>
    %dot_general3A_1320 = tpu.matmul %convert_element_type3A_1315, %get3A_1318, %dot_general3A_1319 {dimension_numbers = #tpu.dot_dimension_numbers<[1], [0], [0], [1], [0, 0, 1, 1], [], []>, transpose_lhs_hint = false} : vector<128x128xf32>, vector<128x128xf32>, vector<128x128xf32> -> vector<128x128xf32>
    %get3A_1321 = arith.constant 0 : index
    %get3A_1322 = arith.constant 0 : index
    %get3A_1323 = vector.load %arg6[%get3A_1321, %get3A_1322] : memref<512x128xf32, #tpu.memory_space<vmem>>, vector<512x128xf32>
    %dot_general3A_1324 = arith.constant dense<0.000000e+00> : vector<128x128xf32>
    %dot_general3A_1325 = tpu.matmul %exp3A_1287, %get3A_1323, %dot_general3A_1324 {dimension_numbers = #tpu.dot_dimension_numbers<[1], [0], [0], [1], [0, 0, 1, 1], [], []>, transpose_lhs_hint = false} : vector<128x512xf32>, vector<512x128xf32>, vector<128x128xf32> -> vector<128x128xf32>
    %add3A_1326 = arith.addf %dot_general3A_1320, %dot_general3A_1325 : vector<128x128xf32>
    %swap3A_1327 = arith.constant 0 : index
    %swap3A_1328 = arith.constant 1792 : index
    %swap3A_1329 = vector.load %arg10[%swap3A_1327, %swap3A_1328] : memref<128x6144xf32, #tpu.memory_space<vmem>>, vector<128x128xf32>
    tpu.vector_store %arg10[%swap3A_1327, %swap3A_1328], %add3A_1326 {strides = array<i32>} : memref<128x6144xf32, #tpu.memory_space<vmem>>, vector<128x128xf32>,
    %reduce_max3A_1330 = arith.constant dense<0xFF800000> : vector<128xf32>
    %reduce_max3A_1331 = vector.multi_reduction <maximumf>, %select_n3A_1261, %reduce_max3A_1330 [1] : vector<128x1024xf32> to vector<128xf32>
    %broadcast_in_dim3A_1332 = vector.shape_cast %reduce_max3A_1331 : vector<128xf32> to vector<128x1xf32>
    %eq3A_1333 = vector.broadcast %broadcast_in_dim3A_1332 : vector<128x1xf32> to vector<128x1024xf32>
    %eq3A_1334 = arith.cmpf oeq, %select_n3A_1261, %eq3A_1333 : vector<128x1024xf32>
    %jit3A_1335 = arith.constant 1024 : i32
    %broadcast_in_dim3A_1336 = vector.broadcast %jit3A_1335 : i32 to vector<128x1024xi32>
    %select_n3A_1337 = arith.select %eq3A_1334, %iota3A_48, %broadcast_in_dim3A_1336 : vector<128x1024xi1>, vector<128x1024xi32>
    %reduce_min3A_1338 = arith.constant dense<2147483647> : vector<128xi32>
    %reduce_min3A_1339 = vector.multi_reduction <minsi>, %select_n3A_1337, %reduce_min3A_1338 [1] : vector<128x1024xi32> to vector<128xi32>
    %broadcast_in_dim3A_1340 = vector.shape_cast %reduce_min3A_1339 : vector<128xi32> to vector<128x1xi32>
    %eq3A_1341 = vector.broadcast %broadcast_in_dim3A_1340 : vector<128x1xi32> to vector<128x1024xi32>
    %eq3A_1342 = arith.cmpi eq, %iota3A_48, %eq3A_1341 : vector<128x1024xi32>
    %convert_element_type3A_1343 = arith.extui %eq3A_1342 : vector<128x1024xi1> to vector<128x1024xi32>
    %convert_element_type3A_1344 = arith.sitofp %convert_element_type3A_1343 : vector<128x1024xi32> to vector<128x1024xf32>
    %jit3A_1345 = arith.constant 0xFF800000 : f32
    %broadcast_in_dim3A_1346 = vector.broadcast %jit3A_1345 : f32 to vector<128x1024xf32>
    %select_n3A_1347 = arith.select %eq3A_1342, %broadcast_in_dim3A_1346, %select_n3A_1261 : vector<128x1024xi1>, vector<128x1024xf32>
    %dot_general3A_1348 = arith.constant dense<0.000000e+00> : vector<128x128xf32>
    %dot_general3A_1349 = tpu.matmul %convert_element_type3A_1344, %get3A_11, %dot_general3A_1348 {dimension_numbers = #tpu.dot_dimension_numbers<[1], [0], [0], [1], [0, 0, 1, 1], [], []>, precision = #tpu.contract_precision<fp32>, transpose_lhs_hint = false} : vector<128x1024xf32>, vector<1024x128xf32>, vector<128x128xf32> -> vector<128x128xf32>
    %slice3A_1350 = vector.extract_strided_slice %dot_general3A_1349 {offsets = [0, 0], sizes = [128, 72], strides = [1, 1]} : vector<128x128xf32> to vector<128x72xf32>
    %sub3A_1351 = arith.subf %slice3A, %slice3A_1350 : vector<128x72xf32>
    %mul3A_1352 = arith.mulf %sub3A_1351, %sub3A_1351 : vector<128x72xf32>
    %slice3A_1353 = vector.extract_strided_slice %mul3A_1352 {offsets = [0, 0], sizes = [128, 24], strides = [1, 1]} : vector<128x72xf32> to vector<128x24xf32>
    %slice3A_1354 = vector.extract_strided_slice %mul3A_1352 {offsets = [0, 24], sizes = [128, 24], strides = [1, 1]} : vector<128x72xf32> to vector<128x24xf32>
    %add3A_1355 = arith.addf %slice3A_1353, %slice3A_1354 : vector<128x24xf32>
    %slice3A_1356 = vector.extract_strided_slice %mul3A_1352 {offsets = [0, 48], sizes = [128, 24], strides = [1, 1]} : vector<128x72xf32> to vector<128x24xf32>
    %add3A_1357 = arith.addf %add3A_1355, %slice3A_1356 : vector<128x24xf32>
    %add3A_1358 = arith.constant 9.99999997E-7 : f32
    %add3A_1359 = vector.broadcast %add3A_1358 : f32 to vector<128x24xf32>
    %add3A_1360 = arith.addf %add3A_1357, %add3A_1359 : vector<128x24xf32>
    %sqrt3A_1361 = math.sqrt %add3A_1360 : vector<128x24xf32>
    %concatenate3A_1362 = tpu.concatenate %broadcast_in_dim3A_1332, %sqrt3A_1361, %broadcast_in_dim3A_15 in 1 : vector<128x1xf32>, vector<128x24xf32>, vector<128x7xf32> -> vector<128x32xf32>
    %concatenate3A_1363 = tpu.concatenate %concatenate3A_1362, %concatenate3A_1362, %concatenate3A_1362, %concatenate3A_1362, %concatenate3A_1362, %concatenate3A_1362, %concatenate3A_1362, %concatenate3A_1362, %concatenate3A_1362, %concatenate3A_1362, %concatenate3A_1362, %concatenate3A_1362, %concatenate3A_1362, %concatenate3A_1362, %concatenate3A_1362, %concatenate3A_1362 in 1 : vector<128x32xf32>, vector<128x32xf32>, vector<128x32xf32>, vector<128x32xf32>, vector<128x32xf32>, vector<128x32xf32>, vector<128x32xf32>, vector<128x32xf32>, vector<128x32xf32>, vector<128x32xf32>, vector<128x32xf32>, vector<128x32xf32>, vector<128x32xf32>, vector<128x32xf32>, vector<128x32xf32>, vector<128x32xf32> -> vector<128x512xf32>
    %sub3A_1364 = vector.broadcast %get3A_14 : vector<1x512xf32> to vector<128x512xf32>
    %sub3A_1365 = arith.subf %concatenate3A_1363, %sub3A_1364 : vector<128x512xf32>
    %mul3A_1366 = arith.constant 8.000000e-01 : f32
    %mul3A_1367 = vector.broadcast %mul3A_1366 : f32 to vector<128x512xf32>
    %mul3A_1368 = arith.mulf %sub3A_1365, %mul3A_1367 : vector<128x512xf32>
    %mul3A_1369 = arith.mulf %mul3A_1368, %mul3A_1368 : vector<128x512xf32>
    %neg3A_1370 = arith.constant 0.000000e+00 : f32
    %neg3A_1371 = vector.broadcast %neg3A_1370 : f32 to vector<128x512xf32>
    %neg3A_1372 = arith.subf %neg3A_1371, %mul3A_1369 : vector<128x512xf32>
    %exp3A_1373 = math.exp %neg3A_1372 : vector<128x512xf32>
    %slice3A_1374 = vector.extract_strided_slice %dot_general3A_1349 {offsets = [0, 73], sizes = [128, 1], strides = [1, 1]} : vector<128x128xf32> to vector<128x1xf32>
    %sub3A_1375 = arith.subf %slice3A_18, %slice3A_1374 : vector<128x1xf32>
    %slice3A_1376 = vector.extract_strided_slice %dot_general3A_1349 {offsets = [0, 72], sizes = [128, 1], strides = [1, 1]} : vector<128x128xf32> to vector<128x1xf32>
    %eq3A_1377 = arith.cmpf oeq, %slice3A_16, %slice3A_1376 : vector<128x1xf32>
    %convert_element_type3A_1378 = arith.extui %eq3A_1377 : vector<128x1xi1> to vector<128x1xi32>
    %convert_element_type3A_1379 = arith.sitofp %convert_element_type3A_1378 : vector<128x1xi32> to vector<128x1xf32>
    %add3A_1380 = arith.constant 3.200000e+01 : f32
    %add3A_1381 = vector.broadcast %add3A_1380 : f32 to vector<128x1xf32>
    %add3A_1382 = arith.addf %sub3A_1375, %add3A_1381 : vector<128x1xf32>
    %jit3A_1383 = arith.constant 0.000000e+00 : f32
    %jit3A_1384 = arith.constant 6.400000e+01 : f32
    %max3A_1385 = vector.broadcast %jit3A_1383 : f32 to vector<128x1xf32>
    %max3A_1386 = arith.maximumf %max3A_1385, %add3A_1382 : vector<128x1xf32>
    %min3A_1387 = vector.broadcast %jit3A_1384 : f32 to vector<128x1xf32>
    %min3A_1388 = arith.minimumf %min3A_1387, %max3A_1386 : vector<128x1xf32>
    %mul3A_1389 = arith.mulf %min3A_1388, %convert_element_type3A_1379 : vector<128x1xf32>
    %sub3A_1390 = arith.constant 1.000000e+00 : f32
    %sub3A_1391 = vector.broadcast %sub3A_1390 : f32 to vector<128x1xf32>
    %sub3A_1392 = arith.subf %sub3A_1391, %convert_element_type3A_1379 : vector<128x1xf32>
    %mul3A_1393 = arith.constant 6.500000e+01 : f32
    %mul3A_1394 = vector.broadcast %mul3A_1393 : f32 to vector<128x1xf32>
    %mul3A_1395 = arith.mulf %sub3A_1392, %mul3A_1394 : vector<128x1xf32>
    %add3A_1396 = arith.addf %mul3A_1389, %mul3A_1395 : vector<128x1xf32>
    %convert_element_type3A_1397 = arith.fptosi %add3A_1396 : vector<128x1xf32> to vector<128x1xi32>
    %eq3A_1398 = vector.broadcast %convert_element_type3A_1397 : vector<128x1xi32> to vector<128x128xi32>
    %eq3A_1399 = arith.cmpi eq, %iota3A, %eq3A_1398 : vector<128x128xi32>
    %convert_element_type3A_1400 = arith.extui %eq3A_1399 : vector<128x128xi1> to vector<128x128xi32>
    %convert_element_type3A_1401 = arith.sitofp %convert_element_type3A_1400 : vector<128x128xi32> to vector<128x128xf32>
    %get3A_1402 = arith.constant 0 : index
    %get3A_1403 = arith.constant 0 : index
    %get3A_1404 = vector.load %arg5[%get3A_1402, %get3A_1403] : memref<128x128xf32, #tpu.memory_space<vmem>>, vector<128x128xf32>
    %dot_general3A_1405 = arith.constant dense<0.000000e+00> : vector<128x128xf32>
    %dot_general3A_1406 = tpu.matmul %convert_element_type3A_1401, %get3A_1404, %dot_general3A_1405 {dimension_numbers = #tpu.dot_dimension_numbers<[1], [0], [0], [1], [0, 0, 1, 1], [], []>, transpose_lhs_hint = false} : vector<128x128xf32>, vector<128x128xf32>, vector<128x128xf32> -> vector<128x128xf32>
    %get3A_1407 = arith.constant 0 : index
    %get3A_1408 = arith.constant 0 : index
    %get3A_1409 = vector.load %arg6[%get3A_1407, %get3A_1408] : memref<512x128xf32, #tpu.memory_space<vmem>>, vector<512x128xf32>
    %dot_general3A_1410 = arith.constant dense<0.000000e+00> : vector<128x128xf32>
    %dot_general3A_1411 = tpu.matmul %exp3A_1373, %get3A_1409, %dot_general3A_1410 {dimension_numbers = #tpu.dot_dimension_numbers<[1], [0], [0], [1], [0, 0, 1, 1], [], []>, transpose_lhs_hint = false} : vector<128x512xf32>, vector<512x128xf32>, vector<128x128xf32> -> vector<128x128xf32>
    %add3A_1412 = arith.addf %dot_general3A_1406, %dot_general3A_1411 : vector<128x128xf32>
    %swap3A_1413 = arith.constant 0 : index
    %swap3A_1414 = arith.constant 1920 : index
    %swap3A_1415 = vector.load %arg10[%swap3A_1413, %swap3A_1414] : memref<128x6144xf32, #tpu.memory_space<vmem>>, vector<128x128xf32>
    tpu.vector_store %arg10[%swap3A_1413, %swap3A_1414], %add3A_1412 {strides = array<i32>} : memref<128x6144xf32, #tpu.memory_space<vmem>>, vector<128x128xf32>,
    %reduce_max3A_1416 = arith.constant dense<0xFF800000> : vector<128xf32>
    %reduce_max3A_1417 = vector.multi_reduction <maximumf>, %select_n3A_1347, %reduce_max3A_1416 [1] : vector<128x1024xf32> to vector<128xf32>
    %broadcast_in_dim3A_1418 = vector.shape_cast %reduce_max3A_1417 : vector<128xf32> to vector<128x1xf32>
    %eq3A_1419 = vector.broadcast %broadcast_in_dim3A_1418 : vector<128x1xf32> to vector<128x1024xf32>
    %eq3A_1420 = arith.cmpf oeq, %select_n3A_1347, %eq3A_1419 : vector<128x1024xf32>
    %jit3A_1421 = arith.constant 1024 : i32
    %broadcast_in_dim3A_1422 = vector.broadcast %jit3A_1421 : i32 to vector<128x1024xi32>
    %select_n3A_1423 = arith.select %eq3A_1420, %iota3A_48, %broadcast_in_dim3A_1422 : vector<128x1024xi1>, vector<128x1024xi32>
    %reduce_min3A_1424 = arith.constant dense<2147483647> : vector<128xi32>
    %reduce_min3A_1425 = vector.multi_reduction <minsi>, %select_n3A_1423, %reduce_min3A_1424 [1] : vector<128x1024xi32> to vector<128xi32>
    %broadcast_in_dim3A_1426 = vector.shape_cast %reduce_min3A_1425 : vector<128xi32> to vector<128x1xi32>
    %eq3A_1427 = vector.broadcast %broadcast_in_dim3A_1426 : vector<128x1xi32> to vector<128x1024xi32>
    %eq3A_1428 = arith.cmpi eq, %iota3A_48, %eq3A_1427 : vector<128x1024xi32>
    %convert_element_type3A_1429 = arith.extui %eq3A_1428 : vector<128x1024xi1> to vector<128x1024xi32>
    %convert_element_type3A_1430 = arith.sitofp %convert_element_type3A_1429 : vector<128x1024xi32> to vector<128x1024xf32>
    %jit3A_1431 = arith.constant 0xFF800000 : f32
    %broadcast_in_dim3A_1432 = vector.broadcast %jit3A_1431 : f32 to vector<128x1024xf32>
    %select_n3A_1433 = arith.select %eq3A_1428, %broadcast_in_dim3A_1432, %select_n3A_1347 : vector<128x1024xi1>, vector<128x1024xf32>
    %dot_general3A_1434 = arith.constant dense<0.000000e+00> : vector<128x128xf32>
    %dot_general3A_1435 = tpu.matmul %convert_element_type3A_1430, %get3A_11, %dot_general3A_1434 {dimension_numbers = #tpu.dot_dimension_numbers<[1], [0], [0], [1], [0, 0, 1, 1], [], []>, precision = #tpu.contract_precision<fp32>, transpose_lhs_hint = false} : vector<128x1024xf32>, vector<1024x128xf32>, vector<128x128xf32> -> vector<128x128xf32>
    %slice3A_1436 = vector.extract_strided_slice %dot_general3A_1435 {offsets = [0, 0], sizes = [128, 72], strides = [1, 1]} : vector<128x128xf32> to vector<128x72xf32>
    %sub3A_1437 = arith.subf %slice3A, %slice3A_1436 : vector<128x72xf32>
    %mul3A_1438 = arith.mulf %sub3A_1437, %sub3A_1437 : vector<128x72xf32>
    %slice3A_1439 = vector.extract_strided_slice %mul3A_1438 {offsets = [0, 0], sizes = [128, 24], strides = [1, 1]} : vector<128x72xf32> to vector<128x24xf32>
    %slice3A_1440 = vector.extract_strided_slice %mul3A_1438 {offsets = [0, 24], sizes = [128, 24], strides = [1, 1]} : vector<128x72xf32> to vector<128x24xf32>
    %add3A_1441 = arith.addf %slice3A_1439, %slice3A_1440 : vector<128x24xf32>
    %slice3A_1442 = vector.extract_strided_slice %mul3A_1438 {offsets = [0, 48], sizes = [128, 24], strides = [1, 1]} : vector<128x72xf32> to vector<128x24xf32>
    %add3A_1443 = arith.addf %add3A_1441, %slice3A_1442 : vector<128x24xf32>
    %add3A_1444 = arith.constant 9.99999997E-7 : f32
    %add3A_1445 = vector.broadcast %add3A_1444 : f32 to vector<128x24xf32>
    %add3A_1446 = arith.addf %add3A_1443, %add3A_1445 : vector<128x24xf32>
    %sqrt3A_1447 = math.sqrt %add3A_1446 : vector<128x24xf32>
    %concatenate3A_1448 = tpu.concatenate %broadcast_in_dim3A_1418, %sqrt3A_1447, %broadcast_in_dim3A_15 in 1 : vector<128x1xf32>, vector<128x24xf32>, vector<128x7xf32> -> vector<128x32xf32>
    %concatenate3A_1449 = tpu.concatenate %concatenate3A_1448, %concatenate3A_1448, %concatenate3A_1448, %concatenate3A_1448, %concatenate3A_1448, %concatenate3A_1448, %concatenate3A_1448, %concatenate3A_1448, %concatenate3A_1448, %concatenate3A_1448, %concatenate3A_1448, %concatenate3A_1448, %concatenate3A_1448, %concatenate3A_1448, %concatenate3A_1448, %concatenate3A_1448 in 1 : vector<128x32xf32>, vector<128x32xf32>, vector<128x32xf32>, vector<128x32xf32>, vector<128x32xf32>, vector<128x32xf32>, vector<128x32xf32>, vector<128x32xf32>, vector<128x32xf32>, vector<128x32xf32>, vector<128x32xf32>, vector<128x32xf32>, vector<128x32xf32>, vector<128x32xf32>, vector<128x32xf32>, vector<128x32xf32> -> vector<128x512xf32>
    %sub3A_1450 = vector.broadcast %get3A_14 : vector<1x512xf32> to vector<128x512xf32>
    %sub3A_1451 = arith.subf %concatenate3A_1449, %sub3A_1450 : vector<128x512xf32>
    %mul3A_1452 = arith.constant 8.000000e-01 : f32
    %mul3A_1453 = vector.broadcast %mul3A_1452 : f32 to vector<128x512xf32>
    %mul3A_1454 = arith.mulf %sub3A_1451, %mul3A_1453 : vector<128x512xf32>
    %mul3A_1455 = arith.mulf %mul3A_1454, %mul3A_1454 : vector<128x512xf32>
    %neg3A_1456 = arith.constant 0.000000e+00 : f32
    %neg3A_1457 = vector.broadcast %neg3A_1456 : f32 to vector<128x512xf32>
    %neg3A_1458 = arith.subf %neg3A_1457, %mul3A_1455 : vector<128x512xf32>
    %exp3A_1459 = math.exp %neg3A_1458 : vector<128x512xf32>
    %slice3A_1460 = vector.extract_strided_slice %dot_general3A_1435 {offsets = [0, 73], sizes = [128, 1], strides = [1, 1]} : vector<128x128xf32> to vector<128x1xf32>
    %sub3A_1461 = arith.subf %slice3A_18, %slice3A_1460 : vector<128x1xf32>
    %slice3A_1462 = vector.extract_strided_slice %dot_general3A_1435 {offsets = [0, 72], sizes = [128, 1], strides = [1, 1]} : vector<128x128xf32> to vector<128x1xf32>
    %eq3A_1463 = arith.cmpf oeq, %slice3A_16, %slice3A_1462 : vector<128x1xf32>
    %convert_element_type3A_1464 = arith.extui %eq3A_1463 : vector<128x1xi1> to vector<128x1xi32>
    %convert_element_type3A_1465 = arith.sitofp %convert_element_type3A_1464 : vector<128x1xi32> to vector<128x1xf32>
    %add3A_1466 = arith.constant 3.200000e+01 : f32
    %add3A_1467 = vector.broadcast %add3A_1466 : f32 to vector<128x1xf32>
    %add3A_1468 = arith.addf %sub3A_1461, %add3A_1467 : vector<128x1xf32>
    %jit3A_1469 = arith.constant 0.000000e+00 : f32
    %jit3A_1470 = arith.constant 6.400000e+01 : f32
    %max3A_1471 = vector.broadcast %jit3A_1469 : f32 to vector<128x1xf32>
    %max3A_1472 = arith.maximumf %max3A_1471, %add3A_1468 : vector<128x1xf32>
    %min3A_1473 = vector.broadcast %jit3A_1470 : f32 to vector<128x1xf32>
    %min3A_1474 = arith.minimumf %min3A_1473, %max3A_1472 : vector<128x1xf32>
    %mul3A_1475 = arith.mulf %min3A_1474, %convert_element_type3A_1465 : vector<128x1xf32>
    %sub3A_1476 = arith.constant 1.000000e+00 : f32
    %sub3A_1477 = vector.broadcast %sub3A_1476 : f32 to vector<128x1xf32>
    %sub3A_1478 = arith.subf %sub3A_1477, %convert_element_type3A_1465 : vector<128x1xf32>
    %mul3A_1479 = arith.constant 6.500000e+01 : f32
    %mul3A_1480 = vector.broadcast %mul3A_1479 : f32 to vector<128x1xf32>
    %mul3A_1481 = arith.mulf %sub3A_1478, %mul3A_1480 : vector<128x1xf32>
    %add3A_1482 = arith.addf %mul3A_1475, %mul3A_1481 : vector<128x1xf32>
    %convert_element_type3A_1483 = arith.fptosi %add3A_1482 : vector<128x1xf32> to vector<128x1xi32>
    %eq3A_1484 = vector.broadcast %convert_element_type3A_1483 : vector<128x1xi32> to vector<128x128xi32>
    %eq3A_1485 = arith.cmpi eq, %iota3A, %eq3A_1484 : vector<128x128xi32>
    %convert_element_type3A_1486 = arith.extui %eq3A_1485 : vector<128x128xi1> to vector<128x128xi32>
    %convert_element_type3A_1487 = arith.sitofp %convert_element_type3A_1486 : vector<128x128xi32> to vector<128x128xf32>
    %get3A_1488 = arith.constant 0 : index
    %get3A_1489 = arith.constant 0 : index
    %get3A_1490 = vector.load %arg5[%get3A_1488, %get3A_1489] : memref<128x128xf32, #tpu.memory_space<vmem>>, vector<128x128xf32>
    %dot_general3A_1491 = arith.constant dense<0.000000e+00> : vector<128x128xf32>
    %dot_general3A_1492 = tpu.matmul %convert_element_type3A_1487, %get3A_1490, %dot_general3A_1491 {dimension_numbers = #tpu.dot_dimension_numbers<[1], [0], [0], [1], [0, 0, 1, 1], [], []>, transpose_lhs_hint = false} : vector<128x128xf32>, vector<128x128xf32>, vector<128x128xf32> -> vector<128x128xf32>
    %get3A_1493 = arith.constant 0 : index
    %get3A_1494 = arith.constant 0 : index
    %get3A_1495 = vector.load %arg6[%get3A_1493, %get3A_1494] : memref<512x128xf32, #tpu.memory_space<vmem>>, vector<512x128xf32>
    %dot_general3A_1496 = arith.constant dense<0.000000e+00> : vector<128x128xf32>
    %dot_general3A_1497 = tpu.matmul %exp3A_1459, %get3A_1495, %dot_general3A_1496 {dimension_numbers = #tpu.dot_dimension_numbers<[1], [0], [0], [1], [0, 0, 1, 1], [], []>, transpose_lhs_hint = false} : vector<128x512xf32>, vector<512x128xf32>, vector<128x128xf32> -> vector<128x128xf32>
    %add3A_1498 = arith.addf %dot_general3A_1492, %dot_general3A_1497 : vector<128x128xf32>
    %swap3A_1499 = arith.constant 0 : index
    %swap3A_1500 = arith.constant 2048 : index
    %swap3A_1501 = vector.load %arg10[%swap3A_1499, %swap3A_1500] : memref<128x6144xf32, #tpu.memory_space<vmem>>, vector<128x128xf32>
    tpu.vector_store %arg10[%swap3A_1499, %swap3A_1500], %add3A_1498 {strides = array<i32>} : memref<128x6144xf32, #tpu.memory_space<vmem>>, vector<128x128xf32>,
    %reduce_max3A_1502 = arith.constant dense<0xFF800000> : vector<128xf32>
    %reduce_max3A_1503 = vector.multi_reduction <maximumf>, %select_n3A_1433, %reduce_max3A_1502 [1] : vector<128x1024xf32> to vector<128xf32>
    %broadcast_in_dim3A_1504 = vector.shape_cast %reduce_max3A_1503 : vector<128xf32> to vector<128x1xf32>
    %eq3A_1505 = vector.broadcast %broadcast_in_dim3A_1504 : vector<128x1xf32> to vector<128x1024xf32>
    %eq3A_1506 = arith.cmpf oeq, %select_n3A_1433, %eq3A_1505 : vector<128x1024xf32>
    %jit3A_1507 = arith.constant 1024 : i32
    %broadcast_in_dim3A_1508 = vector.broadcast %jit3A_1507 : i32 to vector<128x1024xi32>
    %select_n3A_1509 = arith.select %eq3A_1506, %iota3A_48, %broadcast_in_dim3A_1508 : vector<128x1024xi1>, vector<128x1024xi32>
    %reduce_min3A_1510 = arith.constant dense<2147483647> : vector<128xi32>
    %reduce_min3A_1511 = vector.multi_reduction <minsi>, %select_n3A_1509, %reduce_min3A_1510 [1] : vector<128x1024xi32> to vector<128xi32>
    %broadcast_in_dim3A_1512 = vector.shape_cast %reduce_min3A_1511 : vector<128xi32> to vector<128x1xi32>
    %eq3A_1513 = vector.broadcast %broadcast_in_dim3A_1512 : vector<128x1xi32> to vector<128x1024xi32>
    %eq3A_1514 = arith.cmpi eq, %iota3A_48, %eq3A_1513 : vector<128x1024xi32>
    %convert_element_type3A_1515 = arith.extui %eq3A_1514 : vector<128x1024xi1> to vector<128x1024xi32>
    %convert_element_type3A_1516 = arith.sitofp %convert_element_type3A_1515 : vector<128x1024xi32> to vector<128x1024xf32>
    %jit3A_1517 = arith.constant 0xFF800000 : f32
    %broadcast_in_dim3A_1518 = vector.broadcast %jit3A_1517 : f32 to vector<128x1024xf32>
    %select_n3A_1519 = arith.select %eq3A_1514, %broadcast_in_dim3A_1518, %select_n3A_1433 : vector<128x1024xi1>, vector<128x1024xf32>
    %dot_general3A_1520 = arith.constant dense<0.000000e+00> : vector<128x128xf32>
    %dot_general3A_1521 = tpu.matmul %convert_element_type3A_1516, %get3A_11, %dot_general3A_1520 {dimension_numbers = #tpu.dot_dimension_numbers<[1], [0], [0], [1], [0, 0, 1, 1], [], []>, precision = #tpu.contract_precision<fp32>, transpose_lhs_hint = false} : vector<128x1024xf32>, vector<1024x128xf32>, vector<128x128xf32> -> vector<128x128xf32>
    %slice3A_1522 = vector.extract_strided_slice %dot_general3A_1521 {offsets = [0, 0], sizes = [128, 72], strides = [1, 1]} : vector<128x128xf32> to vector<128x72xf32>
    %sub3A_1523 = arith.subf %slice3A, %slice3A_1522 : vector<128x72xf32>
    %mul3A_1524 = arith.mulf %sub3A_1523, %sub3A_1523 : vector<128x72xf32>
    %slice3A_1525 = vector.extract_strided_slice %mul3A_1524 {offsets = [0, 0], sizes = [128, 24], strides = [1, 1]} : vector<128x72xf32> to vector<128x24xf32>
    %slice3A_1526 = vector.extract_strided_slice %mul3A_1524 {offsets = [0, 24], sizes = [128, 24], strides = [1, 1]} : vector<128x72xf32> to vector<128x24xf32>
    %add3A_1527 = arith.addf %slice3A_1525, %slice3A_1526 : vector<128x24xf32>
    %slice3A_1528 = vector.extract_strided_slice %mul3A_1524 {offsets = [0, 48], sizes = [128, 24], strides = [1, 1]} : vector<128x72xf32> to vector<128x24xf32>
    %add3A_1529 = arith.addf %add3A_1527, %slice3A_1528 : vector<128x24xf32>
    %add3A_1530 = arith.constant 9.99999997E-7 : f32
    %add3A_1531 = vector.broadcast %add3A_1530 : f32 to vector<128x24xf32>
    %add3A_1532 = arith.addf %add3A_1529, %add3A_1531 : vector<128x24xf32>
    %sqrt3A_1533 = math.sqrt %add3A_1532 : vector<128x24xf32>
    %concatenate3A_1534 = tpu.concatenate %broadcast_in_dim3A_1504, %sqrt3A_1533, %broadcast_in_dim3A_15 in 1 : vector<128x1xf32>, vector<128x24xf32>, vector<128x7xf32> -> vector<128x32xf32>
    %concatenate3A_1535 = tpu.concatenate %concatenate3A_1534, %concatenate3A_1534, %concatenate3A_1534, %concatenate3A_1534, %concatenate3A_1534, %concatenate3A_1534, %concatenate3A_1534, %concatenate3A_1534, %concatenate3A_1534, %concatenate3A_1534, %concatenate3A_1534, %concatenate3A_1534, %concatenate3A_1534, %concatenate3A_1534, %concatenate3A_1534, %concatenate3A_1534 in 1 : vector<128x32xf32>, vector<128x32xf32>, vector<128x32xf32>, vector<128x32xf32>, vector<128x32xf32>, vector<128x32xf32>, vector<128x32xf32>, vector<128x32xf32>, vector<128x32xf32>, vector<128x32xf32>, vector<128x32xf32>, vector<128x32xf32>, vector<128x32xf32>, vector<128x32xf32>, vector<128x32xf32>, vector<128x32xf32> -> vector<128x512xf32>
    %sub3A_1536 = vector.broadcast %get3A_14 : vector<1x512xf32> to vector<128x512xf32>
    %sub3A_1537 = arith.subf %concatenate3A_1535, %sub3A_1536 : vector<128x512xf32>
    %mul3A_1538 = arith.constant 8.000000e-01 : f32
    %mul3A_1539 = vector.broadcast %mul3A_1538 : f32 to vector<128x512xf32>
    %mul3A_1540 = arith.mulf %sub3A_1537, %mul3A_1539 : vector<128x512xf32>
    %mul3A_1541 = arith.mulf %mul3A_1540, %mul3A_1540 : vector<128x512xf32>
    %neg3A_1542 = arith.constant 0.000000e+00 : f32
    %neg3A_1543 = vector.broadcast %neg3A_1542 : f32 to vector<128x512xf32>
    %neg3A_1544 = arith.subf %neg3A_1543, %mul3A_1541 : vector<128x512xf32>
    %exp3A_1545 = math.exp %neg3A_1544 : vector<128x512xf32>
    %slice3A_1546 = vector.extract_strided_slice %dot_general3A_1521 {offsets = [0, 73], sizes = [128, 1], strides = [1, 1]} : vector<128x128xf32> to vector<128x1xf32>
    %sub3A_1547 = arith.subf %slice3A_18, %slice3A_1546 : vector<128x1xf32>
    %slice3A_1548 = vector.extract_strided_slice %dot_general3A_1521 {offsets = [0, 72], sizes = [128, 1], strides = [1, 1]} : vector<128x128xf32> to vector<128x1xf32>
    %eq3A_1549 = arith.cmpf oeq, %slice3A_16, %slice3A_1548 : vector<128x1xf32>
    %convert_element_type3A_1550 = arith.extui %eq3A_1549 : vector<128x1xi1> to vector<128x1xi32>
    %convert_element_type3A_1551 = arith.sitofp %convert_element_type3A_1550 : vector<128x1xi32> to vector<128x1xf32>
    %add3A_1552 = arith.constant 3.200000e+01 : f32
    %add3A_1553 = vector.broadcast %add3A_1552 : f32 to vector<128x1xf32>
    %add3A_1554 = arith.addf %sub3A_1547, %add3A_1553 : vector<128x1xf32>
    %jit3A_1555 = arith.constant 0.000000e+00 : f32
    %jit3A_1556 = arith.constant 6.400000e+01 : f32
    %max3A_1557 = vector.broadcast %jit3A_1555 : f32 to vector<128x1xf32>
    %max3A_1558 = arith.maximumf %max3A_1557, %add3A_1554 : vector<128x1xf32>
    %min3A_1559 = vector.broadcast %jit3A_1556 : f32 to vector<128x1xf32>
    %min3A_1560 = arith.minimumf %min3A_1559, %max3A_1558 : vector<128x1xf32>
    %mul3A_1561 = arith.mulf %min3A_1560, %convert_element_type3A_1551 : vector<128x1xf32>
    %sub3A_1562 = arith.constant 1.000000e+00 : f32
    %sub3A_1563 = vector.broadcast %sub3A_1562 : f32 to vector<128x1xf32>
    %sub3A_1564 = arith.subf %sub3A_1563, %convert_element_type3A_1551 : vector<128x1xf32>
    %mul3A_1565 = arith.constant 6.500000e+01 : f32
    %mul3A_1566 = vector.broadcast %mul3A_1565 : f32 to vector<128x1xf32>
    %mul3A_1567 = arith.mulf %sub3A_1564, %mul3A_1566 : vector<128x1xf32>
    %add3A_1568 = arith.addf %mul3A_1561, %mul3A_1567 : vector<128x1xf32>
    %convert_element_type3A_1569 = arith.fptosi %add3A_1568 : vector<128x1xf32> to vector<128x1xi32>
    %eq3A_1570 = vector.broadcast %convert_element_type3A_1569 : vector<128x1xi32> to vector<128x128xi32>
    %eq3A_1571 = arith.cmpi eq, %iota3A, %eq3A_1570 : vector<128x128xi32>
    %convert_element_type3A_1572 = arith.extui %eq3A_1571 : vector<128x128xi1> to vector<128x128xi32>
    %convert_element_type3A_1573 = arith.sitofp %convert_element_type3A_1572 : vector<128x128xi32> to vector<128x128xf32>
    %get3A_1574 = arith.constant 0 : index
    %get3A_1575 = arith.constant 0 : index
    %get3A_1576 = vector.load %arg5[%get3A_1574, %get3A_1575] : memref<128x128xf32, #tpu.memory_space<vmem>>, vector<128x128xf32>
    %dot_general3A_1577 = arith.constant dense<0.000000e+00> : vector<128x128xf32>
    %dot_general3A_1578 = tpu.matmul %convert_element_type3A_1573, %get3A_1576, %dot_general3A_1577 {dimension_numbers = #tpu.dot_dimension_numbers<[1], [0], [0], [1], [0, 0, 1, 1], [], []>, transpose_lhs_hint = false} : vector<128x128xf32>, vector<128x128xf32>, vector<128x128xf32> -> vector<128x128xf32>
    %get3A_1579 = arith.constant 0 : index
    %get3A_1580 = arith.constant 0 : index
    %get3A_1581 = vector.load %arg6[%get3A_1579, %get3A_1580] : memref<512x128xf32, #tpu.memory_space<vmem>>, vector<512x128xf32>
    %dot_general3A_1582 = arith.constant dense<0.000000e+00> : vector<128x128xf32>
    %dot_general3A_1583 = tpu.matmul %exp3A_1545, %get3A_1581, %dot_general3A_1582 {dimension_numbers = #tpu.dot_dimension_numbers<[1], [0], [0], [1], [0, 0, 1, 1], [], []>, transpose_lhs_hint = false} : vector<128x512xf32>, vector<512x128xf32>, vector<128x128xf32> -> vector<128x128xf32>
    %add3A_1584 = arith.addf %dot_general3A_1578, %dot_general3A_1583 : vector<128x128xf32>
    %swap3A_1585 = arith.constant 0 : index
    %swap3A_1586 = arith.constant 2176 : index
    %swap3A_1587 = vector.load %arg10[%swap3A_1585, %swap3A_1586] : memref<128x6144xf32, #tpu.memory_space<vmem>>, vector<128x128xf32>
    tpu.vector_store %arg10[%swap3A_1585, %swap3A_1586], %add3A_1584 {strides = array<i32>} : memref<128x6144xf32, #tpu.memory_space<vmem>>, vector<128x128xf32>,
    %reduce_max3A_1588 = arith.constant dense<0xFF800000> : vector<128xf32>
    %reduce_max3A_1589 = vector.multi_reduction <maximumf>, %select_n3A_1519, %reduce_max3A_1588 [1] : vector<128x1024xf32> to vector<128xf32>
    %broadcast_in_dim3A_1590 = vector.shape_cast %reduce_max3A_1589 : vector<128xf32> to vector<128x1xf32>
    %eq3A_1591 = vector.broadcast %broadcast_in_dim3A_1590 : vector<128x1xf32> to vector<128x1024xf32>
    %eq3A_1592 = arith.cmpf oeq, %select_n3A_1519, %eq3A_1591 : vector<128x1024xf32>
    %jit3A_1593 = arith.constant 1024 : i32
    %broadcast_in_dim3A_1594 = vector.broadcast %jit3A_1593 : i32 to vector<128x1024xi32>
    %select_n3A_1595 = arith.select %eq3A_1592, %iota3A_48, %broadcast_in_dim3A_1594 : vector<128x1024xi1>, vector<128x1024xi32>
    %reduce_min3A_1596 = arith.constant dense<2147483647> : vector<128xi32>
    %reduce_min3A_1597 = vector.multi_reduction <minsi>, %select_n3A_1595, %reduce_min3A_1596 [1] : vector<128x1024xi32> to vector<128xi32>
    %broadcast_in_dim3A_1598 = vector.shape_cast %reduce_min3A_1597 : vector<128xi32> to vector<128x1xi32>
    %eq3A_1599 = vector.broadcast %broadcast_in_dim3A_1598 : vector<128x1xi32> to vector<128x1024xi32>
    %eq3A_1600 = arith.cmpi eq, %iota3A_48, %eq3A_1599 : vector<128x1024xi32>
    %convert_element_type3A_1601 = arith.extui %eq3A_1600 : vector<128x1024xi1> to vector<128x1024xi32>
    %convert_element_type3A_1602 = arith.sitofp %convert_element_type3A_1601 : vector<128x1024xi32> to vector<128x1024xf32>
    %jit3A_1603 = arith.constant 0xFF800000 : f32
    %broadcast_in_dim3A_1604 = vector.broadcast %jit3A_1603 : f32 to vector<128x1024xf32>
    %select_n3A_1605 = arith.select %eq3A_1600, %broadcast_in_dim3A_1604, %select_n3A_1519 : vector<128x1024xi1>, vector<128x1024xf32>
    %dot_general3A_1606 = arith.constant dense<0.000000e+00> : vector<128x128xf32>
    %dot_general3A_1607 = tpu.matmul %convert_element_type3A_1602, %get3A_11, %dot_general3A_1606 {dimension_numbers = #tpu.dot_dimension_numbers<[1], [0], [0], [1], [0, 0, 1, 1], [], []>, precision = #tpu.contract_precision<fp32>, transpose_lhs_hint = false} : vector<128x1024xf32>, vector<1024x128xf32>, vector<128x128xf32> -> vector<128x128xf32>
    %slice3A_1608 = vector.extract_strided_slice %dot_general3A_1607 {offsets = [0, 0], sizes = [128, 72], strides = [1, 1]} : vector<128x128xf32> to vector<128x72xf32>
    %sub3A_1609 = arith.subf %slice3A, %slice3A_1608 : vector<128x72xf32>
    %mul3A_1610 = arith.mulf %sub3A_1609, %sub3A_1609 : vector<128x72xf32>
    %slice3A_1611 = vector.extract_strided_slice %mul3A_1610 {offsets = [0, 0], sizes = [128, 24], strides = [1, 1]} : vector<128x72xf32> to vector<128x24xf32>
    %slice3A_1612 = vector.extract_strided_slice %mul3A_1610 {offsets = [0, 24], sizes = [128, 24], strides = [1, 1]} : vector<128x72xf32> to vector<128x24xf32>
    %add3A_1613 = arith.addf %slice3A_1611, %slice3A_1612 : vector<128x24xf32>
    %slice3A_1614 = vector.extract_strided_slice %mul3A_1610 {offsets = [0, 48], sizes = [128, 24], strides = [1, 1]} : vector<128x72xf32> to vector<128x24xf32>
    %add3A_1615 = arith.addf %add3A_1613, %slice3A_1614 : vector<128x24xf32>
    %add3A_1616 = arith.constant 9.99999997E-7 : f32
    %add3A_1617 = vector.broadcast %add3A_1616 : f32 to vector<128x24xf32>
    %add3A_1618 = arith.addf %add3A_1615, %add3A_1617 : vector<128x24xf32>
    %sqrt3A_1619 = math.sqrt %add3A_1618 : vector<128x24xf32>
    %concatenate3A_1620 = tpu.concatenate %broadcast_in_dim3A_1590, %sqrt3A_1619, %broadcast_in_dim3A_15 in 1 : vector<128x1xf32>, vector<128x24xf32>, vector<128x7xf32> -> vector<128x32xf32>
    %concatenate3A_1621 = tpu.concatenate %concatenate3A_1620, %concatenate3A_1620, %concatenate3A_1620, %concatenate3A_1620, %concatenate3A_1620, %concatenate3A_1620, %concatenate3A_1620, %concatenate3A_1620, %concatenate3A_1620, %concatenate3A_1620, %concatenate3A_1620, %concatenate3A_1620, %concatenate3A_1620, %concatenate3A_1620, %concatenate3A_1620, %concatenate3A_1620 in 1 : vector<128x32xf32>, vector<128x32xf32>, vector<128x32xf32>, vector<128x32xf32>, vector<128x32xf32>, vector<128x32xf32>, vector<128x32xf32>, vector<128x32xf32>, vector<128x32xf32>, vector<128x32xf32>, vector<128x32xf32>, vector<128x32xf32>, vector<128x32xf32>, vector<128x32xf32>, vector<128x32xf32>, vector<128x32xf32> -> vector<128x512xf32>
    %sub3A_1622 = vector.broadcast %get3A_14 : vector<1x512xf32> to vector<128x512xf32>
    %sub3A_1623 = arith.subf %concatenate3A_1621, %sub3A_1622 : vector<128x512xf32>
    %mul3A_1624 = arith.constant 8.000000e-01 : f32
    %mul3A_1625 = vector.broadcast %mul3A_1624 : f32 to vector<128x512xf32>
    %mul3A_1626 = arith.mulf %sub3A_1623, %mul3A_1625 : vector<128x512xf32>
    %mul3A_1627 = arith.mulf %mul3A_1626, %mul3A_1626 : vector<128x512xf32>
    %neg3A_1628 = arith.constant 0.000000e+00 : f32
    %neg3A_1629 = vector.broadcast %neg3A_1628 : f32 to vector<128x512xf32>
    %neg3A_1630 = arith.subf %neg3A_1629, %mul3A_1627 : vector<128x512xf32>
    %exp3A_1631 = math.exp %neg3A_1630 : vector<128x512xf32>
    %slice3A_1632 = vector.extract_strided_slice %dot_general3A_1607 {offsets = [0, 73], sizes = [128, 1], strides = [1, 1]} : vector<128x128xf32> to vector<128x1xf32>
    %sub3A_1633 = arith.subf %slice3A_18, %slice3A_1632 : vector<128x1xf32>
    %slice3A_1634 = vector.extract_strided_slice %dot_general3A_1607 {offsets = [0, 72], sizes = [128, 1], strides = [1, 1]} : vector<128x128xf32> to vector<128x1xf32>
    %eq3A_1635 = arith.cmpf oeq, %slice3A_16, %slice3A_1634 : vector<128x1xf32>
    %convert_element_type3A_1636 = arith.extui %eq3A_1635 : vector<128x1xi1> to vector<128x1xi32>
    %convert_element_type3A_1637 = arith.sitofp %convert_element_type3A_1636 : vector<128x1xi32> to vector<128x1xf32>
    %add3A_1638 = arith.constant 3.200000e+01 : f32
    %add3A_1639 = vector.broadcast %add3A_1638 : f32 to vector<128x1xf32>
    %add3A_1640 = arith.addf %sub3A_1633, %add3A_1639 : vector<128x1xf32>
    %jit3A_1641 = arith.constant 0.000000e+00 : f32
    %jit3A_1642 = arith.constant 6.400000e+01 : f32
    %max3A_1643 = vector.broadcast %jit3A_1641 : f32 to vector<128x1xf32>
    %max3A_1644 = arith.maximumf %max3A_1643, %add3A_1640 : vector<128x1xf32>
    %min3A_1645 = vector.broadcast %jit3A_1642 : f32 to vector<128x1xf32>
    %min3A_1646 = arith.minimumf %min3A_1645, %max3A_1644 : vector<128x1xf32>
    %mul3A_1647 = arith.mulf %min3A_1646, %convert_element_type3A_1637 : vector<128x1xf32>
    %sub3A_1648 = arith.constant 1.000000e+00 : f32
    %sub3A_1649 = vector.broadcast %sub3A_1648 : f32 to vector<128x1xf32>
    %sub3A_1650 = arith.subf %sub3A_1649, %convert_element_type3A_1637 : vector<128x1xf32>
    %mul3A_1651 = arith.constant 6.500000e+01 : f32
    %mul3A_1652 = vector.broadcast %mul3A_1651 : f32 to vector<128x1xf32>
    %mul3A_1653 = arith.mulf %sub3A_1650, %mul3A_1652 : vector<128x1xf32>
    %add3A_1654 = arith.addf %mul3A_1647, %mul3A_1653 : vector<128x1xf32>
    %convert_element_type3A_1655 = arith.fptosi %add3A_1654 : vector<128x1xf32> to vector<128x1xi32>
    %eq3A_1656 = vector.broadcast %convert_element_type3A_1655 : vector<128x1xi32> to vector<128x128xi32>
    %eq3A_1657 = arith.cmpi eq, %iota3A, %eq3A_1656 : vector<128x128xi32>
    %convert_element_type3A_1658 = arith.extui %eq3A_1657 : vector<128x128xi1> to vector<128x128xi32>
    %convert_element_type3A_1659 = arith.sitofp %convert_element_type3A_1658 : vector<128x128xi32> to vector<128x128xf32>
    %get3A_1660 = arith.constant 0 : index
    %get3A_1661 = arith.constant 0 : index
    %get3A_1662 = vector.load %arg5[%get3A_1660, %get3A_1661] : memref<128x128xf32, #tpu.memory_space<vmem>>, vector<128x128xf32>
    %dot_general3A_1663 = arith.constant dense<0.000000e+00> : vector<128x128xf32>
    %dot_general3A_1664 = tpu.matmul %convert_element_type3A_1659, %get3A_1662, %dot_general3A_1663 {dimension_numbers = #tpu.dot_dimension_numbers<[1], [0], [0], [1], [0, 0, 1, 1], [], []>, transpose_lhs_hint = false} : vector<128x128xf32>, vector<128x128xf32>, vector<128x128xf32> -> vector<128x128xf32>
    %get3A_1665 = arith.constant 0 : index
    %get3A_1666 = arith.constant 0 : index
    %get3A_1667 = vector.load %arg6[%get3A_1665, %get3A_1666] : memref<512x128xf32, #tpu.memory_space<vmem>>, vector<512x128xf32>
    %dot_general3A_1668 = arith.constant dense<0.000000e+00> : vector<128x128xf32>
    %dot_general3A_1669 = tpu.matmul %exp3A_1631, %get3A_1667, %dot_general3A_1668 {dimension_numbers = #tpu.dot_dimension_numbers<[1], [0], [0], [1], [0, 0, 1, 1], [], []>, transpose_lhs_hint = false} : vector<128x512xf32>, vector<512x128xf32>, vector<128x128xf32> -> vector<128x128xf32>
    %add3A_1670 = arith.addf %dot_general3A_1664, %dot_general3A_1669 : vector<128x128xf32>
    %swap3A_1671 = arith.constant 0 : index
    %swap3A_1672 = arith.constant 2304 : index
    %swap3A_1673 = vector.load %arg10[%swap3A_1671, %swap3A_1672] : memref<128x6144xf32, #tpu.memory_space<vmem>>, vector<128x128xf32>
    tpu.vector_store %arg10[%swap3A_1671, %swap3A_1672], %add3A_1670 {strides = array<i32>} : memref<128x6144xf32, #tpu.memory_space<vmem>>, vector<128x128xf32>,
    %reduce_max3A_1674 = arith.constant dense<0xFF800000> : vector<128xf32>
    %reduce_max3A_1675 = vector.multi_reduction <maximumf>, %select_n3A_1605, %reduce_max3A_1674 [1] : vector<128x1024xf32> to vector<128xf32>
    %broadcast_in_dim3A_1676 = vector.shape_cast %reduce_max3A_1675 : vector<128xf32> to vector<128x1xf32>
    %eq3A_1677 = vector.broadcast %broadcast_in_dim3A_1676 : vector<128x1xf32> to vector<128x1024xf32>
    %eq3A_1678 = arith.cmpf oeq, %select_n3A_1605, %eq3A_1677 : vector<128x1024xf32>
    %jit3A_1679 = arith.constant 1024 : i32
    %broadcast_in_dim3A_1680 = vector.broadcast %jit3A_1679 : i32 to vector<128x1024xi32>
    %select_n3A_1681 = arith.select %eq3A_1678, %iota3A_48, %broadcast_in_dim3A_1680 : vector<128x1024xi1>, vector<128x1024xi32>
    %reduce_min3A_1682 = arith.constant dense<2147483647> : vector<128xi32>
    %reduce_min3A_1683 = vector.multi_reduction <minsi>, %select_n3A_1681, %reduce_min3A_1682 [1] : vector<128x1024xi32> to vector<128xi32>
    %broadcast_in_dim3A_1684 = vector.shape_cast %reduce_min3A_1683 : vector<128xi32> to vector<128x1xi32>
    %eq3A_1685 = vector.broadcast %broadcast_in_dim3A_1684 : vector<128x1xi32> to vector<128x1024xi32>
    %eq3A_1686 = arith.cmpi eq, %iota3A_48, %eq3A_1685 : vector<128x1024xi32>
    %convert_element_type3A_1687 = arith.extui %eq3A_1686 : vector<128x1024xi1> to vector<128x1024xi32>
    %convert_element_type3A_1688 = arith.sitofp %convert_element_type3A_1687 : vector<128x1024xi32> to vector<128x1024xf32>
    %jit3A_1689 = arith.constant 0xFF800000 : f32
    %broadcast_in_dim3A_1690 = vector.broadcast %jit3A_1689 : f32 to vector<128x1024xf32>
    %select_n3A_1691 = arith.select %eq3A_1686, %broadcast_in_dim3A_1690, %select_n3A_1605 : vector<128x1024xi1>, vector<128x1024xf32>
    %dot_general3A_1692 = arith.constant dense<0.000000e+00> : vector<128x128xf32>
    %dot_general3A_1693 = tpu.matmul %convert_element_type3A_1688, %get3A_11, %dot_general3A_1692 {dimension_numbers = #tpu.dot_dimension_numbers<[1], [0], [0], [1], [0, 0, 1, 1], [], []>, precision = #tpu.contract_precision<fp32>, transpose_lhs_hint = false} : vector<128x1024xf32>, vector<1024x128xf32>, vector<128x128xf32> -> vector<128x128xf32>
    %slice3A_1694 = vector.extract_strided_slice %dot_general3A_1693 {offsets = [0, 0], sizes = [128, 72], strides = [1, 1]} : vector<128x128xf32> to vector<128x72xf32>
    %sub3A_1695 = arith.subf %slice3A, %slice3A_1694 : vector<128x72xf32>
    %mul3A_1696 = arith.mulf %sub3A_1695, %sub3A_1695 : vector<128x72xf32>
    %slice3A_1697 = vector.extract_strided_slice %mul3A_1696 {offsets = [0, 0], sizes = [128, 24], strides = [1, 1]} : vector<128x72xf32> to vector<128x24xf32>
    %slice3A_1698 = vector.extract_strided_slice %mul3A_1696 {offsets = [0, 24], sizes = [128, 24], strides = [1, 1]} : vector<128x72xf32> to vector<128x24xf32>
    %add3A_1699 = arith.addf %slice3A_1697, %slice3A_1698 : vector<128x24xf32>
    %slice3A_1700 = vector.extract_strided_slice %mul3A_1696 {offsets = [0, 48], sizes = [128, 24], strides = [1, 1]} : vector<128x72xf32> to vector<128x24xf32>
    %add3A_1701 = arith.addf %add3A_1699, %slice3A_1700 : vector<128x24xf32>
    %add3A_1702 = arith.constant 9.99999997E-7 : f32
    %add3A_1703 = vector.broadcast %add3A_1702 : f32 to vector<128x24xf32>
    %add3A_1704 = arith.addf %add3A_1701, %add3A_1703 : vector<128x24xf32>
    %sqrt3A_1705 = math.sqrt %add3A_1704 : vector<128x24xf32>
    %concatenate3A_1706 = tpu.concatenate %broadcast_in_dim3A_1676, %sqrt3A_1705, %broadcast_in_dim3A_15 in 1 : vector<128x1xf32>, vector<128x24xf32>, vector<128x7xf32> -> vector<128x32xf32>
    %concatenate3A_1707 = tpu.concatenate %concatenate3A_1706, %concatenate3A_1706, %concatenate3A_1706, %concatenate3A_1706, %concatenate3A_1706, %concatenate3A_1706, %concatenate3A_1706, %concatenate3A_1706, %concatenate3A_1706, %concatenate3A_1706, %concatenate3A_1706, %concatenate3A_1706, %concatenate3A_1706, %concatenate3A_1706, %concatenate3A_1706, %concatenate3A_1706 in 1 : vector<128x32xf32>, vector<128x32xf32>, vector<128x32xf32>, vector<128x32xf32>, vector<128x32xf32>, vector<128x32xf32>, vector<128x32xf32>, vector<128x32xf32>, vector<128x32xf32>, vector<128x32xf32>, vector<128x32xf32>, vector<128x32xf32>, vector<128x32xf32>, vector<128x32xf32>, vector<128x32xf32>, vector<128x32xf32> -> vector<128x512xf32>
    %sub3A_1708 = vector.broadcast %get3A_14 : vector<1x512xf32> to vector<128x512xf32>
    %sub3A_1709 = arith.subf %concatenate3A_1707, %sub3A_1708 : vector<128x512xf32>
    %mul3A_1710 = arith.constant 8.000000e-01 : f32
    %mul3A_1711 = vector.broadcast %mul3A_1710 : f32 to vector<128x512xf32>
    %mul3A_1712 = arith.mulf %sub3A_1709, %mul3A_1711 : vector<128x512xf32>
    %mul3A_1713 = arith.mulf %mul3A_1712, %mul3A_1712 : vector<128x512xf32>
    %neg3A_1714 = arith.constant 0.000000e+00 : f32
    %neg3A_1715 = vector.broadcast %neg3A_1714 : f32 to vector<128x512xf32>
    %neg3A_1716 = arith.subf %neg3A_1715, %mul3A_1713 : vector<128x512xf32>
    %exp3A_1717 = math.exp %neg3A_1716 : vector<128x512xf32>
    %slice3A_1718 = vector.extract_strided_slice %dot_general3A_1693 {offsets = [0, 73], sizes = [128, 1], strides = [1, 1]} : vector<128x128xf32> to vector<128x1xf32>
    %sub3A_1719 = arith.subf %slice3A_18, %slice3A_1718 : vector<128x1xf32>
    %slice3A_1720 = vector.extract_strided_slice %dot_general3A_1693 {offsets = [0, 72], sizes = [128, 1], strides = [1, 1]} : vector<128x128xf32> to vector<128x1xf32>
    %eq3A_1721 = arith.cmpf oeq, %slice3A_16, %slice3A_1720 : vector<128x1xf32>
    %convert_element_type3A_1722 = arith.extui %eq3A_1721 : vector<128x1xi1> to vector<128x1xi32>
    %convert_element_type3A_1723 = arith.sitofp %convert_element_type3A_1722 : vector<128x1xi32> to vector<128x1xf32>
    %add3A_1724 = arith.constant 3.200000e+01 : f32
    %add3A_1725 = vector.broadcast %add3A_1724 : f32 to vector<128x1xf32>
    %add3A_1726 = arith.addf %sub3A_1719, %add3A_1725 : vector<128x1xf32>
    %jit3A_1727 = arith.constant 0.000000e+00 : f32
    %jit3A_1728 = arith.constant 6.400000e+01 : f32
    %max3A_1729 = vector.broadcast %jit3A_1727 : f32 to vector<128x1xf32>
    %max3A_1730 = arith.maximumf %max3A_1729, %add3A_1726 : vector<128x1xf32>
    %min3A_1731 = vector.broadcast %jit3A_1728 : f32 to vector<128x1xf32>
    %min3A_1732 = arith.minimumf %min3A_1731, %max3A_1730 : vector<128x1xf32>
    %mul3A_1733 = arith.mulf %min3A_1732, %convert_element_type3A_1723 : vector<128x1xf32>
    %sub3A_1734 = arith.constant 1.000000e+00 : f32
    %sub3A_1735 = vector.broadcast %sub3A_1734 : f32 to vector<128x1xf32>
    %sub3A_1736 = arith.subf %sub3A_1735, %convert_element_type3A_1723 : vector<128x1xf32>
    %mul3A_1737 = arith.constant 6.500000e+01 : f32
    %mul3A_1738 = vector.broadcast %mul3A_1737 : f32 to vector<128x1xf32>
    %mul3A_1739 = arith.mulf %sub3A_1736, %mul3A_1738 : vector<128x1xf32>
    %add3A_1740 = arith.addf %mul3A_1733, %mul3A_1739 : vector<128x1xf32>
    %convert_element_type3A_1741 = arith.fptosi %add3A_1740 : vector<128x1xf32> to vector<128x1xi32>
    %eq3A_1742 = vector.broadcast %convert_element_type3A_1741 : vector<128x1xi32> to vector<128x128xi32>
    %eq3A_1743 = arith.cmpi eq, %iota3A, %eq3A_1742 : vector<128x128xi32>
    %convert_element_type3A_1744 = arith.extui %eq3A_1743 : vector<128x128xi1> to vector<128x128xi32>
    %convert_element_type3A_1745 = arith.sitofp %convert_element_type3A_1744 : vector<128x128xi32> to vector<128x128xf32>
    %get3A_1746 = arith.constant 0 : index
    %get3A_1747 = arith.constant 0 : index
    %get3A_1748 = vector.load %arg5[%get3A_1746, %get3A_1747] : memref<128x128xf32, #tpu.memory_space<vmem>>, vector<128x128xf32>
    %dot_general3A_1749 = arith.constant dense<0.000000e+00> : vector<128x128xf32>
    %dot_general3A_1750 = tpu.matmul %convert_element_type3A_1745, %get3A_1748, %dot_general3A_1749 {dimension_numbers = #tpu.dot_dimension_numbers<[1], [0], [0], [1], [0, 0, 1, 1], [], []>, transpose_lhs_hint = false} : vector<128x128xf32>, vector<128x128xf32>, vector<128x128xf32> -> vector<128x128xf32>
    %get3A_1751 = arith.constant 0 : index
    %get3A_1752 = arith.constant 0 : index
    %get3A_1753 = vector.load %arg6[%get3A_1751, %get3A_1752] : memref<512x128xf32, #tpu.memory_space<vmem>>, vector<512x128xf32>
    %dot_general3A_1754 = arith.constant dense<0.000000e+00> : vector<128x128xf32>
    %dot_general3A_1755 = tpu.matmul %exp3A_1717, %get3A_1753, %dot_general3A_1754 {dimension_numbers = #tpu.dot_dimension_numbers<[1], [0], [0], [1], [0, 0, 1, 1], [], []>, transpose_lhs_hint = false} : vector<128x512xf32>, vector<512x128xf32>, vector<128x128xf32> -> vector<128x128xf32>
    %add3A_1756 = arith.addf %dot_general3A_1750, %dot_general3A_1755 : vector<128x128xf32>
    %swap3A_1757 = arith.constant 0 : index
    %swap3A_1758 = arith.constant 2432 : index
    %swap3A_1759 = vector.load %arg10[%swap3A_1757, %swap3A_1758] : memref<128x6144xf32, #tpu.memory_space<vmem>>, vector<128x128xf32>
    tpu.vector_store %arg10[%swap3A_1757, %swap3A_1758], %add3A_1756 {strides = array<i32>} : memref<128x6144xf32, #tpu.memory_space<vmem>>, vector<128x128xf32>,
    %reduce_max3A_1760 = arith.constant dense<0xFF800000> : vector<128xf32>
    %reduce_max3A_1761 = vector.multi_reduction <maximumf>, %select_n3A_1691, %reduce_max3A_1760 [1] : vector<128x1024xf32> to vector<128xf32>
    %broadcast_in_dim3A_1762 = vector.shape_cast %reduce_max3A_1761 : vector<128xf32> to vector<128x1xf32>
    %eq3A_1763 = vector.broadcast %broadcast_in_dim3A_1762 : vector<128x1xf32> to vector<128x1024xf32>
    %eq3A_1764 = arith.cmpf oeq, %select_n3A_1691, %eq3A_1763 : vector<128x1024xf32>
    %jit3A_1765 = arith.constant 1024 : i32
    %broadcast_in_dim3A_1766 = vector.broadcast %jit3A_1765 : i32 to vector<128x1024xi32>
    %select_n3A_1767 = arith.select %eq3A_1764, %iota3A_48, %broadcast_in_dim3A_1766 : vector<128x1024xi1>, vector<128x1024xi32>
    %reduce_min3A_1768 = arith.constant dense<2147483647> : vector<128xi32>
    %reduce_min3A_1769 = vector.multi_reduction <minsi>, %select_n3A_1767, %reduce_min3A_1768 [1] : vector<128x1024xi32> to vector<128xi32>
    %broadcast_in_dim3A_1770 = vector.shape_cast %reduce_min3A_1769 : vector<128xi32> to vector<128x1xi32>
    %eq3A_1771 = vector.broadcast %broadcast_in_dim3A_1770 : vector<128x1xi32> to vector<128x1024xi32>
    %eq3A_1772 = arith.cmpi eq, %iota3A_48, %eq3A_1771 : vector<128x1024xi32>
    %convert_element_type3A_1773 = arith.extui %eq3A_1772 : vector<128x1024xi1> to vector<128x1024xi32>
    %convert_element_type3A_1774 = arith.sitofp %convert_element_type3A_1773 : vector<128x1024xi32> to vector<128x1024xf32>
    %jit3A_1775 = arith.constant 0xFF800000 : f32
    %broadcast_in_dim3A_1776 = vector.broadcast %jit3A_1775 : f32 to vector<128x1024xf32>
    %select_n3A_1777 = arith.select %eq3A_1772, %broadcast_in_dim3A_1776, %select_n3A_1691 : vector<128x1024xi1>, vector<128x1024xf32>
    %dot_general3A_1778 = arith.constant dense<0.000000e+00> : vector<128x128xf32>
    %dot_general3A_1779 = tpu.matmul %convert_element_type3A_1774, %get3A_11, %dot_general3A_1778 {dimension_numbers = #tpu.dot_dimension_numbers<[1], [0], [0], [1], [0, 0, 1, 1], [], []>, precision = #tpu.contract_precision<fp32>, transpose_lhs_hint = false} : vector<128x1024xf32>, vector<1024x128xf32>, vector<128x128xf32> -> vector<128x128xf32>
    %slice3A_1780 = vector.extract_strided_slice %dot_general3A_1779 {offsets = [0, 0], sizes = [128, 72], strides = [1, 1]} : vector<128x128xf32> to vector<128x72xf32>
    %sub3A_1781 = arith.subf %slice3A, %slice3A_1780 : vector<128x72xf32>
    %mul3A_1782 = arith.mulf %sub3A_1781, %sub3A_1781 : vector<128x72xf32>
    %slice3A_1783 = vector.extract_strided_slice %mul3A_1782 {offsets = [0, 0], sizes = [128, 24], strides = [1, 1]} : vector<128x72xf32> to vector<128x24xf32>
    %slice3A_1784 = vector.extract_strided_slice %mul3A_1782 {offsets = [0, 24], sizes = [128, 24], strides = [1, 1]} : vector<128x72xf32> to vector<128x24xf32>
    %add3A_1785 = arith.addf %slice3A_1783, %slice3A_1784 : vector<128x24xf32>
    %slice3A_1786 = vector.extract_strided_slice %mul3A_1782 {offsets = [0, 48], sizes = [128, 24], strides = [1, 1]} : vector<128x72xf32> to vector<128x24xf32>
    %add3A_1787 = arith.addf %add3A_1785, %slice3A_1786 : vector<128x24xf32>
    %add3A_1788 = arith.constant 9.99999997E-7 : f32
    %add3A_1789 = vector.broadcast %add3A_1788 : f32 to vector<128x24xf32>
    %add3A_1790 = arith.addf %add3A_1787, %add3A_1789 : vector<128x24xf32>
    %sqrt3A_1791 = math.sqrt %add3A_1790 : vector<128x24xf32>
    %concatenate3A_1792 = tpu.concatenate %broadcast_in_dim3A_1762, %sqrt3A_1791, %broadcast_in_dim3A_15 in 1 : vector<128x1xf32>, vector<128x24xf32>, vector<128x7xf32> -> vector<128x32xf32>
    %concatenate3A_1793 = tpu.concatenate %concatenate3A_1792, %concatenate3A_1792, %concatenate3A_1792, %concatenate3A_1792, %concatenate3A_1792, %concatenate3A_1792, %concatenate3A_1792, %concatenate3A_1792, %concatenate3A_1792, %concatenate3A_1792, %concatenate3A_1792, %concatenate3A_1792, %concatenate3A_1792, %concatenate3A_1792, %concatenate3A_1792, %concatenate3A_1792 in 1 : vector<128x32xf32>, vector<128x32xf32>, vector<128x32xf32>, vector<128x32xf32>, vector<128x32xf32>, vector<128x32xf32>, vector<128x32xf32>, vector<128x32xf32>, vector<128x32xf32>, vector<128x32xf32>, vector<128x32xf32>, vector<128x32xf32>, vector<128x32xf32>, vector<128x32xf32>, vector<128x32xf32>, vector<128x32xf32> -> vector<128x512xf32>
    %sub3A_1794 = vector.broadcast %get3A_14 : vector<1x512xf32> to vector<128x512xf32>
    %sub3A_1795 = arith.subf %concatenate3A_1793, %sub3A_1794 : vector<128x512xf32>
    %mul3A_1796 = arith.constant 8.000000e-01 : f32
    %mul3A_1797 = vector.broadcast %mul3A_1796 : f32 to vector<128x512xf32>
    %mul3A_1798 = arith.mulf %sub3A_1795, %mul3A_1797 : vector<128x512xf32>
    %mul3A_1799 = arith.mulf %mul3A_1798, %mul3A_1798 : vector<128x512xf32>
    %neg3A_1800 = arith.constant 0.000000e+00 : f32
    %neg3A_1801 = vector.broadcast %neg3A_1800 : f32 to vector<128x512xf32>
    %neg3A_1802 = arith.subf %neg3A_1801, %mul3A_1799 : vector<128x512xf32>
    %exp3A_1803 = math.exp %neg3A_1802 : vector<128x512xf32>
    %slice3A_1804 = vector.extract_strided_slice %dot_general3A_1779 {offsets = [0, 73], sizes = [128, 1], strides = [1, 1]} : vector<128x128xf32> to vector<128x1xf32>
    %sub3A_1805 = arith.subf %slice3A_18, %slice3A_1804 : vector<128x1xf32>
    %slice3A_1806 = vector.extract_strided_slice %dot_general3A_1779 {offsets = [0, 72], sizes = [128, 1], strides = [1, 1]} : vector<128x128xf32> to vector<128x1xf32>
    %eq3A_1807 = arith.cmpf oeq, %slice3A_16, %slice3A_1806 : vector<128x1xf32>
    %convert_element_type3A_1808 = arith.extui %eq3A_1807 : vector<128x1xi1> to vector<128x1xi32>
    %convert_element_type3A_1809 = arith.sitofp %convert_element_type3A_1808 : vector<128x1xi32> to vector<128x1xf32>
    %add3A_1810 = arith.constant 3.200000e+01 : f32
    %add3A_1811 = vector.broadcast %add3A_1810 : f32 to vector<128x1xf32>
    %add3A_1812 = arith.addf %sub3A_1805, %add3A_1811 : vector<128x1xf32>
    %jit3A_1813 = arith.constant 0.000000e+00 : f32
    %jit3A_1814 = arith.constant 6.400000e+01 : f32
    %max3A_1815 = vector.broadcast %jit3A_1813 : f32 to vector<128x1xf32>
    %max3A_1816 = arith.maximumf %max3A_1815, %add3A_1812 : vector<128x1xf32>
    %min3A_1817 = vector.broadcast %jit3A_1814 : f32 to vector<128x1xf32>
    %min3A_1818 = arith.minimumf %min3A_1817, %max3A_1816 : vector<128x1xf32>
    %mul3A_1819 = arith.mulf %min3A_1818, %convert_element_type3A_1809 : vector<128x1xf32>
    %sub3A_1820 = arith.constant 1.000000e+00 : f32
    %sub3A_1821 = vector.broadcast %sub3A_1820 : f32 to vector<128x1xf32>
    %sub3A_1822 = arith.subf %sub3A_1821, %convert_element_type3A_1809 : vector<128x1xf32>
    %mul3A_1823 = arith.constant 6.500000e+01 : f32
    %mul3A_1824 = vector.broadcast %mul3A_1823 : f32 to vector<128x1xf32>
    %mul3A_1825 = arith.mulf %sub3A_1822, %mul3A_1824 : vector<128x1xf32>
    %add3A_1826 = arith.addf %mul3A_1819, %mul3A_1825 : vector<128x1xf32>
    %convert_element_type3A_1827 = arith.fptosi %add3A_1826 : vector<128x1xf32> to vector<128x1xi32>
    %eq3A_1828 = vector.broadcast %convert_element_type3A_1827 : vector<128x1xi32> to vector<128x128xi32>
    %eq3A_1829 = arith.cmpi eq, %iota3A, %eq3A_1828 : vector<128x128xi32>
    %convert_element_type3A_1830 = arith.extui %eq3A_1829 : vector<128x128xi1> to vector<128x128xi32>
    %convert_element_type3A_1831 = arith.sitofp %convert_element_type3A_1830 : vector<128x128xi32> to vector<128x128xf32>
    %get3A_1832 = arith.constant 0 : index
    %get3A_1833 = arith.constant 0 : index
    %get3A_1834 = vector.load %arg5[%get3A_1832, %get3A_1833] : memref<128x128xf32, #tpu.memory_space<vmem>>, vector<128x128xf32>
    %dot_general3A_1835 = arith.constant dense<0.000000e+00> : vector<128x128xf32>
    %dot_general3A_1836 = tpu.matmul %convert_element_type3A_1831, %get3A_1834, %dot_general3A_1835 {dimension_numbers = #tpu.dot_dimension_numbers<[1], [0], [0], [1], [0, 0, 1, 1], [], []>, transpose_lhs_hint = false} : vector<128x128xf32>, vector<128x128xf32>, vector<128x128xf32> -> vector<128x128xf32>
    %get3A_1837 = arith.constant 0 : index
    %get3A_1838 = arith.constant 0 : index
    %get3A_1839 = vector.load %arg6[%get3A_1837, %get3A_1838] : memref<512x128xf32, #tpu.memory_space<vmem>>, vector<512x128xf32>
    %dot_general3A_1840 = arith.constant dense<0.000000e+00> : vector<128x128xf32>
    %dot_general3A_1841 = tpu.matmul %exp3A_1803, %get3A_1839, %dot_general3A_1840 {dimension_numbers = #tpu.dot_dimension_numbers<[1], [0], [0], [1], [0, 0, 1, 1], [], []>, transpose_lhs_hint = false} : vector<128x512xf32>, vector<512x128xf32>, vector<128x128xf32> -> vector<128x128xf32>
    %add3A_1842 = arith.addf %dot_general3A_1836, %dot_general3A_1841 : vector<128x128xf32>
    %swap3A_1843 = arith.constant 0 : index
    %swap3A_1844 = arith.constant 2560 : index
    %swap3A_1845 = vector.load %arg10[%swap3A_1843, %swap3A_1844] : memref<128x6144xf32, #tpu.memory_space<vmem>>, vector<128x128xf32>
    tpu.vector_store %arg10[%swap3A_1843, %swap3A_1844], %add3A_1842 {strides = array<i32>} : memref<128x6144xf32, #tpu.memory_space<vmem>>, vector<128x128xf32>,
    %reduce_max3A_1846 = arith.constant dense<0xFF800000> : vector<128xf32>
    %reduce_max3A_1847 = vector.multi_reduction <maximumf>, %select_n3A_1777, %reduce_max3A_1846 [1] : vector<128x1024xf32> to vector<128xf32>
    %broadcast_in_dim3A_1848 = vector.shape_cast %reduce_max3A_1847 : vector<128xf32> to vector<128x1xf32>
    %eq3A_1849 = vector.broadcast %broadcast_in_dim3A_1848 : vector<128x1xf32> to vector<128x1024xf32>
    %eq3A_1850 = arith.cmpf oeq, %select_n3A_1777, %eq3A_1849 : vector<128x1024xf32>
    %jit3A_1851 = arith.constant 1024 : i32
    %broadcast_in_dim3A_1852 = vector.broadcast %jit3A_1851 : i32 to vector<128x1024xi32>
    %select_n3A_1853 = arith.select %eq3A_1850, %iota3A_48, %broadcast_in_dim3A_1852 : vector<128x1024xi1>, vector<128x1024xi32>
    %reduce_min3A_1854 = arith.constant dense<2147483647> : vector<128xi32>
    %reduce_min3A_1855 = vector.multi_reduction <minsi>, %select_n3A_1853, %reduce_min3A_1854 [1] : vector<128x1024xi32> to vector<128xi32>
    %broadcast_in_dim3A_1856 = vector.shape_cast %reduce_min3A_1855 : vector<128xi32> to vector<128x1xi32>
    %eq3A_1857 = vector.broadcast %broadcast_in_dim3A_1856 : vector<128x1xi32> to vector<128x1024xi32>
    %eq3A_1858 = arith.cmpi eq, %iota3A_48, %eq3A_1857 : vector<128x1024xi32>
    %convert_element_type3A_1859 = arith.extui %eq3A_1858 : vector<128x1024xi1> to vector<128x1024xi32>
    %convert_element_type3A_1860 = arith.sitofp %convert_element_type3A_1859 : vector<128x1024xi32> to vector<128x1024xf32>
    %jit3A_1861 = arith.constant 0xFF800000 : f32
    %broadcast_in_dim3A_1862 = vector.broadcast %jit3A_1861 : f32 to vector<128x1024xf32>
    %select_n3A_1863 = arith.select %eq3A_1858, %broadcast_in_dim3A_1862, %select_n3A_1777 : vector<128x1024xi1>, vector<128x1024xf32>
    %dot_general3A_1864 = arith.constant dense<0.000000e+00> : vector<128x128xf32>
    %dot_general3A_1865 = tpu.matmul %convert_element_type3A_1860, %get3A_11, %dot_general3A_1864 {dimension_numbers = #tpu.dot_dimension_numbers<[1], [0], [0], [1], [0, 0, 1, 1], [], []>, precision = #tpu.contract_precision<fp32>, transpose_lhs_hint = false} : vector<128x1024xf32>, vector<1024x128xf32>, vector<128x128xf32> -> vector<128x128xf32>
    %slice3A_1866 = vector.extract_strided_slice %dot_general3A_1865 {offsets = [0, 0], sizes = [128, 72], strides = [1, 1]} : vector<128x128xf32> to vector<128x72xf32>
    %sub3A_1867 = arith.subf %slice3A, %slice3A_1866 : vector<128x72xf32>
    %mul3A_1868 = arith.mulf %sub3A_1867, %sub3A_1867 : vector<128x72xf32>
    %slice3A_1869 = vector.extract_strided_slice %mul3A_1868 {offsets = [0, 0], sizes = [128, 24], strides = [1, 1]} : vector<128x72xf32> to vector<128x24xf32>
    %slice3A_1870 = vector.extract_strided_slice %mul3A_1868 {offsets = [0, 24], sizes = [128, 24], strides = [1, 1]} : vector<128x72xf32> to vector<128x24xf32>
    %add3A_1871 = arith.addf %slice3A_1869, %slice3A_1870 : vector<128x24xf32>
    %slice3A_1872 = vector.extract_strided_slice %mul3A_1868 {offsets = [0, 48], sizes = [128, 24], strides = [1, 1]} : vector<128x72xf32> to vector<128x24xf32>
    %add3A_1873 = arith.addf %add3A_1871, %slice3A_1872 : vector<128x24xf32>
    %add3A_1874 = arith.constant 9.99999997E-7 : f32
    %add3A_1875 = vector.broadcast %add3A_1874 : f32 to vector<128x24xf32>
    %add3A_1876 = arith.addf %add3A_1873, %add3A_1875 : vector<128x24xf32>
    %sqrt3A_1877 = math.sqrt %add3A_1876 : vector<128x24xf32>
    %concatenate3A_1878 = tpu.concatenate %broadcast_in_dim3A_1848, %sqrt3A_1877, %broadcast_in_dim3A_15 in 1 : vector<128x1xf32>, vector<128x24xf32>, vector<128x7xf32> -> vector<128x32xf32>
    %concatenate3A_1879 = tpu.concatenate %concatenate3A_1878, %concatenate3A_1878, %concatenate3A_1878, %concatenate3A_1878, %concatenate3A_1878, %concatenate3A_1878, %concatenate3A_1878, %concatenate3A_1878, %concatenate3A_1878, %concatenate3A_1878, %concatenate3A_1878, %concatenate3A_1878, %concatenate3A_1878, %concatenate3A_1878, %concatenate3A_1878, %concatenate3A_1878 in 1 : vector<128x32xf32>, vector<128x32xf32>, vector<128x32xf32>, vector<128x32xf32>, vector<128x32xf32>, vector<128x32xf32>, vector<128x32xf32>, vector<128x32xf32>, vector<128x32xf32>, vector<128x32xf32>, vector<128x32xf32>, vector<128x32xf32>, vector<128x32xf32>, vector<128x32xf32>, vector<128x32xf32>, vector<128x32xf32> -> vector<128x512xf32>
    %sub3A_1880 = vector.broadcast %get3A_14 : vector<1x512xf32> to vector<128x512xf32>
    %sub3A_1881 = arith.subf %concatenate3A_1879, %sub3A_1880 : vector<128x512xf32>
    %mul3A_1882 = arith.constant 8.000000e-01 : f32
    %mul3A_1883 = vector.broadcast %mul3A_1882 : f32 to vector<128x512xf32>
    %mul3A_1884 = arith.mulf %sub3A_1881, %mul3A_1883 : vector<128x512xf32>
    %mul3A_1885 = arith.mulf %mul3A_1884, %mul3A_1884 : vector<128x512xf32>
    %neg3A_1886 = arith.constant 0.000000e+00 : f32
    %neg3A_1887 = vector.broadcast %neg3A_1886 : f32 to vector<128x512xf32>
    %neg3A_1888 = arith.subf %neg3A_1887, %mul3A_1885 : vector<128x512xf32>
    %exp3A_1889 = math.exp %neg3A_1888 : vector<128x512xf32>
    %slice3A_1890 = vector.extract_strided_slice %dot_general3A_1865 {offsets = [0, 73], sizes = [128, 1], strides = [1, 1]} : vector<128x128xf32> to vector<128x1xf32>
    %sub3A_1891 = arith.subf %slice3A_18, %slice3A_1890 : vector<128x1xf32>
    %slice3A_1892 = vector.extract_strided_slice %dot_general3A_1865 {offsets = [0, 72], sizes = [128, 1], strides = [1, 1]} : vector<128x128xf32> to vector<128x1xf32>
    %eq3A_1893 = arith.cmpf oeq, %slice3A_16, %slice3A_1892 : vector<128x1xf32>
    %convert_element_type3A_1894 = arith.extui %eq3A_1893 : vector<128x1xi1> to vector<128x1xi32>
    %convert_element_type3A_1895 = arith.sitofp %convert_element_type3A_1894 : vector<128x1xi32> to vector<128x1xf32>
    %add3A_1896 = arith.constant 3.200000e+01 : f32
    %add3A_1897 = vector.broadcast %add3A_1896 : f32 to vector<128x1xf32>
    %add3A_1898 = arith.addf %sub3A_1891, %add3A_1897 : vector<128x1xf32>
    %jit3A_1899 = arith.constant 0.000000e+00 : f32
    %jit3A_1900 = arith.constant 6.400000e+01 : f32
    %max3A_1901 = vector.broadcast %jit3A_1899 : f32 to vector<128x1xf32>
    %max3A_1902 = arith.maximumf %max3A_1901, %add3A_1898 : vector<128x1xf32>
    %min3A_1903 = vector.broadcast %jit3A_1900 : f32 to vector<128x1xf32>
    %min3A_1904 = arith.minimumf %min3A_1903, %max3A_1902 : vector<128x1xf32>
    %mul3A_1905 = arith.mulf %min3A_1904, %convert_element_type3A_1895 : vector<128x1xf32>
    %sub3A_1906 = arith.constant 1.000000e+00 : f32
    %sub3A_1907 = vector.broadcast %sub3A_1906 : f32 to vector<128x1xf32>
    %sub3A_1908 = arith.subf %sub3A_1907, %convert_element_type3A_1895 : vector<128x1xf32>
    %mul3A_1909 = arith.constant 6.500000e+01 : f32
    %mul3A_1910 = vector.broadcast %mul3A_1909 : f32 to vector<128x1xf32>
    %mul3A_1911 = arith.mulf %sub3A_1908, %mul3A_1910 : vector<128x1xf32>
    %add3A_1912 = arith.addf %mul3A_1905, %mul3A_1911 : vector<128x1xf32>
    %convert_element_type3A_1913 = arith.fptosi %add3A_1912 : vector<128x1xf32> to vector<128x1xi32>
    %eq3A_1914 = vector.broadcast %convert_element_type3A_1913 : vector<128x1xi32> to vector<128x128xi32>
    %eq3A_1915 = arith.cmpi eq, %iota3A, %eq3A_1914 : vector<128x128xi32>
    %convert_element_type3A_1916 = arith.extui %eq3A_1915 : vector<128x128xi1> to vector<128x128xi32>
    %convert_element_type3A_1917 = arith.sitofp %convert_element_type3A_1916 : vector<128x128xi32> to vector<128x128xf32>
    %get3A_1918 = arith.constant 0 : index
    %get3A_1919 = arith.constant 0 : index
    %get3A_1920 = vector.load %arg5[%get3A_1918, %get3A_1919] : memref<128x128xf32, #tpu.memory_space<vmem>>, vector<128x128xf32>
    %dot_general3A_1921 = arith.constant dense<0.000000e+00> : vector<128x128xf32>
    %dot_general3A_1922 = tpu.matmul %convert_element_type3A_1917, %get3A_1920, %dot_general3A_1921 {dimension_numbers = #tpu.dot_dimension_numbers<[1], [0], [0], [1], [0, 0, 1, 1], [], []>, transpose_lhs_hint = false} : vector<128x128xf32>, vector<128x128xf32>, vector<128x128xf32> -> vector<128x128xf32>
    %get3A_1923 = arith.constant 0 : index
    %get3A_1924 = arith.constant 0 : index
    %get3A_1925 = vector.load %arg6[%get3A_1923, %get3A_1924] : memref<512x128xf32, #tpu.memory_space<vmem>>, vector<512x128xf32>
    %dot_general3A_1926 = arith.constant dense<0.000000e+00> : vector<128x128xf32>
    %dot_general3A_1927 = tpu.matmul %exp3A_1889, %get3A_1925, %dot_general3A_1926 {dimension_numbers = #tpu.dot_dimension_numbers<[1], [0], [0], [1], [0, 0, 1, 1], [], []>, transpose_lhs_hint = false} : vector<128x512xf32>, vector<512x128xf32>, vector<128x128xf32> -> vector<128x128xf32>
    %add3A_1928 = arith.addf %dot_general3A_1922, %dot_general3A_1927 : vector<128x128xf32>
    %swap3A_1929 = arith.constant 0 : index
    %swap3A_1930 = arith.constant 2688 : index
    %swap3A_1931 = vector.load %arg10[%swap3A_1929, %swap3A_1930] : memref<128x6144xf32, #tpu.memory_space<vmem>>, vector<128x128xf32>
    tpu.vector_store %arg10[%swap3A_1929, %swap3A_1930], %add3A_1928 {strides = array<i32>} : memref<128x6144xf32, #tpu.memory_space<vmem>>, vector<128x128xf32>,
    %reduce_max3A_1932 = arith.constant dense<0xFF800000> : vector<128xf32>
    %reduce_max3A_1933 = vector.multi_reduction <maximumf>, %select_n3A_1863, %reduce_max3A_1932 [1] : vector<128x1024xf32> to vector<128xf32>
    %broadcast_in_dim3A_1934 = vector.shape_cast %reduce_max3A_1933 : vector<128xf32> to vector<128x1xf32>
    %eq3A_1935 = vector.broadcast %broadcast_in_dim3A_1934 : vector<128x1xf32> to vector<128x1024xf32>
    %eq3A_1936 = arith.cmpf oeq, %select_n3A_1863, %eq3A_1935 : vector<128x1024xf32>
    %jit3A_1937 = arith.constant 1024 : i32
    %broadcast_in_dim3A_1938 = vector.broadcast %jit3A_1937 : i32 to vector<128x1024xi32>
    %select_n3A_1939 = arith.select %eq3A_1936, %iota3A_48, %broadcast_in_dim3A_1938 : vector<128x1024xi1>, vector<128x1024xi32>
    %reduce_min3A_1940 = arith.constant dense<2147483647> : vector<128xi32>
    %reduce_min3A_1941 = vector.multi_reduction <minsi>, %select_n3A_1939, %reduce_min3A_1940 [1] : vector<128x1024xi32> to vector<128xi32>
    %broadcast_in_dim3A_1942 = vector.shape_cast %reduce_min3A_1941 : vector<128xi32> to vector<128x1xi32>
    %eq3A_1943 = vector.broadcast %broadcast_in_dim3A_1942 : vector<128x1xi32> to vector<128x1024xi32>
    %eq3A_1944 = arith.cmpi eq, %iota3A_48, %eq3A_1943 : vector<128x1024xi32>
    %convert_element_type3A_1945 = arith.extui %eq3A_1944 : vector<128x1024xi1> to vector<128x1024xi32>
    %convert_element_type3A_1946 = arith.sitofp %convert_element_type3A_1945 : vector<128x1024xi32> to vector<128x1024xf32>
    %jit3A_1947 = arith.constant 0xFF800000 : f32
    %broadcast_in_dim3A_1948 = vector.broadcast %jit3A_1947 : f32 to vector<128x1024xf32>
    %select_n3A_1949 = arith.select %eq3A_1944, %broadcast_in_dim3A_1948, %select_n3A_1863 : vector<128x1024xi1>, vector<128x1024xf32>
    %dot_general3A_1950 = arith.constant dense<0.000000e+00> : vector<128x128xf32>
    %dot_general3A_1951 = tpu.matmul %convert_element_type3A_1946, %get3A_11, %dot_general3A_1950 {dimension_numbers = #tpu.dot_dimension_numbers<[1], [0], [0], [1], [0, 0, 1, 1], [], []>, precision = #tpu.contract_precision<fp32>, transpose_lhs_hint = false} : vector<128x1024xf32>, vector<1024x128xf32>, vector<128x128xf32> -> vector<128x128xf32>
    %slice3A_1952 = vector.extract_strided_slice %dot_general3A_1951 {offsets = [0, 0], sizes = [128, 72], strides = [1, 1]} : vector<128x128xf32> to vector<128x72xf32>
    %sub3A_1953 = arith.subf %slice3A, %slice3A_1952 : vector<128x72xf32>
    %mul3A_1954 = arith.mulf %sub3A_1953, %sub3A_1953 : vector<128x72xf32>
    %slice3A_1955 = vector.extract_strided_slice %mul3A_1954 {offsets = [0, 0], sizes = [128, 24], strides = [1, 1]} : vector<128x72xf32> to vector<128x24xf32>
    %slice3A_1956 = vector.extract_strided_slice %mul3A_1954 {offsets = [0, 24], sizes = [128, 24], strides = [1, 1]} : vector<128x72xf32> to vector<128x24xf32>
    %add3A_1957 = arith.addf %slice3A_1955, %slice3A_1956 : vector<128x24xf32>
    %slice3A_1958 = vector.extract_strided_slice %mul3A_1954 {offsets = [0, 48], sizes = [128, 24], strides = [1, 1]} : vector<128x72xf32> to vector<128x24xf32>
    %add3A_1959 = arith.addf %add3A_1957, %slice3A_1958 : vector<128x24xf32>
    %add3A_1960 = arith.constant 9.99999997E-7 : f32
    %add3A_1961 = vector.broadcast %add3A_1960 : f32 to vector<128x24xf32>
    %add3A_1962 = arith.addf %add3A_1959, %add3A_1961 : vector<128x24xf32>
    %sqrt3A_1963 = math.sqrt %add3A_1962 : vector<128x24xf32>
    %concatenate3A_1964 = tpu.concatenate %broadcast_in_dim3A_1934, %sqrt3A_1963, %broadcast_in_dim3A_15 in 1 : vector<128x1xf32>, vector<128x24xf32>, vector<128x7xf32> -> vector<128x32xf32>
    %concatenate3A_1965 = tpu.concatenate %concatenate3A_1964, %concatenate3A_1964, %concatenate3A_1964, %concatenate3A_1964, %concatenate3A_1964, %concatenate3A_1964, %concatenate3A_1964, %concatenate3A_1964, %concatenate3A_1964, %concatenate3A_1964, %concatenate3A_1964, %concatenate3A_1964, %concatenate3A_1964, %concatenate3A_1964, %concatenate3A_1964, %concatenate3A_1964 in 1 : vector<128x32xf32>, vector<128x32xf32>, vector<128x32xf32>, vector<128x32xf32>, vector<128x32xf32>, vector<128x32xf32>, vector<128x32xf32>, vector<128x32xf32>, vector<128x32xf32>, vector<128x32xf32>, vector<128x32xf32>, vector<128x32xf32>, vector<128x32xf32>, vector<128x32xf32>, vector<128x32xf32>, vector<128x32xf32> -> vector<128x512xf32>
    %sub3A_1966 = vector.broadcast %get3A_14 : vector<1x512xf32> to vector<128x512xf32>
    %sub3A_1967 = arith.subf %concatenate3A_1965, %sub3A_1966 : vector<128x512xf32>
    %mul3A_1968 = arith.constant 8.000000e-01 : f32
    %mul3A_1969 = vector.broadcast %mul3A_1968 : f32 to vector<128x512xf32>
    %mul3A_1970 = arith.mulf %sub3A_1967, %mul3A_1969 : vector<128x512xf32>
    %mul3A_1971 = arith.mulf %mul3A_1970, %mul3A_1970 : vector<128x512xf32>
    %neg3A_1972 = arith.constant 0.000000e+00 : f32
    %neg3A_1973 = vector.broadcast %neg3A_1972 : f32 to vector<128x512xf32>
    %neg3A_1974 = arith.subf %neg3A_1973, %mul3A_1971 : vector<128x512xf32>
    %exp3A_1975 = math.exp %neg3A_1974 : vector<128x512xf32>
    %slice3A_1976 = vector.extract_strided_slice %dot_general3A_1951 {offsets = [0, 73], sizes = [128, 1], strides = [1, 1]} : vector<128x128xf32> to vector<128x1xf32>
    %sub3A_1977 = arith.subf %slice3A_18, %slice3A_1976 : vector<128x1xf32>
    %slice3A_1978 = vector.extract_strided_slice %dot_general3A_1951 {offsets = [0, 72], sizes = [128, 1], strides = [1, 1]} : vector<128x128xf32> to vector<128x1xf32>
    %eq3A_1979 = arith.cmpf oeq, %slice3A_16, %slice3A_1978 : vector<128x1xf32>
    %convert_element_type3A_1980 = arith.extui %eq3A_1979 : vector<128x1xi1> to vector<128x1xi32>
    %convert_element_type3A_1981 = arith.sitofp %convert_element_type3A_1980 : vector<128x1xi32> to vector<128x1xf32>
    %add3A_1982 = arith.constant 3.200000e+01 : f32
    %add3A_1983 = vector.broadcast %add3A_1982 : f32 to vector<128x1xf32>
    %add3A_1984 = arith.addf %sub3A_1977, %add3A_1983 : vector<128x1xf32>
    %jit3A_1985 = arith.constant 0.000000e+00 : f32
    %jit3A_1986 = arith.constant 6.400000e+01 : f32
    %max3A_1987 = vector.broadcast %jit3A_1985 : f32 to vector<128x1xf32>
    %max3A_1988 = arith.maximumf %max3A_1987, %add3A_1984 : vector<128x1xf32>
    %min3A_1989 = vector.broadcast %jit3A_1986 : f32 to vector<128x1xf32>
    %min3A_1990 = arith.minimumf %min3A_1989, %max3A_1988 : vector<128x1xf32>
    %mul3A_1991 = arith.mulf %min3A_1990, %convert_element_type3A_1981 : vector<128x1xf32>
    %sub3A_1992 = arith.constant 1.000000e+00 : f32
    %sub3A_1993 = vector.broadcast %sub3A_1992 : f32 to vector<128x1xf32>
    %sub3A_1994 = arith.subf %sub3A_1993, %convert_element_type3A_1981 : vector<128x1xf32>
    %mul3A_1995 = arith.constant 6.500000e+01 : f32
    %mul3A_1996 = vector.broadcast %mul3A_1995 : f32 to vector<128x1xf32>
    %mul3A_1997 = arith.mulf %sub3A_1994, %mul3A_1996 : vector<128x1xf32>
    %add3A_1998 = arith.addf %mul3A_1991, %mul3A_1997 : vector<128x1xf32>
    %convert_element_type3A_1999 = arith.fptosi %add3A_1998 : vector<128x1xf32> to vector<128x1xi32>
    %eq3A_2000 = vector.broadcast %convert_element_type3A_1999 : vector<128x1xi32> to vector<128x128xi32>
    %eq3A_2001 = arith.cmpi eq, %iota3A, %eq3A_2000 : vector<128x128xi32>
    %convert_element_type3A_2002 = arith.extui %eq3A_2001 : vector<128x128xi1> to vector<128x128xi32>
    %convert_element_type3A_2003 = arith.sitofp %convert_element_type3A_2002 : vector<128x128xi32> to vector<128x128xf32>
    %get3A_2004 = arith.constant 0 : index
    %get3A_2005 = arith.constant 0 : index
    %get3A_2006 = vector.load %arg5[%get3A_2004, %get3A_2005] : memref<128x128xf32, #tpu.memory_space<vmem>>, vector<128x128xf32>
    %dot_general3A_2007 = arith.constant dense<0.000000e+00> : vector<128x128xf32>
    %dot_general3A_2008 = tpu.matmul %convert_element_type3A_2003, %get3A_2006, %dot_general3A_2007 {dimension_numbers = #tpu.dot_dimension_numbers<[1], [0], [0], [1], [0, 0, 1, 1], [], []>, transpose_lhs_hint = false} : vector<128x128xf32>, vector<128x128xf32>, vector<128x128xf32> -> vector<128x128xf32>
    %get3A_2009 = arith.constant 0 : index
    %get3A_2010 = arith.constant 0 : index
    %get3A_2011 = vector.load %arg6[%get3A_2009, %get3A_2010] : memref<512x128xf32, #tpu.memory_space<vmem>>, vector<512x128xf32>
    %dot_general3A_2012 = arith.constant dense<0.000000e+00> : vector<128x128xf32>
    %dot_general3A_2013 = tpu.matmul %exp3A_1975, %get3A_2011, %dot_general3A_2012 {dimension_numbers = #tpu.dot_dimension_numbers<[1], [0], [0], [1], [0, 0, 1, 1], [], []>, transpose_lhs_hint = false} : vector<128x512xf32>, vector<512x128xf32>, vector<128x128xf32> -> vector<128x128xf32>
    %add3A_2014 = arith.addf %dot_general3A_2008, %dot_general3A_2013 : vector<128x128xf32>
    %swap3A_2015 = arith.constant 0 : index
    %swap3A_2016 = arith.constant 2816 : index
    %swap3A_2017 = vector.load %arg10[%swap3A_2015, %swap3A_2016] : memref<128x6144xf32, #tpu.memory_space<vmem>>, vector<128x128xf32>
    tpu.vector_store %arg10[%swap3A_2015, %swap3A_2016], %add3A_2014 {strides = array<i32>} : memref<128x6144xf32, #tpu.memory_space<vmem>>, vector<128x128xf32>,
    %reduce_max3A_2018 = arith.constant dense<0xFF800000> : vector<128xf32>
    %reduce_max3A_2019 = vector.multi_reduction <maximumf>, %select_n3A_1949, %reduce_max3A_2018 [1] : vector<128x1024xf32> to vector<128xf32>
    %broadcast_in_dim3A_2020 = vector.shape_cast %reduce_max3A_2019 : vector<128xf32> to vector<128x1xf32>
    %eq3A_2021 = vector.broadcast %broadcast_in_dim3A_2020 : vector<128x1xf32> to vector<128x1024xf32>
    %eq3A_2022 = arith.cmpf oeq, %select_n3A_1949, %eq3A_2021 : vector<128x1024xf32>
    %jit3A_2023 = arith.constant 1024 : i32
    %broadcast_in_dim3A_2024 = vector.broadcast %jit3A_2023 : i32 to vector<128x1024xi32>
    %select_n3A_2025 = arith.select %eq3A_2022, %iota3A_48, %broadcast_in_dim3A_2024 : vector<128x1024xi1>, vector<128x1024xi32>
    %reduce_min3A_2026 = arith.constant dense<2147483647> : vector<128xi32>
    %reduce_min3A_2027 = vector.multi_reduction <minsi>, %select_n3A_2025, %reduce_min3A_2026 [1] : vector<128x1024xi32> to vector<128xi32>
    %broadcast_in_dim3A_2028 = vector.shape_cast %reduce_min3A_2027 : vector<128xi32> to vector<128x1xi32>
    %eq3A_2029 = vector.broadcast %broadcast_in_dim3A_2028 : vector<128x1xi32> to vector<128x1024xi32>
    %eq3A_2030 = arith.cmpi eq, %iota3A_48, %eq3A_2029 : vector<128x1024xi32>
    %convert_element_type3A_2031 = arith.extui %eq3A_2030 : vector<128x1024xi1> to vector<128x1024xi32>
    %convert_element_type3A_2032 = arith.sitofp %convert_element_type3A_2031 : vector<128x1024xi32> to vector<128x1024xf32>
    %jit3A_2033 = arith.constant 0xFF800000 : f32
    %broadcast_in_dim3A_2034 = vector.broadcast %jit3A_2033 : f32 to vector<128x1024xf32>
    %select_n3A_2035 = arith.select %eq3A_2030, %broadcast_in_dim3A_2034, %select_n3A_1949 : vector<128x1024xi1>, vector<128x1024xf32>
    %dot_general3A_2036 = arith.constant dense<0.000000e+00> : vector<128x128xf32>
    %dot_general3A_2037 = tpu.matmul %convert_element_type3A_2032, %get3A_11, %dot_general3A_2036 {dimension_numbers = #tpu.dot_dimension_numbers<[1], [0], [0], [1], [0, 0, 1, 1], [], []>, precision = #tpu.contract_precision<fp32>, transpose_lhs_hint = false} : vector<128x1024xf32>, vector<1024x128xf32>, vector<128x128xf32> -> vector<128x128xf32>
    %slice3A_2038 = vector.extract_strided_slice %dot_general3A_2037 {offsets = [0, 0], sizes = [128, 72], strides = [1, 1]} : vector<128x128xf32> to vector<128x72xf32>
    %sub3A_2039 = arith.subf %slice3A, %slice3A_2038 : vector<128x72xf32>
    %mul3A_2040 = arith.mulf %sub3A_2039, %sub3A_2039 : vector<128x72xf32>
    %slice3A_2041 = vector.extract_strided_slice %mul3A_2040 {offsets = [0, 0], sizes = [128, 24], strides = [1, 1]} : vector<128x72xf32> to vector<128x24xf32>
    %slice3A_2042 = vector.extract_strided_slice %mul3A_2040 {offsets = [0, 24], sizes = [128, 24], strides = [1, 1]} : vector<128x72xf32> to vector<128x24xf32>
    %add3A_2043 = arith.addf %slice3A_2041, %slice3A_2042 : vector<128x24xf32>
    %slice3A_2044 = vector.extract_strided_slice %mul3A_2040 {offsets = [0, 48], sizes = [128, 24], strides = [1, 1]} : vector<128x72xf32> to vector<128x24xf32>
    %add3A_2045 = arith.addf %add3A_2043, %slice3A_2044 : vector<128x24xf32>
    %add3A_2046 = arith.constant 9.99999997E-7 : f32
    %add3A_2047 = vector.broadcast %add3A_2046 : f32 to vector<128x24xf32>
    %add3A_2048 = arith.addf %add3A_2045, %add3A_2047 : vector<128x24xf32>
    %sqrt3A_2049 = math.sqrt %add3A_2048 : vector<128x24xf32>
    %concatenate3A_2050 = tpu.concatenate %broadcast_in_dim3A_2020, %sqrt3A_2049, %broadcast_in_dim3A_15 in 1 : vector<128x1xf32>, vector<128x24xf32>, vector<128x7xf32> -> vector<128x32xf32>
    %concatenate3A_2051 = tpu.concatenate %concatenate3A_2050, %concatenate3A_2050, %concatenate3A_2050, %concatenate3A_2050, %concatenate3A_2050, %concatenate3A_2050, %concatenate3A_2050, %concatenate3A_2050, %concatenate3A_2050, %concatenate3A_2050, %concatenate3A_2050, %concatenate3A_2050, %concatenate3A_2050, %concatenate3A_2050, %concatenate3A_2050, %concatenate3A_2050 in 1 : vector<128x32xf32>, vector<128x32xf32>, vector<128x32xf32>, vector<128x32xf32>, vector<128x32xf32>, vector<128x32xf32>, vector<128x32xf32>, vector<128x32xf32>, vector<128x32xf32>, vector<128x32xf32>, vector<128x32xf32>, vector<128x32xf32>, vector<128x32xf32>, vector<128x32xf32>, vector<128x32xf32>, vector<128x32xf32> -> vector<128x512xf32>
    %sub3A_2052 = vector.broadcast %get3A_14 : vector<1x512xf32> to vector<128x512xf32>
    %sub3A_2053 = arith.subf %concatenate3A_2051, %sub3A_2052 : vector<128x512xf32>
    %mul3A_2054 = arith.constant 8.000000e-01 : f32
    %mul3A_2055 = vector.broadcast %mul3A_2054 : f32 to vector<128x512xf32>
    %mul3A_2056 = arith.mulf %sub3A_2053, %mul3A_2055 : vector<128x512xf32>
    %mul3A_2057 = arith.mulf %mul3A_2056, %mul3A_2056 : vector<128x512xf32>
    %neg3A_2058 = arith.constant 0.000000e+00 : f32
    %neg3A_2059 = vector.broadcast %neg3A_2058 : f32 to vector<128x512xf32>
    %neg3A_2060 = arith.subf %neg3A_2059, %mul3A_2057 : vector<128x512xf32>
    %exp3A_2061 = math.exp %neg3A_2060 : vector<128x512xf32>
    %slice3A_2062 = vector.extract_strided_slice %dot_general3A_2037 {offsets = [0, 73], sizes = [128, 1], strides = [1, 1]} : vector<128x128xf32> to vector<128x1xf32>
    %sub3A_2063 = arith.subf %slice3A_18, %slice3A_2062 : vector<128x1xf32>
    %slice3A_2064 = vector.extract_strided_slice %dot_general3A_2037 {offsets = [0, 72], sizes = [128, 1], strides = [1, 1]} : vector<128x128xf32> to vector<128x1xf32>
    %eq3A_2065 = arith.cmpf oeq, %slice3A_16, %slice3A_2064 : vector<128x1xf32>
    %convert_element_type3A_2066 = arith.extui %eq3A_2065 : vector<128x1xi1> to vector<128x1xi32>
    %convert_element_type3A_2067 = arith.sitofp %convert_element_type3A_2066 : vector<128x1xi32> to vector<128x1xf32>
    %add3A_2068 = arith.constant 3.200000e+01 : f32
    %add3A_2069 = vector.broadcast %add3A_2068 : f32 to vector<128x1xf32>
    %add3A_2070 = arith.addf %sub3A_2063, %add3A_2069 : vector<128x1xf32>
    %jit3A_2071 = arith.constant 0.000000e+00 : f32
    %jit3A_2072 = arith.constant 6.400000e+01 : f32
    %max3A_2073 = vector.broadcast %jit3A_2071 : f32 to vector<128x1xf32>
    %max3A_2074 = arith.maximumf %max3A_2073, %add3A_2070 : vector<128x1xf32>
    %min3A_2075 = vector.broadcast %jit3A_2072 : f32 to vector<128x1xf32>
    %min3A_2076 = arith.minimumf %min3A_2075, %max3A_2074 : vector<128x1xf32>
    %mul3A_2077 = arith.mulf %min3A_2076, %convert_element_type3A_2067 : vector<128x1xf32>
    %sub3A_2078 = arith.constant 1.000000e+00 : f32
    %sub3A_2079 = vector.broadcast %sub3A_2078 : f32 to vector<128x1xf32>
    %sub3A_2080 = arith.subf %sub3A_2079, %convert_element_type3A_2067 : vector<128x1xf32>
    %mul3A_2081 = arith.constant 6.500000e+01 : f32
    %mul3A_2082 = vector.broadcast %mul3A_2081 : f32 to vector<128x1xf32>
    %mul3A_2083 = arith.mulf %sub3A_2080, %mul3A_2082 : vector<128x1xf32>
    %add3A_2084 = arith.addf %mul3A_2077, %mul3A_2083 : vector<128x1xf32>
    %convert_element_type3A_2085 = arith.fptosi %add3A_2084 : vector<128x1xf32> to vector<128x1xi32>
    %eq3A_2086 = vector.broadcast %convert_element_type3A_2085 : vector<128x1xi32> to vector<128x128xi32>
    %eq3A_2087 = arith.cmpi eq, %iota3A, %eq3A_2086 : vector<128x128xi32>
    %convert_element_type3A_2088 = arith.extui %eq3A_2087 : vector<128x128xi1> to vector<128x128xi32>
    %convert_element_type3A_2089 = arith.sitofp %convert_element_type3A_2088 : vector<128x128xi32> to vector<128x128xf32>
    %get3A_2090 = arith.constant 0 : index
    %get3A_2091 = arith.constant 0 : index
    %get3A_2092 = vector.load %arg5[%get3A_2090, %get3A_2091] : memref<128x128xf32, #tpu.memory_space<vmem>>, vector<128x128xf32>
    %dot_general3A_2093 = arith.constant dense<0.000000e+00> : vector<128x128xf32>
    %dot_general3A_2094 = tpu.matmul %convert_element_type3A_2089, %get3A_2092, %dot_general3A_2093 {dimension_numbers = #tpu.dot_dimension_numbers<[1], [0], [0], [1], [0, 0, 1, 1], [], []>, transpose_lhs_hint = false} : vector<128x128xf32>, vector<128x128xf32>, vector<128x128xf32> -> vector<128x128xf32>
    %get3A_2095 = arith.constant 0 : index
    %get3A_2096 = arith.constant 0 : index
    %get3A_2097 = vector.load %arg6[%get3A_2095, %get3A_2096] : memref<512x128xf32, #tpu.memory_space<vmem>>, vector<512x128xf32>
    %dot_general3A_2098 = arith.constant dense<0.000000e+00> : vector<128x128xf32>
    %dot_general3A_2099 = tpu.matmul %exp3A_2061, %get3A_2097, %dot_general3A_2098 {dimension_numbers = #tpu.dot_dimension_numbers<[1], [0], [0], [1], [0, 0, 1, 1], [], []>, transpose_lhs_hint = false} : vector<128x512xf32>, vector<512x128xf32>, vector<128x128xf32> -> vector<128x128xf32>
    %add3A_2100 = arith.addf %dot_general3A_2094, %dot_general3A_2099 : vector<128x128xf32>
    %swap3A_2101 = arith.constant 0 : index
    %swap3A_2102 = arith.constant 2944 : index
    %swap3A_2103 = vector.load %arg10[%swap3A_2101, %swap3A_2102] : memref<128x6144xf32, #tpu.memory_space<vmem>>, vector<128x128xf32>
    tpu.vector_store %arg10[%swap3A_2101, %swap3A_2102], %add3A_2100 {strides = array<i32>} : memref<128x6144xf32, #tpu.memory_space<vmem>>, vector<128x128xf32>,
    %reduce_max3A_2104 = arith.constant dense<0xFF800000> : vector<128xf32>
    %reduce_max3A_2105 = vector.multi_reduction <maximumf>, %select_n3A_2035, %reduce_max3A_2104 [1] : vector<128x1024xf32> to vector<128xf32>
    %broadcast_in_dim3A_2106 = vector.shape_cast %reduce_max3A_2105 : vector<128xf32> to vector<128x1xf32>
    %eq3A_2107 = vector.broadcast %broadcast_in_dim3A_2106 : vector<128x1xf32> to vector<128x1024xf32>
    %eq3A_2108 = arith.cmpf oeq, %select_n3A_2035, %eq3A_2107 : vector<128x1024xf32>
    %jit3A_2109 = arith.constant 1024 : i32
    %broadcast_in_dim3A_2110 = vector.broadcast %jit3A_2109 : i32 to vector<128x1024xi32>
    %select_n3A_2111 = arith.select %eq3A_2108, %iota3A_48, %broadcast_in_dim3A_2110 : vector<128x1024xi1>, vector<128x1024xi32>
    %reduce_min3A_2112 = arith.constant dense<2147483647> : vector<128xi32>
    %reduce_min3A_2113 = vector.multi_reduction <minsi>, %select_n3A_2111, %reduce_min3A_2112 [1] : vector<128x1024xi32> to vector<128xi32>
    %broadcast_in_dim3A_2114 = vector.shape_cast %reduce_min3A_2113 : vector<128xi32> to vector<128x1xi32>
    %eq3A_2115 = vector.broadcast %broadcast_in_dim3A_2114 : vector<128x1xi32> to vector<128x1024xi32>
    %eq3A_2116 = arith.cmpi eq, %iota3A_48, %eq3A_2115 : vector<128x1024xi32>
    %convert_element_type3A_2117 = arith.extui %eq3A_2116 : vector<128x1024xi1> to vector<128x1024xi32>
    %convert_element_type3A_2118 = arith.sitofp %convert_element_type3A_2117 : vector<128x1024xi32> to vector<128x1024xf32>
    %jit3A_2119 = arith.constant 0xFF800000 : f32
    %broadcast_in_dim3A_2120 = vector.broadcast %jit3A_2119 : f32 to vector<128x1024xf32>
    %select_n3A_2121 = arith.select %eq3A_2116, %broadcast_in_dim3A_2120, %select_n3A_2035 : vector<128x1024xi1>, vector<128x1024xf32>
    %dot_general3A_2122 = arith.constant dense<0.000000e+00> : vector<128x128xf32>
    %dot_general3A_2123 = tpu.matmul %convert_element_type3A_2118, %get3A_11, %dot_general3A_2122 {dimension_numbers = #tpu.dot_dimension_numbers<[1], [0], [0], [1], [0, 0, 1, 1], [], []>, precision = #tpu.contract_precision<fp32>, transpose_lhs_hint = false} : vector<128x1024xf32>, vector<1024x128xf32>, vector<128x128xf32> -> vector<128x128xf32>
    %slice3A_2124 = vector.extract_strided_slice %dot_general3A_2123 {offsets = [0, 0], sizes = [128, 72], strides = [1, 1]} : vector<128x128xf32> to vector<128x72xf32>
    %sub3A_2125 = arith.subf %slice3A, %slice3A_2124 : vector<128x72xf32>
    %mul3A_2126 = arith.mulf %sub3A_2125, %sub3A_2125 : vector<128x72xf32>
    %slice3A_2127 = vector.extract_strided_slice %mul3A_2126 {offsets = [0, 0], sizes = [128, 24], strides = [1, 1]} : vector<128x72xf32> to vector<128x24xf32>
    %slice3A_2128 = vector.extract_strided_slice %mul3A_2126 {offsets = [0, 24], sizes = [128, 24], strides = [1, 1]} : vector<128x72xf32> to vector<128x24xf32>
    %add3A_2129 = arith.addf %slice3A_2127, %slice3A_2128 : vector<128x24xf32>
    %slice3A_2130 = vector.extract_strided_slice %mul3A_2126 {offsets = [0, 48], sizes = [128, 24], strides = [1, 1]} : vector<128x72xf32> to vector<128x24xf32>
    %add3A_2131 = arith.addf %add3A_2129, %slice3A_2130 : vector<128x24xf32>
    %add3A_2132 = arith.constant 9.99999997E-7 : f32
    %add3A_2133 = vector.broadcast %add3A_2132 : f32 to vector<128x24xf32>
    %add3A_2134 = arith.addf %add3A_2131, %add3A_2133 : vector<128x24xf32>
    %sqrt3A_2135 = math.sqrt %add3A_2134 : vector<128x24xf32>
    %concatenate3A_2136 = tpu.concatenate %broadcast_in_dim3A_2106, %sqrt3A_2135, %broadcast_in_dim3A_15 in 1 : vector<128x1xf32>, vector<128x24xf32>, vector<128x7xf32> -> vector<128x32xf32>
    %concatenate3A_2137 = tpu.concatenate %concatenate3A_2136, %concatenate3A_2136, %concatenate3A_2136, %concatenate3A_2136, %concatenate3A_2136, %concatenate3A_2136, %concatenate3A_2136, %concatenate3A_2136, %concatenate3A_2136, %concatenate3A_2136, %concatenate3A_2136, %concatenate3A_2136, %concatenate3A_2136, %concatenate3A_2136, %concatenate3A_2136, %concatenate3A_2136 in 1 : vector<128x32xf32>, vector<128x32xf32>, vector<128x32xf32>, vector<128x32xf32>, vector<128x32xf32>, vector<128x32xf32>, vector<128x32xf32>, vector<128x32xf32>, vector<128x32xf32>, vector<128x32xf32>, vector<128x32xf32>, vector<128x32xf32>, vector<128x32xf32>, vector<128x32xf32>, vector<128x32xf32>, vector<128x32xf32> -> vector<128x512xf32>
    %sub3A_2138 = vector.broadcast %get3A_14 : vector<1x512xf32> to vector<128x512xf32>
    %sub3A_2139 = arith.subf %concatenate3A_2137, %sub3A_2138 : vector<128x512xf32>
    %mul3A_2140 = arith.constant 8.000000e-01 : f32
    %mul3A_2141 = vector.broadcast %mul3A_2140 : f32 to vector<128x512xf32>
    %mul3A_2142 = arith.mulf %sub3A_2139, %mul3A_2141 : vector<128x512xf32>
    %mul3A_2143 = arith.mulf %mul3A_2142, %mul3A_2142 : vector<128x512xf32>
    %neg3A_2144 = arith.constant 0.000000e+00 : f32
    %neg3A_2145 = vector.broadcast %neg3A_2144 : f32 to vector<128x512xf32>
    %neg3A_2146 = arith.subf %neg3A_2145, %mul3A_2143 : vector<128x512xf32>
    %exp3A_2147 = math.exp %neg3A_2146 : vector<128x512xf32>
    %slice3A_2148 = vector.extract_strided_slice %dot_general3A_2123 {offsets = [0, 73], sizes = [128, 1], strides = [1, 1]} : vector<128x128xf32> to vector<128x1xf32>
    %sub3A_2149 = arith.subf %slice3A_18, %slice3A_2148 : vector<128x1xf32>
    %slice3A_2150 = vector.extract_strided_slice %dot_general3A_2123 {offsets = [0, 72], sizes = [128, 1], strides = [1, 1]} : vector<128x128xf32> to vector<128x1xf32>
    %eq3A_2151 = arith.cmpf oeq, %slice3A_16, %slice3A_2150 : vector<128x1xf32>
    %convert_element_type3A_2152 = arith.extui %eq3A_2151 : vector<128x1xi1> to vector<128x1xi32>
    %convert_element_type3A_2153 = arith.sitofp %convert_element_type3A_2152 : vector<128x1xi32> to vector<128x1xf32>
    %add3A_2154 = arith.constant 3.200000e+01 : f32
    %add3A_2155 = vector.broadcast %add3A_2154 : f32 to vector<128x1xf32>
    %add3A_2156 = arith.addf %sub3A_2149, %add3A_2155 : vector<128x1xf32>
    %jit3A_2157 = arith.constant 0.000000e+00 : f32
    %jit3A_2158 = arith.constant 6.400000e+01 : f32
    %max3A_2159 = vector.broadcast %jit3A_2157 : f32 to vector<128x1xf32>
    %max3A_2160 = arith.maximumf %max3A_2159, %add3A_2156 : vector<128x1xf32>
    %min3A_2161 = vector.broadcast %jit3A_2158 : f32 to vector<128x1xf32>
    %min3A_2162 = arith.minimumf %min3A_2161, %max3A_2160 : vector<128x1xf32>
    %mul3A_2163 = arith.mulf %min3A_2162, %convert_element_type3A_2153 : vector<128x1xf32>
    %sub3A_2164 = arith.constant 1.000000e+00 : f32
    %sub3A_2165 = vector.broadcast %sub3A_2164 : f32 to vector<128x1xf32>
    %sub3A_2166 = arith.subf %sub3A_2165, %convert_element_type3A_2153 : vector<128x1xf32>
    %mul3A_2167 = arith.constant 6.500000e+01 : f32
    %mul3A_2168 = vector.broadcast %mul3A_2167 : f32 to vector<128x1xf32>
    %mul3A_2169 = arith.mulf %sub3A_2166, %mul3A_2168 : vector<128x1xf32>
    %add3A_2170 = arith.addf %mul3A_2163, %mul3A_2169 : vector<128x1xf32>
    %convert_element_type3A_2171 = arith.fptosi %add3A_2170 : vector<128x1xf32> to vector<128x1xi32>
    %eq3A_2172 = vector.broadcast %convert_element_type3A_2171 : vector<128x1xi32> to vector<128x128xi32>
    %eq3A_2173 = arith.cmpi eq, %iota3A, %eq3A_2172 : vector<128x128xi32>
    %convert_element_type3A_2174 = arith.extui %eq3A_2173 : vector<128x128xi1> to vector<128x128xi32>
    %convert_element_type3A_2175 = arith.sitofp %convert_element_type3A_2174 : vector<128x128xi32> to vector<128x128xf32>
    %get3A_2176 = arith.constant 0 : index
    %get3A_2177 = arith.constant 0 : index
    %get3A_2178 = vector.load %arg5[%get3A_2176, %get3A_2177] : memref<128x128xf32, #tpu.memory_space<vmem>>, vector<128x128xf32>
    %dot_general3A_2179 = arith.constant dense<0.000000e+00> : vector<128x128xf32>
    %dot_general3A_2180 = tpu.matmul %convert_element_type3A_2175, %get3A_2178, %dot_general3A_2179 {dimension_numbers = #tpu.dot_dimension_numbers<[1], [0], [0], [1], [0, 0, 1, 1], [], []>, transpose_lhs_hint = false} : vector<128x128xf32>, vector<128x128xf32>, vector<128x128xf32> -> vector<128x128xf32>
    %get3A_2181 = arith.constant 0 : index
    %get3A_2182 = arith.constant 0 : index
    %get3A_2183 = vector.load %arg6[%get3A_2181, %get3A_2182] : memref<512x128xf32, #tpu.memory_space<vmem>>, vector<512x128xf32>
    %dot_general3A_2184 = arith.constant dense<0.000000e+00> : vector<128x128xf32>
    %dot_general3A_2185 = tpu.matmul %exp3A_2147, %get3A_2183, %dot_general3A_2184 {dimension_numbers = #tpu.dot_dimension_numbers<[1], [0], [0], [1], [0, 0, 1, 1], [], []>, transpose_lhs_hint = false} : vector<128x512xf32>, vector<512x128xf32>, vector<128x128xf32> -> vector<128x128xf32>
    %add3A_2186 = arith.addf %dot_general3A_2180, %dot_general3A_2185 : vector<128x128xf32>
    %swap3A_2187 = arith.constant 0 : index
    %swap3A_2188 = arith.constant 3072 : index
    %swap3A_2189 = vector.load %arg10[%swap3A_2187, %swap3A_2188] : memref<128x6144xf32, #tpu.memory_space<vmem>>, vector<128x128xf32>
    tpu.vector_store %arg10[%swap3A_2187, %swap3A_2188], %add3A_2186 {strides = array<i32>} : memref<128x6144xf32, #tpu.memory_space<vmem>>, vector<128x128xf32>,
    %reduce_max3A_2190 = arith.constant dense<0xFF800000> : vector<128xf32>
    %reduce_max3A_2191 = vector.multi_reduction <maximumf>, %select_n3A_2121, %reduce_max3A_2190 [1] : vector<128x1024xf32> to vector<128xf32>
    %broadcast_in_dim3A_2192 = vector.shape_cast %reduce_max3A_2191 : vector<128xf32> to vector<128x1xf32>
    %eq3A_2193 = vector.broadcast %broadcast_in_dim3A_2192 : vector<128x1xf32> to vector<128x1024xf32>
    %eq3A_2194 = arith.cmpf oeq, %select_n3A_2121, %eq3A_2193 : vector<128x1024xf32>
    %jit3A_2195 = arith.constant 1024 : i32
    %broadcast_in_dim3A_2196 = vector.broadcast %jit3A_2195 : i32 to vector<128x1024xi32>
    %select_n3A_2197 = arith.select %eq3A_2194, %iota3A_48, %broadcast_in_dim3A_2196 : vector<128x1024xi1>, vector<128x1024xi32>
    %reduce_min3A_2198 = arith.constant dense<2147483647> : vector<128xi32>
    %reduce_min3A_2199 = vector.multi_reduction <minsi>, %select_n3A_2197, %reduce_min3A_2198 [1] : vector<128x1024xi32> to vector<128xi32>
    %broadcast_in_dim3A_2200 = vector.shape_cast %reduce_min3A_2199 : vector<128xi32> to vector<128x1xi32>
    %eq3A_2201 = vector.broadcast %broadcast_in_dim3A_2200 : vector<128x1xi32> to vector<128x1024xi32>
    %eq3A_2202 = arith.cmpi eq, %iota3A_48, %eq3A_2201 : vector<128x1024xi32>
    %convert_element_type3A_2203 = arith.extui %eq3A_2202 : vector<128x1024xi1> to vector<128x1024xi32>
    %convert_element_type3A_2204 = arith.sitofp %convert_element_type3A_2203 : vector<128x1024xi32> to vector<128x1024xf32>
    %jit3A_2205 = arith.constant 0xFF800000 : f32
    %broadcast_in_dim3A_2206 = vector.broadcast %jit3A_2205 : f32 to vector<128x1024xf32>
    %select_n3A_2207 = arith.select %eq3A_2202, %broadcast_in_dim3A_2206, %select_n3A_2121 : vector<128x1024xi1>, vector<128x1024xf32>
    %dot_general3A_2208 = arith.constant dense<0.000000e+00> : vector<128x128xf32>
    %dot_general3A_2209 = tpu.matmul %convert_element_type3A_2204, %get3A_11, %dot_general3A_2208 {dimension_numbers = #tpu.dot_dimension_numbers<[1], [0], [0], [1], [0, 0, 1, 1], [], []>, precision = #tpu.contract_precision<fp32>, transpose_lhs_hint = false} : vector<128x1024xf32>, vector<1024x128xf32>, vector<128x128xf32> -> vector<128x128xf32>
    %slice3A_2210 = vector.extract_strided_slice %dot_general3A_2209 {offsets = [0, 0], sizes = [128, 72], strides = [1, 1]} : vector<128x128xf32> to vector<128x72xf32>
    %sub3A_2211 = arith.subf %slice3A, %slice3A_2210 : vector<128x72xf32>
    %mul3A_2212 = arith.mulf %sub3A_2211, %sub3A_2211 : vector<128x72xf32>
    %slice3A_2213 = vector.extract_strided_slice %mul3A_2212 {offsets = [0, 0], sizes = [128, 24], strides = [1, 1]} : vector<128x72xf32> to vector<128x24xf32>
    %slice3A_2214 = vector.extract_strided_slice %mul3A_2212 {offsets = [0, 24], sizes = [128, 24], strides = [1, 1]} : vector<128x72xf32> to vector<128x24xf32>
    %add3A_2215 = arith.addf %slice3A_2213, %slice3A_2214 : vector<128x24xf32>
    %slice3A_2216 = vector.extract_strided_slice %mul3A_2212 {offsets = [0, 48], sizes = [128, 24], strides = [1, 1]} : vector<128x72xf32> to vector<128x24xf32>
    %add3A_2217 = arith.addf %add3A_2215, %slice3A_2216 : vector<128x24xf32>
    %add3A_2218 = arith.constant 9.99999997E-7 : f32
    %add3A_2219 = vector.broadcast %add3A_2218 : f32 to vector<128x24xf32>
    %add3A_2220 = arith.addf %add3A_2217, %add3A_2219 : vector<128x24xf32>
    %sqrt3A_2221 = math.sqrt %add3A_2220 : vector<128x24xf32>
    %concatenate3A_2222 = tpu.concatenate %broadcast_in_dim3A_2192, %sqrt3A_2221, %broadcast_in_dim3A_15 in 1 : vector<128x1xf32>, vector<128x24xf32>, vector<128x7xf32> -> vector<128x32xf32>
    %concatenate3A_2223 = tpu.concatenate %concatenate3A_2222, %concatenate3A_2222, %concatenate3A_2222, %concatenate3A_2222, %concatenate3A_2222, %concatenate3A_2222, %concatenate3A_2222, %concatenate3A_2222, %concatenate3A_2222, %concatenate3A_2222, %concatenate3A_2222, %concatenate3A_2222, %concatenate3A_2222, %concatenate3A_2222, %concatenate3A_2222, %concatenate3A_2222 in 1 : vector<128x32xf32>, vector<128x32xf32>, vector<128x32xf32>, vector<128x32xf32>, vector<128x32xf32>, vector<128x32xf32>, vector<128x32xf32>, vector<128x32xf32>, vector<128x32xf32>, vector<128x32xf32>, vector<128x32xf32>, vector<128x32xf32>, vector<128x32xf32>, vector<128x32xf32>, vector<128x32xf32>, vector<128x32xf32> -> vector<128x512xf32>
    %sub3A_2224 = vector.broadcast %get3A_14 : vector<1x512xf32> to vector<128x512xf32>
    %sub3A_2225 = arith.subf %concatenate3A_2223, %sub3A_2224 : vector<128x512xf32>
    %mul3A_2226 = arith.constant 8.000000e-01 : f32
    %mul3A_2227 = vector.broadcast %mul3A_2226 : f32 to vector<128x512xf32>
    %mul3A_2228 = arith.mulf %sub3A_2225, %mul3A_2227 : vector<128x512xf32>
    %mul3A_2229 = arith.mulf %mul3A_2228, %mul3A_2228 : vector<128x512xf32>
    %neg3A_2230 = arith.constant 0.000000e+00 : f32
    %neg3A_2231 = vector.broadcast %neg3A_2230 : f32 to vector<128x512xf32>
    %neg3A_2232 = arith.subf %neg3A_2231, %mul3A_2229 : vector<128x512xf32>
    %exp3A_2233 = math.exp %neg3A_2232 : vector<128x512xf32>
    %slice3A_2234 = vector.extract_strided_slice %dot_general3A_2209 {offsets = [0, 73], sizes = [128, 1], strides = [1, 1]} : vector<128x128xf32> to vector<128x1xf32>
    %sub3A_2235 = arith.subf %slice3A_18, %slice3A_2234 : vector<128x1xf32>
    %slice3A_2236 = vector.extract_strided_slice %dot_general3A_2209 {offsets = [0, 72], sizes = [128, 1], strides = [1, 1]} : vector<128x128xf32> to vector<128x1xf32>
    %eq3A_2237 = arith.cmpf oeq, %slice3A_16, %slice3A_2236 : vector<128x1xf32>
    %convert_element_type3A_2238 = arith.extui %eq3A_2237 : vector<128x1xi1> to vector<128x1xi32>
    %convert_element_type3A_2239 = arith.sitofp %convert_element_type3A_2238 : vector<128x1xi32> to vector<128x1xf32>
    %add3A_2240 = arith.constant 3.200000e+01 : f32
    %add3A_2241 = vector.broadcast %add3A_2240 : f32 to vector<128x1xf32>
    %add3A_2242 = arith.addf %sub3A_2235, %add3A_2241 : vector<128x1xf32>
    %jit3A_2243 = arith.constant 0.000000e+00 : f32
    %jit3A_2244 = arith.constant 6.400000e+01 : f32
    %max3A_2245 = vector.broadcast %jit3A_2243 : f32 to vector<128x1xf32>
    %max3A_2246 = arith.maximumf %max3A_2245, %add3A_2242 : vector<128x1xf32>
    %min3A_2247 = vector.broadcast %jit3A_2244 : f32 to vector<128x1xf32>
    %min3A_2248 = arith.minimumf %min3A_2247, %max3A_2246 : vector<128x1xf32>
    %mul3A_2249 = arith.mulf %min3A_2248, %convert_element_type3A_2239 : vector<128x1xf32>
    %sub3A_2250 = arith.constant 1.000000e+00 : f32
    %sub3A_2251 = vector.broadcast %sub3A_2250 : f32 to vector<128x1xf32>
    %sub3A_2252 = arith.subf %sub3A_2251, %convert_element_type3A_2239 : vector<128x1xf32>
    %mul3A_2253 = arith.constant 6.500000e+01 : f32
    %mul3A_2254 = vector.broadcast %mul3A_2253 : f32 to vector<128x1xf32>
    %mul3A_2255 = arith.mulf %sub3A_2252, %mul3A_2254 : vector<128x1xf32>
    %add3A_2256 = arith.addf %mul3A_2249, %mul3A_2255 : vector<128x1xf32>
    %convert_element_type3A_2257 = arith.fptosi %add3A_2256 : vector<128x1xf32> to vector<128x1xi32>
    %eq3A_2258 = vector.broadcast %convert_element_type3A_2257 : vector<128x1xi32> to vector<128x128xi32>
    %eq3A_2259 = arith.cmpi eq, %iota3A, %eq3A_2258 : vector<128x128xi32>
    %convert_element_type3A_2260 = arith.extui %eq3A_2259 : vector<128x128xi1> to vector<128x128xi32>
    %convert_element_type3A_2261 = arith.sitofp %convert_element_type3A_2260 : vector<128x128xi32> to vector<128x128xf32>
    %get3A_2262 = arith.constant 0 : index
    %get3A_2263 = arith.constant 0 : index
    %get3A_2264 = vector.load %arg5[%get3A_2262, %get3A_2263] : memref<128x128xf32, #tpu.memory_space<vmem>>, vector<128x128xf32>
    %dot_general3A_2265 = arith.constant dense<0.000000e+00> : vector<128x128xf32>
    %dot_general3A_2266 = tpu.matmul %convert_element_type3A_2261, %get3A_2264, %dot_general3A_2265 {dimension_numbers = #tpu.dot_dimension_numbers<[1], [0], [0], [1], [0, 0, 1, 1], [], []>, transpose_lhs_hint = false} : vector<128x128xf32>, vector<128x128xf32>, vector<128x128xf32> -> vector<128x128xf32>
    %get3A_2267 = arith.constant 0 : index
    %get3A_2268 = arith.constant 0 : index
    %get3A_2269 = vector.load %arg6[%get3A_2267, %get3A_2268] : memref<512x128xf32, #tpu.memory_space<vmem>>, vector<512x128xf32>
    %dot_general3A_2270 = arith.constant dense<0.000000e+00> : vector<128x128xf32>
    %dot_general3A_2271 = tpu.matmul %exp3A_2233, %get3A_2269, %dot_general3A_2270 {dimension_numbers = #tpu.dot_dimension_numbers<[1], [0], [0], [1], [0, 0, 1, 1], [], []>, transpose_lhs_hint = false} : vector<128x512xf32>, vector<512x128xf32>, vector<128x128xf32> -> vector<128x128xf32>
    %add3A_2272 = arith.addf %dot_general3A_2266, %dot_general3A_2271 : vector<128x128xf32>
    %swap3A_2273 = arith.constant 0 : index
    %swap3A_2274 = arith.constant 3200 : index
    %swap3A_2275 = vector.load %arg10[%swap3A_2273, %swap3A_2274] : memref<128x6144xf32, #tpu.memory_space<vmem>>, vector<128x128xf32>
    tpu.vector_store %arg10[%swap3A_2273, %swap3A_2274], %add3A_2272 {strides = array<i32>} : memref<128x6144xf32, #tpu.memory_space<vmem>>, vector<128x128xf32>,
    %reduce_max3A_2276 = arith.constant dense<0xFF800000> : vector<128xf32>
    %reduce_max3A_2277 = vector.multi_reduction <maximumf>, %select_n3A_2207, %reduce_max3A_2276 [1] : vector<128x1024xf32> to vector<128xf32>
    %broadcast_in_dim3A_2278 = vector.shape_cast %reduce_max3A_2277 : vector<128xf32> to vector<128x1xf32>
    %eq3A_2279 = vector.broadcast %broadcast_in_dim3A_2278 : vector<128x1xf32> to vector<128x1024xf32>
    %eq3A_2280 = arith.cmpf oeq, %select_n3A_2207, %eq3A_2279 : vector<128x1024xf32>
    %jit3A_2281 = arith.constant 1024 : i32
    %broadcast_in_dim3A_2282 = vector.broadcast %jit3A_2281 : i32 to vector<128x1024xi32>
    %select_n3A_2283 = arith.select %eq3A_2280, %iota3A_48, %broadcast_in_dim3A_2282 : vector<128x1024xi1>, vector<128x1024xi32>
    %reduce_min3A_2284 = arith.constant dense<2147483647> : vector<128xi32>
    %reduce_min3A_2285 = vector.multi_reduction <minsi>, %select_n3A_2283, %reduce_min3A_2284 [1] : vector<128x1024xi32> to vector<128xi32>
    %broadcast_in_dim3A_2286 = vector.shape_cast %reduce_min3A_2285 : vector<128xi32> to vector<128x1xi32>
    %eq3A_2287 = vector.broadcast %broadcast_in_dim3A_2286 : vector<128x1xi32> to vector<128x1024xi32>
    %eq3A_2288 = arith.cmpi eq, %iota3A_48, %eq3A_2287 : vector<128x1024xi32>
    %convert_element_type3A_2289 = arith.extui %eq3A_2288 : vector<128x1024xi1> to vector<128x1024xi32>
    %convert_element_type3A_2290 = arith.sitofp %convert_element_type3A_2289 : vector<128x1024xi32> to vector<128x1024xf32>
    %jit3A_2291 = arith.constant 0xFF800000 : f32
    %broadcast_in_dim3A_2292 = vector.broadcast %jit3A_2291 : f32 to vector<128x1024xf32>
    %select_n3A_2293 = arith.select %eq3A_2288, %broadcast_in_dim3A_2292, %select_n3A_2207 : vector<128x1024xi1>, vector<128x1024xf32>
    %dot_general3A_2294 = arith.constant dense<0.000000e+00> : vector<128x128xf32>
    %dot_general3A_2295 = tpu.matmul %convert_element_type3A_2290, %get3A_11, %dot_general3A_2294 {dimension_numbers = #tpu.dot_dimension_numbers<[1], [0], [0], [1], [0, 0, 1, 1], [], []>, precision = #tpu.contract_precision<fp32>, transpose_lhs_hint = false} : vector<128x1024xf32>, vector<1024x128xf32>, vector<128x128xf32> -> vector<128x128xf32>
    %slice3A_2296 = vector.extract_strided_slice %dot_general3A_2295 {offsets = [0, 0], sizes = [128, 72], strides = [1, 1]} : vector<128x128xf32> to vector<128x72xf32>
    %sub3A_2297 = arith.subf %slice3A, %slice3A_2296 : vector<128x72xf32>
    %mul3A_2298 = arith.mulf %sub3A_2297, %sub3A_2297 : vector<128x72xf32>
    %slice3A_2299 = vector.extract_strided_slice %mul3A_2298 {offsets = [0, 0], sizes = [128, 24], strides = [1, 1]} : vector<128x72xf32> to vector<128x24xf32>
    %slice3A_2300 = vector.extract_strided_slice %mul3A_2298 {offsets = [0, 24], sizes = [128, 24], strides = [1, 1]} : vector<128x72xf32> to vector<128x24xf32>
    %add3A_2301 = arith.addf %slice3A_2299, %slice3A_2300 : vector<128x24xf32>
    %slice3A_2302 = vector.extract_strided_slice %mul3A_2298 {offsets = [0, 48], sizes = [128, 24], strides = [1, 1]} : vector<128x72xf32> to vector<128x24xf32>
    %add3A_2303 = arith.addf %add3A_2301, %slice3A_2302 : vector<128x24xf32>
    %add3A_2304 = arith.constant 9.99999997E-7 : f32
    %add3A_2305 = vector.broadcast %add3A_2304 : f32 to vector<128x24xf32>
    %add3A_2306 = arith.addf %add3A_2303, %add3A_2305 : vector<128x24xf32>
    %sqrt3A_2307 = math.sqrt %add3A_2306 : vector<128x24xf32>
    %concatenate3A_2308 = tpu.concatenate %broadcast_in_dim3A_2278, %sqrt3A_2307, %broadcast_in_dim3A_15 in 1 : vector<128x1xf32>, vector<128x24xf32>, vector<128x7xf32> -> vector<128x32xf32>
    %concatenate3A_2309 = tpu.concatenate %concatenate3A_2308, %concatenate3A_2308, %concatenate3A_2308, %concatenate3A_2308, %concatenate3A_2308, %concatenate3A_2308, %concatenate3A_2308, %concatenate3A_2308, %concatenate3A_2308, %concatenate3A_2308, %concatenate3A_2308, %concatenate3A_2308, %concatenate3A_2308, %concatenate3A_2308, %concatenate3A_2308, %concatenate3A_2308 in 1 : vector<128x32xf32>, vector<128x32xf32>, vector<128x32xf32>, vector<128x32xf32>, vector<128x32xf32>, vector<128x32xf32>, vector<128x32xf32>, vector<128x32xf32>, vector<128x32xf32>, vector<128x32xf32>, vector<128x32xf32>, vector<128x32xf32>, vector<128x32xf32>, vector<128x32xf32>, vector<128x32xf32>, vector<128x32xf32> -> vector<128x512xf32>
    %sub3A_2310 = vector.broadcast %get3A_14 : vector<1x512xf32> to vector<128x512xf32>
    %sub3A_2311 = arith.subf %concatenate3A_2309, %sub3A_2310 : vector<128x512xf32>
    %mul3A_2312 = arith.constant 8.000000e-01 : f32
    %mul3A_2313 = vector.broadcast %mul3A_2312 : f32 to vector<128x512xf32>
    %mul3A_2314 = arith.mulf %sub3A_2311, %mul3A_2313 : vector<128x512xf32>
    %mul3A_2315 = arith.mulf %mul3A_2314, %mul3A_2314 : vector<128x512xf32>
    %neg3A_2316 = arith.constant 0.000000e+00 : f32
    %neg3A_2317 = vector.broadcast %neg3A_2316 : f32 to vector<128x512xf32>
    %neg3A_2318 = arith.subf %neg3A_2317, %mul3A_2315 : vector<128x512xf32>
    %exp3A_2319 = math.exp %neg3A_2318 : vector<128x512xf32>
    %slice3A_2320 = vector.extract_strided_slice %dot_general3A_2295 {offsets = [0, 73], sizes = [128, 1], strides = [1, 1]} : vector<128x128xf32> to vector<128x1xf32>
    %sub3A_2321 = arith.subf %slice3A_18, %slice3A_2320 : vector<128x1xf32>
    %slice3A_2322 = vector.extract_strided_slice %dot_general3A_2295 {offsets = [0, 72], sizes = [128, 1], strides = [1, 1]} : vector<128x128xf32> to vector<128x1xf32>
    %eq3A_2323 = arith.cmpf oeq, %slice3A_16, %slice3A_2322 : vector<128x1xf32>
    %convert_element_type3A_2324 = arith.extui %eq3A_2323 : vector<128x1xi1> to vector<128x1xi32>
    %convert_element_type3A_2325 = arith.sitofp %convert_element_type3A_2324 : vector<128x1xi32> to vector<128x1xf32>
    %add3A_2326 = arith.constant 3.200000e+01 : f32
    %add3A_2327 = vector.broadcast %add3A_2326 : f32 to vector<128x1xf32>
    %add3A_2328 = arith.addf %sub3A_2321, %add3A_2327 : vector<128x1xf32>
    %jit3A_2329 = arith.constant 0.000000e+00 : f32
    %jit3A_2330 = arith.constant 6.400000e+01 : f32
    %max3A_2331 = vector.broadcast %jit3A_2329 : f32 to vector<128x1xf32>
    %max3A_2332 = arith.maximumf %max3A_2331, %add3A_2328 : vector<128x1xf32>
    %min3A_2333 = vector.broadcast %jit3A_2330 : f32 to vector<128x1xf32>
    %min3A_2334 = arith.minimumf %min3A_2333, %max3A_2332 : vector<128x1xf32>
    %mul3A_2335 = arith.mulf %min3A_2334, %convert_element_type3A_2325 : vector<128x1xf32>
    %sub3A_2336 = arith.constant 1.000000e+00 : f32
    %sub3A_2337 = vector.broadcast %sub3A_2336 : f32 to vector<128x1xf32>
    %sub3A_2338 = arith.subf %sub3A_2337, %convert_element_type3A_2325 : vector<128x1xf32>
    %mul3A_2339 = arith.constant 6.500000e+01 : f32
    %mul3A_2340 = vector.broadcast %mul3A_2339 : f32 to vector<128x1xf32>
    %mul3A_2341 = arith.mulf %sub3A_2338, %mul3A_2340 : vector<128x1xf32>
    %add3A_2342 = arith.addf %mul3A_2335, %mul3A_2341 : vector<128x1xf32>
    %convert_element_type3A_2343 = arith.fptosi %add3A_2342 : vector<128x1xf32> to vector<128x1xi32>
    %eq3A_2344 = vector.broadcast %convert_element_type3A_2343 : vector<128x1xi32> to vector<128x128xi32>
    %eq3A_2345 = arith.cmpi eq, %iota3A, %eq3A_2344 : vector<128x128xi32>
    %convert_element_type3A_2346 = arith.extui %eq3A_2345 : vector<128x128xi1> to vector<128x128xi32>
    %convert_element_type3A_2347 = arith.sitofp %convert_element_type3A_2346 : vector<128x128xi32> to vector<128x128xf32>
    %get3A_2348 = arith.constant 0 : index
    %get3A_2349 = arith.constant 0 : index
    %get3A_2350 = vector.load %arg5[%get3A_2348, %get3A_2349] : memref<128x128xf32, #tpu.memory_space<vmem>>, vector<128x128xf32>
    %dot_general3A_2351 = arith.constant dense<0.000000e+00> : vector<128x128xf32>
    %dot_general3A_2352 = tpu.matmul %convert_element_type3A_2347, %get3A_2350, %dot_general3A_2351 {dimension_numbers = #tpu.dot_dimension_numbers<[1], [0], [0], [1], [0, 0, 1, 1], [], []>, transpose_lhs_hint = false} : vector<128x128xf32>, vector<128x128xf32>, vector<128x128xf32> -> vector<128x128xf32>
    %get3A_2353 = arith.constant 0 : index
    %get3A_2354 = arith.constant 0 : index
    %get3A_2355 = vector.load %arg6[%get3A_2353, %get3A_2354] : memref<512x128xf32, #tpu.memory_space<vmem>>, vector<512x128xf32>
    %dot_general3A_2356 = arith.constant dense<0.000000e+00> : vector<128x128xf32>
    %dot_general3A_2357 = tpu.matmul %exp3A_2319, %get3A_2355, %dot_general3A_2356 {dimension_numbers = #tpu.dot_dimension_numbers<[1], [0], [0], [1], [0, 0, 1, 1], [], []>, transpose_lhs_hint = false} : vector<128x512xf32>, vector<512x128xf32>, vector<128x128xf32> -> vector<128x128xf32>
    %add3A_2358 = arith.addf %dot_general3A_2352, %dot_general3A_2357 : vector<128x128xf32>
    %swap3A_2359 = arith.constant 0 : index
    %swap3A_2360 = arith.constant 3328 : index
    %swap3A_2361 = vector.load %arg10[%swap3A_2359, %swap3A_2360] : memref<128x6144xf32, #tpu.memory_space<vmem>>, vector<128x128xf32>
    tpu.vector_store %arg10[%swap3A_2359, %swap3A_2360], %add3A_2358 {strides = array<i32>} : memref<128x6144xf32, #tpu.memory_space<vmem>>, vector<128x128xf32>,
    %reduce_max3A_2362 = arith.constant dense<0xFF800000> : vector<128xf32>
    %reduce_max3A_2363 = vector.multi_reduction <maximumf>, %select_n3A_2293, %reduce_max3A_2362 [1] : vector<128x1024xf32> to vector<128xf32>
    %broadcast_in_dim3A_2364 = vector.shape_cast %reduce_max3A_2363 : vector<128xf32> to vector<128x1xf32>
    %eq3A_2365 = vector.broadcast %broadcast_in_dim3A_2364 : vector<128x1xf32> to vector<128x1024xf32>
    %eq3A_2366 = arith.cmpf oeq, %select_n3A_2293, %eq3A_2365 : vector<128x1024xf32>
    %jit3A_2367 = arith.constant 1024 : i32
    %broadcast_in_dim3A_2368 = vector.broadcast %jit3A_2367 : i32 to vector<128x1024xi32>
    %select_n3A_2369 = arith.select %eq3A_2366, %iota3A_48, %broadcast_in_dim3A_2368 : vector<128x1024xi1>, vector<128x1024xi32>
    %reduce_min3A_2370 = arith.constant dense<2147483647> : vector<128xi32>
    %reduce_min3A_2371 = vector.multi_reduction <minsi>, %select_n3A_2369, %reduce_min3A_2370 [1] : vector<128x1024xi32> to vector<128xi32>
    %broadcast_in_dim3A_2372 = vector.shape_cast %reduce_min3A_2371 : vector<128xi32> to vector<128x1xi32>
    %eq3A_2373 = vector.broadcast %broadcast_in_dim3A_2372 : vector<128x1xi32> to vector<128x1024xi32>
    %eq3A_2374 = arith.cmpi eq, %iota3A_48, %eq3A_2373 : vector<128x1024xi32>
    %convert_element_type3A_2375 = arith.extui %eq3A_2374 : vector<128x1024xi1> to vector<128x1024xi32>
    %convert_element_type3A_2376 = arith.sitofp %convert_element_type3A_2375 : vector<128x1024xi32> to vector<128x1024xf32>
    %jit3A_2377 = arith.constant 0xFF800000 : f32
    %broadcast_in_dim3A_2378 = vector.broadcast %jit3A_2377 : f32 to vector<128x1024xf32>
    %select_n3A_2379 = arith.select %eq3A_2374, %broadcast_in_dim3A_2378, %select_n3A_2293 : vector<128x1024xi1>, vector<128x1024xf32>
    %dot_general3A_2380 = arith.constant dense<0.000000e+00> : vector<128x128xf32>
    %dot_general3A_2381 = tpu.matmul %convert_element_type3A_2376, %get3A_11, %dot_general3A_2380 {dimension_numbers = #tpu.dot_dimension_numbers<[1], [0], [0], [1], [0, 0, 1, 1], [], []>, precision = #tpu.contract_precision<fp32>, transpose_lhs_hint = false} : vector<128x1024xf32>, vector<1024x128xf32>, vector<128x128xf32> -> vector<128x128xf32>
    %slice3A_2382 = vector.extract_strided_slice %dot_general3A_2381 {offsets = [0, 0], sizes = [128, 72], strides = [1, 1]} : vector<128x128xf32> to vector<128x72xf32>
    %sub3A_2383 = arith.subf %slice3A, %slice3A_2382 : vector<128x72xf32>
    %mul3A_2384 = arith.mulf %sub3A_2383, %sub3A_2383 : vector<128x72xf32>
    %slice3A_2385 = vector.extract_strided_slice %mul3A_2384 {offsets = [0, 0], sizes = [128, 24], strides = [1, 1]} : vector<128x72xf32> to vector<128x24xf32>
    %slice3A_2386 = vector.extract_strided_slice %mul3A_2384 {offsets = [0, 24], sizes = [128, 24], strides = [1, 1]} : vector<128x72xf32> to vector<128x24xf32>
    %add3A_2387 = arith.addf %slice3A_2385, %slice3A_2386 : vector<128x24xf32>
    %slice3A_2388 = vector.extract_strided_slice %mul3A_2384 {offsets = [0, 48], sizes = [128, 24], strides = [1, 1]} : vector<128x72xf32> to vector<128x24xf32>
    %add3A_2389 = arith.addf %add3A_2387, %slice3A_2388 : vector<128x24xf32>
    %add3A_2390 = arith.constant 9.99999997E-7 : f32
    %add3A_2391 = vector.broadcast %add3A_2390 : f32 to vector<128x24xf32>
    %add3A_2392 = arith.addf %add3A_2389, %add3A_2391 : vector<128x24xf32>
    %sqrt3A_2393 = math.sqrt %add3A_2392 : vector<128x24xf32>
    %concatenate3A_2394 = tpu.concatenate %broadcast_in_dim3A_2364, %sqrt3A_2393, %broadcast_in_dim3A_15 in 1 : vector<128x1xf32>, vector<128x24xf32>, vector<128x7xf32> -> vector<128x32xf32>
    %concatenate3A_2395 = tpu.concatenate %concatenate3A_2394, %concatenate3A_2394, %concatenate3A_2394, %concatenate3A_2394, %concatenate3A_2394, %concatenate3A_2394, %concatenate3A_2394, %concatenate3A_2394, %concatenate3A_2394, %concatenate3A_2394, %concatenate3A_2394, %concatenate3A_2394, %concatenate3A_2394, %concatenate3A_2394, %concatenate3A_2394, %concatenate3A_2394 in 1 : vector<128x32xf32>, vector<128x32xf32>, vector<128x32xf32>, vector<128x32xf32>, vector<128x32xf32>, vector<128x32xf32>, vector<128x32xf32>, vector<128x32xf32>, vector<128x32xf32>, vector<128x32xf32>, vector<128x32xf32>, vector<128x32xf32>, vector<128x32xf32>, vector<128x32xf32>, vector<128x32xf32>, vector<128x32xf32> -> vector<128x512xf32>
    %sub3A_2396 = vector.broadcast %get3A_14 : vector<1x512xf32> to vector<128x512xf32>
    %sub3A_2397 = arith.subf %concatenate3A_2395, %sub3A_2396 : vector<128x512xf32>
    %mul3A_2398 = arith.constant 8.000000e-01 : f32
    %mul3A_2399 = vector.broadcast %mul3A_2398 : f32 to vector<128x512xf32>
    %mul3A_2400 = arith.mulf %sub3A_2397, %mul3A_2399 : vector<128x512xf32>
    %mul3A_2401 = arith.mulf %mul3A_2400, %mul3A_2400 : vector<128x512xf32>
    %neg3A_2402 = arith.constant 0.000000e+00 : f32
    %neg3A_2403 = vector.broadcast %neg3A_2402 : f32 to vector<128x512xf32>
    %neg3A_2404 = arith.subf %neg3A_2403, %mul3A_2401 : vector<128x512xf32>
    %exp3A_2405 = math.exp %neg3A_2404 : vector<128x512xf32>
    %slice3A_2406 = vector.extract_strided_slice %dot_general3A_2381 {offsets = [0, 73], sizes = [128, 1], strides = [1, 1]} : vector<128x128xf32> to vector<128x1xf32>
    %sub3A_2407 = arith.subf %slice3A_18, %slice3A_2406 : vector<128x1xf32>
    %slice3A_2408 = vector.extract_strided_slice %dot_general3A_2381 {offsets = [0, 72], sizes = [128, 1], strides = [1, 1]} : vector<128x128xf32> to vector<128x1xf32>
    %eq3A_2409 = arith.cmpf oeq, %slice3A_16, %slice3A_2408 : vector<128x1xf32>
    %convert_element_type3A_2410 = arith.extui %eq3A_2409 : vector<128x1xi1> to vector<128x1xi32>
    %convert_element_type3A_2411 = arith.sitofp %convert_element_type3A_2410 : vector<128x1xi32> to vector<128x1xf32>
    %add3A_2412 = arith.constant 3.200000e+01 : f32
    %add3A_2413 = vector.broadcast %add3A_2412 : f32 to vector<128x1xf32>
    %add3A_2414 = arith.addf %sub3A_2407, %add3A_2413 : vector<128x1xf32>
    %jit3A_2415 = arith.constant 0.000000e+00 : f32
    %jit3A_2416 = arith.constant 6.400000e+01 : f32
    %max3A_2417 = vector.broadcast %jit3A_2415 : f32 to vector<128x1xf32>
    %max3A_2418 = arith.maximumf %max3A_2417, %add3A_2414 : vector<128x1xf32>
    %min3A_2419 = vector.broadcast %jit3A_2416 : f32 to vector<128x1xf32>
    %min3A_2420 = arith.minimumf %min3A_2419, %max3A_2418 : vector<128x1xf32>
    %mul3A_2421 = arith.mulf %min3A_2420, %convert_element_type3A_2411 : vector<128x1xf32>
    %sub3A_2422 = arith.constant 1.000000e+00 : f32
    %sub3A_2423 = vector.broadcast %sub3A_2422 : f32 to vector<128x1xf32>
    %sub3A_2424 = arith.subf %sub3A_2423, %convert_element_type3A_2411 : vector<128x1xf32>
    %mul3A_2425 = arith.constant 6.500000e+01 : f32
    %mul3A_2426 = vector.broadcast %mul3A_2425 : f32 to vector<128x1xf32>
    %mul3A_2427 = arith.mulf %sub3A_2424, %mul3A_2426 : vector<128x1xf32>
    %add3A_2428 = arith.addf %mul3A_2421, %mul3A_2427 : vector<128x1xf32>
    %convert_element_type3A_2429 = arith.fptosi %add3A_2428 : vector<128x1xf32> to vector<128x1xi32>
    %eq3A_2430 = vector.broadcast %convert_element_type3A_2429 : vector<128x1xi32> to vector<128x128xi32>
    %eq3A_2431 = arith.cmpi eq, %iota3A, %eq3A_2430 : vector<128x128xi32>
    %convert_element_type3A_2432 = arith.extui %eq3A_2431 : vector<128x128xi1> to vector<128x128xi32>
    %convert_element_type3A_2433 = arith.sitofp %convert_element_type3A_2432 : vector<128x128xi32> to vector<128x128xf32>
    %get3A_2434 = arith.constant 0 : index
    %get3A_2435 = arith.constant 0 : index
    %get3A_2436 = vector.load %arg5[%get3A_2434, %get3A_2435] : memref<128x128xf32, #tpu.memory_space<vmem>>, vector<128x128xf32>
    %dot_general3A_2437 = arith.constant dense<0.000000e+00> : vector<128x128xf32>
    %dot_general3A_2438 = tpu.matmul %convert_element_type3A_2433, %get3A_2436, %dot_general3A_2437 {dimension_numbers = #tpu.dot_dimension_numbers<[1], [0], [0], [1], [0, 0, 1, 1], [], []>, transpose_lhs_hint = false} : vector<128x128xf32>, vector<128x128xf32>, vector<128x128xf32> -> vector<128x128xf32>
    %get3A_2439 = arith.constant 0 : index
    %get3A_2440 = arith.constant 0 : index
    %get3A_2441 = vector.load %arg6[%get3A_2439, %get3A_2440] : memref<512x128xf32, #tpu.memory_space<vmem>>, vector<512x128xf32>
    %dot_general3A_2442 = arith.constant dense<0.000000e+00> : vector<128x128xf32>
    %dot_general3A_2443 = tpu.matmul %exp3A_2405, %get3A_2441, %dot_general3A_2442 {dimension_numbers = #tpu.dot_dimension_numbers<[1], [0], [0], [1], [0, 0, 1, 1], [], []>, transpose_lhs_hint = false} : vector<128x512xf32>, vector<512x128xf32>, vector<128x128xf32> -> vector<128x128xf32>
    %add3A_2444 = arith.addf %dot_general3A_2438, %dot_general3A_2443 : vector<128x128xf32>
    %swap3A_2445 = arith.constant 0 : index
    %swap3A_2446 = arith.constant 3456 : index
    %swap3A_2447 = vector.load %arg10[%swap3A_2445, %swap3A_2446] : memref<128x6144xf32, #tpu.memory_space<vmem>>, vector<128x128xf32>
    tpu.vector_store %arg10[%swap3A_2445, %swap3A_2446], %add3A_2444 {strides = array<i32>} : memref<128x6144xf32, #tpu.memory_space<vmem>>, vector<128x128xf32>,
    %reduce_max3A_2448 = arith.constant dense<0xFF800000> : vector<128xf32>
    %reduce_max3A_2449 = vector.multi_reduction <maximumf>, %select_n3A_2379, %reduce_max3A_2448 [1] : vector<128x1024xf32> to vector<128xf32>
    %broadcast_in_dim3A_2450 = vector.shape_cast %reduce_max3A_2449 : vector<128xf32> to vector<128x1xf32>
    %eq3A_2451 = vector.broadcast %broadcast_in_dim3A_2450 : vector<128x1xf32> to vector<128x1024xf32>
    %eq3A_2452 = arith.cmpf oeq, %select_n3A_2379, %eq3A_2451 : vector<128x1024xf32>
    %jit3A_2453 = arith.constant 1024 : i32
    %broadcast_in_dim3A_2454 = vector.broadcast %jit3A_2453 : i32 to vector<128x1024xi32>
    %select_n3A_2455 = arith.select %eq3A_2452, %iota3A_48, %broadcast_in_dim3A_2454 : vector<128x1024xi1>, vector<128x1024xi32>
    %reduce_min3A_2456 = arith.constant dense<2147483647> : vector<128xi32>
    %reduce_min3A_2457 = vector.multi_reduction <minsi>, %select_n3A_2455, %reduce_min3A_2456 [1] : vector<128x1024xi32> to vector<128xi32>
    %broadcast_in_dim3A_2458 = vector.shape_cast %reduce_min3A_2457 : vector<128xi32> to vector<128x1xi32>
    %eq3A_2459 = vector.broadcast %broadcast_in_dim3A_2458 : vector<128x1xi32> to vector<128x1024xi32>
    %eq3A_2460 = arith.cmpi eq, %iota3A_48, %eq3A_2459 : vector<128x1024xi32>
    %convert_element_type3A_2461 = arith.extui %eq3A_2460 : vector<128x1024xi1> to vector<128x1024xi32>
    %convert_element_type3A_2462 = arith.sitofp %convert_element_type3A_2461 : vector<128x1024xi32> to vector<128x1024xf32>
    %jit3A_2463 = arith.constant 0xFF800000 : f32
    %broadcast_in_dim3A_2464 = vector.broadcast %jit3A_2463 : f32 to vector<128x1024xf32>
    %select_n3A_2465 = arith.select %eq3A_2460, %broadcast_in_dim3A_2464, %select_n3A_2379 : vector<128x1024xi1>, vector<128x1024xf32>
    %dot_general3A_2466 = arith.constant dense<0.000000e+00> : vector<128x128xf32>
    %dot_general3A_2467 = tpu.matmul %convert_element_type3A_2462, %get3A_11, %dot_general3A_2466 {dimension_numbers = #tpu.dot_dimension_numbers<[1], [0], [0], [1], [0, 0, 1, 1], [], []>, precision = #tpu.contract_precision<fp32>, transpose_lhs_hint = false} : vector<128x1024xf32>, vector<1024x128xf32>, vector<128x128xf32> -> vector<128x128xf32>
    %slice3A_2468 = vector.extract_strided_slice %dot_general3A_2467 {offsets = [0, 0], sizes = [128, 72], strides = [1, 1]} : vector<128x128xf32> to vector<128x72xf32>
    %sub3A_2469 = arith.subf %slice3A, %slice3A_2468 : vector<128x72xf32>
    %mul3A_2470 = arith.mulf %sub3A_2469, %sub3A_2469 : vector<128x72xf32>
    %slice3A_2471 = vector.extract_strided_slice %mul3A_2470 {offsets = [0, 0], sizes = [128, 24], strides = [1, 1]} : vector<128x72xf32> to vector<128x24xf32>
    %slice3A_2472 = vector.extract_strided_slice %mul3A_2470 {offsets = [0, 24], sizes = [128, 24], strides = [1, 1]} : vector<128x72xf32> to vector<128x24xf32>
    %add3A_2473 = arith.addf %slice3A_2471, %slice3A_2472 : vector<128x24xf32>
    %slice3A_2474 = vector.extract_strided_slice %mul3A_2470 {offsets = [0, 48], sizes = [128, 24], strides = [1, 1]} : vector<128x72xf32> to vector<128x24xf32>
    %add3A_2475 = arith.addf %add3A_2473, %slice3A_2474 : vector<128x24xf32>
    %add3A_2476 = arith.constant 9.99999997E-7 : f32
    %add3A_2477 = vector.broadcast %add3A_2476 : f32 to vector<128x24xf32>
    %add3A_2478 = arith.addf %add3A_2475, %add3A_2477 : vector<128x24xf32>
    %sqrt3A_2479 = math.sqrt %add3A_2478 : vector<128x24xf32>
    %concatenate3A_2480 = tpu.concatenate %broadcast_in_dim3A_2450, %sqrt3A_2479, %broadcast_in_dim3A_15 in 1 : vector<128x1xf32>, vector<128x24xf32>, vector<128x7xf32> -> vector<128x32xf32>
    %concatenate3A_2481 = tpu.concatenate %concatenate3A_2480, %concatenate3A_2480, %concatenate3A_2480, %concatenate3A_2480, %concatenate3A_2480, %concatenate3A_2480, %concatenate3A_2480, %concatenate3A_2480, %concatenate3A_2480, %concatenate3A_2480, %concatenate3A_2480, %concatenate3A_2480, %concatenate3A_2480, %concatenate3A_2480, %concatenate3A_2480, %concatenate3A_2480 in 1 : vector<128x32xf32>, vector<128x32xf32>, vector<128x32xf32>, vector<128x32xf32>, vector<128x32xf32>, vector<128x32xf32>, vector<128x32xf32>, vector<128x32xf32>, vector<128x32xf32>, vector<128x32xf32>, vector<128x32xf32>, vector<128x32xf32>, vector<128x32xf32>, vector<128x32xf32>, vector<128x32xf32>, vector<128x32xf32> -> vector<128x512xf32>
    %sub3A_2482 = vector.broadcast %get3A_14 : vector<1x512xf32> to vector<128x512xf32>
    %sub3A_2483 = arith.subf %concatenate3A_2481, %sub3A_2482 : vector<128x512xf32>
    %mul3A_2484 = arith.constant 8.000000e-01 : f32
    %mul3A_2485 = vector.broadcast %mul3A_2484 : f32 to vector<128x512xf32>
    %mul3A_2486 = arith.mulf %sub3A_2483, %mul3A_2485 : vector<128x512xf32>
    %mul3A_2487 = arith.mulf %mul3A_2486, %mul3A_2486 : vector<128x512xf32>
    %neg3A_2488 = arith.constant 0.000000e+00 : f32
    %neg3A_2489 = vector.broadcast %neg3A_2488 : f32 to vector<128x512xf32>
    %neg3A_2490 = arith.subf %neg3A_2489, %mul3A_2487 : vector<128x512xf32>
    %exp3A_2491 = math.exp %neg3A_2490 : vector<128x512xf32>
    %slice3A_2492 = vector.extract_strided_slice %dot_general3A_2467 {offsets = [0, 73], sizes = [128, 1], strides = [1, 1]} : vector<128x128xf32> to vector<128x1xf32>
    %sub3A_2493 = arith.subf %slice3A_18, %slice3A_2492 : vector<128x1xf32>
    %slice3A_2494 = vector.extract_strided_slice %dot_general3A_2467 {offsets = [0, 72], sizes = [128, 1], strides = [1, 1]} : vector<128x128xf32> to vector<128x1xf32>
    %eq3A_2495 = arith.cmpf oeq, %slice3A_16, %slice3A_2494 : vector<128x1xf32>
    %convert_element_type3A_2496 = arith.extui %eq3A_2495 : vector<128x1xi1> to vector<128x1xi32>
    %convert_element_type3A_2497 = arith.sitofp %convert_element_type3A_2496 : vector<128x1xi32> to vector<128x1xf32>
    %add3A_2498 = arith.constant 3.200000e+01 : f32
    %add3A_2499 = vector.broadcast %add3A_2498 : f32 to vector<128x1xf32>
    %add3A_2500 = arith.addf %sub3A_2493, %add3A_2499 : vector<128x1xf32>
    %jit3A_2501 = arith.constant 0.000000e+00 : f32
    %jit3A_2502 = arith.constant 6.400000e+01 : f32
    %max3A_2503 = vector.broadcast %jit3A_2501 : f32 to vector<128x1xf32>
    %max3A_2504 = arith.maximumf %max3A_2503, %add3A_2500 : vector<128x1xf32>
    %min3A_2505 = vector.broadcast %jit3A_2502 : f32 to vector<128x1xf32>
    %min3A_2506 = arith.minimumf %min3A_2505, %max3A_2504 : vector<128x1xf32>
    %mul3A_2507 = arith.mulf %min3A_2506, %convert_element_type3A_2497 : vector<128x1xf32>
    %sub3A_2508 = arith.constant 1.000000e+00 : f32
    %sub3A_2509 = vector.broadcast %sub3A_2508 : f32 to vector<128x1xf32>
    %sub3A_2510 = arith.subf %sub3A_2509, %convert_element_type3A_2497 : vector<128x1xf32>
    %mul3A_2511 = arith.constant 6.500000e+01 : f32
    %mul3A_2512 = vector.broadcast %mul3A_2511 : f32 to vector<128x1xf32>
    %mul3A_2513 = arith.mulf %sub3A_2510, %mul3A_2512 : vector<128x1xf32>
    %add3A_2514 = arith.addf %mul3A_2507, %mul3A_2513 : vector<128x1xf32>
    %convert_element_type3A_2515 = arith.fptosi %add3A_2514 : vector<128x1xf32> to vector<128x1xi32>
    %eq3A_2516 = vector.broadcast %convert_element_type3A_2515 : vector<128x1xi32> to vector<128x128xi32>
    %eq3A_2517 = arith.cmpi eq, %iota3A, %eq3A_2516 : vector<128x128xi32>
    %convert_element_type3A_2518 = arith.extui %eq3A_2517 : vector<128x128xi1> to vector<128x128xi32>
    %convert_element_type3A_2519 = arith.sitofp %convert_element_type3A_2518 : vector<128x128xi32> to vector<128x128xf32>
    %get3A_2520 = arith.constant 0 : index
    %get3A_2521 = arith.constant 0 : index
    %get3A_2522 = vector.load %arg5[%get3A_2520, %get3A_2521] : memref<128x128xf32, #tpu.memory_space<vmem>>, vector<128x128xf32>
    %dot_general3A_2523 = arith.constant dense<0.000000e+00> : vector<128x128xf32>
    %dot_general3A_2524 = tpu.matmul %convert_element_type3A_2519, %get3A_2522, %dot_general3A_2523 {dimension_numbers = #tpu.dot_dimension_numbers<[1], [0], [0], [1], [0, 0, 1, 1], [], []>, transpose_lhs_hint = false} : vector<128x128xf32>, vector<128x128xf32>, vector<128x128xf32> -> vector<128x128xf32>
    %get3A_2525 = arith.constant 0 : index
    %get3A_2526 = arith.constant 0 : index
    %get3A_2527 = vector.load %arg6[%get3A_2525, %get3A_2526] : memref<512x128xf32, #tpu.memory_space<vmem>>, vector<512x128xf32>
    %dot_general3A_2528 = arith.constant dense<0.000000e+00> : vector<128x128xf32>
    %dot_general3A_2529 = tpu.matmul %exp3A_2491, %get3A_2527, %dot_general3A_2528 {dimension_numbers = #tpu.dot_dimension_numbers<[1], [0], [0], [1], [0, 0, 1, 1], [], []>, transpose_lhs_hint = false} : vector<128x512xf32>, vector<512x128xf32>, vector<128x128xf32> -> vector<128x128xf32>
    %add3A_2530 = arith.addf %dot_general3A_2524, %dot_general3A_2529 : vector<128x128xf32>
    %swap3A_2531 = arith.constant 0 : index
    %swap3A_2532 = arith.constant 3584 : index
    %swap3A_2533 = vector.load %arg10[%swap3A_2531, %swap3A_2532] : memref<128x6144xf32, #tpu.memory_space<vmem>>, vector<128x128xf32>
    tpu.vector_store %arg10[%swap3A_2531, %swap3A_2532], %add3A_2530 {strides = array<i32>} : memref<128x6144xf32, #tpu.memory_space<vmem>>, vector<128x128xf32>,
    %reduce_max3A_2534 = arith.constant dense<0xFF800000> : vector<128xf32>
    %reduce_max3A_2535 = vector.multi_reduction <maximumf>, %select_n3A_2465, %reduce_max3A_2534 [1] : vector<128x1024xf32> to vector<128xf32>
    %broadcast_in_dim3A_2536 = vector.shape_cast %reduce_max3A_2535 : vector<128xf32> to vector<128x1xf32>
    %eq3A_2537 = vector.broadcast %broadcast_in_dim3A_2536 : vector<128x1xf32> to vector<128x1024xf32>
    %eq3A_2538 = arith.cmpf oeq, %select_n3A_2465, %eq3A_2537 : vector<128x1024xf32>
    %jit3A_2539 = arith.constant 1024 : i32
    %broadcast_in_dim3A_2540 = vector.broadcast %jit3A_2539 : i32 to vector<128x1024xi32>
    %select_n3A_2541 = arith.select %eq3A_2538, %iota3A_48, %broadcast_in_dim3A_2540 : vector<128x1024xi1>, vector<128x1024xi32>
    %reduce_min3A_2542 = arith.constant dense<2147483647> : vector<128xi32>
    %reduce_min3A_2543 = vector.multi_reduction <minsi>, %select_n3A_2541, %reduce_min3A_2542 [1] : vector<128x1024xi32> to vector<128xi32>
    %broadcast_in_dim3A_2544 = vector.shape_cast %reduce_min3A_2543 : vector<128xi32> to vector<128x1xi32>
    %eq3A_2545 = vector.broadcast %broadcast_in_dim3A_2544 : vector<128x1xi32> to vector<128x1024xi32>
    %eq3A_2546 = arith.cmpi eq, %iota3A_48, %eq3A_2545 : vector<128x1024xi32>
    %convert_element_type3A_2547 = arith.extui %eq3A_2546 : vector<128x1024xi1> to vector<128x1024xi32>
    %convert_element_type3A_2548 = arith.sitofp %convert_element_type3A_2547 : vector<128x1024xi32> to vector<128x1024xf32>
    %jit3A_2549 = arith.constant 0xFF800000 : f32
    %broadcast_in_dim3A_2550 = vector.broadcast %jit3A_2549 : f32 to vector<128x1024xf32>
    %select_n3A_2551 = arith.select %eq3A_2546, %broadcast_in_dim3A_2550, %select_n3A_2465 : vector<128x1024xi1>, vector<128x1024xf32>
    %dot_general3A_2552 = arith.constant dense<0.000000e+00> : vector<128x128xf32>
    %dot_general3A_2553 = tpu.matmul %convert_element_type3A_2548, %get3A_11, %dot_general3A_2552 {dimension_numbers = #tpu.dot_dimension_numbers<[1], [0], [0], [1], [0, 0, 1, 1], [], []>, precision = #tpu.contract_precision<fp32>, transpose_lhs_hint = false} : vector<128x1024xf32>, vector<1024x128xf32>, vector<128x128xf32> -> vector<128x128xf32>
    %slice3A_2554 = vector.extract_strided_slice %dot_general3A_2553 {offsets = [0, 0], sizes = [128, 72], strides = [1, 1]} : vector<128x128xf32> to vector<128x72xf32>
    %sub3A_2555 = arith.subf %slice3A, %slice3A_2554 : vector<128x72xf32>
    %mul3A_2556 = arith.mulf %sub3A_2555, %sub3A_2555 : vector<128x72xf32>
    %slice3A_2557 = vector.extract_strided_slice %mul3A_2556 {offsets = [0, 0], sizes = [128, 24], strides = [1, 1]} : vector<128x72xf32> to vector<128x24xf32>
    %slice3A_2558 = vector.extract_strided_slice %mul3A_2556 {offsets = [0, 24], sizes = [128, 24], strides = [1, 1]} : vector<128x72xf32> to vector<128x24xf32>
    %add3A_2559 = arith.addf %slice3A_2557, %slice3A_2558 : vector<128x24xf32>
    %slice3A_2560 = vector.extract_strided_slice %mul3A_2556 {offsets = [0, 48], sizes = [128, 24], strides = [1, 1]} : vector<128x72xf32> to vector<128x24xf32>
    %add3A_2561 = arith.addf %add3A_2559, %slice3A_2560 : vector<128x24xf32>
    %add3A_2562 = arith.constant 9.99999997E-7 : f32
    %add3A_2563 = vector.broadcast %add3A_2562 : f32 to vector<128x24xf32>
    %add3A_2564 = arith.addf %add3A_2561, %add3A_2563 : vector<128x24xf32>
    %sqrt3A_2565 = math.sqrt %add3A_2564 : vector<128x24xf32>
    %concatenate3A_2566 = tpu.concatenate %broadcast_in_dim3A_2536, %sqrt3A_2565, %broadcast_in_dim3A_15 in 1 : vector<128x1xf32>, vector<128x24xf32>, vector<128x7xf32> -> vector<128x32xf32>
    %concatenate3A_2567 = tpu.concatenate %concatenate3A_2566, %concatenate3A_2566, %concatenate3A_2566, %concatenate3A_2566, %concatenate3A_2566, %concatenate3A_2566, %concatenate3A_2566, %concatenate3A_2566, %concatenate3A_2566, %concatenate3A_2566, %concatenate3A_2566, %concatenate3A_2566, %concatenate3A_2566, %concatenate3A_2566, %concatenate3A_2566, %concatenate3A_2566 in 1 : vector<128x32xf32>, vector<128x32xf32>, vector<128x32xf32>, vector<128x32xf32>, vector<128x32xf32>, vector<128x32xf32>, vector<128x32xf32>, vector<128x32xf32>, vector<128x32xf32>, vector<128x32xf32>, vector<128x32xf32>, vector<128x32xf32>, vector<128x32xf32>, vector<128x32xf32>, vector<128x32xf32>, vector<128x32xf32> -> vector<128x512xf32>
    %sub3A_2568 = vector.broadcast %get3A_14 : vector<1x512xf32> to vector<128x512xf32>
    %sub3A_2569 = arith.subf %concatenate3A_2567, %sub3A_2568 : vector<128x512xf32>
    %mul3A_2570 = arith.constant 8.000000e-01 : f32
    %mul3A_2571 = vector.broadcast %mul3A_2570 : f32 to vector<128x512xf32>
    %mul3A_2572 = arith.mulf %sub3A_2569, %mul3A_2571 : vector<128x512xf32>
    %mul3A_2573 = arith.mulf %mul3A_2572, %mul3A_2572 : vector<128x512xf32>
    %neg3A_2574 = arith.constant 0.000000e+00 : f32
    %neg3A_2575 = vector.broadcast %neg3A_2574 : f32 to vector<128x512xf32>
    %neg3A_2576 = arith.subf %neg3A_2575, %mul3A_2573 : vector<128x512xf32>
    %exp3A_2577 = math.exp %neg3A_2576 : vector<128x512xf32>
    %slice3A_2578 = vector.extract_strided_slice %dot_general3A_2553 {offsets = [0, 73], sizes = [128, 1], strides = [1, 1]} : vector<128x128xf32> to vector<128x1xf32>
    %sub3A_2579 = arith.subf %slice3A_18, %slice3A_2578 : vector<128x1xf32>
    %slice3A_2580 = vector.extract_strided_slice %dot_general3A_2553 {offsets = [0, 72], sizes = [128, 1], strides = [1, 1]} : vector<128x128xf32> to vector<128x1xf32>
    %eq3A_2581 = arith.cmpf oeq, %slice3A_16, %slice3A_2580 : vector<128x1xf32>
    %convert_element_type3A_2582 = arith.extui %eq3A_2581 : vector<128x1xi1> to vector<128x1xi32>
    %convert_element_type3A_2583 = arith.sitofp %convert_element_type3A_2582 : vector<128x1xi32> to vector<128x1xf32>
    %add3A_2584 = arith.constant 3.200000e+01 : f32
    %add3A_2585 = vector.broadcast %add3A_2584 : f32 to vector<128x1xf32>
    %add3A_2586 = arith.addf %sub3A_2579, %add3A_2585 : vector<128x1xf32>
    %jit3A_2587 = arith.constant 0.000000e+00 : f32
    %jit3A_2588 = arith.constant 6.400000e+01 : f32
    %max3A_2589 = vector.broadcast %jit3A_2587 : f32 to vector<128x1xf32>
    %max3A_2590 = arith.maximumf %max3A_2589, %add3A_2586 : vector<128x1xf32>
    %min3A_2591 = vector.broadcast %jit3A_2588 : f32 to vector<128x1xf32>
    %min3A_2592 = arith.minimumf %min3A_2591, %max3A_2590 : vector<128x1xf32>
    %mul3A_2593 = arith.mulf %min3A_2592, %convert_element_type3A_2583 : vector<128x1xf32>
    %sub3A_2594 = arith.constant 1.000000e+00 : f32
    %sub3A_2595 = vector.broadcast %sub3A_2594 : f32 to vector<128x1xf32>
    %sub3A_2596 = arith.subf %sub3A_2595, %convert_element_type3A_2583 : vector<128x1xf32>
    %mul3A_2597 = arith.constant 6.500000e+01 : f32
    %mul3A_2598 = vector.broadcast %mul3A_2597 : f32 to vector<128x1xf32>
    %mul3A_2599 = arith.mulf %sub3A_2596, %mul3A_2598 : vector<128x1xf32>
    %add3A_2600 = arith.addf %mul3A_2593, %mul3A_2599 : vector<128x1xf32>
    %convert_element_type3A_2601 = arith.fptosi %add3A_2600 : vector<128x1xf32> to vector<128x1xi32>
    %eq3A_2602 = vector.broadcast %convert_element_type3A_2601 : vector<128x1xi32> to vector<128x128xi32>
    %eq3A_2603 = arith.cmpi eq, %iota3A, %eq3A_2602 : vector<128x128xi32>
    %convert_element_type3A_2604 = arith.extui %eq3A_2603 : vector<128x128xi1> to vector<128x128xi32>
    %convert_element_type3A_2605 = arith.sitofp %convert_element_type3A_2604 : vector<128x128xi32> to vector<128x128xf32>
    %get3A_2606 = arith.constant 0 : index
    %get3A_2607 = arith.constant 0 : index
    %get3A_2608 = vector.load %arg5[%get3A_2606, %get3A_2607] : memref<128x128xf32, #tpu.memory_space<vmem>>, vector<128x128xf32>
    %dot_general3A_2609 = arith.constant dense<0.000000e+00> : vector<128x128xf32>
    %dot_general3A_2610 = tpu.matmul %convert_element_type3A_2605, %get3A_2608, %dot_general3A_2609 {dimension_numbers = #tpu.dot_dimension_numbers<[1], [0], [0], [1], [0, 0, 1, 1], [], []>, transpose_lhs_hint = false} : vector<128x128xf32>, vector<128x128xf32>, vector<128x128xf32> -> vector<128x128xf32>
    %get3A_2611 = arith.constant 0 : index
    %get3A_2612 = arith.constant 0 : index
    %get3A_2613 = vector.load %arg6[%get3A_2611, %get3A_2612] : memref<512x128xf32, #tpu.memory_space<vmem>>, vector<512x128xf32>
    %dot_general3A_2614 = arith.constant dense<0.000000e+00> : vector<128x128xf32>
    %dot_general3A_2615 = tpu.matmul %exp3A_2577, %get3A_2613, %dot_general3A_2614 {dimension_numbers = #tpu.dot_dimension_numbers<[1], [0], [0], [1], [0, 0, 1, 1], [], []>, transpose_lhs_hint = false} : vector<128x512xf32>, vector<512x128xf32>, vector<128x128xf32> -> vector<128x128xf32>
    %add3A_2616 = arith.addf %dot_general3A_2610, %dot_general3A_2615 : vector<128x128xf32>
    %swap3A_2617 = arith.constant 0 : index
    %swap3A_2618 = arith.constant 3712 : index
    %swap3A_2619 = vector.load %arg10[%swap3A_2617, %swap3A_2618] : memref<128x6144xf32, #tpu.memory_space<vmem>>, vector<128x128xf32>
    tpu.vector_store %arg10[%swap3A_2617, %swap3A_2618], %add3A_2616 {strides = array<i32>} : memref<128x6144xf32, #tpu.memory_space<vmem>>, vector<128x128xf32>,
    %reduce_max3A_2620 = arith.constant dense<0xFF800000> : vector<128xf32>
    %reduce_max3A_2621 = vector.multi_reduction <maximumf>, %select_n3A_2551, %reduce_max3A_2620 [1] : vector<128x1024xf32> to vector<128xf32>
    %broadcast_in_dim3A_2622 = vector.shape_cast %reduce_max3A_2621 : vector<128xf32> to vector<128x1xf32>
    %eq3A_2623 = vector.broadcast %broadcast_in_dim3A_2622 : vector<128x1xf32> to vector<128x1024xf32>
    %eq3A_2624 = arith.cmpf oeq, %select_n3A_2551, %eq3A_2623 : vector<128x1024xf32>
    %jit3A_2625 = arith.constant 1024 : i32
    %broadcast_in_dim3A_2626 = vector.broadcast %jit3A_2625 : i32 to vector<128x1024xi32>
    %select_n3A_2627 = arith.select %eq3A_2624, %iota3A_48, %broadcast_in_dim3A_2626 : vector<128x1024xi1>, vector<128x1024xi32>
    %reduce_min3A_2628 = arith.constant dense<2147483647> : vector<128xi32>
    %reduce_min3A_2629 = vector.multi_reduction <minsi>, %select_n3A_2627, %reduce_min3A_2628 [1] : vector<128x1024xi32> to vector<128xi32>
    %broadcast_in_dim3A_2630 = vector.shape_cast %reduce_min3A_2629 : vector<128xi32> to vector<128x1xi32>
    %eq3A_2631 = vector.broadcast %broadcast_in_dim3A_2630 : vector<128x1xi32> to vector<128x1024xi32>
    %eq3A_2632 = arith.cmpi eq, %iota3A_48, %eq3A_2631 : vector<128x1024xi32>
    %convert_element_type3A_2633 = arith.extui %eq3A_2632 : vector<128x1024xi1> to vector<128x1024xi32>
    %convert_element_type3A_2634 = arith.sitofp %convert_element_type3A_2633 : vector<128x1024xi32> to vector<128x1024xf32>
    %jit3A_2635 = arith.constant 0xFF800000 : f32
    %broadcast_in_dim3A_2636 = vector.broadcast %jit3A_2635 : f32 to vector<128x1024xf32>
    %select_n3A_2637 = arith.select %eq3A_2632, %broadcast_in_dim3A_2636, %select_n3A_2551 : vector<128x1024xi1>, vector<128x1024xf32>
    %dot_general3A_2638 = arith.constant dense<0.000000e+00> : vector<128x128xf32>
    %dot_general3A_2639 = tpu.matmul %convert_element_type3A_2634, %get3A_11, %dot_general3A_2638 {dimension_numbers = #tpu.dot_dimension_numbers<[1], [0], [0], [1], [0, 0, 1, 1], [], []>, precision = #tpu.contract_precision<fp32>, transpose_lhs_hint = false} : vector<128x1024xf32>, vector<1024x128xf32>, vector<128x128xf32> -> vector<128x128xf32>
    %slice3A_2640 = vector.extract_strided_slice %dot_general3A_2639 {offsets = [0, 0], sizes = [128, 72], strides = [1, 1]} : vector<128x128xf32> to vector<128x72xf32>
    %sub3A_2641 = arith.subf %slice3A, %slice3A_2640 : vector<128x72xf32>
    %mul3A_2642 = arith.mulf %sub3A_2641, %sub3A_2641 : vector<128x72xf32>
    %slice3A_2643 = vector.extract_strided_slice %mul3A_2642 {offsets = [0, 0], sizes = [128, 24], strides = [1, 1]} : vector<128x72xf32> to vector<128x24xf32>
    %slice3A_2644 = vector.extract_strided_slice %mul3A_2642 {offsets = [0, 24], sizes = [128, 24], strides = [1, 1]} : vector<128x72xf32> to vector<128x24xf32>
    %add3A_2645 = arith.addf %slice3A_2643, %slice3A_2644 : vector<128x24xf32>
    %slice3A_2646 = vector.extract_strided_slice %mul3A_2642 {offsets = [0, 48], sizes = [128, 24], strides = [1, 1]} : vector<128x72xf32> to vector<128x24xf32>
    %add3A_2647 = arith.addf %add3A_2645, %slice3A_2646 : vector<128x24xf32>
    %add3A_2648 = arith.constant 9.99999997E-7 : f32
    %add3A_2649 = vector.broadcast %add3A_2648 : f32 to vector<128x24xf32>
    %add3A_2650 = arith.addf %add3A_2647, %add3A_2649 : vector<128x24xf32>
    %sqrt3A_2651 = math.sqrt %add3A_2650 : vector<128x24xf32>
    %concatenate3A_2652 = tpu.concatenate %broadcast_in_dim3A_2622, %sqrt3A_2651, %broadcast_in_dim3A_15 in 1 : vector<128x1xf32>, vector<128x24xf32>, vector<128x7xf32> -> vector<128x32xf32>
    %concatenate3A_2653 = tpu.concatenate %concatenate3A_2652, %concatenate3A_2652, %concatenate3A_2652, %concatenate3A_2652, %concatenate3A_2652, %concatenate3A_2652, %concatenate3A_2652, %concatenate3A_2652, %concatenate3A_2652, %concatenate3A_2652, %concatenate3A_2652, %concatenate3A_2652, %concatenate3A_2652, %concatenate3A_2652, %concatenate3A_2652, %concatenate3A_2652 in 1 : vector<128x32xf32>, vector<128x32xf32>, vector<128x32xf32>, vector<128x32xf32>, vector<128x32xf32>, vector<128x32xf32>, vector<128x32xf32>, vector<128x32xf32>, vector<128x32xf32>, vector<128x32xf32>, vector<128x32xf32>, vector<128x32xf32>, vector<128x32xf32>, vector<128x32xf32>, vector<128x32xf32>, vector<128x32xf32> -> vector<128x512xf32>
    %sub3A_2654 = vector.broadcast %get3A_14 : vector<1x512xf32> to vector<128x512xf32>
    %sub3A_2655 = arith.subf %concatenate3A_2653, %sub3A_2654 : vector<128x512xf32>
    %mul3A_2656 = arith.constant 8.000000e-01 : f32
    %mul3A_2657 = vector.broadcast %mul3A_2656 : f32 to vector<128x512xf32>
    %mul3A_2658 = arith.mulf %sub3A_2655, %mul3A_2657 : vector<128x512xf32>
    %mul3A_2659 = arith.mulf %mul3A_2658, %mul3A_2658 : vector<128x512xf32>
    %neg3A_2660 = arith.constant 0.000000e+00 : f32
    %neg3A_2661 = vector.broadcast %neg3A_2660 : f32 to vector<128x512xf32>
    %neg3A_2662 = arith.subf %neg3A_2661, %mul3A_2659 : vector<128x512xf32>
    %exp3A_2663 = math.exp %neg3A_2662 : vector<128x512xf32>
    %slice3A_2664 = vector.extract_strided_slice %dot_general3A_2639 {offsets = [0, 73], sizes = [128, 1], strides = [1, 1]} : vector<128x128xf32> to vector<128x1xf32>
    %sub3A_2665 = arith.subf %slice3A_18, %slice3A_2664 : vector<128x1xf32>
    %slice3A_2666 = vector.extract_strided_slice %dot_general3A_2639 {offsets = [0, 72], sizes = [128, 1], strides = [1, 1]} : vector<128x128xf32> to vector<128x1xf32>
    %eq3A_2667 = arith.cmpf oeq, %slice3A_16, %slice3A_2666 : vector<128x1xf32>
    %convert_element_type3A_2668 = arith.extui %eq3A_2667 : vector<128x1xi1> to vector<128x1xi32>
    %convert_element_type3A_2669 = arith.sitofp %convert_element_type3A_2668 : vector<128x1xi32> to vector<128x1xf32>
    %add3A_2670 = arith.constant 3.200000e+01 : f32
    %add3A_2671 = vector.broadcast %add3A_2670 : f32 to vector<128x1xf32>
    %add3A_2672 = arith.addf %sub3A_2665, %add3A_2671 : vector<128x1xf32>
    %jit3A_2673 = arith.constant 0.000000e+00 : f32
    %jit3A_2674 = arith.constant 6.400000e+01 : f32
    %max3A_2675 = vector.broadcast %jit3A_2673 : f32 to vector<128x1xf32>
    %max3A_2676 = arith.maximumf %max3A_2675, %add3A_2672 : vector<128x1xf32>
    %min3A_2677 = vector.broadcast %jit3A_2674 : f32 to vector<128x1xf32>
    %min3A_2678 = arith.minimumf %min3A_2677, %max3A_2676 : vector<128x1xf32>
    %mul3A_2679 = arith.mulf %min3A_2678, %convert_element_type3A_2669 : vector<128x1xf32>
    %sub3A_2680 = arith.constant 1.000000e+00 : f32
    %sub3A_2681 = vector.broadcast %sub3A_2680 : f32 to vector<128x1xf32>
    %sub3A_2682 = arith.subf %sub3A_2681, %convert_element_type3A_2669 : vector<128x1xf32>
    %mul3A_2683 = arith.constant 6.500000e+01 : f32
    %mul3A_2684 = vector.broadcast %mul3A_2683 : f32 to vector<128x1xf32>
    %mul3A_2685 = arith.mulf %sub3A_2682, %mul3A_2684 : vector<128x1xf32>
    %add3A_2686 = arith.addf %mul3A_2679, %mul3A_2685 : vector<128x1xf32>
    %convert_element_type3A_2687 = arith.fptosi %add3A_2686 : vector<128x1xf32> to vector<128x1xi32>
    %eq3A_2688 = vector.broadcast %convert_element_type3A_2687 : vector<128x1xi32> to vector<128x128xi32>
    %eq3A_2689 = arith.cmpi eq, %iota3A, %eq3A_2688 : vector<128x128xi32>
    %convert_element_type3A_2690 = arith.extui %eq3A_2689 : vector<128x128xi1> to vector<128x128xi32>
    %convert_element_type3A_2691 = arith.sitofp %convert_element_type3A_2690 : vector<128x128xi32> to vector<128x128xf32>
    %get3A_2692 = arith.constant 0 : index
    %get3A_2693 = arith.constant 0 : index
    %get3A_2694 = vector.load %arg5[%get3A_2692, %get3A_2693] : memref<128x128xf32, #tpu.memory_space<vmem>>, vector<128x128xf32>
    %dot_general3A_2695 = arith.constant dense<0.000000e+00> : vector<128x128xf32>
    %dot_general3A_2696 = tpu.matmul %convert_element_type3A_2691, %get3A_2694, %dot_general3A_2695 {dimension_numbers = #tpu.dot_dimension_numbers<[1], [0], [0], [1], [0, 0, 1, 1], [], []>, transpose_lhs_hint = false} : vector<128x128xf32>, vector<128x128xf32>, vector<128x128xf32> -> vector<128x128xf32>
    %get3A_2697 = arith.constant 0 : index
    %get3A_2698 = arith.constant 0 : index
    %get3A_2699 = vector.load %arg6[%get3A_2697, %get3A_2698] : memref<512x128xf32, #tpu.memory_space<vmem>>, vector<512x128xf32>
    %dot_general3A_2700 = arith.constant dense<0.000000e+00> : vector<128x128xf32>
    %dot_general3A_2701 = tpu.matmul %exp3A_2663, %get3A_2699, %dot_general3A_2700 {dimension_numbers = #tpu.dot_dimension_numbers<[1], [0], [0], [1], [0, 0, 1, 1], [], []>, transpose_lhs_hint = false} : vector<128x512xf32>, vector<512x128xf32>, vector<128x128xf32> -> vector<128x128xf32>
    %add3A_2702 = arith.addf %dot_general3A_2696, %dot_general3A_2701 : vector<128x128xf32>
    %swap3A_2703 = arith.constant 0 : index
    %swap3A_2704 = arith.constant 3840 : index
    %swap3A_2705 = vector.load %arg10[%swap3A_2703, %swap3A_2704] : memref<128x6144xf32, #tpu.memory_space<vmem>>, vector<128x128xf32>
    tpu.vector_store %arg10[%swap3A_2703, %swap3A_2704], %add3A_2702 {strides = array<i32>} : memref<128x6144xf32, #tpu.memory_space<vmem>>, vector<128x128xf32>,
    %reduce_max3A_2706 = arith.constant dense<0xFF800000> : vector<128xf32>
    %reduce_max3A_2707 = vector.multi_reduction <maximumf>, %select_n3A_2637, %reduce_max3A_2706 [1] : vector<128x1024xf32> to vector<128xf32>
    %broadcast_in_dim3A_2708 = vector.shape_cast %reduce_max3A_2707 : vector<128xf32> to vector<128x1xf32>
    %eq3A_2709 = vector.broadcast %broadcast_in_dim3A_2708 : vector<128x1xf32> to vector<128x1024xf32>
    %eq3A_2710 = arith.cmpf oeq, %select_n3A_2637, %eq3A_2709 : vector<128x1024xf32>
    %jit3A_2711 = arith.constant 1024 : i32
    %broadcast_in_dim3A_2712 = vector.broadcast %jit3A_2711 : i32 to vector<128x1024xi32>
    %select_n3A_2713 = arith.select %eq3A_2710, %iota3A_48, %broadcast_in_dim3A_2712 : vector<128x1024xi1>, vector<128x1024xi32>
    %reduce_min3A_2714 = arith.constant dense<2147483647> : vector<128xi32>
    %reduce_min3A_2715 = vector.multi_reduction <minsi>, %select_n3A_2713, %reduce_min3A_2714 [1] : vector<128x1024xi32> to vector<128xi32>
    %broadcast_in_dim3A_2716 = vector.shape_cast %reduce_min3A_2715 : vector<128xi32> to vector<128x1xi32>
    %eq3A_2717 = vector.broadcast %broadcast_in_dim3A_2716 : vector<128x1xi32> to vector<128x1024xi32>
    %eq3A_2718 = arith.cmpi eq, %iota3A_48, %eq3A_2717 : vector<128x1024xi32>
    %convert_element_type3A_2719 = arith.extui %eq3A_2718 : vector<128x1024xi1> to vector<128x1024xi32>
    %convert_element_type3A_2720 = arith.sitofp %convert_element_type3A_2719 : vector<128x1024xi32> to vector<128x1024xf32>
    %jit3A_2721 = arith.constant 0xFF800000 : f32
    %broadcast_in_dim3A_2722 = vector.broadcast %jit3A_2721 : f32 to vector<128x1024xf32>
    %select_n3A_2723 = arith.select %eq3A_2718, %broadcast_in_dim3A_2722, %select_n3A_2637 : vector<128x1024xi1>, vector<128x1024xf32>
    %dot_general3A_2724 = arith.constant dense<0.000000e+00> : vector<128x128xf32>
    %dot_general3A_2725 = tpu.matmul %convert_element_type3A_2720, %get3A_11, %dot_general3A_2724 {dimension_numbers = #tpu.dot_dimension_numbers<[1], [0], [0], [1], [0, 0, 1, 1], [], []>, precision = #tpu.contract_precision<fp32>, transpose_lhs_hint = false} : vector<128x1024xf32>, vector<1024x128xf32>, vector<128x128xf32> -> vector<128x128xf32>
    %slice3A_2726 = vector.extract_strided_slice %dot_general3A_2725 {offsets = [0, 0], sizes = [128, 72], strides = [1, 1]} : vector<128x128xf32> to vector<128x72xf32>
    %sub3A_2727 = arith.subf %slice3A, %slice3A_2726 : vector<128x72xf32>
    %mul3A_2728 = arith.mulf %sub3A_2727, %sub3A_2727 : vector<128x72xf32>
    %slice3A_2729 = vector.extract_strided_slice %mul3A_2728 {offsets = [0, 0], sizes = [128, 24], strides = [1, 1]} : vector<128x72xf32> to vector<128x24xf32>
    %slice3A_2730 = vector.extract_strided_slice %mul3A_2728 {offsets = [0, 24], sizes = [128, 24], strides = [1, 1]} : vector<128x72xf32> to vector<128x24xf32>
    %add3A_2731 = arith.addf %slice3A_2729, %slice3A_2730 : vector<128x24xf32>
    %slice3A_2732 = vector.extract_strided_slice %mul3A_2728 {offsets = [0, 48], sizes = [128, 24], strides = [1, 1]} : vector<128x72xf32> to vector<128x24xf32>
    %add3A_2733 = arith.addf %add3A_2731, %slice3A_2732 : vector<128x24xf32>
    %add3A_2734 = arith.constant 9.99999997E-7 : f32
    %add3A_2735 = vector.broadcast %add3A_2734 : f32 to vector<128x24xf32>
    %add3A_2736 = arith.addf %add3A_2733, %add3A_2735 : vector<128x24xf32>
    %sqrt3A_2737 = math.sqrt %add3A_2736 : vector<128x24xf32>
    %concatenate3A_2738 = tpu.concatenate %broadcast_in_dim3A_2708, %sqrt3A_2737, %broadcast_in_dim3A_15 in 1 : vector<128x1xf32>, vector<128x24xf32>, vector<128x7xf32> -> vector<128x32xf32>
    %concatenate3A_2739 = tpu.concatenate %concatenate3A_2738, %concatenate3A_2738, %concatenate3A_2738, %concatenate3A_2738, %concatenate3A_2738, %concatenate3A_2738, %concatenate3A_2738, %concatenate3A_2738, %concatenate3A_2738, %concatenate3A_2738, %concatenate3A_2738, %concatenate3A_2738, %concatenate3A_2738, %concatenate3A_2738, %concatenate3A_2738, %concatenate3A_2738 in 1 : vector<128x32xf32>, vector<128x32xf32>, vector<128x32xf32>, vector<128x32xf32>, vector<128x32xf32>, vector<128x32xf32>, vector<128x32xf32>, vector<128x32xf32>, vector<128x32xf32>, vector<128x32xf32>, vector<128x32xf32>, vector<128x32xf32>, vector<128x32xf32>, vector<128x32xf32>, vector<128x32xf32>, vector<128x32xf32> -> vector<128x512xf32>
    %sub3A_2740 = vector.broadcast %get3A_14 : vector<1x512xf32> to vector<128x512xf32>
    %sub3A_2741 = arith.subf %concatenate3A_2739, %sub3A_2740 : vector<128x512xf32>
    %mul3A_2742 = arith.constant 8.000000e-01 : f32
    %mul3A_2743 = vector.broadcast %mul3A_2742 : f32 to vector<128x512xf32>
    %mul3A_2744 = arith.mulf %sub3A_2741, %mul3A_2743 : vector<128x512xf32>
    %mul3A_2745 = arith.mulf %mul3A_2744, %mul3A_2744 : vector<128x512xf32>
    %neg3A_2746 = arith.constant 0.000000e+00 : f32
    %neg3A_2747 = vector.broadcast %neg3A_2746 : f32 to vector<128x512xf32>
    %neg3A_2748 = arith.subf %neg3A_2747, %mul3A_2745 : vector<128x512xf32>
    %exp3A_2749 = math.exp %neg3A_2748 : vector<128x512xf32>
    %slice3A_2750 = vector.extract_strided_slice %dot_general3A_2725 {offsets = [0, 73], sizes = [128, 1], strides = [1, 1]} : vector<128x128xf32> to vector<128x1xf32>
    %sub3A_2751 = arith.subf %slice3A_18, %slice3A_2750 : vector<128x1xf32>
    %slice3A_2752 = vector.extract_strided_slice %dot_general3A_2725 {offsets = [0, 72], sizes = [128, 1], strides = [1, 1]} : vector<128x128xf32> to vector<128x1xf32>
    %eq3A_2753 = arith.cmpf oeq, %slice3A_16, %slice3A_2752 : vector<128x1xf32>
    %convert_element_type3A_2754 = arith.extui %eq3A_2753 : vector<128x1xi1> to vector<128x1xi32>
    %convert_element_type3A_2755 = arith.sitofp %convert_element_type3A_2754 : vector<128x1xi32> to vector<128x1xf32>
    %add3A_2756 = arith.constant 3.200000e+01 : f32
    %add3A_2757 = vector.broadcast %add3A_2756 : f32 to vector<128x1xf32>
    %add3A_2758 = arith.addf %sub3A_2751, %add3A_2757 : vector<128x1xf32>
    %jit3A_2759 = arith.constant 0.000000e+00 : f32
    %jit3A_2760 = arith.constant 6.400000e+01 : f32
    %max3A_2761 = vector.broadcast %jit3A_2759 : f32 to vector<128x1xf32>
    %max3A_2762 = arith.maximumf %max3A_2761, %add3A_2758 : vector<128x1xf32>
    %min3A_2763 = vector.broadcast %jit3A_2760 : f32 to vector<128x1xf32>
    %min3A_2764 = arith.minimumf %min3A_2763, %max3A_2762 : vector<128x1xf32>
    %mul3A_2765 = arith.mulf %min3A_2764, %convert_element_type3A_2755 : vector<128x1xf32>
    %sub3A_2766 = arith.constant 1.000000e+00 : f32
    %sub3A_2767 = vector.broadcast %sub3A_2766 : f32 to vector<128x1xf32>
    %sub3A_2768 = arith.subf %sub3A_2767, %convert_element_type3A_2755 : vector<128x1xf32>
    %mul3A_2769 = arith.constant 6.500000e+01 : f32
    %mul3A_2770 = vector.broadcast %mul3A_2769 : f32 to vector<128x1xf32>
    %mul3A_2771 = arith.mulf %sub3A_2768, %mul3A_2770 : vector<128x1xf32>
    %add3A_2772 = arith.addf %mul3A_2765, %mul3A_2771 : vector<128x1xf32>
    %convert_element_type3A_2773 = arith.fptosi %add3A_2772 : vector<128x1xf32> to vector<128x1xi32>
    %eq3A_2774 = vector.broadcast %convert_element_type3A_2773 : vector<128x1xi32> to vector<128x128xi32>
    %eq3A_2775 = arith.cmpi eq, %iota3A, %eq3A_2774 : vector<128x128xi32>
    %convert_element_type3A_2776 = arith.extui %eq3A_2775 : vector<128x128xi1> to vector<128x128xi32>
    %convert_element_type3A_2777 = arith.sitofp %convert_element_type3A_2776 : vector<128x128xi32> to vector<128x128xf32>
    %get3A_2778 = arith.constant 0 : index
    %get3A_2779 = arith.constant 0 : index
    %get3A_2780 = vector.load %arg5[%get3A_2778, %get3A_2779] : memref<128x128xf32, #tpu.memory_space<vmem>>, vector<128x128xf32>
    %dot_general3A_2781 = arith.constant dense<0.000000e+00> : vector<128x128xf32>
    %dot_general3A_2782 = tpu.matmul %convert_element_type3A_2777, %get3A_2780, %dot_general3A_2781 {dimension_numbers = #tpu.dot_dimension_numbers<[1], [0], [0], [1], [0, 0, 1, 1], [], []>, transpose_lhs_hint = false} : vector<128x128xf32>, vector<128x128xf32>, vector<128x128xf32> -> vector<128x128xf32>
    %get3A_2783 = arith.constant 0 : index
    %get3A_2784 = arith.constant 0 : index
    %get3A_2785 = vector.load %arg6[%get3A_2783, %get3A_2784] : memref<512x128xf32, #tpu.memory_space<vmem>>, vector<512x128xf32>
    %dot_general3A_2786 = arith.constant dense<0.000000e+00> : vector<128x128xf32>
    %dot_general3A_2787 = tpu.matmul %exp3A_2749, %get3A_2785, %dot_general3A_2786 {dimension_numbers = #tpu.dot_dimension_numbers<[1], [0], [0], [1], [0, 0, 1, 1], [], []>, transpose_lhs_hint = false} : vector<128x512xf32>, vector<512x128xf32>, vector<128x128xf32> -> vector<128x128xf32>
    %add3A_2788 = arith.addf %dot_general3A_2782, %dot_general3A_2787 : vector<128x128xf32>
    %swap3A_2789 = arith.constant 0 : index
    %swap3A_2790 = arith.constant 3968 : index
    %swap3A_2791 = vector.load %arg10[%swap3A_2789, %swap3A_2790] : memref<128x6144xf32, #tpu.memory_space<vmem>>, vector<128x128xf32>
    tpu.vector_store %arg10[%swap3A_2789, %swap3A_2790], %add3A_2788 {strides = array<i32>} : memref<128x6144xf32, #tpu.memory_space<vmem>>, vector<128x128xf32>,
    %reduce_max3A_2792 = arith.constant dense<0xFF800000> : vector<128xf32>
    %reduce_max3A_2793 = vector.multi_reduction <maximumf>, %select_n3A_2723, %reduce_max3A_2792 [1] : vector<128x1024xf32> to vector<128xf32>
    %broadcast_in_dim3A_2794 = vector.shape_cast %reduce_max3A_2793 : vector<128xf32> to vector<128x1xf32>
    %eq3A_2795 = vector.broadcast %broadcast_in_dim3A_2794 : vector<128x1xf32> to vector<128x1024xf32>
    %eq3A_2796 = arith.cmpf oeq, %select_n3A_2723, %eq3A_2795 : vector<128x1024xf32>
    %jit3A_2797 = arith.constant 1024 : i32
    %broadcast_in_dim3A_2798 = vector.broadcast %jit3A_2797 : i32 to vector<128x1024xi32>
    %select_n3A_2799 = arith.select %eq3A_2796, %iota3A_48, %broadcast_in_dim3A_2798 : vector<128x1024xi1>, vector<128x1024xi32>
    %reduce_min3A_2800 = arith.constant dense<2147483647> : vector<128xi32>
    %reduce_min3A_2801 = vector.multi_reduction <minsi>, %select_n3A_2799, %reduce_min3A_2800 [1] : vector<128x1024xi32> to vector<128xi32>
    %broadcast_in_dim3A_2802 = vector.shape_cast %reduce_min3A_2801 : vector<128xi32> to vector<128x1xi32>
    %eq3A_2803 = vector.broadcast %broadcast_in_dim3A_2802 : vector<128x1xi32> to vector<128x1024xi32>
    %eq3A_2804 = arith.cmpi eq, %iota3A_48, %eq3A_2803 : vector<128x1024xi32>
    %convert_element_type3A_2805 = arith.extui %eq3A_2804 : vector<128x1024xi1> to vector<128x1024xi32>
    %convert_element_type3A_2806 = arith.sitofp %convert_element_type3A_2805 : vector<128x1024xi32> to vector<128x1024xf32>
    %jit3A_2807 = arith.constant 0xFF800000 : f32
    %broadcast_in_dim3A_2808 = vector.broadcast %jit3A_2807 : f32 to vector<128x1024xf32>
    %select_n3A_2809 = arith.select %eq3A_2804, %broadcast_in_dim3A_2808, %select_n3A_2723 : vector<128x1024xi1>, vector<128x1024xf32>
    %dot_general3A_2810 = arith.constant dense<0.000000e+00> : vector<128x128xf32>
    %dot_general3A_2811 = tpu.matmul %convert_element_type3A_2806, %get3A_11, %dot_general3A_2810 {dimension_numbers = #tpu.dot_dimension_numbers<[1], [0], [0], [1], [0, 0, 1, 1], [], []>, precision = #tpu.contract_precision<fp32>, transpose_lhs_hint = false} : vector<128x1024xf32>, vector<1024x128xf32>, vector<128x128xf32> -> vector<128x128xf32>
    %slice3A_2812 = vector.extract_strided_slice %dot_general3A_2811 {offsets = [0, 0], sizes = [128, 72], strides = [1, 1]} : vector<128x128xf32> to vector<128x72xf32>
    %sub3A_2813 = arith.subf %slice3A, %slice3A_2812 : vector<128x72xf32>
    %mul3A_2814 = arith.mulf %sub3A_2813, %sub3A_2813 : vector<128x72xf32>
    %slice3A_2815 = vector.extract_strided_slice %mul3A_2814 {offsets = [0, 0], sizes = [128, 24], strides = [1, 1]} : vector<128x72xf32> to vector<128x24xf32>
    %slice3A_2816 = vector.extract_strided_slice %mul3A_2814 {offsets = [0, 24], sizes = [128, 24], strides = [1, 1]} : vector<128x72xf32> to vector<128x24xf32>
    %add3A_2817 = arith.addf %slice3A_2815, %slice3A_2816 : vector<128x24xf32>
    %slice3A_2818 = vector.extract_strided_slice %mul3A_2814 {offsets = [0, 48], sizes = [128, 24], strides = [1, 1]} : vector<128x72xf32> to vector<128x24xf32>
    %add3A_2819 = arith.addf %add3A_2817, %slice3A_2818 : vector<128x24xf32>
    %add3A_2820 = arith.constant 9.99999997E-7 : f32
    %add3A_2821 = vector.broadcast %add3A_2820 : f32 to vector<128x24xf32>
    %add3A_2822 = arith.addf %add3A_2819, %add3A_2821 : vector<128x24xf32>
    %sqrt3A_2823 = math.sqrt %add3A_2822 : vector<128x24xf32>
    %concatenate3A_2824 = tpu.concatenate %broadcast_in_dim3A_2794, %sqrt3A_2823, %broadcast_in_dim3A_15 in 1 : vector<128x1xf32>, vector<128x24xf32>, vector<128x7xf32> -> vector<128x32xf32>
    %concatenate3A_2825 = tpu.concatenate %concatenate3A_2824, %concatenate3A_2824, %concatenate3A_2824, %concatenate3A_2824, %concatenate3A_2824, %concatenate3A_2824, %concatenate3A_2824, %concatenate3A_2824, %concatenate3A_2824, %concatenate3A_2824, %concatenate3A_2824, %concatenate3A_2824, %concatenate3A_2824, %concatenate3A_2824, %concatenate3A_2824, %concatenate3A_2824 in 1 : vector<128x32xf32>, vector<128x32xf32>, vector<128x32xf32>, vector<128x32xf32>, vector<128x32xf32>, vector<128x32xf32>, vector<128x32xf32>, vector<128x32xf32>, vector<128x32xf32>, vector<128x32xf32>, vector<128x32xf32>, vector<128x32xf32>, vector<128x32xf32>, vector<128x32xf32>, vector<128x32xf32>, vector<128x32xf32> -> vector<128x512xf32>
    %sub3A_2826 = vector.broadcast %get3A_14 : vector<1x512xf32> to vector<128x512xf32>
    %sub3A_2827 = arith.subf %concatenate3A_2825, %sub3A_2826 : vector<128x512xf32>
    %mul3A_2828 = arith.constant 8.000000e-01 : f32
    %mul3A_2829 = vector.broadcast %mul3A_2828 : f32 to vector<128x512xf32>
    %mul3A_2830 = arith.mulf %sub3A_2827, %mul3A_2829 : vector<128x512xf32>
    %mul3A_2831 = arith.mulf %mul3A_2830, %mul3A_2830 : vector<128x512xf32>
    %neg3A_2832 = arith.constant 0.000000e+00 : f32
    %neg3A_2833 = vector.broadcast %neg3A_2832 : f32 to vector<128x512xf32>
    %neg3A_2834 = arith.subf %neg3A_2833, %mul3A_2831 : vector<128x512xf32>
    %exp3A_2835 = math.exp %neg3A_2834 : vector<128x512xf32>
    %slice3A_2836 = vector.extract_strided_slice %dot_general3A_2811 {offsets = [0, 73], sizes = [128, 1], strides = [1, 1]} : vector<128x128xf32> to vector<128x1xf32>
    %sub3A_2837 = arith.subf %slice3A_18, %slice3A_2836 : vector<128x1xf32>
    %slice3A_2838 = vector.extract_strided_slice %dot_general3A_2811 {offsets = [0, 72], sizes = [128, 1], strides = [1, 1]} : vector<128x128xf32> to vector<128x1xf32>
    %eq3A_2839 = arith.cmpf oeq, %slice3A_16, %slice3A_2838 : vector<128x1xf32>
    %convert_element_type3A_2840 = arith.extui %eq3A_2839 : vector<128x1xi1> to vector<128x1xi32>
    %convert_element_type3A_2841 = arith.sitofp %convert_element_type3A_2840 : vector<128x1xi32> to vector<128x1xf32>
    %add3A_2842 = arith.constant 3.200000e+01 : f32
    %add3A_2843 = vector.broadcast %add3A_2842 : f32 to vector<128x1xf32>
    %add3A_2844 = arith.addf %sub3A_2837, %add3A_2843 : vector<128x1xf32>
    %jit3A_2845 = arith.constant 0.000000e+00 : f32
    %jit3A_2846 = arith.constant 6.400000e+01 : f32
    %max3A_2847 = vector.broadcast %jit3A_2845 : f32 to vector<128x1xf32>
    %max3A_2848 = arith.maximumf %max3A_2847, %add3A_2844 : vector<128x1xf32>
    %min3A_2849 = vector.broadcast %jit3A_2846 : f32 to vector<128x1xf32>
    %min3A_2850 = arith.minimumf %min3A_2849, %max3A_2848 : vector<128x1xf32>
    %mul3A_2851 = arith.mulf %min3A_2850, %convert_element_type3A_2841 : vector<128x1xf32>
    %sub3A_2852 = arith.constant 1.000000e+00 : f32
    %sub3A_2853 = vector.broadcast %sub3A_2852 : f32 to vector<128x1xf32>
    %sub3A_2854 = arith.subf %sub3A_2853, %convert_element_type3A_2841 : vector<128x1xf32>
    %mul3A_2855 = arith.constant 6.500000e+01 : f32
    %mul3A_2856 = vector.broadcast %mul3A_2855 : f32 to vector<128x1xf32>
    %mul3A_2857 = arith.mulf %sub3A_2854, %mul3A_2856 : vector<128x1xf32>
    %add3A_2858 = arith.addf %mul3A_2851, %mul3A_2857 : vector<128x1xf32>
    %convert_element_type3A_2859 = arith.fptosi %add3A_2858 : vector<128x1xf32> to vector<128x1xi32>
    %eq3A_2860 = vector.broadcast %convert_element_type3A_2859 : vector<128x1xi32> to vector<128x128xi32>
    %eq3A_2861 = arith.cmpi eq, %iota3A, %eq3A_2860 : vector<128x128xi32>
    %convert_element_type3A_2862 = arith.extui %eq3A_2861 : vector<128x128xi1> to vector<128x128xi32>
    %convert_element_type3A_2863 = arith.sitofp %convert_element_type3A_2862 : vector<128x128xi32> to vector<128x128xf32>
    %get3A_2864 = arith.constant 0 : index
    %get3A_2865 = arith.constant 0 : index
    %get3A_2866 = vector.load %arg5[%get3A_2864, %get3A_2865] : memref<128x128xf32, #tpu.memory_space<vmem>>, vector<128x128xf32>
    %dot_general3A_2867 = arith.constant dense<0.000000e+00> : vector<128x128xf32>
    %dot_general3A_2868 = tpu.matmul %convert_element_type3A_2863, %get3A_2866, %dot_general3A_2867 {dimension_numbers = #tpu.dot_dimension_numbers<[1], [0], [0], [1], [0, 0, 1, 1], [], []>, transpose_lhs_hint = false} : vector<128x128xf32>, vector<128x128xf32>, vector<128x128xf32> -> vector<128x128xf32>
    %get3A_2869 = arith.constant 0 : index
    %get3A_2870 = arith.constant 0 : index
    %get3A_2871 = vector.load %arg6[%get3A_2869, %get3A_2870] : memref<512x128xf32, #tpu.memory_space<vmem>>, vector<512x128xf32>
    %dot_general3A_2872 = arith.constant dense<0.000000e+00> : vector<128x128xf32>
    %dot_general3A_2873 = tpu.matmul %exp3A_2835, %get3A_2871, %dot_general3A_2872 {dimension_numbers = #tpu.dot_dimension_numbers<[1], [0], [0], [1], [0, 0, 1, 1], [], []>, transpose_lhs_hint = false} : vector<128x512xf32>, vector<512x128xf32>, vector<128x128xf32> -> vector<128x128xf32>
    %add3A_2874 = arith.addf %dot_general3A_2868, %dot_general3A_2873 : vector<128x128xf32>
    %swap3A_2875 = arith.constant 0 : index
    %swap3A_2876 = arith.constant 4096 : index
    %swap3A_2877 = vector.load %arg10[%swap3A_2875, %swap3A_2876] : memref<128x6144xf32, #tpu.memory_space<vmem>>, vector<128x128xf32>
    tpu.vector_store %arg10[%swap3A_2875, %swap3A_2876], %add3A_2874 {strides = array<i32>} : memref<128x6144xf32, #tpu.memory_space<vmem>>, vector<128x128xf32>,
    %reduce_max3A_2878 = arith.constant dense<0xFF800000> : vector<128xf32>
    %reduce_max3A_2879 = vector.multi_reduction <maximumf>, %select_n3A_2809, %reduce_max3A_2878 [1] : vector<128x1024xf32> to vector<128xf32>
    %broadcast_in_dim3A_2880 = vector.shape_cast %reduce_max3A_2879 : vector<128xf32> to vector<128x1xf32>
    %eq3A_2881 = vector.broadcast %broadcast_in_dim3A_2880 : vector<128x1xf32> to vector<128x1024xf32>
    %eq3A_2882 = arith.cmpf oeq, %select_n3A_2809, %eq3A_2881 : vector<128x1024xf32>
    %jit3A_2883 = arith.constant 1024 : i32
    %broadcast_in_dim3A_2884 = vector.broadcast %jit3A_2883 : i32 to vector<128x1024xi32>
    %select_n3A_2885 = arith.select %eq3A_2882, %iota3A_48, %broadcast_in_dim3A_2884 : vector<128x1024xi1>, vector<128x1024xi32>
    %reduce_min3A_2886 = arith.constant dense<2147483647> : vector<128xi32>
    %reduce_min3A_2887 = vector.multi_reduction <minsi>, %select_n3A_2885, %reduce_min3A_2886 [1] : vector<128x1024xi32> to vector<128xi32>
    %broadcast_in_dim3A_2888 = vector.shape_cast %reduce_min3A_2887 : vector<128xi32> to vector<128x1xi32>
    %eq3A_2889 = vector.broadcast %broadcast_in_dim3A_2888 : vector<128x1xi32> to vector<128x1024xi32>
    %eq3A_2890 = arith.cmpi eq, %iota3A_48, %eq3A_2889 : vector<128x1024xi32>
    %convert_element_type3A_2891 = arith.extui %eq3A_2890 : vector<128x1024xi1> to vector<128x1024xi32>
    %convert_element_type3A_2892 = arith.sitofp %convert_element_type3A_2891 : vector<128x1024xi32> to vector<128x1024xf32>
    %jit3A_2893 = arith.constant 0xFF800000 : f32
    %broadcast_in_dim3A_2894 = vector.broadcast %jit3A_2893 : f32 to vector<128x1024xf32>
    %select_n3A_2895 = arith.select %eq3A_2890, %broadcast_in_dim3A_2894, %select_n3A_2809 : vector<128x1024xi1>, vector<128x1024xf32>
    %dot_general3A_2896 = arith.constant dense<0.000000e+00> : vector<128x128xf32>
    %dot_general3A_2897 = tpu.matmul %convert_element_type3A_2892, %get3A_11, %dot_general3A_2896 {dimension_numbers = #tpu.dot_dimension_numbers<[1], [0], [0], [1], [0, 0, 1, 1], [], []>, precision = #tpu.contract_precision<fp32>, transpose_lhs_hint = false} : vector<128x1024xf32>, vector<1024x128xf32>, vector<128x128xf32> -> vector<128x128xf32>
    %slice3A_2898 = vector.extract_strided_slice %dot_general3A_2897 {offsets = [0, 0], sizes = [128, 72], strides = [1, 1]} : vector<128x128xf32> to vector<128x72xf32>
    %sub3A_2899 = arith.subf %slice3A, %slice3A_2898 : vector<128x72xf32>
    %mul3A_2900 = arith.mulf %sub3A_2899, %sub3A_2899 : vector<128x72xf32>
    %slice3A_2901 = vector.extract_strided_slice %mul3A_2900 {offsets = [0, 0], sizes = [128, 24], strides = [1, 1]} : vector<128x72xf32> to vector<128x24xf32>
    %slice3A_2902 = vector.extract_strided_slice %mul3A_2900 {offsets = [0, 24], sizes = [128, 24], strides = [1, 1]} : vector<128x72xf32> to vector<128x24xf32>
    %add3A_2903 = arith.addf %slice3A_2901, %slice3A_2902 : vector<128x24xf32>
    %slice3A_2904 = vector.extract_strided_slice %mul3A_2900 {offsets = [0, 48], sizes = [128, 24], strides = [1, 1]} : vector<128x72xf32> to vector<128x24xf32>
    %add3A_2905 = arith.addf %add3A_2903, %slice3A_2904 : vector<128x24xf32>
    %add3A_2906 = arith.constant 9.99999997E-7 : f32
    %add3A_2907 = vector.broadcast %add3A_2906 : f32 to vector<128x24xf32>
    %add3A_2908 = arith.addf %add3A_2905, %add3A_2907 : vector<128x24xf32>
    %sqrt3A_2909 = math.sqrt %add3A_2908 : vector<128x24xf32>
    %concatenate3A_2910 = tpu.concatenate %broadcast_in_dim3A_2880, %sqrt3A_2909, %broadcast_in_dim3A_15 in 1 : vector<128x1xf32>, vector<128x24xf32>, vector<128x7xf32> -> vector<128x32xf32>
    %concatenate3A_2911 = tpu.concatenate %concatenate3A_2910, %concatenate3A_2910, %concatenate3A_2910, %concatenate3A_2910, %concatenate3A_2910, %concatenate3A_2910, %concatenate3A_2910, %concatenate3A_2910, %concatenate3A_2910, %concatenate3A_2910, %concatenate3A_2910, %concatenate3A_2910, %concatenate3A_2910, %concatenate3A_2910, %concatenate3A_2910, %concatenate3A_2910 in 1 : vector<128x32xf32>, vector<128x32xf32>, vector<128x32xf32>, vector<128x32xf32>, vector<128x32xf32>, vector<128x32xf32>, vector<128x32xf32>, vector<128x32xf32>, vector<128x32xf32>, vector<128x32xf32>, vector<128x32xf32>, vector<128x32xf32>, vector<128x32xf32>, vector<128x32xf32>, vector<128x32xf32>, vector<128x32xf32> -> vector<128x512xf32>
    %sub3A_2912 = vector.broadcast %get3A_14 : vector<1x512xf32> to vector<128x512xf32>
    %sub3A_2913 = arith.subf %concatenate3A_2911, %sub3A_2912 : vector<128x512xf32>
    %mul3A_2914 = arith.constant 8.000000e-01 : f32
    %mul3A_2915 = vector.broadcast %mul3A_2914 : f32 to vector<128x512xf32>
    %mul3A_2916 = arith.mulf %sub3A_2913, %mul3A_2915 : vector<128x512xf32>
    %mul3A_2917 = arith.mulf %mul3A_2916, %mul3A_2916 : vector<128x512xf32>
    %neg3A_2918 = arith.constant 0.000000e+00 : f32
    %neg3A_2919 = vector.broadcast %neg3A_2918 : f32 to vector<128x512xf32>
    %neg3A_2920 = arith.subf %neg3A_2919, %mul3A_2917 : vector<128x512xf32>
    %exp3A_2921 = math.exp %neg3A_2920 : vector<128x512xf32>
    %slice3A_2922 = vector.extract_strided_slice %dot_general3A_2897 {offsets = [0, 73], sizes = [128, 1], strides = [1, 1]} : vector<128x128xf32> to vector<128x1xf32>
    %sub3A_2923 = arith.subf %slice3A_18, %slice3A_2922 : vector<128x1xf32>
    %slice3A_2924 = vector.extract_strided_slice %dot_general3A_2897 {offsets = [0, 72], sizes = [128, 1], strides = [1, 1]} : vector<128x128xf32> to vector<128x1xf32>
    %eq3A_2925 = arith.cmpf oeq, %slice3A_16, %slice3A_2924 : vector<128x1xf32>
    %convert_element_type3A_2926 = arith.extui %eq3A_2925 : vector<128x1xi1> to vector<128x1xi32>
    %convert_element_type3A_2927 = arith.sitofp %convert_element_type3A_2926 : vector<128x1xi32> to vector<128x1xf32>
    %add3A_2928 = arith.constant 3.200000e+01 : f32
    %add3A_2929 = vector.broadcast %add3A_2928 : f32 to vector<128x1xf32>
    %add3A_2930 = arith.addf %sub3A_2923, %add3A_2929 : vector<128x1xf32>
    %jit3A_2931 = arith.constant 0.000000e+00 : f32
    %jit3A_2932 = arith.constant 6.400000e+01 : f32
    %max3A_2933 = vector.broadcast %jit3A_2931 : f32 to vector<128x1xf32>
    %max3A_2934 = arith.maximumf %max3A_2933, %add3A_2930 : vector<128x1xf32>
    %min3A_2935 = vector.broadcast %jit3A_2932 : f32 to vector<128x1xf32>
    %min3A_2936 = arith.minimumf %min3A_2935, %max3A_2934 : vector<128x1xf32>
    %mul3A_2937 = arith.mulf %min3A_2936, %convert_element_type3A_2927 : vector<128x1xf32>
    %sub3A_2938 = arith.constant 1.000000e+00 : f32
    %sub3A_2939 = vector.broadcast %sub3A_2938 : f32 to vector<128x1xf32>
    %sub3A_2940 = arith.subf %sub3A_2939, %convert_element_type3A_2927 : vector<128x1xf32>
    %mul3A_2941 = arith.constant 6.500000e+01 : f32
    %mul3A_2942 = vector.broadcast %mul3A_2941 : f32 to vector<128x1xf32>
    %mul3A_2943 = arith.mulf %sub3A_2940, %mul3A_2942 : vector<128x1xf32>
    %add3A_2944 = arith.addf %mul3A_2937, %mul3A_2943 : vector<128x1xf32>
    %convert_element_type3A_2945 = arith.fptosi %add3A_2944 : vector<128x1xf32> to vector<128x1xi32>
    %eq3A_2946 = vector.broadcast %convert_element_type3A_2945 : vector<128x1xi32> to vector<128x128xi32>
    %eq3A_2947 = arith.cmpi eq, %iota3A, %eq3A_2946 : vector<128x128xi32>
    %convert_element_type3A_2948 = arith.extui %eq3A_2947 : vector<128x128xi1> to vector<128x128xi32>
    %convert_element_type3A_2949 = arith.sitofp %convert_element_type3A_2948 : vector<128x128xi32> to vector<128x128xf32>
    %get3A_2950 = arith.constant 0 : index
    %get3A_2951 = arith.constant 0 : index
    %get3A_2952 = vector.load %arg5[%get3A_2950, %get3A_2951] : memref<128x128xf32, #tpu.memory_space<vmem>>, vector<128x128xf32>
    %dot_general3A_2953 = arith.constant dense<0.000000e+00> : vector<128x128xf32>
    %dot_general3A_2954 = tpu.matmul %convert_element_type3A_2949, %get3A_2952, %dot_general3A_2953 {dimension_numbers = #tpu.dot_dimension_numbers<[1], [0], [0], [1], [0, 0, 1, 1], [], []>, transpose_lhs_hint = false} : vector<128x128xf32>, vector<128x128xf32>, vector<128x128xf32> -> vector<128x128xf32>
    %get3A_2955 = arith.constant 0 : index
    %get3A_2956 = arith.constant 0 : index
    %get3A_2957 = vector.load %arg6[%get3A_2955, %get3A_2956] : memref<512x128xf32, #tpu.memory_space<vmem>>, vector<512x128xf32>
    %dot_general3A_2958 = arith.constant dense<0.000000e+00> : vector<128x128xf32>
    %dot_general3A_2959 = tpu.matmul %exp3A_2921, %get3A_2957, %dot_general3A_2958 {dimension_numbers = #tpu.dot_dimension_numbers<[1], [0], [0], [1], [0, 0, 1, 1], [], []>, transpose_lhs_hint = false} : vector<128x512xf32>, vector<512x128xf32>, vector<128x128xf32> -> vector<128x128xf32>
    %add3A_2960 = arith.addf %dot_general3A_2954, %dot_general3A_2959 : vector<128x128xf32>
    %swap3A_2961 = arith.constant 0 : index
    %swap3A_2962 = arith.constant 4224 : index
    %swap3A_2963 = vector.load %arg10[%swap3A_2961, %swap3A_2962] : memref<128x6144xf32, #tpu.memory_space<vmem>>, vector<128x128xf32>
    tpu.vector_store %arg10[%swap3A_2961, %swap3A_2962], %add3A_2960 {strides = array<i32>} : memref<128x6144xf32, #tpu.memory_space<vmem>>, vector<128x128xf32>,
    %reduce_max3A_2964 = arith.constant dense<0xFF800000> : vector<128xf32>
    %reduce_max3A_2965 = vector.multi_reduction <maximumf>, %select_n3A_2895, %reduce_max3A_2964 [1] : vector<128x1024xf32> to vector<128xf32>
    %broadcast_in_dim3A_2966 = vector.shape_cast %reduce_max3A_2965 : vector<128xf32> to vector<128x1xf32>
    %eq3A_2967 = vector.broadcast %broadcast_in_dim3A_2966 : vector<128x1xf32> to vector<128x1024xf32>
    %eq3A_2968 = arith.cmpf oeq, %select_n3A_2895, %eq3A_2967 : vector<128x1024xf32>
    %jit3A_2969 = arith.constant 1024 : i32
    %broadcast_in_dim3A_2970 = vector.broadcast %jit3A_2969 : i32 to vector<128x1024xi32>
    %select_n3A_2971 = arith.select %eq3A_2968, %iota3A_48, %broadcast_in_dim3A_2970 : vector<128x1024xi1>, vector<128x1024xi32>
    %reduce_min3A_2972 = arith.constant dense<2147483647> : vector<128xi32>
    %reduce_min3A_2973 = vector.multi_reduction <minsi>, %select_n3A_2971, %reduce_min3A_2972 [1] : vector<128x1024xi32> to vector<128xi32>
    %broadcast_in_dim3A_2974 = vector.shape_cast %reduce_min3A_2973 : vector<128xi32> to vector<128x1xi32>
    %eq3A_2975 = vector.broadcast %broadcast_in_dim3A_2974 : vector<128x1xi32> to vector<128x1024xi32>
    %eq3A_2976 = arith.cmpi eq, %iota3A_48, %eq3A_2975 : vector<128x1024xi32>
    %convert_element_type3A_2977 = arith.extui %eq3A_2976 : vector<128x1024xi1> to vector<128x1024xi32>
    %convert_element_type3A_2978 = arith.sitofp %convert_element_type3A_2977 : vector<128x1024xi32> to vector<128x1024xf32>
    %jit3A_2979 = arith.constant 0xFF800000 : f32
    %broadcast_in_dim3A_2980 = vector.broadcast %jit3A_2979 : f32 to vector<128x1024xf32>
    %select_n3A_2981 = arith.select %eq3A_2976, %broadcast_in_dim3A_2980, %select_n3A_2895 : vector<128x1024xi1>, vector<128x1024xf32>
    %dot_general3A_2982 = arith.constant dense<0.000000e+00> : vector<128x128xf32>
    %dot_general3A_2983 = tpu.matmul %convert_element_type3A_2978, %get3A_11, %dot_general3A_2982 {dimension_numbers = #tpu.dot_dimension_numbers<[1], [0], [0], [1], [0, 0, 1, 1], [], []>, precision = #tpu.contract_precision<fp32>, transpose_lhs_hint = false} : vector<128x1024xf32>, vector<1024x128xf32>, vector<128x128xf32> -> vector<128x128xf32>
    %slice3A_2984 = vector.extract_strided_slice %dot_general3A_2983 {offsets = [0, 0], sizes = [128, 72], strides = [1, 1]} : vector<128x128xf32> to vector<128x72xf32>
    %sub3A_2985 = arith.subf %slice3A, %slice3A_2984 : vector<128x72xf32>
    %mul3A_2986 = arith.mulf %sub3A_2985, %sub3A_2985 : vector<128x72xf32>
    %slice3A_2987 = vector.extract_strided_slice %mul3A_2986 {offsets = [0, 0], sizes = [128, 24], strides = [1, 1]} : vector<128x72xf32> to vector<128x24xf32>
    %slice3A_2988 = vector.extract_strided_slice %mul3A_2986 {offsets = [0, 24], sizes = [128, 24], strides = [1, 1]} : vector<128x72xf32> to vector<128x24xf32>
    %add3A_2989 = arith.addf %slice3A_2987, %slice3A_2988 : vector<128x24xf32>
    %slice3A_2990 = vector.extract_strided_slice %mul3A_2986 {offsets = [0, 48], sizes = [128, 24], strides = [1, 1]} : vector<128x72xf32> to vector<128x24xf32>
    %add3A_2991 = arith.addf %add3A_2989, %slice3A_2990 : vector<128x24xf32>
    %add3A_2992 = arith.constant 9.99999997E-7 : f32
    %add3A_2993 = vector.broadcast %add3A_2992 : f32 to vector<128x24xf32>
    %add3A_2994 = arith.addf %add3A_2991, %add3A_2993 : vector<128x24xf32>
    %sqrt3A_2995 = math.sqrt %add3A_2994 : vector<128x24xf32>
    %concatenate3A_2996 = tpu.concatenate %broadcast_in_dim3A_2966, %sqrt3A_2995, %broadcast_in_dim3A_15 in 1 : vector<128x1xf32>, vector<128x24xf32>, vector<128x7xf32> -> vector<128x32xf32>
    %concatenate3A_2997 = tpu.concatenate %concatenate3A_2996, %concatenate3A_2996, %concatenate3A_2996, %concatenate3A_2996, %concatenate3A_2996, %concatenate3A_2996, %concatenate3A_2996, %concatenate3A_2996, %concatenate3A_2996, %concatenate3A_2996, %concatenate3A_2996, %concatenate3A_2996, %concatenate3A_2996, %concatenate3A_2996, %concatenate3A_2996, %concatenate3A_2996 in 1 : vector<128x32xf32>, vector<128x32xf32>, vector<128x32xf32>, vector<128x32xf32>, vector<128x32xf32>, vector<128x32xf32>, vector<128x32xf32>, vector<128x32xf32>, vector<128x32xf32>, vector<128x32xf32>, vector<128x32xf32>, vector<128x32xf32>, vector<128x32xf32>, vector<128x32xf32>, vector<128x32xf32>, vector<128x32xf32> -> vector<128x512xf32>
    %sub3A_2998 = vector.broadcast %get3A_14 : vector<1x512xf32> to vector<128x512xf32>
    %sub3A_2999 = arith.subf %concatenate3A_2997, %sub3A_2998 : vector<128x512xf32>
    %mul3A_3000 = arith.constant 8.000000e-01 : f32
    %mul3A_3001 = vector.broadcast %mul3A_3000 : f32 to vector<128x512xf32>
    %mul3A_3002 = arith.mulf %sub3A_2999, %mul3A_3001 : vector<128x512xf32>
    %mul3A_3003 = arith.mulf %mul3A_3002, %mul3A_3002 : vector<128x512xf32>
    %neg3A_3004 = arith.constant 0.000000e+00 : f32
    %neg3A_3005 = vector.broadcast %neg3A_3004 : f32 to vector<128x512xf32>
    %neg3A_3006 = arith.subf %neg3A_3005, %mul3A_3003 : vector<128x512xf32>
    %exp3A_3007 = math.exp %neg3A_3006 : vector<128x512xf32>
    %slice3A_3008 = vector.extract_strided_slice %dot_general3A_2983 {offsets = [0, 73], sizes = [128, 1], strides = [1, 1]} : vector<128x128xf32> to vector<128x1xf32>
    %sub3A_3009 = arith.subf %slice3A_18, %slice3A_3008 : vector<128x1xf32>
    %slice3A_3010 = vector.extract_strided_slice %dot_general3A_2983 {offsets = [0, 72], sizes = [128, 1], strides = [1, 1]} : vector<128x128xf32> to vector<128x1xf32>
    %eq3A_3011 = arith.cmpf oeq, %slice3A_16, %slice3A_3010 : vector<128x1xf32>
    %convert_element_type3A_3012 = arith.extui %eq3A_3011 : vector<128x1xi1> to vector<128x1xi32>
    %convert_element_type3A_3013 = arith.sitofp %convert_element_type3A_3012 : vector<128x1xi32> to vector<128x1xf32>
    %add3A_3014 = arith.constant 3.200000e+01 : f32
    %add3A_3015 = vector.broadcast %add3A_3014 : f32 to vector<128x1xf32>
    %add3A_3016 = arith.addf %sub3A_3009, %add3A_3015 : vector<128x1xf32>
    %jit3A_3017 = arith.constant 0.000000e+00 : f32
    %jit3A_3018 = arith.constant 6.400000e+01 : f32
    %max3A_3019 = vector.broadcast %jit3A_3017 : f32 to vector<128x1xf32>
    %max3A_3020 = arith.maximumf %max3A_3019, %add3A_3016 : vector<128x1xf32>
    %min3A_3021 = vector.broadcast %jit3A_3018 : f32 to vector<128x1xf32>
    %min3A_3022 = arith.minimumf %min3A_3021, %max3A_3020 : vector<128x1xf32>
    %mul3A_3023 = arith.mulf %min3A_3022, %convert_element_type3A_3013 : vector<128x1xf32>
    %sub3A_3024 = arith.constant 1.000000e+00 : f32
    %sub3A_3025 = vector.broadcast %sub3A_3024 : f32 to vector<128x1xf32>
    %sub3A_3026 = arith.subf %sub3A_3025, %convert_element_type3A_3013 : vector<128x1xf32>
    %mul3A_3027 = arith.constant 6.500000e+01 : f32
    %mul3A_3028 = vector.broadcast %mul3A_3027 : f32 to vector<128x1xf32>
    %mul3A_3029 = arith.mulf %sub3A_3026, %mul3A_3028 : vector<128x1xf32>
    %add3A_3030 = arith.addf %mul3A_3023, %mul3A_3029 : vector<128x1xf32>
    %convert_element_type3A_3031 = arith.fptosi %add3A_3030 : vector<128x1xf32> to vector<128x1xi32>
    %eq3A_3032 = vector.broadcast %convert_element_type3A_3031 : vector<128x1xi32> to vector<128x128xi32>
    %eq3A_3033 = arith.cmpi eq, %iota3A, %eq3A_3032 : vector<128x128xi32>
    %convert_element_type3A_3034 = arith.extui %eq3A_3033 : vector<128x128xi1> to vector<128x128xi32>
    %convert_element_type3A_3035 = arith.sitofp %convert_element_type3A_3034 : vector<128x128xi32> to vector<128x128xf32>
    %get3A_3036 = arith.constant 0 : index
    %get3A_3037 = arith.constant 0 : index
    %get3A_3038 = vector.load %arg5[%get3A_3036, %get3A_3037] : memref<128x128xf32, #tpu.memory_space<vmem>>, vector<128x128xf32>
    %dot_general3A_3039 = arith.constant dense<0.000000e+00> : vector<128x128xf32>
    %dot_general3A_3040 = tpu.matmul %convert_element_type3A_3035, %get3A_3038, %dot_general3A_3039 {dimension_numbers = #tpu.dot_dimension_numbers<[1], [0], [0], [1], [0, 0, 1, 1], [], []>, transpose_lhs_hint = false} : vector<128x128xf32>, vector<128x128xf32>, vector<128x128xf32> -> vector<128x128xf32>
    %get3A_3041 = arith.constant 0 : index
    %get3A_3042 = arith.constant 0 : index
    %get3A_3043 = vector.load %arg6[%get3A_3041, %get3A_3042] : memref<512x128xf32, #tpu.memory_space<vmem>>, vector<512x128xf32>
    %dot_general3A_3044 = arith.constant dense<0.000000e+00> : vector<128x128xf32>
    %dot_general3A_3045 = tpu.matmul %exp3A_3007, %get3A_3043, %dot_general3A_3044 {dimension_numbers = #tpu.dot_dimension_numbers<[1], [0], [0], [1], [0, 0, 1, 1], [], []>, transpose_lhs_hint = false} : vector<128x512xf32>, vector<512x128xf32>, vector<128x128xf32> -> vector<128x128xf32>
    %add3A_3046 = arith.addf %dot_general3A_3040, %dot_general3A_3045 : vector<128x128xf32>
    %swap3A_3047 = arith.constant 0 : index
    %swap3A_3048 = arith.constant 4352 : index
    %swap3A_3049 = vector.load %arg10[%swap3A_3047, %swap3A_3048] : memref<128x6144xf32, #tpu.memory_space<vmem>>, vector<128x128xf32>
    tpu.vector_store %arg10[%swap3A_3047, %swap3A_3048], %add3A_3046 {strides = array<i32>} : memref<128x6144xf32, #tpu.memory_space<vmem>>, vector<128x128xf32>,
    %reduce_max3A_3050 = arith.constant dense<0xFF800000> : vector<128xf32>
    %reduce_max3A_3051 = vector.multi_reduction <maximumf>, %select_n3A_2981, %reduce_max3A_3050 [1] : vector<128x1024xf32> to vector<128xf32>
    %broadcast_in_dim3A_3052 = vector.shape_cast %reduce_max3A_3051 : vector<128xf32> to vector<128x1xf32>
    %eq3A_3053 = vector.broadcast %broadcast_in_dim3A_3052 : vector<128x1xf32> to vector<128x1024xf32>
    %eq3A_3054 = arith.cmpf oeq, %select_n3A_2981, %eq3A_3053 : vector<128x1024xf32>
    %jit3A_3055 = arith.constant 1024 : i32
    %broadcast_in_dim3A_3056 = vector.broadcast %jit3A_3055 : i32 to vector<128x1024xi32>
    %select_n3A_3057 = arith.select %eq3A_3054, %iota3A_48, %broadcast_in_dim3A_3056 : vector<128x1024xi1>, vector<128x1024xi32>
    %reduce_min3A_3058 = arith.constant dense<2147483647> : vector<128xi32>
    %reduce_min3A_3059 = vector.multi_reduction <minsi>, %select_n3A_3057, %reduce_min3A_3058 [1] : vector<128x1024xi32> to vector<128xi32>
    %broadcast_in_dim3A_3060 = vector.shape_cast %reduce_min3A_3059 : vector<128xi32> to vector<128x1xi32>
    %eq3A_3061 = vector.broadcast %broadcast_in_dim3A_3060 : vector<128x1xi32> to vector<128x1024xi32>
    %eq3A_3062 = arith.cmpi eq, %iota3A_48, %eq3A_3061 : vector<128x1024xi32>
    %convert_element_type3A_3063 = arith.extui %eq3A_3062 : vector<128x1024xi1> to vector<128x1024xi32>
    %convert_element_type3A_3064 = arith.sitofp %convert_element_type3A_3063 : vector<128x1024xi32> to vector<128x1024xf32>
    %jit3A_3065 = arith.constant 0xFF800000 : f32
    %broadcast_in_dim3A_3066 = vector.broadcast %jit3A_3065 : f32 to vector<128x1024xf32>
    %select_n3A_3067 = arith.select %eq3A_3062, %broadcast_in_dim3A_3066, %select_n3A_2981 : vector<128x1024xi1>, vector<128x1024xf32>
    %dot_general3A_3068 = arith.constant dense<0.000000e+00> : vector<128x128xf32>
    %dot_general3A_3069 = tpu.matmul %convert_element_type3A_3064, %get3A_11, %dot_general3A_3068 {dimension_numbers = #tpu.dot_dimension_numbers<[1], [0], [0], [1], [0, 0, 1, 1], [], []>, precision = #tpu.contract_precision<fp32>, transpose_lhs_hint = false} : vector<128x1024xf32>, vector<1024x128xf32>, vector<128x128xf32> -> vector<128x128xf32>
    %slice3A_3070 = vector.extract_strided_slice %dot_general3A_3069 {offsets = [0, 0], sizes = [128, 72], strides = [1, 1]} : vector<128x128xf32> to vector<128x72xf32>
    %sub3A_3071 = arith.subf %slice3A, %slice3A_3070 : vector<128x72xf32>
    %mul3A_3072 = arith.mulf %sub3A_3071, %sub3A_3071 : vector<128x72xf32>
    %slice3A_3073 = vector.extract_strided_slice %mul3A_3072 {offsets = [0, 0], sizes = [128, 24], strides = [1, 1]} : vector<128x72xf32> to vector<128x24xf32>
    %slice3A_3074 = vector.extract_strided_slice %mul3A_3072 {offsets = [0, 24], sizes = [128, 24], strides = [1, 1]} : vector<128x72xf32> to vector<128x24xf32>
    %add3A_3075 = arith.addf %slice3A_3073, %slice3A_3074 : vector<128x24xf32>
    %slice3A_3076 = vector.extract_strided_slice %mul3A_3072 {offsets = [0, 48], sizes = [128, 24], strides = [1, 1]} : vector<128x72xf32> to vector<128x24xf32>
    %add3A_3077 = arith.addf %add3A_3075, %slice3A_3076 : vector<128x24xf32>
    %add3A_3078 = arith.constant 9.99999997E-7 : f32
    %add3A_3079 = vector.broadcast %add3A_3078 : f32 to vector<128x24xf32>
    %add3A_3080 = arith.addf %add3A_3077, %add3A_3079 : vector<128x24xf32>
    %sqrt3A_3081 = math.sqrt %add3A_3080 : vector<128x24xf32>
    %concatenate3A_3082 = tpu.concatenate %broadcast_in_dim3A_3052, %sqrt3A_3081, %broadcast_in_dim3A_15 in 1 : vector<128x1xf32>, vector<128x24xf32>, vector<128x7xf32> -> vector<128x32xf32>
    %concatenate3A_3083 = tpu.concatenate %concatenate3A_3082, %concatenate3A_3082, %concatenate3A_3082, %concatenate3A_3082, %concatenate3A_3082, %concatenate3A_3082, %concatenate3A_3082, %concatenate3A_3082, %concatenate3A_3082, %concatenate3A_3082, %concatenate3A_3082, %concatenate3A_3082, %concatenate3A_3082, %concatenate3A_3082, %concatenate3A_3082, %concatenate3A_3082 in 1 : vector<128x32xf32>, vector<128x32xf32>, vector<128x32xf32>, vector<128x32xf32>, vector<128x32xf32>, vector<128x32xf32>, vector<128x32xf32>, vector<128x32xf32>, vector<128x32xf32>, vector<128x32xf32>, vector<128x32xf32>, vector<128x32xf32>, vector<128x32xf32>, vector<128x32xf32>, vector<128x32xf32>, vector<128x32xf32> -> vector<128x512xf32>
    %sub3A_3084 = vector.broadcast %get3A_14 : vector<1x512xf32> to vector<128x512xf32>
    %sub3A_3085 = arith.subf %concatenate3A_3083, %sub3A_3084 : vector<128x512xf32>
    %mul3A_3086 = arith.constant 8.000000e-01 : f32
    %mul3A_3087 = vector.broadcast %mul3A_3086 : f32 to vector<128x512xf32>
    %mul3A_3088 = arith.mulf %sub3A_3085, %mul3A_3087 : vector<128x512xf32>
    %mul3A_3089 = arith.mulf %mul3A_3088, %mul3A_3088 : vector<128x512xf32>
    %neg3A_3090 = arith.constant 0.000000e+00 : f32
    %neg3A_3091 = vector.broadcast %neg3A_3090 : f32 to vector<128x512xf32>
    %neg3A_3092 = arith.subf %neg3A_3091, %mul3A_3089 : vector<128x512xf32>
    %exp3A_3093 = math.exp %neg3A_3092 : vector<128x512xf32>
    %slice3A_3094 = vector.extract_strided_slice %dot_general3A_3069 {offsets = [0, 73], sizes = [128, 1], strides = [1, 1]} : vector<128x128xf32> to vector<128x1xf32>
    %sub3A_3095 = arith.subf %slice3A_18, %slice3A_3094 : vector<128x1xf32>
    %slice3A_3096 = vector.extract_strided_slice %dot_general3A_3069 {offsets = [0, 72], sizes = [128, 1], strides = [1, 1]} : vector<128x128xf32> to vector<128x1xf32>
    %eq3A_3097 = arith.cmpf oeq, %slice3A_16, %slice3A_3096 : vector<128x1xf32>
    %convert_element_type3A_3098 = arith.extui %eq3A_3097 : vector<128x1xi1> to vector<128x1xi32>
    %convert_element_type3A_3099 = arith.sitofp %convert_element_type3A_3098 : vector<128x1xi32> to vector<128x1xf32>
    %add3A_3100 = arith.constant 3.200000e+01 : f32
    %add3A_3101 = vector.broadcast %add3A_3100 : f32 to vector<128x1xf32>
    %add3A_3102 = arith.addf %sub3A_3095, %add3A_3101 : vector<128x1xf32>
    %jit3A_3103 = arith.constant 0.000000e+00 : f32
    %jit3A_3104 = arith.constant 6.400000e+01 : f32
    %max3A_3105 = vector.broadcast %jit3A_3103 : f32 to vector<128x1xf32>
    %max3A_3106 = arith.maximumf %max3A_3105, %add3A_3102 : vector<128x1xf32>
    %min3A_3107 = vector.broadcast %jit3A_3104 : f32 to vector<128x1xf32>
    %min3A_3108 = arith.minimumf %min3A_3107, %max3A_3106 : vector<128x1xf32>
    %mul3A_3109 = arith.mulf %min3A_3108, %convert_element_type3A_3099 : vector<128x1xf32>
    %sub3A_3110 = arith.constant 1.000000e+00 : f32
    %sub3A_3111 = vector.broadcast %sub3A_3110 : f32 to vector<128x1xf32>
    %sub3A_3112 = arith.subf %sub3A_3111, %convert_element_type3A_3099 : vector<128x1xf32>
    %mul3A_3113 = arith.constant 6.500000e+01 : f32
    %mul3A_3114 = vector.broadcast %mul3A_3113 : f32 to vector<128x1xf32>
    %mul3A_3115 = arith.mulf %sub3A_3112, %mul3A_3114 : vector<128x1xf32>
    %add3A_3116 = arith.addf %mul3A_3109, %mul3A_3115 : vector<128x1xf32>
    %convert_element_type3A_3117 = arith.fptosi %add3A_3116 : vector<128x1xf32> to vector<128x1xi32>
    %eq3A_3118 = vector.broadcast %convert_element_type3A_3117 : vector<128x1xi32> to vector<128x128xi32>
    %eq3A_3119 = arith.cmpi eq, %iota3A, %eq3A_3118 : vector<128x128xi32>
    %convert_element_type3A_3120 = arith.extui %eq3A_3119 : vector<128x128xi1> to vector<128x128xi32>
    %convert_element_type3A_3121 = arith.sitofp %convert_element_type3A_3120 : vector<128x128xi32> to vector<128x128xf32>
    %get3A_3122 = arith.constant 0 : index
    %get3A_3123 = arith.constant 0 : index
    %get3A_3124 = vector.load %arg5[%get3A_3122, %get3A_3123] : memref<128x128xf32, #tpu.memory_space<vmem>>, vector<128x128xf32>
    %dot_general3A_3125 = arith.constant dense<0.000000e+00> : vector<128x128xf32>
    %dot_general3A_3126 = tpu.matmul %convert_element_type3A_3121, %get3A_3124, %dot_general3A_3125 {dimension_numbers = #tpu.dot_dimension_numbers<[1], [0], [0], [1], [0, 0, 1, 1], [], []>, transpose_lhs_hint = false} : vector<128x128xf32>, vector<128x128xf32>, vector<128x128xf32> -> vector<128x128xf32>
    %get3A_3127 = arith.constant 0 : index
    %get3A_3128 = arith.constant 0 : index
    %get3A_3129 = vector.load %arg6[%get3A_3127, %get3A_3128] : memref<512x128xf32, #tpu.memory_space<vmem>>, vector<512x128xf32>
    %dot_general3A_3130 = arith.constant dense<0.000000e+00> : vector<128x128xf32>
    %dot_general3A_3131 = tpu.matmul %exp3A_3093, %get3A_3129, %dot_general3A_3130 {dimension_numbers = #tpu.dot_dimension_numbers<[1], [0], [0], [1], [0, 0, 1, 1], [], []>, transpose_lhs_hint = false} : vector<128x512xf32>, vector<512x128xf32>, vector<128x128xf32> -> vector<128x128xf32>
    %add3A_3132 = arith.addf %dot_general3A_3126, %dot_general3A_3131 : vector<128x128xf32>
    %swap3A_3133 = arith.constant 0 : index
    %swap3A_3134 = arith.constant 4480 : index
    %swap3A_3135 = vector.load %arg10[%swap3A_3133, %swap3A_3134] : memref<128x6144xf32, #tpu.memory_space<vmem>>, vector<128x128xf32>
    tpu.vector_store %arg10[%swap3A_3133, %swap3A_3134], %add3A_3132 {strides = array<i32>} : memref<128x6144xf32, #tpu.memory_space<vmem>>, vector<128x128xf32>,
    %reduce_max3A_3136 = arith.constant dense<0xFF800000> : vector<128xf32>
    %reduce_max3A_3137 = vector.multi_reduction <maximumf>, %select_n3A_3067, %reduce_max3A_3136 [1] : vector<128x1024xf32> to vector<128xf32>
    %broadcast_in_dim3A_3138 = vector.shape_cast %reduce_max3A_3137 : vector<128xf32> to vector<128x1xf32>
    %eq3A_3139 = vector.broadcast %broadcast_in_dim3A_3138 : vector<128x1xf32> to vector<128x1024xf32>
    %eq3A_3140 = arith.cmpf oeq, %select_n3A_3067, %eq3A_3139 : vector<128x1024xf32>
    %jit3A_3141 = arith.constant 1024 : i32
    %broadcast_in_dim3A_3142 = vector.broadcast %jit3A_3141 : i32 to vector<128x1024xi32>
    %select_n3A_3143 = arith.select %eq3A_3140, %iota3A_48, %broadcast_in_dim3A_3142 : vector<128x1024xi1>, vector<128x1024xi32>
    %reduce_min3A_3144 = arith.constant dense<2147483647> : vector<128xi32>
    %reduce_min3A_3145 = vector.multi_reduction <minsi>, %select_n3A_3143, %reduce_min3A_3144 [1] : vector<128x1024xi32> to vector<128xi32>
    %broadcast_in_dim3A_3146 = vector.shape_cast %reduce_min3A_3145 : vector<128xi32> to vector<128x1xi32>
    %eq3A_3147 = vector.broadcast %broadcast_in_dim3A_3146 : vector<128x1xi32> to vector<128x1024xi32>
    %eq3A_3148 = arith.cmpi eq, %iota3A_48, %eq3A_3147 : vector<128x1024xi32>
    %convert_element_type3A_3149 = arith.extui %eq3A_3148 : vector<128x1024xi1> to vector<128x1024xi32>
    %convert_element_type3A_3150 = arith.sitofp %convert_element_type3A_3149 : vector<128x1024xi32> to vector<128x1024xf32>
    %jit3A_3151 = arith.constant 0xFF800000 : f32
    %broadcast_in_dim3A_3152 = vector.broadcast %jit3A_3151 : f32 to vector<128x1024xf32>
    %select_n3A_3153 = arith.select %eq3A_3148, %broadcast_in_dim3A_3152, %select_n3A_3067 : vector<128x1024xi1>, vector<128x1024xf32>
    %dot_general3A_3154 = arith.constant dense<0.000000e+00> : vector<128x128xf32>
    %dot_general3A_3155 = tpu.matmul %convert_element_type3A_3150, %get3A_11, %dot_general3A_3154 {dimension_numbers = #tpu.dot_dimension_numbers<[1], [0], [0], [1], [0, 0, 1, 1], [], []>, precision = #tpu.contract_precision<fp32>, transpose_lhs_hint = false} : vector<128x1024xf32>, vector<1024x128xf32>, vector<128x128xf32> -> vector<128x128xf32>
    %slice3A_3156 = vector.extract_strided_slice %dot_general3A_3155 {offsets = [0, 0], sizes = [128, 72], strides = [1, 1]} : vector<128x128xf32> to vector<128x72xf32>
    %sub3A_3157 = arith.subf %slice3A, %slice3A_3156 : vector<128x72xf32>
    %mul3A_3158 = arith.mulf %sub3A_3157, %sub3A_3157 : vector<128x72xf32>
    %slice3A_3159 = vector.extract_strided_slice %mul3A_3158 {offsets = [0, 0], sizes = [128, 24], strides = [1, 1]} : vector<128x72xf32> to vector<128x24xf32>
    %slice3A_3160 = vector.extract_strided_slice %mul3A_3158 {offsets = [0, 24], sizes = [128, 24], strides = [1, 1]} : vector<128x72xf32> to vector<128x24xf32>
    %add3A_3161 = arith.addf %slice3A_3159, %slice3A_3160 : vector<128x24xf32>
    %slice3A_3162 = vector.extract_strided_slice %mul3A_3158 {offsets = [0, 48], sizes = [128, 24], strides = [1, 1]} : vector<128x72xf32> to vector<128x24xf32>
    %add3A_3163 = arith.addf %add3A_3161, %slice3A_3162 : vector<128x24xf32>
    %add3A_3164 = arith.constant 9.99999997E-7 : f32
    %add3A_3165 = vector.broadcast %add3A_3164 : f32 to vector<128x24xf32>
    %add3A_3166 = arith.addf %add3A_3163, %add3A_3165 : vector<128x24xf32>
    %sqrt3A_3167 = math.sqrt %add3A_3166 : vector<128x24xf32>
    %concatenate3A_3168 = tpu.concatenate %broadcast_in_dim3A_3138, %sqrt3A_3167, %broadcast_in_dim3A_15 in 1 : vector<128x1xf32>, vector<128x24xf32>, vector<128x7xf32> -> vector<128x32xf32>
    %concatenate3A_3169 = tpu.concatenate %concatenate3A_3168, %concatenate3A_3168, %concatenate3A_3168, %concatenate3A_3168, %concatenate3A_3168, %concatenate3A_3168, %concatenate3A_3168, %concatenate3A_3168, %concatenate3A_3168, %concatenate3A_3168, %concatenate3A_3168, %concatenate3A_3168, %concatenate3A_3168, %concatenate3A_3168, %concatenate3A_3168, %concatenate3A_3168 in 1 : vector<128x32xf32>, vector<128x32xf32>, vector<128x32xf32>, vector<128x32xf32>, vector<128x32xf32>, vector<128x32xf32>, vector<128x32xf32>, vector<128x32xf32>, vector<128x32xf32>, vector<128x32xf32>, vector<128x32xf32>, vector<128x32xf32>, vector<128x32xf32>, vector<128x32xf32>, vector<128x32xf32>, vector<128x32xf32> -> vector<128x512xf32>
    %sub3A_3170 = vector.broadcast %get3A_14 : vector<1x512xf32> to vector<128x512xf32>
    %sub3A_3171 = arith.subf %concatenate3A_3169, %sub3A_3170 : vector<128x512xf32>
    %mul3A_3172 = arith.constant 8.000000e-01 : f32
    %mul3A_3173 = vector.broadcast %mul3A_3172 : f32 to vector<128x512xf32>
    %mul3A_3174 = arith.mulf %sub3A_3171, %mul3A_3173 : vector<128x512xf32>
    %mul3A_3175 = arith.mulf %mul3A_3174, %mul3A_3174 : vector<128x512xf32>
    %neg3A_3176 = arith.constant 0.000000e+00 : f32
    %neg3A_3177 = vector.broadcast %neg3A_3176 : f32 to vector<128x512xf32>
    %neg3A_3178 = arith.subf %neg3A_3177, %mul3A_3175 : vector<128x512xf32>
    %exp3A_3179 = math.exp %neg3A_3178 : vector<128x512xf32>
    %slice3A_3180 = vector.extract_strided_slice %dot_general3A_3155 {offsets = [0, 73], sizes = [128, 1], strides = [1, 1]} : vector<128x128xf32> to vector<128x1xf32>
    %sub3A_3181 = arith.subf %slice3A_18, %slice3A_3180 : vector<128x1xf32>
    %slice3A_3182 = vector.extract_strided_slice %dot_general3A_3155 {offsets = [0, 72], sizes = [128, 1], strides = [1, 1]} : vector<128x128xf32> to vector<128x1xf32>
    %eq3A_3183 = arith.cmpf oeq, %slice3A_16, %slice3A_3182 : vector<128x1xf32>
    %convert_element_type3A_3184 = arith.extui %eq3A_3183 : vector<128x1xi1> to vector<128x1xi32>
    %convert_element_type3A_3185 = arith.sitofp %convert_element_type3A_3184 : vector<128x1xi32> to vector<128x1xf32>
    %add3A_3186 = arith.constant 3.200000e+01 : f32
    %add3A_3187 = vector.broadcast %add3A_3186 : f32 to vector<128x1xf32>
    %add3A_3188 = arith.addf %sub3A_3181, %add3A_3187 : vector<128x1xf32>
    %jit3A_3189 = arith.constant 0.000000e+00 : f32
    %jit3A_3190 = arith.constant 6.400000e+01 : f32
    %max3A_3191 = vector.broadcast %jit3A_3189 : f32 to vector<128x1xf32>
    %max3A_3192 = arith.maximumf %max3A_3191, %add3A_3188 : vector<128x1xf32>
    %min3A_3193 = vector.broadcast %jit3A_3190 : f32 to vector<128x1xf32>
    %min3A_3194 = arith.minimumf %min3A_3193, %max3A_3192 : vector<128x1xf32>
    %mul3A_3195 = arith.mulf %min3A_3194, %convert_element_type3A_3185 : vector<128x1xf32>
    %sub3A_3196 = arith.constant 1.000000e+00 : f32
    %sub3A_3197 = vector.broadcast %sub3A_3196 : f32 to vector<128x1xf32>
    %sub3A_3198 = arith.subf %sub3A_3197, %convert_element_type3A_3185 : vector<128x1xf32>
    %mul3A_3199 = arith.constant 6.500000e+01 : f32
    %mul3A_3200 = vector.broadcast %mul3A_3199 : f32 to vector<128x1xf32>
    %mul3A_3201 = arith.mulf %sub3A_3198, %mul3A_3200 : vector<128x1xf32>
    %add3A_3202 = arith.addf %mul3A_3195, %mul3A_3201 : vector<128x1xf32>
    %convert_element_type3A_3203 = arith.fptosi %add3A_3202 : vector<128x1xf32> to vector<128x1xi32>
    %eq3A_3204 = vector.broadcast %convert_element_type3A_3203 : vector<128x1xi32> to vector<128x128xi32>
    %eq3A_3205 = arith.cmpi eq, %iota3A, %eq3A_3204 : vector<128x128xi32>
    %convert_element_type3A_3206 = arith.extui %eq3A_3205 : vector<128x128xi1> to vector<128x128xi32>
    %convert_element_type3A_3207 = arith.sitofp %convert_element_type3A_3206 : vector<128x128xi32> to vector<128x128xf32>
    %get3A_3208 = arith.constant 0 : index
    %get3A_3209 = arith.constant 0 : index
    %get3A_3210 = vector.load %arg5[%get3A_3208, %get3A_3209] : memref<128x128xf32, #tpu.memory_space<vmem>>, vector<128x128xf32>
    %dot_general3A_3211 = arith.constant dense<0.000000e+00> : vector<128x128xf32>
    %dot_general3A_3212 = tpu.matmul %convert_element_type3A_3207, %get3A_3210, %dot_general3A_3211 {dimension_numbers = #tpu.dot_dimension_numbers<[1], [0], [0], [1], [0, 0, 1, 1], [], []>, transpose_lhs_hint = false} : vector<128x128xf32>, vector<128x128xf32>, vector<128x128xf32> -> vector<128x128xf32>
    %get3A_3213 = arith.constant 0 : index
    %get3A_3214 = arith.constant 0 : index
    %get3A_3215 = vector.load %arg6[%get3A_3213, %get3A_3214] : memref<512x128xf32, #tpu.memory_space<vmem>>, vector<512x128xf32>
    %dot_general3A_3216 = arith.constant dense<0.000000e+00> : vector<128x128xf32>
    %dot_general3A_3217 = tpu.matmul %exp3A_3179, %get3A_3215, %dot_general3A_3216 {dimension_numbers = #tpu.dot_dimension_numbers<[1], [0], [0], [1], [0, 0, 1, 1], [], []>, transpose_lhs_hint = false} : vector<128x512xf32>, vector<512x128xf32>, vector<128x128xf32> -> vector<128x128xf32>
    %add3A_3218 = arith.addf %dot_general3A_3212, %dot_general3A_3217 : vector<128x128xf32>
    %swap3A_3219 = arith.constant 0 : index
    %swap3A_3220 = arith.constant 4608 : index
    %swap3A_3221 = vector.load %arg10[%swap3A_3219, %swap3A_3220] : memref<128x6144xf32, #tpu.memory_space<vmem>>, vector<128x128xf32>
    tpu.vector_store %arg10[%swap3A_3219, %swap3A_3220], %add3A_3218 {strides = array<i32>} : memref<128x6144xf32, #tpu.memory_space<vmem>>, vector<128x128xf32>,
    %reduce_max3A_3222 = arith.constant dense<0xFF800000> : vector<128xf32>
    %reduce_max3A_3223 = vector.multi_reduction <maximumf>, %select_n3A_3153, %reduce_max3A_3222 [1] : vector<128x1024xf32> to vector<128xf32>
    %broadcast_in_dim3A_3224 = vector.shape_cast %reduce_max3A_3223 : vector<128xf32> to vector<128x1xf32>
    %eq3A_3225 = vector.broadcast %broadcast_in_dim3A_3224 : vector<128x1xf32> to vector<128x1024xf32>
    %eq3A_3226 = arith.cmpf oeq, %select_n3A_3153, %eq3A_3225 : vector<128x1024xf32>
    %jit3A_3227 = arith.constant 1024 : i32
    %broadcast_in_dim3A_3228 = vector.broadcast %jit3A_3227 : i32 to vector<128x1024xi32>
    %select_n3A_3229 = arith.select %eq3A_3226, %iota3A_48, %broadcast_in_dim3A_3228 : vector<128x1024xi1>, vector<128x1024xi32>
    %reduce_min3A_3230 = arith.constant dense<2147483647> : vector<128xi32>
    %reduce_min3A_3231 = vector.multi_reduction <minsi>, %select_n3A_3229, %reduce_min3A_3230 [1] : vector<128x1024xi32> to vector<128xi32>
    %broadcast_in_dim3A_3232 = vector.shape_cast %reduce_min3A_3231 : vector<128xi32> to vector<128x1xi32>
    %eq3A_3233 = vector.broadcast %broadcast_in_dim3A_3232 : vector<128x1xi32> to vector<128x1024xi32>
    %eq3A_3234 = arith.cmpi eq, %iota3A_48, %eq3A_3233 : vector<128x1024xi32>
    %convert_element_type3A_3235 = arith.extui %eq3A_3234 : vector<128x1024xi1> to vector<128x1024xi32>
    %convert_element_type3A_3236 = arith.sitofp %convert_element_type3A_3235 : vector<128x1024xi32> to vector<128x1024xf32>
    %jit3A_3237 = arith.constant 0xFF800000 : f32
    %broadcast_in_dim3A_3238 = vector.broadcast %jit3A_3237 : f32 to vector<128x1024xf32>
    %select_n3A_3239 = arith.select %eq3A_3234, %broadcast_in_dim3A_3238, %select_n3A_3153 : vector<128x1024xi1>, vector<128x1024xf32>
    %dot_general3A_3240 = arith.constant dense<0.000000e+00> : vector<128x128xf32>
    %dot_general3A_3241 = tpu.matmul %convert_element_type3A_3236, %get3A_11, %dot_general3A_3240 {dimension_numbers = #tpu.dot_dimension_numbers<[1], [0], [0], [1], [0, 0, 1, 1], [], []>, precision = #tpu.contract_precision<fp32>, transpose_lhs_hint = false} : vector<128x1024xf32>, vector<1024x128xf32>, vector<128x128xf32> -> vector<128x128xf32>
    %slice3A_3242 = vector.extract_strided_slice %dot_general3A_3241 {offsets = [0, 0], sizes = [128, 72], strides = [1, 1]} : vector<128x128xf32> to vector<128x72xf32>
    %sub3A_3243 = arith.subf %slice3A, %slice3A_3242 : vector<128x72xf32>
    %mul3A_3244 = arith.mulf %sub3A_3243, %sub3A_3243 : vector<128x72xf32>
    %slice3A_3245 = vector.extract_strided_slice %mul3A_3244 {offsets = [0, 0], sizes = [128, 24], strides = [1, 1]} : vector<128x72xf32> to vector<128x24xf32>
    %slice3A_3246 = vector.extract_strided_slice %mul3A_3244 {offsets = [0, 24], sizes = [128, 24], strides = [1, 1]} : vector<128x72xf32> to vector<128x24xf32>
    %add3A_3247 = arith.addf %slice3A_3245, %slice3A_3246 : vector<128x24xf32>
    %slice3A_3248 = vector.extract_strided_slice %mul3A_3244 {offsets = [0, 48], sizes = [128, 24], strides = [1, 1]} : vector<128x72xf32> to vector<128x24xf32>
    %add3A_3249 = arith.addf %add3A_3247, %slice3A_3248 : vector<128x24xf32>
    %add3A_3250 = arith.constant 9.99999997E-7 : f32
    %add3A_3251 = vector.broadcast %add3A_3250 : f32 to vector<128x24xf32>
    %add3A_3252 = arith.addf %add3A_3249, %add3A_3251 : vector<128x24xf32>
    %sqrt3A_3253 = math.sqrt %add3A_3252 : vector<128x24xf32>
    %concatenate3A_3254 = tpu.concatenate %broadcast_in_dim3A_3224, %sqrt3A_3253, %broadcast_in_dim3A_15 in 1 : vector<128x1xf32>, vector<128x24xf32>, vector<128x7xf32> -> vector<128x32xf32>
    %concatenate3A_3255 = tpu.concatenate %concatenate3A_3254, %concatenate3A_3254, %concatenate3A_3254, %concatenate3A_3254, %concatenate3A_3254, %concatenate3A_3254, %concatenate3A_3254, %concatenate3A_3254, %concatenate3A_3254, %concatenate3A_3254, %concatenate3A_3254, %concatenate3A_3254, %concatenate3A_3254, %concatenate3A_3254, %concatenate3A_3254, %concatenate3A_3254 in 1 : vector<128x32xf32>, vector<128x32xf32>, vector<128x32xf32>, vector<128x32xf32>, vector<128x32xf32>, vector<128x32xf32>, vector<128x32xf32>, vector<128x32xf32>, vector<128x32xf32>, vector<128x32xf32>, vector<128x32xf32>, vector<128x32xf32>, vector<128x32xf32>, vector<128x32xf32>, vector<128x32xf32>, vector<128x32xf32> -> vector<128x512xf32>
    %sub3A_3256 = vector.broadcast %get3A_14 : vector<1x512xf32> to vector<128x512xf32>
    %sub3A_3257 = arith.subf %concatenate3A_3255, %sub3A_3256 : vector<128x512xf32>
    %mul3A_3258 = arith.constant 8.000000e-01 : f32
    %mul3A_3259 = vector.broadcast %mul3A_3258 : f32 to vector<128x512xf32>
    %mul3A_3260 = arith.mulf %sub3A_3257, %mul3A_3259 : vector<128x512xf32>
    %mul3A_3261 = arith.mulf %mul3A_3260, %mul3A_3260 : vector<128x512xf32>
    %neg3A_3262 = arith.constant 0.000000e+00 : f32
    %neg3A_3263 = vector.broadcast %neg3A_3262 : f32 to vector<128x512xf32>
    %neg3A_3264 = arith.subf %neg3A_3263, %mul3A_3261 : vector<128x512xf32>
    %exp3A_3265 = math.exp %neg3A_3264 : vector<128x512xf32>
    %slice3A_3266 = vector.extract_strided_slice %dot_general3A_3241 {offsets = [0, 73], sizes = [128, 1], strides = [1, 1]} : vector<128x128xf32> to vector<128x1xf32>
    %sub3A_3267 = arith.subf %slice3A_18, %slice3A_3266 : vector<128x1xf32>
    %slice3A_3268 = vector.extract_strided_slice %dot_general3A_3241 {offsets = [0, 72], sizes = [128, 1], strides = [1, 1]} : vector<128x128xf32> to vector<128x1xf32>
    %eq3A_3269 = arith.cmpf oeq, %slice3A_16, %slice3A_3268 : vector<128x1xf32>
    %convert_element_type3A_3270 = arith.extui %eq3A_3269 : vector<128x1xi1> to vector<128x1xi32>
    %convert_element_type3A_3271 = arith.sitofp %convert_element_type3A_3270 : vector<128x1xi32> to vector<128x1xf32>
    %add3A_3272 = arith.constant 3.200000e+01 : f32
    %add3A_3273 = vector.broadcast %add3A_3272 : f32 to vector<128x1xf32>
    %add3A_3274 = arith.addf %sub3A_3267, %add3A_3273 : vector<128x1xf32>
    %jit3A_3275 = arith.constant 0.000000e+00 : f32
    %jit3A_3276 = arith.constant 6.400000e+01 : f32
    %max3A_3277 = vector.broadcast %jit3A_3275 : f32 to vector<128x1xf32>
    %max3A_3278 = arith.maximumf %max3A_3277, %add3A_3274 : vector<128x1xf32>
    %min3A_3279 = vector.broadcast %jit3A_3276 : f32 to vector<128x1xf32>
    %min3A_3280 = arith.minimumf %min3A_3279, %max3A_3278 : vector<128x1xf32>
    %mul3A_3281 = arith.mulf %min3A_3280, %convert_element_type3A_3271 : vector<128x1xf32>
    %sub3A_3282 = arith.constant 1.000000e+00 : f32
    %sub3A_3283 = vector.broadcast %sub3A_3282 : f32 to vector<128x1xf32>
    %sub3A_3284 = arith.subf %sub3A_3283, %convert_element_type3A_3271 : vector<128x1xf32>
    %mul3A_3285 = arith.constant 6.500000e+01 : f32
    %mul3A_3286 = vector.broadcast %mul3A_3285 : f32 to vector<128x1xf32>
    %mul3A_3287 = arith.mulf %sub3A_3284, %mul3A_3286 : vector<128x1xf32>
    %add3A_3288 = arith.addf %mul3A_3281, %mul3A_3287 : vector<128x1xf32>
    %convert_element_type3A_3289 = arith.fptosi %add3A_3288 : vector<128x1xf32> to vector<128x1xi32>
    %eq3A_3290 = vector.broadcast %convert_element_type3A_3289 : vector<128x1xi32> to vector<128x128xi32>
    %eq3A_3291 = arith.cmpi eq, %iota3A, %eq3A_3290 : vector<128x128xi32>
    %convert_element_type3A_3292 = arith.extui %eq3A_3291 : vector<128x128xi1> to vector<128x128xi32>
    %convert_element_type3A_3293 = arith.sitofp %convert_element_type3A_3292 : vector<128x128xi32> to vector<128x128xf32>
    %get3A_3294 = arith.constant 0 : index
    %get3A_3295 = arith.constant 0 : index
    %get3A_3296 = vector.load %arg5[%get3A_3294, %get3A_3295] : memref<128x128xf32, #tpu.memory_space<vmem>>, vector<128x128xf32>
    %dot_general3A_3297 = arith.constant dense<0.000000e+00> : vector<128x128xf32>
    %dot_general3A_3298 = tpu.matmul %convert_element_type3A_3293, %get3A_3296, %dot_general3A_3297 {dimension_numbers = #tpu.dot_dimension_numbers<[1], [0], [0], [1], [0, 0, 1, 1], [], []>, transpose_lhs_hint = false} : vector<128x128xf32>, vector<128x128xf32>, vector<128x128xf32> -> vector<128x128xf32>
    %get3A_3299 = arith.constant 0 : index
    %get3A_3300 = arith.constant 0 : index
    %get3A_3301 = vector.load %arg6[%get3A_3299, %get3A_3300] : memref<512x128xf32, #tpu.memory_space<vmem>>, vector<512x128xf32>
    %dot_general3A_3302 = arith.constant dense<0.000000e+00> : vector<128x128xf32>
    %dot_general3A_3303 = tpu.matmul %exp3A_3265, %get3A_3301, %dot_general3A_3302 {dimension_numbers = #tpu.dot_dimension_numbers<[1], [0], [0], [1], [0, 0, 1, 1], [], []>, transpose_lhs_hint = false} : vector<128x512xf32>, vector<512x128xf32>, vector<128x128xf32> -> vector<128x128xf32>
    %add3A_3304 = arith.addf %dot_general3A_3298, %dot_general3A_3303 : vector<128x128xf32>
    %swap3A_3305 = arith.constant 0 : index
    %swap3A_3306 = arith.constant 4736 : index
    %swap3A_3307 = vector.load %arg10[%swap3A_3305, %swap3A_3306] : memref<128x6144xf32, #tpu.memory_space<vmem>>, vector<128x128xf32>
    tpu.vector_store %arg10[%swap3A_3305, %swap3A_3306], %add3A_3304 {strides = array<i32>} : memref<128x6144xf32, #tpu.memory_space<vmem>>, vector<128x128xf32>,
    %reduce_max3A_3308 = arith.constant dense<0xFF800000> : vector<128xf32>
    %reduce_max3A_3309 = vector.multi_reduction <maximumf>, %select_n3A_3239, %reduce_max3A_3308 [1] : vector<128x1024xf32> to vector<128xf32>
    %broadcast_in_dim3A_3310 = vector.shape_cast %reduce_max3A_3309 : vector<128xf32> to vector<128x1xf32>
    %eq3A_3311 = vector.broadcast %broadcast_in_dim3A_3310 : vector<128x1xf32> to vector<128x1024xf32>
    %eq3A_3312 = arith.cmpf oeq, %select_n3A_3239, %eq3A_3311 : vector<128x1024xf32>
    %jit3A_3313 = arith.constant 1024 : i32
    %broadcast_in_dim3A_3314 = vector.broadcast %jit3A_3313 : i32 to vector<128x1024xi32>
    %select_n3A_3315 = arith.select %eq3A_3312, %iota3A_48, %broadcast_in_dim3A_3314 : vector<128x1024xi1>, vector<128x1024xi32>
    %reduce_min3A_3316 = arith.constant dense<2147483647> : vector<128xi32>
    %reduce_min3A_3317 = vector.multi_reduction <minsi>, %select_n3A_3315, %reduce_min3A_3316 [1] : vector<128x1024xi32> to vector<128xi32>
    %broadcast_in_dim3A_3318 = vector.shape_cast %reduce_min3A_3317 : vector<128xi32> to vector<128x1xi32>
    %eq3A_3319 = vector.broadcast %broadcast_in_dim3A_3318 : vector<128x1xi32> to vector<128x1024xi32>
    %eq3A_3320 = arith.cmpi eq, %iota3A_48, %eq3A_3319 : vector<128x1024xi32>
    %convert_element_type3A_3321 = arith.extui %eq3A_3320 : vector<128x1024xi1> to vector<128x1024xi32>
    %convert_element_type3A_3322 = arith.sitofp %convert_element_type3A_3321 : vector<128x1024xi32> to vector<128x1024xf32>
    %jit3A_3323 = arith.constant 0xFF800000 : f32
    %broadcast_in_dim3A_3324 = vector.broadcast %jit3A_3323 : f32 to vector<128x1024xf32>
    %select_n3A_3325 = arith.select %eq3A_3320, %broadcast_in_dim3A_3324, %select_n3A_3239 : vector<128x1024xi1>, vector<128x1024xf32>
    %dot_general3A_3326 = arith.constant dense<0.000000e+00> : vector<128x128xf32>
    %dot_general3A_3327 = tpu.matmul %convert_element_type3A_3322, %get3A_11, %dot_general3A_3326 {dimension_numbers = #tpu.dot_dimension_numbers<[1], [0], [0], [1], [0, 0, 1, 1], [], []>, precision = #tpu.contract_precision<fp32>, transpose_lhs_hint = false} : vector<128x1024xf32>, vector<1024x128xf32>, vector<128x128xf32> -> vector<128x128xf32>
    %slice3A_3328 = vector.extract_strided_slice %dot_general3A_3327 {offsets = [0, 0], sizes = [128, 72], strides = [1, 1]} : vector<128x128xf32> to vector<128x72xf32>
    %sub3A_3329 = arith.subf %slice3A, %slice3A_3328 : vector<128x72xf32>
    %mul3A_3330 = arith.mulf %sub3A_3329, %sub3A_3329 : vector<128x72xf32>
    %slice3A_3331 = vector.extract_strided_slice %mul3A_3330 {offsets = [0, 0], sizes = [128, 24], strides = [1, 1]} : vector<128x72xf32> to vector<128x24xf32>
    %slice3A_3332 = vector.extract_strided_slice %mul3A_3330 {offsets = [0, 24], sizes = [128, 24], strides = [1, 1]} : vector<128x72xf32> to vector<128x24xf32>
    %add3A_3333 = arith.addf %slice3A_3331, %slice3A_3332 : vector<128x24xf32>
    %slice3A_3334 = vector.extract_strided_slice %mul3A_3330 {offsets = [0, 48], sizes = [128, 24], strides = [1, 1]} : vector<128x72xf32> to vector<128x24xf32>
    %add3A_3335 = arith.addf %add3A_3333, %slice3A_3334 : vector<128x24xf32>
    %add3A_3336 = arith.constant 9.99999997E-7 : f32
    %add3A_3337 = vector.broadcast %add3A_3336 : f32 to vector<128x24xf32>
    %add3A_3338 = arith.addf %add3A_3335, %add3A_3337 : vector<128x24xf32>
    %sqrt3A_3339 = math.sqrt %add3A_3338 : vector<128x24xf32>
    %concatenate3A_3340 = tpu.concatenate %broadcast_in_dim3A_3310, %sqrt3A_3339, %broadcast_in_dim3A_15 in 1 : vector<128x1xf32>, vector<128x24xf32>, vector<128x7xf32> -> vector<128x32xf32>
    %concatenate3A_3341 = tpu.concatenate %concatenate3A_3340, %concatenate3A_3340, %concatenate3A_3340, %concatenate3A_3340, %concatenate3A_3340, %concatenate3A_3340, %concatenate3A_3340, %concatenate3A_3340, %concatenate3A_3340, %concatenate3A_3340, %concatenate3A_3340, %concatenate3A_3340, %concatenate3A_3340, %concatenate3A_3340, %concatenate3A_3340, %concatenate3A_3340 in 1 : vector<128x32xf32>, vector<128x32xf32>, vector<128x32xf32>, vector<128x32xf32>, vector<128x32xf32>, vector<128x32xf32>, vector<128x32xf32>, vector<128x32xf32>, vector<128x32xf32>, vector<128x32xf32>, vector<128x32xf32>, vector<128x32xf32>, vector<128x32xf32>, vector<128x32xf32>, vector<128x32xf32>, vector<128x32xf32> -> vector<128x512xf32>
    %sub3A_3342 = vector.broadcast %get3A_14 : vector<1x512xf32> to vector<128x512xf32>
    %sub3A_3343 = arith.subf %concatenate3A_3341, %sub3A_3342 : vector<128x512xf32>
    %mul3A_3344 = arith.constant 8.000000e-01 : f32
    %mul3A_3345 = vector.broadcast %mul3A_3344 : f32 to vector<128x512xf32>
    %mul3A_3346 = arith.mulf %sub3A_3343, %mul3A_3345 : vector<128x512xf32>
    %mul3A_3347 = arith.mulf %mul3A_3346, %mul3A_3346 : vector<128x512xf32>
    %neg3A_3348 = arith.constant 0.000000e+00 : f32
    %neg3A_3349 = vector.broadcast %neg3A_3348 : f32 to vector<128x512xf32>
    %neg3A_3350 = arith.subf %neg3A_3349, %mul3A_3347 : vector<128x512xf32>
    %exp3A_3351 = math.exp %neg3A_3350 : vector<128x512xf32>
    %slice3A_3352 = vector.extract_strided_slice %dot_general3A_3327 {offsets = [0, 73], sizes = [128, 1], strides = [1, 1]} : vector<128x128xf32> to vector<128x1xf32>
    %sub3A_3353 = arith.subf %slice3A_18, %slice3A_3352 : vector<128x1xf32>
    %slice3A_3354 = vector.extract_strided_slice %dot_general3A_3327 {offsets = [0, 72], sizes = [128, 1], strides = [1, 1]} : vector<128x128xf32> to vector<128x1xf32>
    %eq3A_3355 = arith.cmpf oeq, %slice3A_16, %slice3A_3354 : vector<128x1xf32>
    %convert_element_type3A_3356 = arith.extui %eq3A_3355 : vector<128x1xi1> to vector<128x1xi32>
    %convert_element_type3A_3357 = arith.sitofp %convert_element_type3A_3356 : vector<128x1xi32> to vector<128x1xf32>
    %add3A_3358 = arith.constant 3.200000e+01 : f32
    %add3A_3359 = vector.broadcast %add3A_3358 : f32 to vector<128x1xf32>
    %add3A_3360 = arith.addf %sub3A_3353, %add3A_3359 : vector<128x1xf32>
    %jit3A_3361 = arith.constant 0.000000e+00 : f32
    %jit3A_3362 = arith.constant 6.400000e+01 : f32
    %max3A_3363 = vector.broadcast %jit3A_3361 : f32 to vector<128x1xf32>
    %max3A_3364 = arith.maximumf %max3A_3363, %add3A_3360 : vector<128x1xf32>
    %min3A_3365 = vector.broadcast %jit3A_3362 : f32 to vector<128x1xf32>
    %min3A_3366 = arith.minimumf %min3A_3365, %max3A_3364 : vector<128x1xf32>
    %mul3A_3367 = arith.mulf %min3A_3366, %convert_element_type3A_3357 : vector<128x1xf32>
    %sub3A_3368 = arith.constant 1.000000e+00 : f32
    %sub3A_3369 = vector.broadcast %sub3A_3368 : f32 to vector<128x1xf32>
    %sub3A_3370 = arith.subf %sub3A_3369, %convert_element_type3A_3357 : vector<128x1xf32>
    %mul3A_3371 = arith.constant 6.500000e+01 : f32
    %mul3A_3372 = vector.broadcast %mul3A_3371 : f32 to vector<128x1xf32>
    %mul3A_3373 = arith.mulf %sub3A_3370, %mul3A_3372 : vector<128x1xf32>
    %add3A_3374 = arith.addf %mul3A_3367, %mul3A_3373 : vector<128x1xf32>
    %convert_element_type3A_3375 = arith.fptosi %add3A_3374 : vector<128x1xf32> to vector<128x1xi32>
    %eq3A_3376 = vector.broadcast %convert_element_type3A_3375 : vector<128x1xi32> to vector<128x128xi32>
    %eq3A_3377 = arith.cmpi eq, %iota3A, %eq3A_3376 : vector<128x128xi32>
    %convert_element_type3A_3378 = arith.extui %eq3A_3377 : vector<128x128xi1> to vector<128x128xi32>
    %convert_element_type3A_3379 = arith.sitofp %convert_element_type3A_3378 : vector<128x128xi32> to vector<128x128xf32>
    %get3A_3380 = arith.constant 0 : index
    %get3A_3381 = arith.constant 0 : index
    %get3A_3382 = vector.load %arg5[%get3A_3380, %get3A_3381] : memref<128x128xf32, #tpu.memory_space<vmem>>, vector<128x128xf32>
    %dot_general3A_3383 = arith.constant dense<0.000000e+00> : vector<128x128xf32>
    %dot_general3A_3384 = tpu.matmul %convert_element_type3A_3379, %get3A_3382, %dot_general3A_3383 {dimension_numbers = #tpu.dot_dimension_numbers<[1], [0], [0], [1], [0, 0, 1, 1], [], []>, transpose_lhs_hint = false} : vector<128x128xf32>, vector<128x128xf32>, vector<128x128xf32> -> vector<128x128xf32>
    %get3A_3385 = arith.constant 0 : index
    %get3A_3386 = arith.constant 0 : index
    %get3A_3387 = vector.load %arg6[%get3A_3385, %get3A_3386] : memref<512x128xf32, #tpu.memory_space<vmem>>, vector<512x128xf32>
    %dot_general3A_3388 = arith.constant dense<0.000000e+00> : vector<128x128xf32>
    %dot_general3A_3389 = tpu.matmul %exp3A_3351, %get3A_3387, %dot_general3A_3388 {dimension_numbers = #tpu.dot_dimension_numbers<[1], [0], [0], [1], [0, 0, 1, 1], [], []>, transpose_lhs_hint = false} : vector<128x512xf32>, vector<512x128xf32>, vector<128x128xf32> -> vector<128x128xf32>
    %add3A_3390 = arith.addf %dot_general3A_3384, %dot_general3A_3389 : vector<128x128xf32>
    %swap3A_3391 = arith.constant 0 : index
    %swap3A_3392 = arith.constant 4864 : index
    %swap3A_3393 = vector.load %arg10[%swap3A_3391, %swap3A_3392] : memref<128x6144xf32, #tpu.memory_space<vmem>>, vector<128x128xf32>
    tpu.vector_store %arg10[%swap3A_3391, %swap3A_3392], %add3A_3390 {strides = array<i32>} : memref<128x6144xf32, #tpu.memory_space<vmem>>, vector<128x128xf32>,
    %reduce_max3A_3394 = arith.constant dense<0xFF800000> : vector<128xf32>
    %reduce_max3A_3395 = vector.multi_reduction <maximumf>, %select_n3A_3325, %reduce_max3A_3394 [1] : vector<128x1024xf32> to vector<128xf32>
    %broadcast_in_dim3A_3396 = vector.shape_cast %reduce_max3A_3395 : vector<128xf32> to vector<128x1xf32>
    %eq3A_3397 = vector.broadcast %broadcast_in_dim3A_3396 : vector<128x1xf32> to vector<128x1024xf32>
    %eq3A_3398 = arith.cmpf oeq, %select_n3A_3325, %eq3A_3397 : vector<128x1024xf32>
    %jit3A_3399 = arith.constant 1024 : i32
    %broadcast_in_dim3A_3400 = vector.broadcast %jit3A_3399 : i32 to vector<128x1024xi32>
    %select_n3A_3401 = arith.select %eq3A_3398, %iota3A_48, %broadcast_in_dim3A_3400 : vector<128x1024xi1>, vector<128x1024xi32>
    %reduce_min3A_3402 = arith.constant dense<2147483647> : vector<128xi32>
    %reduce_min3A_3403 = vector.multi_reduction <minsi>, %select_n3A_3401, %reduce_min3A_3402 [1] : vector<128x1024xi32> to vector<128xi32>
    %broadcast_in_dim3A_3404 = vector.shape_cast %reduce_min3A_3403 : vector<128xi32> to vector<128x1xi32>
    %eq3A_3405 = vector.broadcast %broadcast_in_dim3A_3404 : vector<128x1xi32> to vector<128x1024xi32>
    %eq3A_3406 = arith.cmpi eq, %iota3A_48, %eq3A_3405 : vector<128x1024xi32>
    %convert_element_type3A_3407 = arith.extui %eq3A_3406 : vector<128x1024xi1> to vector<128x1024xi32>
    %convert_element_type3A_3408 = arith.sitofp %convert_element_type3A_3407 : vector<128x1024xi32> to vector<128x1024xf32>
    %jit3A_3409 = arith.constant 0xFF800000 : f32
    %broadcast_in_dim3A_3410 = vector.broadcast %jit3A_3409 : f32 to vector<128x1024xf32>
    %select_n3A_3411 = arith.select %eq3A_3406, %broadcast_in_dim3A_3410, %select_n3A_3325 : vector<128x1024xi1>, vector<128x1024xf32>
    %dot_general3A_3412 = arith.constant dense<0.000000e+00> : vector<128x128xf32>
    %dot_general3A_3413 = tpu.matmul %convert_element_type3A_3408, %get3A_11, %dot_general3A_3412 {dimension_numbers = #tpu.dot_dimension_numbers<[1], [0], [0], [1], [0, 0, 1, 1], [], []>, precision = #tpu.contract_precision<fp32>, transpose_lhs_hint = false} : vector<128x1024xf32>, vector<1024x128xf32>, vector<128x128xf32> -> vector<128x128xf32>
    %slice3A_3414 = vector.extract_strided_slice %dot_general3A_3413 {offsets = [0, 0], sizes = [128, 72], strides = [1, 1]} : vector<128x128xf32> to vector<128x72xf32>
    %sub3A_3415 = arith.subf %slice3A, %slice3A_3414 : vector<128x72xf32>
    %mul3A_3416 = arith.mulf %sub3A_3415, %sub3A_3415 : vector<128x72xf32>
    %slice3A_3417 = vector.extract_strided_slice %mul3A_3416 {offsets = [0, 0], sizes = [128, 24], strides = [1, 1]} : vector<128x72xf32> to vector<128x24xf32>
    %slice3A_3418 = vector.extract_strided_slice %mul3A_3416 {offsets = [0, 24], sizes = [128, 24], strides = [1, 1]} : vector<128x72xf32> to vector<128x24xf32>
    %add3A_3419 = arith.addf %slice3A_3417, %slice3A_3418 : vector<128x24xf32>
    %slice3A_3420 = vector.extract_strided_slice %mul3A_3416 {offsets = [0, 48], sizes = [128, 24], strides = [1, 1]} : vector<128x72xf32> to vector<128x24xf32>
    %add3A_3421 = arith.addf %add3A_3419, %slice3A_3420 : vector<128x24xf32>
    %add3A_3422 = arith.constant 9.99999997E-7 : f32
    %add3A_3423 = vector.broadcast %add3A_3422 : f32 to vector<128x24xf32>
    %add3A_3424 = arith.addf %add3A_3421, %add3A_3423 : vector<128x24xf32>
    %sqrt3A_3425 = math.sqrt %add3A_3424 : vector<128x24xf32>
    %concatenate3A_3426 = tpu.concatenate %broadcast_in_dim3A_3396, %sqrt3A_3425, %broadcast_in_dim3A_15 in 1 : vector<128x1xf32>, vector<128x24xf32>, vector<128x7xf32> -> vector<128x32xf32>
    %concatenate3A_3427 = tpu.concatenate %concatenate3A_3426, %concatenate3A_3426, %concatenate3A_3426, %concatenate3A_3426, %concatenate3A_3426, %concatenate3A_3426, %concatenate3A_3426, %concatenate3A_3426, %concatenate3A_3426, %concatenate3A_3426, %concatenate3A_3426, %concatenate3A_3426, %concatenate3A_3426, %concatenate3A_3426, %concatenate3A_3426, %concatenate3A_3426 in 1 : vector<128x32xf32>, vector<128x32xf32>, vector<128x32xf32>, vector<128x32xf32>, vector<128x32xf32>, vector<128x32xf32>, vector<128x32xf32>, vector<128x32xf32>, vector<128x32xf32>, vector<128x32xf32>, vector<128x32xf32>, vector<128x32xf32>, vector<128x32xf32>, vector<128x32xf32>, vector<128x32xf32>, vector<128x32xf32> -> vector<128x512xf32>
    %sub3A_3428 = vector.broadcast %get3A_14 : vector<1x512xf32> to vector<128x512xf32>
    %sub3A_3429 = arith.subf %concatenate3A_3427, %sub3A_3428 : vector<128x512xf32>
    %mul3A_3430 = arith.constant 8.000000e-01 : f32
    %mul3A_3431 = vector.broadcast %mul3A_3430 : f32 to vector<128x512xf32>
    %mul3A_3432 = arith.mulf %sub3A_3429, %mul3A_3431 : vector<128x512xf32>
    %mul3A_3433 = arith.mulf %mul3A_3432, %mul3A_3432 : vector<128x512xf32>
    %neg3A_3434 = arith.constant 0.000000e+00 : f32
    %neg3A_3435 = vector.broadcast %neg3A_3434 : f32 to vector<128x512xf32>
    %neg3A_3436 = arith.subf %neg3A_3435, %mul3A_3433 : vector<128x512xf32>
    %exp3A_3437 = math.exp %neg3A_3436 : vector<128x512xf32>
    %slice3A_3438 = vector.extract_strided_slice %dot_general3A_3413 {offsets = [0, 73], sizes = [128, 1], strides = [1, 1]} : vector<128x128xf32> to vector<128x1xf32>
    %sub3A_3439 = arith.subf %slice3A_18, %slice3A_3438 : vector<128x1xf32>
    %slice3A_3440 = vector.extract_strided_slice %dot_general3A_3413 {offsets = [0, 72], sizes = [128, 1], strides = [1, 1]} : vector<128x128xf32> to vector<128x1xf32>
    %eq3A_3441 = arith.cmpf oeq, %slice3A_16, %slice3A_3440 : vector<128x1xf32>
    %convert_element_type3A_3442 = arith.extui %eq3A_3441 : vector<128x1xi1> to vector<128x1xi32>
    %convert_element_type3A_3443 = arith.sitofp %convert_element_type3A_3442 : vector<128x1xi32> to vector<128x1xf32>
    %add3A_3444 = arith.constant 3.200000e+01 : f32
    %add3A_3445 = vector.broadcast %add3A_3444 : f32 to vector<128x1xf32>
    %add3A_3446 = arith.addf %sub3A_3439, %add3A_3445 : vector<128x1xf32>
    %jit3A_3447 = arith.constant 0.000000e+00 : f32
    %jit3A_3448 = arith.constant 6.400000e+01 : f32
    %max3A_3449 = vector.broadcast %jit3A_3447 : f32 to vector<128x1xf32>
    %max3A_3450 = arith.maximumf %max3A_3449, %add3A_3446 : vector<128x1xf32>
    %min3A_3451 = vector.broadcast %jit3A_3448 : f32 to vector<128x1xf32>
    %min3A_3452 = arith.minimumf %min3A_3451, %max3A_3450 : vector<128x1xf32>
    %mul3A_3453 = arith.mulf %min3A_3452, %convert_element_type3A_3443 : vector<128x1xf32>
    %sub3A_3454 = arith.constant 1.000000e+00 : f32
    %sub3A_3455 = vector.broadcast %sub3A_3454 : f32 to vector<128x1xf32>
    %sub3A_3456 = arith.subf %sub3A_3455, %convert_element_type3A_3443 : vector<128x1xf32>
    %mul3A_3457 = arith.constant 6.500000e+01 : f32
    %mul3A_3458 = vector.broadcast %mul3A_3457 : f32 to vector<128x1xf32>
    %mul3A_3459 = arith.mulf %sub3A_3456, %mul3A_3458 : vector<128x1xf32>
    %add3A_3460 = arith.addf %mul3A_3453, %mul3A_3459 : vector<128x1xf32>
    %convert_element_type3A_3461 = arith.fptosi %add3A_3460 : vector<128x1xf32> to vector<128x1xi32>
    %eq3A_3462 = vector.broadcast %convert_element_type3A_3461 : vector<128x1xi32> to vector<128x128xi32>
    %eq3A_3463 = arith.cmpi eq, %iota3A, %eq3A_3462 : vector<128x128xi32>
    %convert_element_type3A_3464 = arith.extui %eq3A_3463 : vector<128x128xi1> to vector<128x128xi32>
    %convert_element_type3A_3465 = arith.sitofp %convert_element_type3A_3464 : vector<128x128xi32> to vector<128x128xf32>
    %get3A_3466 = arith.constant 0 : index
    %get3A_3467 = arith.constant 0 : index
    %get3A_3468 = vector.load %arg5[%get3A_3466, %get3A_3467] : memref<128x128xf32, #tpu.memory_space<vmem>>, vector<128x128xf32>
    %dot_general3A_3469 = arith.constant dense<0.000000e+00> : vector<128x128xf32>
    %dot_general3A_3470 = tpu.matmul %convert_element_type3A_3465, %get3A_3468, %dot_general3A_3469 {dimension_numbers = #tpu.dot_dimension_numbers<[1], [0], [0], [1], [0, 0, 1, 1], [], []>, transpose_lhs_hint = false} : vector<128x128xf32>, vector<128x128xf32>, vector<128x128xf32> -> vector<128x128xf32>
    %get3A_3471 = arith.constant 0 : index
    %get3A_3472 = arith.constant 0 : index
    %get3A_3473 = vector.load %arg6[%get3A_3471, %get3A_3472] : memref<512x128xf32, #tpu.memory_space<vmem>>, vector<512x128xf32>
    %dot_general3A_3474 = arith.constant dense<0.000000e+00> : vector<128x128xf32>
    %dot_general3A_3475 = tpu.matmul %exp3A_3437, %get3A_3473, %dot_general3A_3474 {dimension_numbers = #tpu.dot_dimension_numbers<[1], [0], [0], [1], [0, 0, 1, 1], [], []>, transpose_lhs_hint = false} : vector<128x512xf32>, vector<512x128xf32>, vector<128x128xf32> -> vector<128x128xf32>
    %add3A_3476 = arith.addf %dot_general3A_3470, %dot_general3A_3475 : vector<128x128xf32>
    %swap3A_3477 = arith.constant 0 : index
    %swap3A_3478 = arith.constant 4992 : index
    %swap3A_3479 = vector.load %arg10[%swap3A_3477, %swap3A_3478] : memref<128x6144xf32, #tpu.memory_space<vmem>>, vector<128x128xf32>
    tpu.vector_store %arg10[%swap3A_3477, %swap3A_3478], %add3A_3476 {strides = array<i32>} : memref<128x6144xf32, #tpu.memory_space<vmem>>, vector<128x128xf32>,
    %reduce_max3A_3480 = arith.constant dense<0xFF800000> : vector<128xf32>
    %reduce_max3A_3481 = vector.multi_reduction <maximumf>, %select_n3A_3411, %reduce_max3A_3480 [1] : vector<128x1024xf32> to vector<128xf32>
    %broadcast_in_dim3A_3482 = vector.shape_cast %reduce_max3A_3481 : vector<128xf32> to vector<128x1xf32>
    %eq3A_3483 = vector.broadcast %broadcast_in_dim3A_3482 : vector<128x1xf32> to vector<128x1024xf32>
    %eq3A_3484 = arith.cmpf oeq, %select_n3A_3411, %eq3A_3483 : vector<128x1024xf32>
    %jit3A_3485 = arith.constant 1024 : i32
    %broadcast_in_dim3A_3486 = vector.broadcast %jit3A_3485 : i32 to vector<128x1024xi32>
    %select_n3A_3487 = arith.select %eq3A_3484, %iota3A_48, %broadcast_in_dim3A_3486 : vector<128x1024xi1>, vector<128x1024xi32>
    %reduce_min3A_3488 = arith.constant dense<2147483647> : vector<128xi32>
    %reduce_min3A_3489 = vector.multi_reduction <minsi>, %select_n3A_3487, %reduce_min3A_3488 [1] : vector<128x1024xi32> to vector<128xi32>
    %broadcast_in_dim3A_3490 = vector.shape_cast %reduce_min3A_3489 : vector<128xi32> to vector<128x1xi32>
    %eq3A_3491 = vector.broadcast %broadcast_in_dim3A_3490 : vector<128x1xi32> to vector<128x1024xi32>
    %eq3A_3492 = arith.cmpi eq, %iota3A_48, %eq3A_3491 : vector<128x1024xi32>
    %convert_element_type3A_3493 = arith.extui %eq3A_3492 : vector<128x1024xi1> to vector<128x1024xi32>
    %convert_element_type3A_3494 = arith.sitofp %convert_element_type3A_3493 : vector<128x1024xi32> to vector<128x1024xf32>
    %jit3A_3495 = arith.constant 0xFF800000 : f32
    %broadcast_in_dim3A_3496 = vector.broadcast %jit3A_3495 : f32 to vector<128x1024xf32>
    %select_n3A_3497 = arith.select %eq3A_3492, %broadcast_in_dim3A_3496, %select_n3A_3411 : vector<128x1024xi1>, vector<128x1024xf32>
    %dot_general3A_3498 = arith.constant dense<0.000000e+00> : vector<128x128xf32>
    %dot_general3A_3499 = tpu.matmul %convert_element_type3A_3494, %get3A_11, %dot_general3A_3498 {dimension_numbers = #tpu.dot_dimension_numbers<[1], [0], [0], [1], [0, 0, 1, 1], [], []>, precision = #tpu.contract_precision<fp32>, transpose_lhs_hint = false} : vector<128x1024xf32>, vector<1024x128xf32>, vector<128x128xf32> -> vector<128x128xf32>
    %slice3A_3500 = vector.extract_strided_slice %dot_general3A_3499 {offsets = [0, 0], sizes = [128, 72], strides = [1, 1]} : vector<128x128xf32> to vector<128x72xf32>
    %sub3A_3501 = arith.subf %slice3A, %slice3A_3500 : vector<128x72xf32>
    %mul3A_3502 = arith.mulf %sub3A_3501, %sub3A_3501 : vector<128x72xf32>
    %slice3A_3503 = vector.extract_strided_slice %mul3A_3502 {offsets = [0, 0], sizes = [128, 24], strides = [1, 1]} : vector<128x72xf32> to vector<128x24xf32>
    %slice3A_3504 = vector.extract_strided_slice %mul3A_3502 {offsets = [0, 24], sizes = [128, 24], strides = [1, 1]} : vector<128x72xf32> to vector<128x24xf32>
    %add3A_3505 = arith.addf %slice3A_3503, %slice3A_3504 : vector<128x24xf32>
    %slice3A_3506 = vector.extract_strided_slice %mul3A_3502 {offsets = [0, 48], sizes = [128, 24], strides = [1, 1]} : vector<128x72xf32> to vector<128x24xf32>
    %add3A_3507 = arith.addf %add3A_3505, %slice3A_3506 : vector<128x24xf32>
    %add3A_3508 = arith.constant 9.99999997E-7 : f32
    %add3A_3509 = vector.broadcast %add3A_3508 : f32 to vector<128x24xf32>
    %add3A_3510 = arith.addf %add3A_3507, %add3A_3509 : vector<128x24xf32>
    %sqrt3A_3511 = math.sqrt %add3A_3510 : vector<128x24xf32>
    %concatenate3A_3512 = tpu.concatenate %broadcast_in_dim3A_3482, %sqrt3A_3511, %broadcast_in_dim3A_15 in 1 : vector<128x1xf32>, vector<128x24xf32>, vector<128x7xf32> -> vector<128x32xf32>
    %concatenate3A_3513 = tpu.concatenate %concatenate3A_3512, %concatenate3A_3512, %concatenate3A_3512, %concatenate3A_3512, %concatenate3A_3512, %concatenate3A_3512, %concatenate3A_3512, %concatenate3A_3512, %concatenate3A_3512, %concatenate3A_3512, %concatenate3A_3512, %concatenate3A_3512, %concatenate3A_3512, %concatenate3A_3512, %concatenate3A_3512, %concatenate3A_3512 in 1 : vector<128x32xf32>, vector<128x32xf32>, vector<128x32xf32>, vector<128x32xf32>, vector<128x32xf32>, vector<128x32xf32>, vector<128x32xf32>, vector<128x32xf32>, vector<128x32xf32>, vector<128x32xf32>, vector<128x32xf32>, vector<128x32xf32>, vector<128x32xf32>, vector<128x32xf32>, vector<128x32xf32>, vector<128x32xf32> -> vector<128x512xf32>
    %sub3A_3514 = vector.broadcast %get3A_14 : vector<1x512xf32> to vector<128x512xf32>
    %sub3A_3515 = arith.subf %concatenate3A_3513, %sub3A_3514 : vector<128x512xf32>
    %mul3A_3516 = arith.constant 8.000000e-01 : f32
    %mul3A_3517 = vector.broadcast %mul3A_3516 : f32 to vector<128x512xf32>
    %mul3A_3518 = arith.mulf %sub3A_3515, %mul3A_3517 : vector<128x512xf32>
    %mul3A_3519 = arith.mulf %mul3A_3518, %mul3A_3518 : vector<128x512xf32>
    %neg3A_3520 = arith.constant 0.000000e+00 : f32
    %neg3A_3521 = vector.broadcast %neg3A_3520 : f32 to vector<128x512xf32>
    %neg3A_3522 = arith.subf %neg3A_3521, %mul3A_3519 : vector<128x512xf32>
    %exp3A_3523 = math.exp %neg3A_3522 : vector<128x512xf32>
    %slice3A_3524 = vector.extract_strided_slice %dot_general3A_3499 {offsets = [0, 73], sizes = [128, 1], strides = [1, 1]} : vector<128x128xf32> to vector<128x1xf32>
    %sub3A_3525 = arith.subf %slice3A_18, %slice3A_3524 : vector<128x1xf32>
    %slice3A_3526 = vector.extract_strided_slice %dot_general3A_3499 {offsets = [0, 72], sizes = [128, 1], strides = [1, 1]} : vector<128x128xf32> to vector<128x1xf32>
    %eq3A_3527 = arith.cmpf oeq, %slice3A_16, %slice3A_3526 : vector<128x1xf32>
    %convert_element_type3A_3528 = arith.extui %eq3A_3527 : vector<128x1xi1> to vector<128x1xi32>
    %convert_element_type3A_3529 = arith.sitofp %convert_element_type3A_3528 : vector<128x1xi32> to vector<128x1xf32>
    %add3A_3530 = arith.constant 3.200000e+01 : f32
    %add3A_3531 = vector.broadcast %add3A_3530 : f32 to vector<128x1xf32>
    %add3A_3532 = arith.addf %sub3A_3525, %add3A_3531 : vector<128x1xf32>
    %jit3A_3533 = arith.constant 0.000000e+00 : f32
    %jit3A_3534 = arith.constant 6.400000e+01 : f32
    %max3A_3535 = vector.broadcast %jit3A_3533 : f32 to vector<128x1xf32>
    %max3A_3536 = arith.maximumf %max3A_3535, %add3A_3532 : vector<128x1xf32>
    %min3A_3537 = vector.broadcast %jit3A_3534 : f32 to vector<128x1xf32>
    %min3A_3538 = arith.minimumf %min3A_3537, %max3A_3536 : vector<128x1xf32>
    %mul3A_3539 = arith.mulf %min3A_3538, %convert_element_type3A_3529 : vector<128x1xf32>
    %sub3A_3540 = arith.constant 1.000000e+00 : f32
    %sub3A_3541 = vector.broadcast %sub3A_3540 : f32 to vector<128x1xf32>
    %sub3A_3542 = arith.subf %sub3A_3541, %convert_element_type3A_3529 : vector<128x1xf32>
    %mul3A_3543 = arith.constant 6.500000e+01 : f32
    %mul3A_3544 = vector.broadcast %mul3A_3543 : f32 to vector<128x1xf32>
    %mul3A_3545 = arith.mulf %sub3A_3542, %mul3A_3544 : vector<128x1xf32>
    %add3A_3546 = arith.addf %mul3A_3539, %mul3A_3545 : vector<128x1xf32>
    %convert_element_type3A_3547 = arith.fptosi %add3A_3546 : vector<128x1xf32> to vector<128x1xi32>
    %eq3A_3548 = vector.broadcast %convert_element_type3A_3547 : vector<128x1xi32> to vector<128x128xi32>
    %eq3A_3549 = arith.cmpi eq, %iota3A, %eq3A_3548 : vector<128x128xi32>
    %convert_element_type3A_3550 = arith.extui %eq3A_3549 : vector<128x128xi1> to vector<128x128xi32>
    %convert_element_type3A_3551 = arith.sitofp %convert_element_type3A_3550 : vector<128x128xi32> to vector<128x128xf32>
    %get3A_3552 = arith.constant 0 : index
    %get3A_3553 = arith.constant 0 : index
    %get3A_3554 = vector.load %arg5[%get3A_3552, %get3A_3553] : memref<128x128xf32, #tpu.memory_space<vmem>>, vector<128x128xf32>
    %dot_general3A_3555 = arith.constant dense<0.000000e+00> : vector<128x128xf32>
    %dot_general3A_3556 = tpu.matmul %convert_element_type3A_3551, %get3A_3554, %dot_general3A_3555 {dimension_numbers = #tpu.dot_dimension_numbers<[1], [0], [0], [1], [0, 0, 1, 1], [], []>, transpose_lhs_hint = false} : vector<128x128xf32>, vector<128x128xf32>, vector<128x128xf32> -> vector<128x128xf32>
    %get3A_3557 = arith.constant 0 : index
    %get3A_3558 = arith.constant 0 : index
    %get3A_3559 = vector.load %arg6[%get3A_3557, %get3A_3558] : memref<512x128xf32, #tpu.memory_space<vmem>>, vector<512x128xf32>
    %dot_general3A_3560 = arith.constant dense<0.000000e+00> : vector<128x128xf32>
    %dot_general3A_3561 = tpu.matmul %exp3A_3523, %get3A_3559, %dot_general3A_3560 {dimension_numbers = #tpu.dot_dimension_numbers<[1], [0], [0], [1], [0, 0, 1, 1], [], []>, transpose_lhs_hint = false} : vector<128x512xf32>, vector<512x128xf32>, vector<128x128xf32> -> vector<128x128xf32>
    %add3A_3562 = arith.addf %dot_general3A_3556, %dot_general3A_3561 : vector<128x128xf32>
    %swap3A_3563 = arith.constant 0 : index
    %swap3A_3564 = arith.constant 5120 : index
    %swap3A_3565 = vector.load %arg10[%swap3A_3563, %swap3A_3564] : memref<128x6144xf32, #tpu.memory_space<vmem>>, vector<128x128xf32>
    tpu.vector_store %arg10[%swap3A_3563, %swap3A_3564], %add3A_3562 {strides = array<i32>} : memref<128x6144xf32, #tpu.memory_space<vmem>>, vector<128x128xf32>,
    %reduce_max3A_3566 = arith.constant dense<0xFF800000> : vector<128xf32>
    %reduce_max3A_3567 = vector.multi_reduction <maximumf>, %select_n3A_3497, %reduce_max3A_3566 [1] : vector<128x1024xf32> to vector<128xf32>
    %broadcast_in_dim3A_3568 = vector.shape_cast %reduce_max3A_3567 : vector<128xf32> to vector<128x1xf32>
    %eq3A_3569 = vector.broadcast %broadcast_in_dim3A_3568 : vector<128x1xf32> to vector<128x1024xf32>
    %eq3A_3570 = arith.cmpf oeq, %select_n3A_3497, %eq3A_3569 : vector<128x1024xf32>
    %jit3A_3571 = arith.constant 1024 : i32
    %broadcast_in_dim3A_3572 = vector.broadcast %jit3A_3571 : i32 to vector<128x1024xi32>
    %select_n3A_3573 = arith.select %eq3A_3570, %iota3A_48, %broadcast_in_dim3A_3572 : vector<128x1024xi1>, vector<128x1024xi32>
    %reduce_min3A_3574 = arith.constant dense<2147483647> : vector<128xi32>
    %reduce_min3A_3575 = vector.multi_reduction <minsi>, %select_n3A_3573, %reduce_min3A_3574 [1] : vector<128x1024xi32> to vector<128xi32>
    %broadcast_in_dim3A_3576 = vector.shape_cast %reduce_min3A_3575 : vector<128xi32> to vector<128x1xi32>
    %eq3A_3577 = vector.broadcast %broadcast_in_dim3A_3576 : vector<128x1xi32> to vector<128x1024xi32>
    %eq3A_3578 = arith.cmpi eq, %iota3A_48, %eq3A_3577 : vector<128x1024xi32>
    %convert_element_type3A_3579 = arith.extui %eq3A_3578 : vector<128x1024xi1> to vector<128x1024xi32>
    %convert_element_type3A_3580 = arith.sitofp %convert_element_type3A_3579 : vector<128x1024xi32> to vector<128x1024xf32>
    %jit3A_3581 = arith.constant 0xFF800000 : f32
    %broadcast_in_dim3A_3582 = vector.broadcast %jit3A_3581 : f32 to vector<128x1024xf32>
    %select_n3A_3583 = arith.select %eq3A_3578, %broadcast_in_dim3A_3582, %select_n3A_3497 : vector<128x1024xi1>, vector<128x1024xf32>
    %dot_general3A_3584 = arith.constant dense<0.000000e+00> : vector<128x128xf32>
    %dot_general3A_3585 = tpu.matmul %convert_element_type3A_3580, %get3A_11, %dot_general3A_3584 {dimension_numbers = #tpu.dot_dimension_numbers<[1], [0], [0], [1], [0, 0, 1, 1], [], []>, precision = #tpu.contract_precision<fp32>, transpose_lhs_hint = false} : vector<128x1024xf32>, vector<1024x128xf32>, vector<128x128xf32> -> vector<128x128xf32>
    %slice3A_3586 = vector.extract_strided_slice %dot_general3A_3585 {offsets = [0, 0], sizes = [128, 72], strides = [1, 1]} : vector<128x128xf32> to vector<128x72xf32>
    %sub3A_3587 = arith.subf %slice3A, %slice3A_3586 : vector<128x72xf32>
    %mul3A_3588 = arith.mulf %sub3A_3587, %sub3A_3587 : vector<128x72xf32>
    %slice3A_3589 = vector.extract_strided_slice %mul3A_3588 {offsets = [0, 0], sizes = [128, 24], strides = [1, 1]} : vector<128x72xf32> to vector<128x24xf32>
    %slice3A_3590 = vector.extract_strided_slice %mul3A_3588 {offsets = [0, 24], sizes = [128, 24], strides = [1, 1]} : vector<128x72xf32> to vector<128x24xf32>
    %add3A_3591 = arith.addf %slice3A_3589, %slice3A_3590 : vector<128x24xf32>
    %slice3A_3592 = vector.extract_strided_slice %mul3A_3588 {offsets = [0, 48], sizes = [128, 24], strides = [1, 1]} : vector<128x72xf32> to vector<128x24xf32>
    %add3A_3593 = arith.addf %add3A_3591, %slice3A_3592 : vector<128x24xf32>
    %add3A_3594 = arith.constant 9.99999997E-7 : f32
    %add3A_3595 = vector.broadcast %add3A_3594 : f32 to vector<128x24xf32>
    %add3A_3596 = arith.addf %add3A_3593, %add3A_3595 : vector<128x24xf32>
    %sqrt3A_3597 = math.sqrt %add3A_3596 : vector<128x24xf32>
    %concatenate3A_3598 = tpu.concatenate %broadcast_in_dim3A_3568, %sqrt3A_3597, %broadcast_in_dim3A_15 in 1 : vector<128x1xf32>, vector<128x24xf32>, vector<128x7xf32> -> vector<128x32xf32>
    %concatenate3A_3599 = tpu.concatenate %concatenate3A_3598, %concatenate3A_3598, %concatenate3A_3598, %concatenate3A_3598, %concatenate3A_3598, %concatenate3A_3598, %concatenate3A_3598, %concatenate3A_3598, %concatenate3A_3598, %concatenate3A_3598, %concatenate3A_3598, %concatenate3A_3598, %concatenate3A_3598, %concatenate3A_3598, %concatenate3A_3598, %concatenate3A_3598 in 1 : vector<128x32xf32>, vector<128x32xf32>, vector<128x32xf32>, vector<128x32xf32>, vector<128x32xf32>, vector<128x32xf32>, vector<128x32xf32>, vector<128x32xf32>, vector<128x32xf32>, vector<128x32xf32>, vector<128x32xf32>, vector<128x32xf32>, vector<128x32xf32>, vector<128x32xf32>, vector<128x32xf32>, vector<128x32xf32> -> vector<128x512xf32>
    %sub3A_3600 = vector.broadcast %get3A_14 : vector<1x512xf32> to vector<128x512xf32>
    %sub3A_3601 = arith.subf %concatenate3A_3599, %sub3A_3600 : vector<128x512xf32>
    %mul3A_3602 = arith.constant 8.000000e-01 : f32
    %mul3A_3603 = vector.broadcast %mul3A_3602 : f32 to vector<128x512xf32>
    %mul3A_3604 = arith.mulf %sub3A_3601, %mul3A_3603 : vector<128x512xf32>
    %mul3A_3605 = arith.mulf %mul3A_3604, %mul3A_3604 : vector<128x512xf32>
    %neg3A_3606 = arith.constant 0.000000e+00 : f32
    %neg3A_3607 = vector.broadcast %neg3A_3606 : f32 to vector<128x512xf32>
    %neg3A_3608 = arith.subf %neg3A_3607, %mul3A_3605 : vector<128x512xf32>
    %exp3A_3609 = math.exp %neg3A_3608 : vector<128x512xf32>
    %slice3A_3610 = vector.extract_strided_slice %dot_general3A_3585 {offsets = [0, 73], sizes = [128, 1], strides = [1, 1]} : vector<128x128xf32> to vector<128x1xf32>
    %sub3A_3611 = arith.subf %slice3A_18, %slice3A_3610 : vector<128x1xf32>
    %slice3A_3612 = vector.extract_strided_slice %dot_general3A_3585 {offsets = [0, 72], sizes = [128, 1], strides = [1, 1]} : vector<128x128xf32> to vector<128x1xf32>
    %eq3A_3613 = arith.cmpf oeq, %slice3A_16, %slice3A_3612 : vector<128x1xf32>
    %convert_element_type3A_3614 = arith.extui %eq3A_3613 : vector<128x1xi1> to vector<128x1xi32>
    %convert_element_type3A_3615 = arith.sitofp %convert_element_type3A_3614 : vector<128x1xi32> to vector<128x1xf32>
    %add3A_3616 = arith.constant 3.200000e+01 : f32
    %add3A_3617 = vector.broadcast %add3A_3616 : f32 to vector<128x1xf32>
    %add3A_3618 = arith.addf %sub3A_3611, %add3A_3617 : vector<128x1xf32>
    %jit3A_3619 = arith.constant 0.000000e+00 : f32
    %jit3A_3620 = arith.constant 6.400000e+01 : f32
    %max3A_3621 = vector.broadcast %jit3A_3619 : f32 to vector<128x1xf32>
    %max3A_3622 = arith.maximumf %max3A_3621, %add3A_3618 : vector<128x1xf32>
    %min3A_3623 = vector.broadcast %jit3A_3620 : f32 to vector<128x1xf32>
    %min3A_3624 = arith.minimumf %min3A_3623, %max3A_3622 : vector<128x1xf32>
    %mul3A_3625 = arith.mulf %min3A_3624, %convert_element_type3A_3615 : vector<128x1xf32>
    %sub3A_3626 = arith.constant 1.000000e+00 : f32
    %sub3A_3627 = vector.broadcast %sub3A_3626 : f32 to vector<128x1xf32>
    %sub3A_3628 = arith.subf %sub3A_3627, %convert_element_type3A_3615 : vector<128x1xf32>
    %mul3A_3629 = arith.constant 6.500000e+01 : f32
    %mul3A_3630 = vector.broadcast %mul3A_3629 : f32 to vector<128x1xf32>
    %mul3A_3631 = arith.mulf %sub3A_3628, %mul3A_3630 : vector<128x1xf32>
    %add3A_3632 = arith.addf %mul3A_3625, %mul3A_3631 : vector<128x1xf32>
    %convert_element_type3A_3633 = arith.fptosi %add3A_3632 : vector<128x1xf32> to vector<128x1xi32>
    %eq3A_3634 = vector.broadcast %convert_element_type3A_3633 : vector<128x1xi32> to vector<128x128xi32>
    %eq3A_3635 = arith.cmpi eq, %iota3A, %eq3A_3634 : vector<128x128xi32>
    %convert_element_type3A_3636 = arith.extui %eq3A_3635 : vector<128x128xi1> to vector<128x128xi32>
    %convert_element_type3A_3637 = arith.sitofp %convert_element_type3A_3636 : vector<128x128xi32> to vector<128x128xf32>
    %get3A_3638 = arith.constant 0 : index
    %get3A_3639 = arith.constant 0 : index
    %get3A_3640 = vector.load %arg5[%get3A_3638, %get3A_3639] : memref<128x128xf32, #tpu.memory_space<vmem>>, vector<128x128xf32>
    %dot_general3A_3641 = arith.constant dense<0.000000e+00> : vector<128x128xf32>
    %dot_general3A_3642 = tpu.matmul %convert_element_type3A_3637, %get3A_3640, %dot_general3A_3641 {dimension_numbers = #tpu.dot_dimension_numbers<[1], [0], [0], [1], [0, 0, 1, 1], [], []>, transpose_lhs_hint = false} : vector<128x128xf32>, vector<128x128xf32>, vector<128x128xf32> -> vector<128x128xf32>
    %get3A_3643 = arith.constant 0 : index
    %get3A_3644 = arith.constant 0 : index
    %get3A_3645 = vector.load %arg6[%get3A_3643, %get3A_3644] : memref<512x128xf32, #tpu.memory_space<vmem>>, vector<512x128xf32>
    %dot_general3A_3646 = arith.constant dense<0.000000e+00> : vector<128x128xf32>
    %dot_general3A_3647 = tpu.matmul %exp3A_3609, %get3A_3645, %dot_general3A_3646 {dimension_numbers = #tpu.dot_dimension_numbers<[1], [0], [0], [1], [0, 0, 1, 1], [], []>, transpose_lhs_hint = false} : vector<128x512xf32>, vector<512x128xf32>, vector<128x128xf32> -> vector<128x128xf32>
    %add3A_3648 = arith.addf %dot_general3A_3642, %dot_general3A_3647 : vector<128x128xf32>
    %swap3A_3649 = arith.constant 0 : index
    %swap3A_3650 = arith.constant 5248 : index
    %swap3A_3651 = vector.load %arg10[%swap3A_3649, %swap3A_3650] : memref<128x6144xf32, #tpu.memory_space<vmem>>, vector<128x128xf32>
    tpu.vector_store %arg10[%swap3A_3649, %swap3A_3650], %add3A_3648 {strides = array<i32>} : memref<128x6144xf32, #tpu.memory_space<vmem>>, vector<128x128xf32>,
    %reduce_max3A_3652 = arith.constant dense<0xFF800000> : vector<128xf32>
    %reduce_max3A_3653 = vector.multi_reduction <maximumf>, %select_n3A_3583, %reduce_max3A_3652 [1] : vector<128x1024xf32> to vector<128xf32>
    %broadcast_in_dim3A_3654 = vector.shape_cast %reduce_max3A_3653 : vector<128xf32> to vector<128x1xf32>
    %eq3A_3655 = vector.broadcast %broadcast_in_dim3A_3654 : vector<128x1xf32> to vector<128x1024xf32>
    %eq3A_3656 = arith.cmpf oeq, %select_n3A_3583, %eq3A_3655 : vector<128x1024xf32>
    %jit3A_3657 = arith.constant 1024 : i32
    %broadcast_in_dim3A_3658 = vector.broadcast %jit3A_3657 : i32 to vector<128x1024xi32>
    %select_n3A_3659 = arith.select %eq3A_3656, %iota3A_48, %broadcast_in_dim3A_3658 : vector<128x1024xi1>, vector<128x1024xi32>
    %reduce_min3A_3660 = arith.constant dense<2147483647> : vector<128xi32>
    %reduce_min3A_3661 = vector.multi_reduction <minsi>, %select_n3A_3659, %reduce_min3A_3660 [1] : vector<128x1024xi32> to vector<128xi32>
    %broadcast_in_dim3A_3662 = vector.shape_cast %reduce_min3A_3661 : vector<128xi32> to vector<128x1xi32>
    %eq3A_3663 = vector.broadcast %broadcast_in_dim3A_3662 : vector<128x1xi32> to vector<128x1024xi32>
    %eq3A_3664 = arith.cmpi eq, %iota3A_48, %eq3A_3663 : vector<128x1024xi32>
    %convert_element_type3A_3665 = arith.extui %eq3A_3664 : vector<128x1024xi1> to vector<128x1024xi32>
    %convert_element_type3A_3666 = arith.sitofp %convert_element_type3A_3665 : vector<128x1024xi32> to vector<128x1024xf32>
    %jit3A_3667 = arith.constant 0xFF800000 : f32
    %broadcast_in_dim3A_3668 = vector.broadcast %jit3A_3667 : f32 to vector<128x1024xf32>
    %select_n3A_3669 = arith.select %eq3A_3664, %broadcast_in_dim3A_3668, %select_n3A_3583 : vector<128x1024xi1>, vector<128x1024xf32>
    %dot_general3A_3670 = arith.constant dense<0.000000e+00> : vector<128x128xf32>
    %dot_general3A_3671 = tpu.matmul %convert_element_type3A_3666, %get3A_11, %dot_general3A_3670 {dimension_numbers = #tpu.dot_dimension_numbers<[1], [0], [0], [1], [0, 0, 1, 1], [], []>, precision = #tpu.contract_precision<fp32>, transpose_lhs_hint = false} : vector<128x1024xf32>, vector<1024x128xf32>, vector<128x128xf32> -> vector<128x128xf32>
    %slice3A_3672 = vector.extract_strided_slice %dot_general3A_3671 {offsets = [0, 0], sizes = [128, 72], strides = [1, 1]} : vector<128x128xf32> to vector<128x72xf32>
    %sub3A_3673 = arith.subf %slice3A, %slice3A_3672 : vector<128x72xf32>
    %mul3A_3674 = arith.mulf %sub3A_3673, %sub3A_3673 : vector<128x72xf32>
    %slice3A_3675 = vector.extract_strided_slice %mul3A_3674 {offsets = [0, 0], sizes = [128, 24], strides = [1, 1]} : vector<128x72xf32> to vector<128x24xf32>
    %slice3A_3676 = vector.extract_strided_slice %mul3A_3674 {offsets = [0, 24], sizes = [128, 24], strides = [1, 1]} : vector<128x72xf32> to vector<128x24xf32>
    %add3A_3677 = arith.addf %slice3A_3675, %slice3A_3676 : vector<128x24xf32>
    %slice3A_3678 = vector.extract_strided_slice %mul3A_3674 {offsets = [0, 48], sizes = [128, 24], strides = [1, 1]} : vector<128x72xf32> to vector<128x24xf32>
    %add3A_3679 = arith.addf %add3A_3677, %slice3A_3678 : vector<128x24xf32>
    %add3A_3680 = arith.constant 9.99999997E-7 : f32
    %add3A_3681 = vector.broadcast %add3A_3680 : f32 to vector<128x24xf32>
    %add3A_3682 = arith.addf %add3A_3679, %add3A_3681 : vector<128x24xf32>
    %sqrt3A_3683 = math.sqrt %add3A_3682 : vector<128x24xf32>
    %concatenate3A_3684 = tpu.concatenate %broadcast_in_dim3A_3654, %sqrt3A_3683, %broadcast_in_dim3A_15 in 1 : vector<128x1xf32>, vector<128x24xf32>, vector<128x7xf32> -> vector<128x32xf32>
    %concatenate3A_3685 = tpu.concatenate %concatenate3A_3684, %concatenate3A_3684, %concatenate3A_3684, %concatenate3A_3684, %concatenate3A_3684, %concatenate3A_3684, %concatenate3A_3684, %concatenate3A_3684, %concatenate3A_3684, %concatenate3A_3684, %concatenate3A_3684, %concatenate3A_3684, %concatenate3A_3684, %concatenate3A_3684, %concatenate3A_3684, %concatenate3A_3684 in 1 : vector<128x32xf32>, vector<128x32xf32>, vector<128x32xf32>, vector<128x32xf32>, vector<128x32xf32>, vector<128x32xf32>, vector<128x32xf32>, vector<128x32xf32>, vector<128x32xf32>, vector<128x32xf32>, vector<128x32xf32>, vector<128x32xf32>, vector<128x32xf32>, vector<128x32xf32>, vector<128x32xf32>, vector<128x32xf32> -> vector<128x512xf32>
    %sub3A_3686 = vector.broadcast %get3A_14 : vector<1x512xf32> to vector<128x512xf32>
    %sub3A_3687 = arith.subf %concatenate3A_3685, %sub3A_3686 : vector<128x512xf32>
    %mul3A_3688 = arith.constant 8.000000e-01 : f32
    %mul3A_3689 = vector.broadcast %mul3A_3688 : f32 to vector<128x512xf32>
    %mul3A_3690 = arith.mulf %sub3A_3687, %mul3A_3689 : vector<128x512xf32>
    %mul3A_3691 = arith.mulf %mul3A_3690, %mul3A_3690 : vector<128x512xf32>
    %neg3A_3692 = arith.constant 0.000000e+00 : f32
    %neg3A_3693 = vector.broadcast %neg3A_3692 : f32 to vector<128x512xf32>
    %neg3A_3694 = arith.subf %neg3A_3693, %mul3A_3691 : vector<128x512xf32>
    %exp3A_3695 = math.exp %neg3A_3694 : vector<128x512xf32>
    %slice3A_3696 = vector.extract_strided_slice %dot_general3A_3671 {offsets = [0, 73], sizes = [128, 1], strides = [1, 1]} : vector<128x128xf32> to vector<128x1xf32>
    %sub3A_3697 = arith.subf %slice3A_18, %slice3A_3696 : vector<128x1xf32>
    %slice3A_3698 = vector.extract_strided_slice %dot_general3A_3671 {offsets = [0, 72], sizes = [128, 1], strides = [1, 1]} : vector<128x128xf32> to vector<128x1xf32>
    %eq3A_3699 = arith.cmpf oeq, %slice3A_16, %slice3A_3698 : vector<128x1xf32>
    %convert_element_type3A_3700 = arith.extui %eq3A_3699 : vector<128x1xi1> to vector<128x1xi32>
    %convert_element_type3A_3701 = arith.sitofp %convert_element_type3A_3700 : vector<128x1xi32> to vector<128x1xf32>
    %add3A_3702 = arith.constant 3.200000e+01 : f32
    %add3A_3703 = vector.broadcast %add3A_3702 : f32 to vector<128x1xf32>
    %add3A_3704 = arith.addf %sub3A_3697, %add3A_3703 : vector<128x1xf32>
    %jit3A_3705 = arith.constant 0.000000e+00 : f32
    %jit3A_3706 = arith.constant 6.400000e+01 : f32
    %max3A_3707 = vector.broadcast %jit3A_3705 : f32 to vector<128x1xf32>
    %max3A_3708 = arith.maximumf %max3A_3707, %add3A_3704 : vector<128x1xf32>
    %min3A_3709 = vector.broadcast %jit3A_3706 : f32 to vector<128x1xf32>
    %min3A_3710 = arith.minimumf %min3A_3709, %max3A_3708 : vector<128x1xf32>
    %mul3A_3711 = arith.mulf %min3A_3710, %convert_element_type3A_3701 : vector<128x1xf32>
    %sub3A_3712 = arith.constant 1.000000e+00 : f32
    %sub3A_3713 = vector.broadcast %sub3A_3712 : f32 to vector<128x1xf32>
    %sub3A_3714 = arith.subf %sub3A_3713, %convert_element_type3A_3701 : vector<128x1xf32>
    %mul3A_3715 = arith.constant 6.500000e+01 : f32
    %mul3A_3716 = vector.broadcast %mul3A_3715 : f32 to vector<128x1xf32>
    %mul3A_3717 = arith.mulf %sub3A_3714, %mul3A_3716 : vector<128x1xf32>
    %add3A_3718 = arith.addf %mul3A_3711, %mul3A_3717 : vector<128x1xf32>
    %convert_element_type3A_3719 = arith.fptosi %add3A_3718 : vector<128x1xf32> to vector<128x1xi32>
    %eq3A_3720 = vector.broadcast %convert_element_type3A_3719 : vector<128x1xi32> to vector<128x128xi32>
    %eq3A_3721 = arith.cmpi eq, %iota3A, %eq3A_3720 : vector<128x128xi32>
    %convert_element_type3A_3722 = arith.extui %eq3A_3721 : vector<128x128xi1> to vector<128x128xi32>
    %convert_element_type3A_3723 = arith.sitofp %convert_element_type3A_3722 : vector<128x128xi32> to vector<128x128xf32>
    %get3A_3724 = arith.constant 0 : index
    %get3A_3725 = arith.constant 0 : index
    %get3A_3726 = vector.load %arg5[%get3A_3724, %get3A_3725] : memref<128x128xf32, #tpu.memory_space<vmem>>, vector<128x128xf32>
    %dot_general3A_3727 = arith.constant dense<0.000000e+00> : vector<128x128xf32>
    %dot_general3A_3728 = tpu.matmul %convert_element_type3A_3723, %get3A_3726, %dot_general3A_3727 {dimension_numbers = #tpu.dot_dimension_numbers<[1], [0], [0], [1], [0, 0, 1, 1], [], []>, transpose_lhs_hint = false} : vector<128x128xf32>, vector<128x128xf32>, vector<128x128xf32> -> vector<128x128xf32>
    %get3A_3729 = arith.constant 0 : index
    %get3A_3730 = arith.constant 0 : index
    %get3A_3731 = vector.load %arg6[%get3A_3729, %get3A_3730] : memref<512x128xf32, #tpu.memory_space<vmem>>, vector<512x128xf32>
    %dot_general3A_3732 = arith.constant dense<0.000000e+00> : vector<128x128xf32>
    %dot_general3A_3733 = tpu.matmul %exp3A_3695, %get3A_3731, %dot_general3A_3732 {dimension_numbers = #tpu.dot_dimension_numbers<[1], [0], [0], [1], [0, 0, 1, 1], [], []>, transpose_lhs_hint = false} : vector<128x512xf32>, vector<512x128xf32>, vector<128x128xf32> -> vector<128x128xf32>
    %add3A_3734 = arith.addf %dot_general3A_3728, %dot_general3A_3733 : vector<128x128xf32>
    %swap3A_3735 = arith.constant 0 : index
    %swap3A_3736 = arith.constant 5376 : index
    %swap3A_3737 = vector.load %arg10[%swap3A_3735, %swap3A_3736] : memref<128x6144xf32, #tpu.memory_space<vmem>>, vector<128x128xf32>
    tpu.vector_store %arg10[%swap3A_3735, %swap3A_3736], %add3A_3734 {strides = array<i32>} : memref<128x6144xf32, #tpu.memory_space<vmem>>, vector<128x128xf32>,
    %reduce_max3A_3738 = arith.constant dense<0xFF800000> : vector<128xf32>
    %reduce_max3A_3739 = vector.multi_reduction <maximumf>, %select_n3A_3669, %reduce_max3A_3738 [1] : vector<128x1024xf32> to vector<128xf32>
    %broadcast_in_dim3A_3740 = vector.shape_cast %reduce_max3A_3739 : vector<128xf32> to vector<128x1xf32>
    %eq3A_3741 = vector.broadcast %broadcast_in_dim3A_3740 : vector<128x1xf32> to vector<128x1024xf32>
    %eq3A_3742 = arith.cmpf oeq, %select_n3A_3669, %eq3A_3741 : vector<128x1024xf32>
    %jit3A_3743 = arith.constant 1024 : i32
    %broadcast_in_dim3A_3744 = vector.broadcast %jit3A_3743 : i32 to vector<128x1024xi32>
    %select_n3A_3745 = arith.select %eq3A_3742, %iota3A_48, %broadcast_in_dim3A_3744 : vector<128x1024xi1>, vector<128x1024xi32>
    %reduce_min3A_3746 = arith.constant dense<2147483647> : vector<128xi32>
    %reduce_min3A_3747 = vector.multi_reduction <minsi>, %select_n3A_3745, %reduce_min3A_3746 [1] : vector<128x1024xi32> to vector<128xi32>
    %broadcast_in_dim3A_3748 = vector.shape_cast %reduce_min3A_3747 : vector<128xi32> to vector<128x1xi32>
    %eq3A_3749 = vector.broadcast %broadcast_in_dim3A_3748 : vector<128x1xi32> to vector<128x1024xi32>
    %eq3A_3750 = arith.cmpi eq, %iota3A_48, %eq3A_3749 : vector<128x1024xi32>
    %convert_element_type3A_3751 = arith.extui %eq3A_3750 : vector<128x1024xi1> to vector<128x1024xi32>
    %convert_element_type3A_3752 = arith.sitofp %convert_element_type3A_3751 : vector<128x1024xi32> to vector<128x1024xf32>
    %jit3A_3753 = arith.constant 0xFF800000 : f32
    %broadcast_in_dim3A_3754 = vector.broadcast %jit3A_3753 : f32 to vector<128x1024xf32>
    %select_n3A_3755 = arith.select %eq3A_3750, %broadcast_in_dim3A_3754, %select_n3A_3669 : vector<128x1024xi1>, vector<128x1024xf32>
    %dot_general3A_3756 = arith.constant dense<0.000000e+00> : vector<128x128xf32>
    %dot_general3A_3757 = tpu.matmul %convert_element_type3A_3752, %get3A_11, %dot_general3A_3756 {dimension_numbers = #tpu.dot_dimension_numbers<[1], [0], [0], [1], [0, 0, 1, 1], [], []>, precision = #tpu.contract_precision<fp32>, transpose_lhs_hint = false} : vector<128x1024xf32>, vector<1024x128xf32>, vector<128x128xf32> -> vector<128x128xf32>
    %slice3A_3758 = vector.extract_strided_slice %dot_general3A_3757 {offsets = [0, 0], sizes = [128, 72], strides = [1, 1]} : vector<128x128xf32> to vector<128x72xf32>
    %sub3A_3759 = arith.subf %slice3A, %slice3A_3758 : vector<128x72xf32>
    %mul3A_3760 = arith.mulf %sub3A_3759, %sub3A_3759 : vector<128x72xf32>
    %slice3A_3761 = vector.extract_strided_slice %mul3A_3760 {offsets = [0, 0], sizes = [128, 24], strides = [1, 1]} : vector<128x72xf32> to vector<128x24xf32>
    %slice3A_3762 = vector.extract_strided_slice %mul3A_3760 {offsets = [0, 24], sizes = [128, 24], strides = [1, 1]} : vector<128x72xf32> to vector<128x24xf32>
    %add3A_3763 = arith.addf %slice3A_3761, %slice3A_3762 : vector<128x24xf32>
    %slice3A_3764 = vector.extract_strided_slice %mul3A_3760 {offsets = [0, 48], sizes = [128, 24], strides = [1, 1]} : vector<128x72xf32> to vector<128x24xf32>
    %add3A_3765 = arith.addf %add3A_3763, %slice3A_3764 : vector<128x24xf32>
    %add3A_3766 = arith.constant 9.99999997E-7 : f32
    %add3A_3767 = vector.broadcast %add3A_3766 : f32 to vector<128x24xf32>
    %add3A_3768 = arith.addf %add3A_3765, %add3A_3767 : vector<128x24xf32>
    %sqrt3A_3769 = math.sqrt %add3A_3768 : vector<128x24xf32>
    %concatenate3A_3770 = tpu.concatenate %broadcast_in_dim3A_3740, %sqrt3A_3769, %broadcast_in_dim3A_15 in 1 : vector<128x1xf32>, vector<128x24xf32>, vector<128x7xf32> -> vector<128x32xf32>
    %concatenate3A_3771 = tpu.concatenate %concatenate3A_3770, %concatenate3A_3770, %concatenate3A_3770, %concatenate3A_3770, %concatenate3A_3770, %concatenate3A_3770, %concatenate3A_3770, %concatenate3A_3770, %concatenate3A_3770, %concatenate3A_3770, %concatenate3A_3770, %concatenate3A_3770, %concatenate3A_3770, %concatenate3A_3770, %concatenate3A_3770, %concatenate3A_3770 in 1 : vector<128x32xf32>, vector<128x32xf32>, vector<128x32xf32>, vector<128x32xf32>, vector<128x32xf32>, vector<128x32xf32>, vector<128x32xf32>, vector<128x32xf32>, vector<128x32xf32>, vector<128x32xf32>, vector<128x32xf32>, vector<128x32xf32>, vector<128x32xf32>, vector<128x32xf32>, vector<128x32xf32>, vector<128x32xf32> -> vector<128x512xf32>
    %sub3A_3772 = vector.broadcast %get3A_14 : vector<1x512xf32> to vector<128x512xf32>
    %sub3A_3773 = arith.subf %concatenate3A_3771, %sub3A_3772 : vector<128x512xf32>
    %mul3A_3774 = arith.constant 8.000000e-01 : f32
    %mul3A_3775 = vector.broadcast %mul3A_3774 : f32 to vector<128x512xf32>
    %mul3A_3776 = arith.mulf %sub3A_3773, %mul3A_3775 : vector<128x512xf32>
    %mul3A_3777 = arith.mulf %mul3A_3776, %mul3A_3776 : vector<128x512xf32>
    %neg3A_3778 = arith.constant 0.000000e+00 : f32
    %neg3A_3779 = vector.broadcast %neg3A_3778 : f32 to vector<128x512xf32>
    %neg3A_3780 = arith.subf %neg3A_3779, %mul3A_3777 : vector<128x512xf32>
    %exp3A_3781 = math.exp %neg3A_3780 : vector<128x512xf32>
    %slice3A_3782 = vector.extract_strided_slice %dot_general3A_3757 {offsets = [0, 73], sizes = [128, 1], strides = [1, 1]} : vector<128x128xf32> to vector<128x1xf32>
    %sub3A_3783 = arith.subf %slice3A_18, %slice3A_3782 : vector<128x1xf32>
    %slice3A_3784 = vector.extract_strided_slice %dot_general3A_3757 {offsets = [0, 72], sizes = [128, 1], strides = [1, 1]} : vector<128x128xf32> to vector<128x1xf32>
    %eq3A_3785 = arith.cmpf oeq, %slice3A_16, %slice3A_3784 : vector<128x1xf32>
    %convert_element_type3A_3786 = arith.extui %eq3A_3785 : vector<128x1xi1> to vector<128x1xi32>
    %convert_element_type3A_3787 = arith.sitofp %convert_element_type3A_3786 : vector<128x1xi32> to vector<128x1xf32>
    %add3A_3788 = arith.constant 3.200000e+01 : f32
    %add3A_3789 = vector.broadcast %add3A_3788 : f32 to vector<128x1xf32>
    %add3A_3790 = arith.addf %sub3A_3783, %add3A_3789 : vector<128x1xf32>
    %jit3A_3791 = arith.constant 0.000000e+00 : f32
    %jit3A_3792 = arith.constant 6.400000e+01 : f32
    %max3A_3793 = vector.broadcast %jit3A_3791 : f32 to vector<128x1xf32>
    %max3A_3794 = arith.maximumf %max3A_3793, %add3A_3790 : vector<128x1xf32>
    %min3A_3795 = vector.broadcast %jit3A_3792 : f32 to vector<128x1xf32>
    %min3A_3796 = arith.minimumf %min3A_3795, %max3A_3794 : vector<128x1xf32>
    %mul3A_3797 = arith.mulf %min3A_3796, %convert_element_type3A_3787 : vector<128x1xf32>
    %sub3A_3798 = arith.constant 1.000000e+00 : f32
    %sub3A_3799 = vector.broadcast %sub3A_3798 : f32 to vector<128x1xf32>
    %sub3A_3800 = arith.subf %sub3A_3799, %convert_element_type3A_3787 : vector<128x1xf32>
    %mul3A_3801 = arith.constant 6.500000e+01 : f32
    %mul3A_3802 = vector.broadcast %mul3A_3801 : f32 to vector<128x1xf32>
    %mul3A_3803 = arith.mulf %sub3A_3800, %mul3A_3802 : vector<128x1xf32>
    %add3A_3804 = arith.addf %mul3A_3797, %mul3A_3803 : vector<128x1xf32>
    %convert_element_type3A_3805 = arith.fptosi %add3A_3804 : vector<128x1xf32> to vector<128x1xi32>
    %eq3A_3806 = vector.broadcast %convert_element_type3A_3805 : vector<128x1xi32> to vector<128x128xi32>
    %eq3A_3807 = arith.cmpi eq, %iota3A, %eq3A_3806 : vector<128x128xi32>
    %convert_element_type3A_3808 = arith.extui %eq3A_3807 : vector<128x128xi1> to vector<128x128xi32>
    %convert_element_type3A_3809 = arith.sitofp %convert_element_type3A_3808 : vector<128x128xi32> to vector<128x128xf32>
    %get3A_3810 = arith.constant 0 : index
    %get3A_3811 = arith.constant 0 : index
    %get3A_3812 = vector.load %arg5[%get3A_3810, %get3A_3811] : memref<128x128xf32, #tpu.memory_space<vmem>>, vector<128x128xf32>
    %dot_general3A_3813 = arith.constant dense<0.000000e+00> : vector<128x128xf32>
    %dot_general3A_3814 = tpu.matmul %convert_element_type3A_3809, %get3A_3812, %dot_general3A_3813 {dimension_numbers = #tpu.dot_dimension_numbers<[1], [0], [0], [1], [0, 0, 1, 1], [], []>, transpose_lhs_hint = false} : vector<128x128xf32>, vector<128x128xf32>, vector<128x128xf32> -> vector<128x128xf32>
    %get3A_3815 = arith.constant 0 : index
    %get3A_3816 = arith.constant 0 : index
    %get3A_3817 = vector.load %arg6[%get3A_3815, %get3A_3816] : memref<512x128xf32, #tpu.memory_space<vmem>>, vector<512x128xf32>
    %dot_general3A_3818 = arith.constant dense<0.000000e+00> : vector<128x128xf32>
    %dot_general3A_3819 = tpu.matmul %exp3A_3781, %get3A_3817, %dot_general3A_3818 {dimension_numbers = #tpu.dot_dimension_numbers<[1], [0], [0], [1], [0, 0, 1, 1], [], []>, transpose_lhs_hint = false} : vector<128x512xf32>, vector<512x128xf32>, vector<128x128xf32> -> vector<128x128xf32>
    %add3A_3820 = arith.addf %dot_general3A_3814, %dot_general3A_3819 : vector<128x128xf32>
    %swap3A_3821 = arith.constant 0 : index
    %swap3A_3822 = arith.constant 5504 : index
    %swap3A_3823 = vector.load %arg10[%swap3A_3821, %swap3A_3822] : memref<128x6144xf32, #tpu.memory_space<vmem>>, vector<128x128xf32>
    tpu.vector_store %arg10[%swap3A_3821, %swap3A_3822], %add3A_3820 {strides = array<i32>} : memref<128x6144xf32, #tpu.memory_space<vmem>>, vector<128x128xf32>,
    %reduce_max3A_3824 = arith.constant dense<0xFF800000> : vector<128xf32>
    %reduce_max3A_3825 = vector.multi_reduction <maximumf>, %select_n3A_3755, %reduce_max3A_3824 [1] : vector<128x1024xf32> to vector<128xf32>
    %broadcast_in_dim3A_3826 = vector.shape_cast %reduce_max3A_3825 : vector<128xf32> to vector<128x1xf32>
    %eq3A_3827 = vector.broadcast %broadcast_in_dim3A_3826 : vector<128x1xf32> to vector<128x1024xf32>
    %eq3A_3828 = arith.cmpf oeq, %select_n3A_3755, %eq3A_3827 : vector<128x1024xf32>
    %jit3A_3829 = arith.constant 1024 : i32
    %broadcast_in_dim3A_3830 = vector.broadcast %jit3A_3829 : i32 to vector<128x1024xi32>
    %select_n3A_3831 = arith.select %eq3A_3828, %iota3A_48, %broadcast_in_dim3A_3830 : vector<128x1024xi1>, vector<128x1024xi32>
    %reduce_min3A_3832 = arith.constant dense<2147483647> : vector<128xi32>
    %reduce_min3A_3833 = vector.multi_reduction <minsi>, %select_n3A_3831, %reduce_min3A_3832 [1] : vector<128x1024xi32> to vector<128xi32>
    %broadcast_in_dim3A_3834 = vector.shape_cast %reduce_min3A_3833 : vector<128xi32> to vector<128x1xi32>
    %eq3A_3835 = vector.broadcast %broadcast_in_dim3A_3834 : vector<128x1xi32> to vector<128x1024xi32>
    %eq3A_3836 = arith.cmpi eq, %iota3A_48, %eq3A_3835 : vector<128x1024xi32>
    %convert_element_type3A_3837 = arith.extui %eq3A_3836 : vector<128x1024xi1> to vector<128x1024xi32>
    %convert_element_type3A_3838 = arith.sitofp %convert_element_type3A_3837 : vector<128x1024xi32> to vector<128x1024xf32>
    %jit3A_3839 = arith.constant 0xFF800000 : f32
    %broadcast_in_dim3A_3840 = vector.broadcast %jit3A_3839 : f32 to vector<128x1024xf32>
    %select_n3A_3841 = arith.select %eq3A_3836, %broadcast_in_dim3A_3840, %select_n3A_3755 : vector<128x1024xi1>, vector<128x1024xf32>
    %dot_general3A_3842 = arith.constant dense<0.000000e+00> : vector<128x128xf32>
    %dot_general3A_3843 = tpu.matmul %convert_element_type3A_3838, %get3A_11, %dot_general3A_3842 {dimension_numbers = #tpu.dot_dimension_numbers<[1], [0], [0], [1], [0, 0, 1, 1], [], []>, precision = #tpu.contract_precision<fp32>, transpose_lhs_hint = false} : vector<128x1024xf32>, vector<1024x128xf32>, vector<128x128xf32> -> vector<128x128xf32>
    %slice3A_3844 = vector.extract_strided_slice %dot_general3A_3843 {offsets = [0, 0], sizes = [128, 72], strides = [1, 1]} : vector<128x128xf32> to vector<128x72xf32>
    %sub3A_3845 = arith.subf %slice3A, %slice3A_3844 : vector<128x72xf32>
    %mul3A_3846 = arith.mulf %sub3A_3845, %sub3A_3845 : vector<128x72xf32>
    %slice3A_3847 = vector.extract_strided_slice %mul3A_3846 {offsets = [0, 0], sizes = [128, 24], strides = [1, 1]} : vector<128x72xf32> to vector<128x24xf32>
    %slice3A_3848 = vector.extract_strided_slice %mul3A_3846 {offsets = [0, 24], sizes = [128, 24], strides = [1, 1]} : vector<128x72xf32> to vector<128x24xf32>
    %add3A_3849 = arith.addf %slice3A_3847, %slice3A_3848 : vector<128x24xf32>
    %slice3A_3850 = vector.extract_strided_slice %mul3A_3846 {offsets = [0, 48], sizes = [128, 24], strides = [1, 1]} : vector<128x72xf32> to vector<128x24xf32>
    %add3A_3851 = arith.addf %add3A_3849, %slice3A_3850 : vector<128x24xf32>
    %add3A_3852 = arith.constant 9.99999997E-7 : f32
    %add3A_3853 = vector.broadcast %add3A_3852 : f32 to vector<128x24xf32>
    %add3A_3854 = arith.addf %add3A_3851, %add3A_3853 : vector<128x24xf32>
    %sqrt3A_3855 = math.sqrt %add3A_3854 : vector<128x24xf32>
    %concatenate3A_3856 = tpu.concatenate %broadcast_in_dim3A_3826, %sqrt3A_3855, %broadcast_in_dim3A_15 in 1 : vector<128x1xf32>, vector<128x24xf32>, vector<128x7xf32> -> vector<128x32xf32>
    %concatenate3A_3857 = tpu.concatenate %concatenate3A_3856, %concatenate3A_3856, %concatenate3A_3856, %concatenate3A_3856, %concatenate3A_3856, %concatenate3A_3856, %concatenate3A_3856, %concatenate3A_3856, %concatenate3A_3856, %concatenate3A_3856, %concatenate3A_3856, %concatenate3A_3856, %concatenate3A_3856, %concatenate3A_3856, %concatenate3A_3856, %concatenate3A_3856 in 1 : vector<128x32xf32>, vector<128x32xf32>, vector<128x32xf32>, vector<128x32xf32>, vector<128x32xf32>, vector<128x32xf32>, vector<128x32xf32>, vector<128x32xf32>, vector<128x32xf32>, vector<128x32xf32>, vector<128x32xf32>, vector<128x32xf32>, vector<128x32xf32>, vector<128x32xf32>, vector<128x32xf32>, vector<128x32xf32> -> vector<128x512xf32>
    %sub3A_3858 = vector.broadcast %get3A_14 : vector<1x512xf32> to vector<128x512xf32>
    %sub3A_3859 = arith.subf %concatenate3A_3857, %sub3A_3858 : vector<128x512xf32>
    %mul3A_3860 = arith.constant 8.000000e-01 : f32
    %mul3A_3861 = vector.broadcast %mul3A_3860 : f32 to vector<128x512xf32>
    %mul3A_3862 = arith.mulf %sub3A_3859, %mul3A_3861 : vector<128x512xf32>
    %mul3A_3863 = arith.mulf %mul3A_3862, %mul3A_3862 : vector<128x512xf32>
    %neg3A_3864 = arith.constant 0.000000e+00 : f32
    %neg3A_3865 = vector.broadcast %neg3A_3864 : f32 to vector<128x512xf32>
    %neg3A_3866 = arith.subf %neg3A_3865, %mul3A_3863 : vector<128x512xf32>
    %exp3A_3867 = math.exp %neg3A_3866 : vector<128x512xf32>
    %slice3A_3868 = vector.extract_strided_slice %dot_general3A_3843 {offsets = [0, 73], sizes = [128, 1], strides = [1, 1]} : vector<128x128xf32> to vector<128x1xf32>
    %sub3A_3869 = arith.subf %slice3A_18, %slice3A_3868 : vector<128x1xf32>
    %slice3A_3870 = vector.extract_strided_slice %dot_general3A_3843 {offsets = [0, 72], sizes = [128, 1], strides = [1, 1]} : vector<128x128xf32> to vector<128x1xf32>
    %eq3A_3871 = arith.cmpf oeq, %slice3A_16, %slice3A_3870 : vector<128x1xf32>
    %convert_element_type3A_3872 = arith.extui %eq3A_3871 : vector<128x1xi1> to vector<128x1xi32>
    %convert_element_type3A_3873 = arith.sitofp %convert_element_type3A_3872 : vector<128x1xi32> to vector<128x1xf32>
    %add3A_3874 = arith.constant 3.200000e+01 : f32
    %add3A_3875 = vector.broadcast %add3A_3874 : f32 to vector<128x1xf32>
    %add3A_3876 = arith.addf %sub3A_3869, %add3A_3875 : vector<128x1xf32>
    %jit3A_3877 = arith.constant 0.000000e+00 : f32
    %jit3A_3878 = arith.constant 6.400000e+01 : f32
    %max3A_3879 = vector.broadcast %jit3A_3877 : f32 to vector<128x1xf32>
    %max3A_3880 = arith.maximumf %max3A_3879, %add3A_3876 : vector<128x1xf32>
    %min3A_3881 = vector.broadcast %jit3A_3878 : f32 to vector<128x1xf32>
    %min3A_3882 = arith.minimumf %min3A_3881, %max3A_3880 : vector<128x1xf32>
    %mul3A_3883 = arith.mulf %min3A_3882, %convert_element_type3A_3873 : vector<128x1xf32>
    %sub3A_3884 = arith.constant 1.000000e+00 : f32
    %sub3A_3885 = vector.broadcast %sub3A_3884 : f32 to vector<128x1xf32>
    %sub3A_3886 = arith.subf %sub3A_3885, %convert_element_type3A_3873 : vector<128x1xf32>
    %mul3A_3887 = arith.constant 6.500000e+01 : f32
    %mul3A_3888 = vector.broadcast %mul3A_3887 : f32 to vector<128x1xf32>
    %mul3A_3889 = arith.mulf %sub3A_3886, %mul3A_3888 : vector<128x1xf32>
    %add3A_3890 = arith.addf %mul3A_3883, %mul3A_3889 : vector<128x1xf32>
    %convert_element_type3A_3891 = arith.fptosi %add3A_3890 : vector<128x1xf32> to vector<128x1xi32>
    %eq3A_3892 = vector.broadcast %convert_element_type3A_3891 : vector<128x1xi32> to vector<128x128xi32>
    %eq3A_3893 = arith.cmpi eq, %iota3A, %eq3A_3892 : vector<128x128xi32>
    %convert_element_type3A_3894 = arith.extui %eq3A_3893 : vector<128x128xi1> to vector<128x128xi32>
    %convert_element_type3A_3895 = arith.sitofp %convert_element_type3A_3894 : vector<128x128xi32> to vector<128x128xf32>
    %get3A_3896 = arith.constant 0 : index
    %get3A_3897 = arith.constant 0 : index
    %get3A_3898 = vector.load %arg5[%get3A_3896, %get3A_3897] : memref<128x128xf32, #tpu.memory_space<vmem>>, vector<128x128xf32>
    %dot_general3A_3899 = arith.constant dense<0.000000e+00> : vector<128x128xf32>
    %dot_general3A_3900 = tpu.matmul %convert_element_type3A_3895, %get3A_3898, %dot_general3A_3899 {dimension_numbers = #tpu.dot_dimension_numbers<[1], [0], [0], [1], [0, 0, 1, 1], [], []>, transpose_lhs_hint = false} : vector<128x128xf32>, vector<128x128xf32>, vector<128x128xf32> -> vector<128x128xf32>
    %get3A_3901 = arith.constant 0 : index
    %get3A_3902 = arith.constant 0 : index
    %get3A_3903 = vector.load %arg6[%get3A_3901, %get3A_3902] : memref<512x128xf32, #tpu.memory_space<vmem>>, vector<512x128xf32>
    %dot_general3A_3904 = arith.constant dense<0.000000e+00> : vector<128x128xf32>
    %dot_general3A_3905 = tpu.matmul %exp3A_3867, %get3A_3903, %dot_general3A_3904 {dimension_numbers = #tpu.dot_dimension_numbers<[1], [0], [0], [1], [0, 0, 1, 1], [], []>, transpose_lhs_hint = false} : vector<128x512xf32>, vector<512x128xf32>, vector<128x128xf32> -> vector<128x128xf32>
    %add3A_3906 = arith.addf %dot_general3A_3900, %dot_general3A_3905 : vector<128x128xf32>
    %swap3A_3907 = arith.constant 0 : index
    %swap3A_3908 = arith.constant 5632 : index
    %swap3A_3909 = vector.load %arg10[%swap3A_3907, %swap3A_3908] : memref<128x6144xf32, #tpu.memory_space<vmem>>, vector<128x128xf32>
    tpu.vector_store %arg10[%swap3A_3907, %swap3A_3908], %add3A_3906 {strides = array<i32>} : memref<128x6144xf32, #tpu.memory_space<vmem>>, vector<128x128xf32>,
    %reduce_max3A_3910 = arith.constant dense<0xFF800000> : vector<128xf32>
    %reduce_max3A_3911 = vector.multi_reduction <maximumf>, %select_n3A_3841, %reduce_max3A_3910 [1] : vector<128x1024xf32> to vector<128xf32>
    %broadcast_in_dim3A_3912 = vector.shape_cast %reduce_max3A_3911 : vector<128xf32> to vector<128x1xf32>
    %eq3A_3913 = vector.broadcast %broadcast_in_dim3A_3912 : vector<128x1xf32> to vector<128x1024xf32>
    %eq3A_3914 = arith.cmpf oeq, %select_n3A_3841, %eq3A_3913 : vector<128x1024xf32>
    %jit3A_3915 = arith.constant 1024 : i32
    %broadcast_in_dim3A_3916 = vector.broadcast %jit3A_3915 : i32 to vector<128x1024xi32>
    %select_n3A_3917 = arith.select %eq3A_3914, %iota3A_48, %broadcast_in_dim3A_3916 : vector<128x1024xi1>, vector<128x1024xi32>
    %reduce_min3A_3918 = arith.constant dense<2147483647> : vector<128xi32>
    %reduce_min3A_3919 = vector.multi_reduction <minsi>, %select_n3A_3917, %reduce_min3A_3918 [1] : vector<128x1024xi32> to vector<128xi32>
    %broadcast_in_dim3A_3920 = vector.shape_cast %reduce_min3A_3919 : vector<128xi32> to vector<128x1xi32>
    %eq3A_3921 = vector.broadcast %broadcast_in_dim3A_3920 : vector<128x1xi32> to vector<128x1024xi32>
    %eq3A_3922 = arith.cmpi eq, %iota3A_48, %eq3A_3921 : vector<128x1024xi32>
    %convert_element_type3A_3923 = arith.extui %eq3A_3922 : vector<128x1024xi1> to vector<128x1024xi32>
    %convert_element_type3A_3924 = arith.sitofp %convert_element_type3A_3923 : vector<128x1024xi32> to vector<128x1024xf32>
    %jit3A_3925 = arith.constant 0xFF800000 : f32
    %broadcast_in_dim3A_3926 = vector.broadcast %jit3A_3925 : f32 to vector<128x1024xf32>
    %select_n3A_3927 = arith.select %eq3A_3922, %broadcast_in_dim3A_3926, %select_n3A_3841 : vector<128x1024xi1>, vector<128x1024xf32>
    %dot_general3A_3928 = arith.constant dense<0.000000e+00> : vector<128x128xf32>
    %dot_general3A_3929 = tpu.matmul %convert_element_type3A_3924, %get3A_11, %dot_general3A_3928 {dimension_numbers = #tpu.dot_dimension_numbers<[1], [0], [0], [1], [0, 0, 1, 1], [], []>, precision = #tpu.contract_precision<fp32>, transpose_lhs_hint = false} : vector<128x1024xf32>, vector<1024x128xf32>, vector<128x128xf32> -> vector<128x128xf32>
    %slice3A_3930 = vector.extract_strided_slice %dot_general3A_3929 {offsets = [0, 0], sizes = [128, 72], strides = [1, 1]} : vector<128x128xf32> to vector<128x72xf32>
    %sub3A_3931 = arith.subf %slice3A, %slice3A_3930 : vector<128x72xf32>
    %mul3A_3932 = arith.mulf %sub3A_3931, %sub3A_3931 : vector<128x72xf32>
    %slice3A_3933 = vector.extract_strided_slice %mul3A_3932 {offsets = [0, 0], sizes = [128, 24], strides = [1, 1]} : vector<128x72xf32> to vector<128x24xf32>
    %slice3A_3934 = vector.extract_strided_slice %mul3A_3932 {offsets = [0, 24], sizes = [128, 24], strides = [1, 1]} : vector<128x72xf32> to vector<128x24xf32>
    %add3A_3935 = arith.addf %slice3A_3933, %slice3A_3934 : vector<128x24xf32>
    %slice3A_3936 = vector.extract_strided_slice %mul3A_3932 {offsets = [0, 48], sizes = [128, 24], strides = [1, 1]} : vector<128x72xf32> to vector<128x24xf32>
    %add3A_3937 = arith.addf %add3A_3935, %slice3A_3936 : vector<128x24xf32>
    %add3A_3938 = arith.constant 9.99999997E-7 : f32
    %add3A_3939 = vector.broadcast %add3A_3938 : f32 to vector<128x24xf32>
    %add3A_3940 = arith.addf %add3A_3937, %add3A_3939 : vector<128x24xf32>
    %sqrt3A_3941 = math.sqrt %add3A_3940 : vector<128x24xf32>
    %concatenate3A_3942 = tpu.concatenate %broadcast_in_dim3A_3912, %sqrt3A_3941, %broadcast_in_dim3A_15 in 1 : vector<128x1xf32>, vector<128x24xf32>, vector<128x7xf32> -> vector<128x32xf32>
    %concatenate3A_3943 = tpu.concatenate %concatenate3A_3942, %concatenate3A_3942, %concatenate3A_3942, %concatenate3A_3942, %concatenate3A_3942, %concatenate3A_3942, %concatenate3A_3942, %concatenate3A_3942, %concatenate3A_3942, %concatenate3A_3942, %concatenate3A_3942, %concatenate3A_3942, %concatenate3A_3942, %concatenate3A_3942, %concatenate3A_3942, %concatenate3A_3942 in 1 : vector<128x32xf32>, vector<128x32xf32>, vector<128x32xf32>, vector<128x32xf32>, vector<128x32xf32>, vector<128x32xf32>, vector<128x32xf32>, vector<128x32xf32>, vector<128x32xf32>, vector<128x32xf32>, vector<128x32xf32>, vector<128x32xf32>, vector<128x32xf32>, vector<128x32xf32>, vector<128x32xf32>, vector<128x32xf32> -> vector<128x512xf32>
    %sub3A_3944 = vector.broadcast %get3A_14 : vector<1x512xf32> to vector<128x512xf32>
    %sub3A_3945 = arith.subf %concatenate3A_3943, %sub3A_3944 : vector<128x512xf32>
    %mul3A_3946 = arith.constant 8.000000e-01 : f32
    %mul3A_3947 = vector.broadcast %mul3A_3946 : f32 to vector<128x512xf32>
    %mul3A_3948 = arith.mulf %sub3A_3945, %mul3A_3947 : vector<128x512xf32>
    %mul3A_3949 = arith.mulf %mul3A_3948, %mul3A_3948 : vector<128x512xf32>
    %neg3A_3950 = arith.constant 0.000000e+00 : f32
    %neg3A_3951 = vector.broadcast %neg3A_3950 : f32 to vector<128x512xf32>
    %neg3A_3952 = arith.subf %neg3A_3951, %mul3A_3949 : vector<128x512xf32>
    %exp3A_3953 = math.exp %neg3A_3952 : vector<128x512xf32>
    %slice3A_3954 = vector.extract_strided_slice %dot_general3A_3929 {offsets = [0, 73], sizes = [128, 1], strides = [1, 1]} : vector<128x128xf32> to vector<128x1xf32>
    %sub3A_3955 = arith.subf %slice3A_18, %slice3A_3954 : vector<128x1xf32>
    %slice3A_3956 = vector.extract_strided_slice %dot_general3A_3929 {offsets = [0, 72], sizes = [128, 1], strides = [1, 1]} : vector<128x128xf32> to vector<128x1xf32>
    %eq3A_3957 = arith.cmpf oeq, %slice3A_16, %slice3A_3956 : vector<128x1xf32>
    %convert_element_type3A_3958 = arith.extui %eq3A_3957 : vector<128x1xi1> to vector<128x1xi32>
    %convert_element_type3A_3959 = arith.sitofp %convert_element_type3A_3958 : vector<128x1xi32> to vector<128x1xf32>
    %add3A_3960 = arith.constant 3.200000e+01 : f32
    %add3A_3961 = vector.broadcast %add3A_3960 : f32 to vector<128x1xf32>
    %add3A_3962 = arith.addf %sub3A_3955, %add3A_3961 : vector<128x1xf32>
    %jit3A_3963 = arith.constant 0.000000e+00 : f32
    %jit3A_3964 = arith.constant 6.400000e+01 : f32
    %max3A_3965 = vector.broadcast %jit3A_3963 : f32 to vector<128x1xf32>
    %max3A_3966 = arith.maximumf %max3A_3965, %add3A_3962 : vector<128x1xf32>
    %min3A_3967 = vector.broadcast %jit3A_3964 : f32 to vector<128x1xf32>
    %min3A_3968 = arith.minimumf %min3A_3967, %max3A_3966 : vector<128x1xf32>
    %mul3A_3969 = arith.mulf %min3A_3968, %convert_element_type3A_3959 : vector<128x1xf32>
    %sub3A_3970 = arith.constant 1.000000e+00 : f32
    %sub3A_3971 = vector.broadcast %sub3A_3970 : f32 to vector<128x1xf32>
    %sub3A_3972 = arith.subf %sub3A_3971, %convert_element_type3A_3959 : vector<128x1xf32>
    %mul3A_3973 = arith.constant 6.500000e+01 : f32
    %mul3A_3974 = vector.broadcast %mul3A_3973 : f32 to vector<128x1xf32>
    %mul3A_3975 = arith.mulf %sub3A_3972, %mul3A_3974 : vector<128x1xf32>
    %add3A_3976 = arith.addf %mul3A_3969, %mul3A_3975 : vector<128x1xf32>
    %convert_element_type3A_3977 = arith.fptosi %add3A_3976 : vector<128x1xf32> to vector<128x1xi32>
    %eq3A_3978 = vector.broadcast %convert_element_type3A_3977 : vector<128x1xi32> to vector<128x128xi32>
    %eq3A_3979 = arith.cmpi eq, %iota3A, %eq3A_3978 : vector<128x128xi32>
    %convert_element_type3A_3980 = arith.extui %eq3A_3979 : vector<128x128xi1> to vector<128x128xi32>
    %convert_element_type3A_3981 = arith.sitofp %convert_element_type3A_3980 : vector<128x128xi32> to vector<128x128xf32>
    %get3A_3982 = arith.constant 0 : index
    %get3A_3983 = arith.constant 0 : index
    %get3A_3984 = vector.load %arg5[%get3A_3982, %get3A_3983] : memref<128x128xf32, #tpu.memory_space<vmem>>, vector<128x128xf32>
    %dot_general3A_3985 = arith.constant dense<0.000000e+00> : vector<128x128xf32>
    %dot_general3A_3986 = tpu.matmul %convert_element_type3A_3981, %get3A_3984, %dot_general3A_3985 {dimension_numbers = #tpu.dot_dimension_numbers<[1], [0], [0], [1], [0, 0, 1, 1], [], []>, transpose_lhs_hint = false} : vector<128x128xf32>, vector<128x128xf32>, vector<128x128xf32> -> vector<128x128xf32>
    %get3A_3987 = arith.constant 0 : index
    %get3A_3988 = arith.constant 0 : index
    %get3A_3989 = vector.load %arg6[%get3A_3987, %get3A_3988] : memref<512x128xf32, #tpu.memory_space<vmem>>, vector<512x128xf32>
    %dot_general3A_3990 = arith.constant dense<0.000000e+00> : vector<128x128xf32>
    %dot_general3A_3991 = tpu.matmul %exp3A_3953, %get3A_3989, %dot_general3A_3990 {dimension_numbers = #tpu.dot_dimension_numbers<[1], [0], [0], [1], [0, 0, 1, 1], [], []>, transpose_lhs_hint = false} : vector<128x512xf32>, vector<512x128xf32>, vector<128x128xf32> -> vector<128x128xf32>
    %add3A_3992 = arith.addf %dot_general3A_3986, %dot_general3A_3991 : vector<128x128xf32>
    %swap3A_3993 = arith.constant 0 : index
    %swap3A_3994 = arith.constant 5760 : index
    %swap3A_3995 = vector.load %arg10[%swap3A_3993, %swap3A_3994] : memref<128x6144xf32, #tpu.memory_space<vmem>>, vector<128x128xf32>
    tpu.vector_store %arg10[%swap3A_3993, %swap3A_3994], %add3A_3992 {strides = array<i32>} : memref<128x6144xf32, #tpu.memory_space<vmem>>, vector<128x128xf32>,
    %reduce_max3A_3996 = arith.constant dense<0xFF800000> : vector<128xf32>
    %reduce_max3A_3997 = vector.multi_reduction <maximumf>, %select_n3A_3927, %reduce_max3A_3996 [1] : vector<128x1024xf32> to vector<128xf32>
    %broadcast_in_dim3A_3998 = vector.shape_cast %reduce_max3A_3997 : vector<128xf32> to vector<128x1xf32>
    %eq3A_3999 = vector.broadcast %broadcast_in_dim3A_3998 : vector<128x1xf32> to vector<128x1024xf32>
    %eq3A_4000 = arith.cmpf oeq, %select_n3A_3927, %eq3A_3999 : vector<128x1024xf32>
    %jit3A_4001 = arith.constant 1024 : i32
    %broadcast_in_dim3A_4002 = vector.broadcast %jit3A_4001 : i32 to vector<128x1024xi32>
    %select_n3A_4003 = arith.select %eq3A_4000, %iota3A_48, %broadcast_in_dim3A_4002 : vector<128x1024xi1>, vector<128x1024xi32>
    %reduce_min3A_4004 = arith.constant dense<2147483647> : vector<128xi32>
    %reduce_min3A_4005 = vector.multi_reduction <minsi>, %select_n3A_4003, %reduce_min3A_4004 [1] : vector<128x1024xi32> to vector<128xi32>
    %broadcast_in_dim3A_4006 = vector.shape_cast %reduce_min3A_4005 : vector<128xi32> to vector<128x1xi32>
    %eq3A_4007 = vector.broadcast %broadcast_in_dim3A_4006 : vector<128x1xi32> to vector<128x1024xi32>
    %eq3A_4008 = arith.cmpi eq, %iota3A_48, %eq3A_4007 : vector<128x1024xi32>
    %convert_element_type3A_4009 = arith.extui %eq3A_4008 : vector<128x1024xi1> to vector<128x1024xi32>
    %convert_element_type3A_4010 = arith.sitofp %convert_element_type3A_4009 : vector<128x1024xi32> to vector<128x1024xf32>
    %jit3A_4011 = arith.constant 0xFF800000 : f32
    %broadcast_in_dim3A_4012 = vector.broadcast %jit3A_4011 : f32 to vector<128x1024xf32>
    %select_n3A_4013 = arith.select %eq3A_4008, %broadcast_in_dim3A_4012, %select_n3A_3927 : vector<128x1024xi1>, vector<128x1024xf32>
    %dot_general3A_4014 = arith.constant dense<0.000000e+00> : vector<128x128xf32>
    %dot_general3A_4015 = tpu.matmul %convert_element_type3A_4010, %get3A_11, %dot_general3A_4014 {dimension_numbers = #tpu.dot_dimension_numbers<[1], [0], [0], [1], [0, 0, 1, 1], [], []>, precision = #tpu.contract_precision<fp32>, transpose_lhs_hint = false} : vector<128x1024xf32>, vector<1024x128xf32>, vector<128x128xf32> -> vector<128x128xf32>
    %slice3A_4016 = vector.extract_strided_slice %dot_general3A_4015 {offsets = [0, 0], sizes = [128, 72], strides = [1, 1]} : vector<128x128xf32> to vector<128x72xf32>
    %sub3A_4017 = arith.subf %slice3A, %slice3A_4016 : vector<128x72xf32>
    %mul3A_4018 = arith.mulf %sub3A_4017, %sub3A_4017 : vector<128x72xf32>
    %slice3A_4019 = vector.extract_strided_slice %mul3A_4018 {offsets = [0, 0], sizes = [128, 24], strides = [1, 1]} : vector<128x72xf32> to vector<128x24xf32>
    %slice3A_4020 = vector.extract_strided_slice %mul3A_4018 {offsets = [0, 24], sizes = [128, 24], strides = [1, 1]} : vector<128x72xf32> to vector<128x24xf32>
    %add3A_4021 = arith.addf %slice3A_4019, %slice3A_4020 : vector<128x24xf32>
    %slice3A_4022 = vector.extract_strided_slice %mul3A_4018 {offsets = [0, 48], sizes = [128, 24], strides = [1, 1]} : vector<128x72xf32> to vector<128x24xf32>
    %add3A_4023 = arith.addf %add3A_4021, %slice3A_4022 : vector<128x24xf32>
    %add3A_4024 = arith.constant 9.99999997E-7 : f32
    %add3A_4025 = vector.broadcast %add3A_4024 : f32 to vector<128x24xf32>
    %add3A_4026 = arith.addf %add3A_4023, %add3A_4025 : vector<128x24xf32>
    %sqrt3A_4027 = math.sqrt %add3A_4026 : vector<128x24xf32>
    %concatenate3A_4028 = tpu.concatenate %broadcast_in_dim3A_3998, %sqrt3A_4027, %broadcast_in_dim3A_15 in 1 : vector<128x1xf32>, vector<128x24xf32>, vector<128x7xf32> -> vector<128x32xf32>
    %concatenate3A_4029 = tpu.concatenate %concatenate3A_4028, %concatenate3A_4028, %concatenate3A_4028, %concatenate3A_4028, %concatenate3A_4028, %concatenate3A_4028, %concatenate3A_4028, %concatenate3A_4028, %concatenate3A_4028, %concatenate3A_4028, %concatenate3A_4028, %concatenate3A_4028, %concatenate3A_4028, %concatenate3A_4028, %concatenate3A_4028, %concatenate3A_4028 in 1 : vector<128x32xf32>, vector<128x32xf32>, vector<128x32xf32>, vector<128x32xf32>, vector<128x32xf32>, vector<128x32xf32>, vector<128x32xf32>, vector<128x32xf32>, vector<128x32xf32>, vector<128x32xf32>, vector<128x32xf32>, vector<128x32xf32>, vector<128x32xf32>, vector<128x32xf32>, vector<128x32xf32>, vector<128x32xf32> -> vector<128x512xf32>
    %sub3A_4030 = vector.broadcast %get3A_14 : vector<1x512xf32> to vector<128x512xf32>
    %sub3A_4031 = arith.subf %concatenate3A_4029, %sub3A_4030 : vector<128x512xf32>
    %mul3A_4032 = arith.constant 8.000000e-01 : f32
    %mul3A_4033 = vector.broadcast %mul3A_4032 : f32 to vector<128x512xf32>
    %mul3A_4034 = arith.mulf %sub3A_4031, %mul3A_4033 : vector<128x512xf32>
    %mul3A_4035 = arith.mulf %mul3A_4034, %mul3A_4034 : vector<128x512xf32>
    %neg3A_4036 = arith.constant 0.000000e+00 : f32
    %neg3A_4037 = vector.broadcast %neg3A_4036 : f32 to vector<128x512xf32>
    %neg3A_4038 = arith.subf %neg3A_4037, %mul3A_4035 : vector<128x512xf32>
    %exp3A_4039 = math.exp %neg3A_4038 : vector<128x512xf32>
    %slice3A_4040 = vector.extract_strided_slice %dot_general3A_4015 {offsets = [0, 73], sizes = [128, 1], strides = [1, 1]} : vector<128x128xf32> to vector<128x1xf32>
    %sub3A_4041 = arith.subf %slice3A_18, %slice3A_4040 : vector<128x1xf32>
    %slice3A_4042 = vector.extract_strided_slice %dot_general3A_4015 {offsets = [0, 72], sizes = [128, 1], strides = [1, 1]} : vector<128x128xf32> to vector<128x1xf32>
    %eq3A_4043 = arith.cmpf oeq, %slice3A_16, %slice3A_4042 : vector<128x1xf32>
    %convert_element_type3A_4044 = arith.extui %eq3A_4043 : vector<128x1xi1> to vector<128x1xi32>
    %convert_element_type3A_4045 = arith.sitofp %convert_element_type3A_4044 : vector<128x1xi32> to vector<128x1xf32>
    %add3A_4046 = arith.constant 3.200000e+01 : f32
    %add3A_4047 = vector.broadcast %add3A_4046 : f32 to vector<128x1xf32>
    %add3A_4048 = arith.addf %sub3A_4041, %add3A_4047 : vector<128x1xf32>
    %jit3A_4049 = arith.constant 0.000000e+00 : f32
    %jit3A_4050 = arith.constant 6.400000e+01 : f32
    %max3A_4051 = vector.broadcast %jit3A_4049 : f32 to vector<128x1xf32>
    %max3A_4052 = arith.maximumf %max3A_4051, %add3A_4048 : vector<128x1xf32>
    %min3A_4053 = vector.broadcast %jit3A_4050 : f32 to vector<128x1xf32>
    %min3A_4054 = arith.minimumf %min3A_4053, %max3A_4052 : vector<128x1xf32>
    %mul3A_4055 = arith.mulf %min3A_4054, %convert_element_type3A_4045 : vector<128x1xf32>
    %sub3A_4056 = arith.constant 1.000000e+00 : f32
    %sub3A_4057 = vector.broadcast %sub3A_4056 : f32 to vector<128x1xf32>
    %sub3A_4058 = arith.subf %sub3A_4057, %convert_element_type3A_4045 : vector<128x1xf32>
    %mul3A_4059 = arith.constant 6.500000e+01 : f32
    %mul3A_4060 = vector.broadcast %mul3A_4059 : f32 to vector<128x1xf32>
    %mul3A_4061 = arith.mulf %sub3A_4058, %mul3A_4060 : vector<128x1xf32>
    %add3A_4062 = arith.addf %mul3A_4055, %mul3A_4061 : vector<128x1xf32>
    %convert_element_type3A_4063 = arith.fptosi %add3A_4062 : vector<128x1xf32> to vector<128x1xi32>
    %eq3A_4064 = vector.broadcast %convert_element_type3A_4063 : vector<128x1xi32> to vector<128x128xi32>
    %eq3A_4065 = arith.cmpi eq, %iota3A, %eq3A_4064 : vector<128x128xi32>
    %convert_element_type3A_4066 = arith.extui %eq3A_4065 : vector<128x128xi1> to vector<128x128xi32>
    %convert_element_type3A_4067 = arith.sitofp %convert_element_type3A_4066 : vector<128x128xi32> to vector<128x128xf32>
    %get3A_4068 = arith.constant 0 : index
    %get3A_4069 = arith.constant 0 : index
    %get3A_4070 = vector.load %arg5[%get3A_4068, %get3A_4069] : memref<128x128xf32, #tpu.memory_space<vmem>>, vector<128x128xf32>
    %dot_general3A_4071 = arith.constant dense<0.000000e+00> : vector<128x128xf32>
    %dot_general3A_4072 = tpu.matmul %convert_element_type3A_4067, %get3A_4070, %dot_general3A_4071 {dimension_numbers = #tpu.dot_dimension_numbers<[1], [0], [0], [1], [0, 0, 1, 1], [], []>, transpose_lhs_hint = false} : vector<128x128xf32>, vector<128x128xf32>, vector<128x128xf32> -> vector<128x128xf32>
    %get3A_4073 = arith.constant 0 : index
    %get3A_4074 = arith.constant 0 : index
    %get3A_4075 = vector.load %arg6[%get3A_4073, %get3A_4074] : memref<512x128xf32, #tpu.memory_space<vmem>>, vector<512x128xf32>
    %dot_general3A_4076 = arith.constant dense<0.000000e+00> : vector<128x128xf32>
    %dot_general3A_4077 = tpu.matmul %exp3A_4039, %get3A_4075, %dot_general3A_4076 {dimension_numbers = #tpu.dot_dimension_numbers<[1], [0], [0], [1], [0, 0, 1, 1], [], []>, transpose_lhs_hint = false} : vector<128x512xf32>, vector<512x128xf32>, vector<128x128xf32> -> vector<128x128xf32>
    %add3A_4078 = arith.addf %dot_general3A_4072, %dot_general3A_4077 : vector<128x128xf32>
    %swap3A_4079 = arith.constant 0 : index
    %swap3A_4080 = arith.constant 5888 : index
    %swap3A_4081 = vector.load %arg10[%swap3A_4079, %swap3A_4080] : memref<128x6144xf32, #tpu.memory_space<vmem>>, vector<128x128xf32>
    tpu.vector_store %arg10[%swap3A_4079, %swap3A_4080], %add3A_4078 {strides = array<i32>} : memref<128x6144xf32, #tpu.memory_space<vmem>>, vector<128x128xf32>,
    %reduce_max3A_4082 = arith.constant dense<0xFF800000> : vector<128xf32>
    %reduce_max3A_4083 = vector.multi_reduction <maximumf>, %select_n3A_4013, %reduce_max3A_4082 [1] : vector<128x1024xf32> to vector<128xf32>
    %broadcast_in_dim3A_4084 = vector.shape_cast %reduce_max3A_4083 : vector<128xf32> to vector<128x1xf32>
    %eq3A_4085 = vector.broadcast %broadcast_in_dim3A_4084 : vector<128x1xf32> to vector<128x1024xf32>
    %eq3A_4086 = arith.cmpf oeq, %select_n3A_4013, %eq3A_4085 : vector<128x1024xf32>
    %jit3A_4087 = arith.constant 1024 : i32
    %broadcast_in_dim3A_4088 = vector.broadcast %jit3A_4087 : i32 to vector<128x1024xi32>
    %select_n3A_4089 = arith.select %eq3A_4086, %iota3A_48, %broadcast_in_dim3A_4088 : vector<128x1024xi1>, vector<128x1024xi32>
    %reduce_min3A_4090 = arith.constant dense<2147483647> : vector<128xi32>
    %reduce_min3A_4091 = vector.multi_reduction <minsi>, %select_n3A_4089, %reduce_min3A_4090 [1] : vector<128x1024xi32> to vector<128xi32>
    %broadcast_in_dim3A_4092 = vector.shape_cast %reduce_min3A_4091 : vector<128xi32> to vector<128x1xi32>
    %eq3A_4093 = vector.broadcast %broadcast_in_dim3A_4092 : vector<128x1xi32> to vector<128x1024xi32>
    %eq3A_4094 = arith.cmpi eq, %iota3A_48, %eq3A_4093 : vector<128x1024xi32>
    %convert_element_type3A_4095 = arith.extui %eq3A_4094 : vector<128x1024xi1> to vector<128x1024xi32>
    %convert_element_type3A_4096 = arith.sitofp %convert_element_type3A_4095 : vector<128x1024xi32> to vector<128x1024xf32>
    %dot_general3A_4097 = arith.constant dense<0.000000e+00> : vector<128x128xf32>
    %dot_general3A_4098 = tpu.matmul %convert_element_type3A_4096, %get3A_11, %dot_general3A_4097 {dimension_numbers = #tpu.dot_dimension_numbers<[1], [0], [0], [1], [0, 0, 1, 1], [], []>, precision = #tpu.contract_precision<fp32>, transpose_lhs_hint = false} : vector<128x1024xf32>, vector<1024x128xf32>, vector<128x128xf32> -> vector<128x128xf32>
    %slice3A_4099 = vector.extract_strided_slice %dot_general3A_4098 {offsets = [0, 0], sizes = [128, 72], strides = [1, 1]} : vector<128x128xf32> to vector<128x72xf32>
    %sub3A_4100 = arith.subf %slice3A, %slice3A_4099 : vector<128x72xf32>
    %mul3A_4101 = arith.mulf %sub3A_4100, %sub3A_4100 : vector<128x72xf32>
    %slice3A_4102 = vector.extract_strided_slice %mul3A_4101 {offsets = [0, 0], sizes = [128, 24], strides = [1, 1]} : vector<128x72xf32> to vector<128x24xf32>
    %slice3A_4103 = vector.extract_strided_slice %mul3A_4101 {offsets = [0, 24], sizes = [128, 24], strides = [1, 1]} : vector<128x72xf32> to vector<128x24xf32>
    %add3A_4104 = arith.addf %slice3A_4102, %slice3A_4103 : vector<128x24xf32>
    %slice3A_4105 = vector.extract_strided_slice %mul3A_4101 {offsets = [0, 48], sizes = [128, 24], strides = [1, 1]} : vector<128x72xf32> to vector<128x24xf32>
    %add3A_4106 = arith.addf %add3A_4104, %slice3A_4105 : vector<128x24xf32>
    %add3A_4107 = arith.constant 9.99999997E-7 : f32
    %add3A_4108 = vector.broadcast %add3A_4107 : f32 to vector<128x24xf32>
    %add3A_4109 = arith.addf %add3A_4106, %add3A_4108 : vector<128x24xf32>
    %sqrt3A_4110 = math.sqrt %add3A_4109 : vector<128x24xf32>
    %concatenate3A_4111 = tpu.concatenate %broadcast_in_dim3A_4084, %sqrt3A_4110, %broadcast_in_dim3A_15 in 1 : vector<128x1xf32>, vector<128x24xf32>, vector<128x7xf32> -> vector<128x32xf32>
    %concatenate3A_4112 = tpu.concatenate %concatenate3A_4111, %concatenate3A_4111, %concatenate3A_4111, %concatenate3A_4111, %concatenate3A_4111, %concatenate3A_4111, %concatenate3A_4111, %concatenate3A_4111, %concatenate3A_4111, %concatenate3A_4111, %concatenate3A_4111, %concatenate3A_4111, %concatenate3A_4111, %concatenate3A_4111, %concatenate3A_4111, %concatenate3A_4111 in 1 : vector<128x32xf32>, vector<128x32xf32>, vector<128x32xf32>, vector<128x32xf32>, vector<128x32xf32>, vector<128x32xf32>, vector<128x32xf32>, vector<128x32xf32>, vector<128x32xf32>, vector<128x32xf32>, vector<128x32xf32>, vector<128x32xf32>, vector<128x32xf32>, vector<128x32xf32>, vector<128x32xf32>, vector<128x32xf32> -> vector<128x512xf32>
    %sub3A_4113 = vector.broadcast %get3A_14 : vector<1x512xf32> to vector<128x512xf32>
    %sub3A_4114 = arith.subf %concatenate3A_4112, %sub3A_4113 : vector<128x512xf32>
    %mul3A_4115 = arith.constant 8.000000e-01 : f32
    %mul3A_4116 = vector.broadcast %mul3A_4115 : f32 to vector<128x512xf32>
    %mul3A_4117 = arith.mulf %sub3A_4114, %mul3A_4116 : vector<128x512xf32>
    %mul3A_4118 = arith.mulf %mul3A_4117, %mul3A_4117 : vector<128x512xf32>
    %neg3A_4119 = arith.constant 0.000000e+00 : f32
    %neg3A_4120 = vector.broadcast %neg3A_4119 : f32 to vector<128x512xf32>
    %neg3A_4121 = arith.subf %neg3A_4120, %mul3A_4118 : vector<128x512xf32>
    %exp3A_4122 = math.exp %neg3A_4121 : vector<128x512xf32>
    %slice3A_4123 = vector.extract_strided_slice %dot_general3A_4098 {offsets = [0, 73], sizes = [128, 1], strides = [1, 1]} : vector<128x128xf32> to vector<128x1xf32>
    %sub3A_4124 = arith.subf %slice3A_18, %slice3A_4123 : vector<128x1xf32>
    %slice3A_4125 = vector.extract_strided_slice %dot_general3A_4098 {offsets = [0, 72], sizes = [128, 1], strides = [1, 1]} : vector<128x128xf32> to vector<128x1xf32>
    %eq3A_4126 = arith.cmpf oeq, %slice3A_16, %slice3A_4125 : vector<128x1xf32>
    %convert_element_type3A_4127 = arith.extui %eq3A_4126 : vector<128x1xi1> to vector<128x1xi32>
    %convert_element_type3A_4128 = arith.sitofp %convert_element_type3A_4127 : vector<128x1xi32> to vector<128x1xf32>
    %add3A_4129 = arith.constant 3.200000e+01 : f32
    %add3A_4130 = vector.broadcast %add3A_4129 : f32 to vector<128x1xf32>
    %add3A_4131 = arith.addf %sub3A_4124, %add3A_4130 : vector<128x1xf32>
    %jit3A_4132 = arith.constant 0.000000e+00 : f32
    %jit3A_4133 = arith.constant 6.400000e+01 : f32
    %max3A_4134 = vector.broadcast %jit3A_4132 : f32 to vector<128x1xf32>
    %max3A_4135 = arith.maximumf %max3A_4134, %add3A_4131 : vector<128x1xf32>
    %min3A_4136 = vector.broadcast %jit3A_4133 : f32 to vector<128x1xf32>
    %min3A_4137 = arith.minimumf %min3A_4136, %max3A_4135 : vector<128x1xf32>
    %mul3A_4138 = arith.mulf %min3A_4137, %convert_element_type3A_4128 : vector<128x1xf32>
    %sub3A_4139 = arith.constant 1.000000e+00 : f32
    %sub3A_4140 = vector.broadcast %sub3A_4139 : f32 to vector<128x1xf32>
    %sub3A_4141 = arith.subf %sub3A_4140, %convert_element_type3A_4128 : vector<128x1xf32>
    %mul3A_4142 = arith.constant 6.500000e+01 : f32
    %mul3A_4143 = vector.broadcast %mul3A_4142 : f32 to vector<128x1xf32>
    %mul3A_4144 = arith.mulf %sub3A_4141, %mul3A_4143 : vector<128x1xf32>
    %add3A_4145 = arith.addf %mul3A_4138, %mul3A_4144 : vector<128x1xf32>
    %convert_element_type3A_4146 = arith.fptosi %add3A_4145 : vector<128x1xf32> to vector<128x1xi32>
    %eq3A_4147 = vector.broadcast %convert_element_type3A_4146 : vector<128x1xi32> to vector<128x128xi32>
    %eq3A_4148 = arith.cmpi eq, %iota3A, %eq3A_4147 : vector<128x128xi32>
    %convert_element_type3A_4149 = arith.extui %eq3A_4148 : vector<128x128xi1> to vector<128x128xi32>
    %convert_element_type3A_4150 = arith.sitofp %convert_element_type3A_4149 : vector<128x128xi32> to vector<128x128xf32>
    %get3A_4151 = arith.constant 0 : index
    %get3A_4152 = arith.constant 0 : index
    %get3A_4153 = vector.load %arg5[%get3A_4151, %get3A_4152] : memref<128x128xf32, #tpu.memory_space<vmem>>, vector<128x128xf32>
    %dot_general3A_4154 = arith.constant dense<0.000000e+00> : vector<128x128xf32>
    %dot_general3A_4155 = tpu.matmul %convert_element_type3A_4150, %get3A_4153, %dot_general3A_4154 {dimension_numbers = #tpu.dot_dimension_numbers<[1], [0], [0], [1], [0, 0, 1, 1], [], []>, transpose_lhs_hint = false} : vector<128x128xf32>, vector<128x128xf32>, vector<128x128xf32> -> vector<128x128xf32>
    %get3A_4156 = arith.constant 0 : index
    %get3A_4157 = arith.constant 0 : index
    %get3A_4158 = vector.load %arg6[%get3A_4156, %get3A_4157] : memref<512x128xf32, #tpu.memory_space<vmem>>, vector<512x128xf32>
    %dot_general3A_4159 = arith.constant dense<0.000000e+00> : vector<128x128xf32>
    %dot_general3A_4160 = tpu.matmul %exp3A_4122, %get3A_4158, %dot_general3A_4159 {dimension_numbers = #tpu.dot_dimension_numbers<[1], [0], [0], [1], [0, 0, 1, 1], [], []>, transpose_lhs_hint = false} : vector<128x512xf32>, vector<512x128xf32>, vector<128x128xf32> -> vector<128x128xf32>
    %add3A_4161 = arith.addf %dot_general3A_4155, %dot_general3A_4160 : vector<128x128xf32>
    %swap3A_4162 = arith.constant 0 : index
    %swap3A_4163 = arith.constant 6016 : index
    %swap3A_4164 = vector.load %arg10[%swap3A_4162, %swap3A_4163] : memref<128x6144xf32, #tpu.memory_space<vmem>>, vector<128x128xf32>
    tpu.vector_store %arg10[%swap3A_4162, %swap3A_4163], %add3A_4161 {strides = array<i32>} : memref<128x6144xf32, #tpu.memory_space<vmem>>, vector<128x128xf32>,
    %concatenate3A_4165 = tpu.concatenate %broadcast_in_dim3A_55, %broadcast_in_dim3A_136, %broadcast_in_dim3A_222, %broadcast_in_dim3A_308, %broadcast_in_dim3A_394, %broadcast_in_dim3A_480, %broadcast_in_dim3A_566, %broadcast_in_dim3A_652, %broadcast_in_dim3A_738, %broadcast_in_dim3A_824, %broadcast_in_dim3A_910, %broadcast_in_dim3A_996, %broadcast_in_dim3A_1082, %broadcast_in_dim3A_1168, %broadcast_in_dim3A_1254, %broadcast_in_dim3A_1340, %broadcast_in_dim3A_1426, %broadcast_in_dim3A_1512, %broadcast_in_dim3A_1598, %broadcast_in_dim3A_1684, %broadcast_in_dim3A_1770, %broadcast_in_dim3A_1856, %broadcast_in_dim3A_1942, %broadcast_in_dim3A_2028, %broadcast_in_dim3A_2114, %broadcast_in_dim3A_2200, %broadcast_in_dim3A_2286, %broadcast_in_dim3A_2372, %broadcast_in_dim3A_2458, %broadcast_in_dim3A_2544, %broadcast_in_dim3A_2630, %broadcast_in_dim3A_2716, %broadcast_in_dim3A_2802, %broadcast_in_dim3A_2888, %broadcast_in_dim3A_2974, %broadcast_in_dim3A_3060, %broadcast_in_dim3A_3146, %broadcast_in_dim3A_3232, %broadcast_in_dim3A_3318, %broadcast_in_dim3A_3404, %broadcast_in_dim3A_3490, %broadcast_in_dim3A_3576, %broadcast_in_dim3A_3662, %broadcast_in_dim3A_3748, %broadcast_in_dim3A_3834, %broadcast_in_dim3A_3920, %broadcast_in_dim3A_4006, %broadcast_in_dim3A_4092 in 1 : vector<128x1xi32>, vector<128x1xi32>, vector<128x1xi32>, vector<128x1xi32>, vector<128x1xi32>, vector<128x1xi32>, vector<128x1xi32>, vector<128x1xi32>, vector<128x1xi32>, vector<128x1xi32>, vector<128x1xi32>, vector<128x1xi32>, vector<128x1xi32>, vector<128x1xi32>, vector<128x1xi32>, vector<128x1xi32>, vector<128x1xi32>, vector<128x1xi32>, vector<128x1xi32>, vector<128x1xi32>, vector<128x1xi32>, vector<128x1xi32>, vector<128x1xi32>, vector<128x1xi32>, vector<128x1xi32>, vector<128x1xi32>, vector<128x1xi32>, vector<128x1xi32>, vector<128x1xi32>, vector<128x1xi32>, vector<128x1xi32>, vector<128x1xi32>, vector<128x1xi32>, vector<128x1xi32>, vector<128x1xi32>, vector<128x1xi32>, vector<128x1xi32>, vector<128x1xi32>, vector<128x1xi32>, vector<128x1xi32>, vector<128x1xi32>, vector<128x1xi32>, vector<128x1xi32>, vector<128x1xi32>, vector<128x1xi32>, vector<128x1xi32>, vector<128x1xi32>, vector<128x1xi32> -> vector<128x48xi32>
    %swap3A_4166 = arith.constant 0 : index
    %swap3A_4167 = arith.constant 0 : index
    %swap3A_4168 = vector.load %arg11[%swap3A_4166, %swap3A_4167] : memref<128x48xi32, #tpu.memory_space<vmem>>, vector<128x48xi32>
    tpu.vector_store %arg11[%swap3A_4166, %swap3A_4167], %concatenate3A_4165 {strides = array<i32>} : memref<128x48xi32, #tpu.memory_space<vmem>>, vector<128x48xi32>,
    return
  }
  func.func @transform_0(%arg0: i32, %arg1: i32) -> (i32, i32) {
    %mul3A = arith.constant 8 : i32
    %mul3A_0 = arith.muli %arg0, %mul3A : i32
    %add3A = arith.addi %mul3A_0, %arg1 : i32
    %c0_i32 = arith.constant 0 : i32
    %c0_i32_1 = arith.constant 0 : i32
    return %add3A, %c0_i32 : i32, i32
  }
  func.func @transform_1(%arg0: i32, %arg1: i32) -> (i32, i32, i32) {
    %c0_i32 = arith.constant 0 : i32
    %c0_i32_0 = arith.constant 0 : i32
    %c0_i32_1 = arith.constant 0 : i32
    return %arg0, %c0_i32, %c0_i32_0 : i32, i32, i32
  }
  func.func @transform_2(%arg0: i32, %arg1: i32) -> (i32, i32, i32) {
    %c0_i32 = arith.constant 0 : i32
    %c0_i32_0 = arith.constant 0 : i32
    %c0_i32_1 = arith.constant 0 : i32
    return %arg0, %c0_i32, %c0_i32_0 : i32, i32, i32
  }
  func.func @transform_3(%arg0: i32, %arg1: i32) -> (i32, i32) {
    %c0_i32 = arith.constant 0 : i32
    %c0_i32_0 = arith.constant 0 : i32
    %c0_i32_1 = arith.constant 0 : i32
    return %c0_i32, %c0_i32_0 : i32, i32
  }
  func.func @transform_4(%arg0: i32, %arg1: i32) -> (i32, i32) {
    %c0_i32 = arith.constant 0 : i32
    %c0_i32_0 = arith.constant 0 : i32
    %c0_i32_1 = arith.constant 0 : i32
    return %c0_i32, %c0_i32_0 : i32, i32
  }
  func.func @transform_5(%arg0: i32, %arg1: i32) -> (i32, i32) {
    %c0_i32 = arith.constant 0 : i32
    %c0_i32_0 = arith.constant 0 : i32
    %c0_i32_1 = arith.constant 0 : i32
    return %c0_i32, %c0_i32_0 : i32, i32
  }
  func.func @transform_6(%arg0: i32, %arg1: i32) -> (i32, i32) {
    %c0_i32 = arith.constant 0 : i32
    %c0_i32_0 = arith.constant 0 : i32
    %c0_i32_1 = arith.constant 0 : i32
    return %c0_i32, %c0_i32_0 : i32, i32
  }
  func.func @transform_7(%arg0: i32, %arg1: i32) -> (i32, i32) {
    %mul3A = arith.constant 8 : i32
    %mul3A_0 = arith.muli %arg0, %mul3A : i32
    %add3A = arith.addi %mul3A_0, %arg1 : i32
    %c0_i32 = arith.constant 0 : i32
    %c0_i32_1 = arith.constant 0 : i32
    return %add3A, %c0_i32 : i32, i32
  }
  func.func @transform_8(%arg0: i32, %arg1: i32) -> (i32, i32) {
    %mul3A = arith.constant 8 : i32
    %mul3A_0 = arith.muli %arg0, %mul3A : i32
    %add3A = arith.addi %mul3A_0, %arg1 : i32
    %c0_i32 = arith.constant 0 : i32
    %c0_i32_1 = arith.constant 0 : i32
    return %add3A, %c0_i32 : i32, i32
  }
  func.func @transform_9(%arg0: i32, %arg1: i32) -> (i32, i32) {
    %mul3A = arith.constant 8 : i32
    %mul3A_0 = arith.muli %arg0, %mul3A : i32
    %add3A = arith.addi %mul3A_0, %arg1 : i32
    %c0_i32 = arith.constant 0 : i32
    %c0_i32_1 = arith.constant 0 : i32
    return %add3A, %c0_i32 : i32, i32
  }
}

</mosaic_0001>

<sc_bundles>
// kernel: sparse-core-data-format-call.cloned.1.call-start
scs
called_computation_lowered:
.L_overlay_start_0:
0x0: {  	s2 =	sld [smem:$0x3FD9]  }
0x1: {  	s3 =	sld [smem:$0x3FFE];
	_ =	sdelay $0x1  }
0x2: {  	s1 =	srdreg.scid  }
0x3: {  	s0 =	sand.u32 $0x1, s1  }
0x4: {  	s15 =	sshll.u32 s0, $0xA;
	s2 =	sadd.s32 s3, s2  }
0x5: {  	s2 =	sadd.s32 s2, s15  }
0x6: {  	[smem:$0x3FBE] =	sst s2  }
0x7: {  	_ = 	snop  }
0x8: {  	s2 =	sld [smem:$0x3FD0];
	_ =	sdelay $0x2  }
0x9: {  	s16 =	simm.s32 $0xA;
	s4 =	simm.s32 $0x10  }
0xa: {  	[smem:s4], [sflag:s16] =	dma.local [hbm:s2], $0x1  }
0xb: {  	_ =	swait.eq [sflag:s16], $0x1  }
0xc: {  	[sflag:s16] =	ssyncset.done $0x0  }
0xd: {  	[sflag:s16] =	ssyncadd.s32 $0xFFFFFFFF  }
0xe: {  	s17 =	sld [smem:$0x11];
	(tm) =	ssettm $0x1  }
0xf: {  	s18 =	sld [smem:$0x3FFB];
	_ =	sdelay $0x3  }
0x10: {  	_ =	strace s18  }
0x11: {  	s3 =	sld [smem:$0x3FFC];
	_ =	sdelay $0x3  }
0x12: {  	_ =	strace s3  }
0x13: {  	s3 =	sld [smem:$0x3FFD];
	_ =	sdelay $0x3  }
0x14: {  	_ =	strace s3  }
0x15: {  	_ =	strace $0x8FFFFFFF  }
0x16: {  	s19 =	sld [smem:$0x3FDB];
	_ =	sdelay $0x1  }
0x17: {  	s20 =	simm.s32 $_scs_section_size  }
0x18: {  	s5 =	simm.s32 $_size__tile_overlayer_lowered;
	s6 =	simm.s32 $_tile_overlayer_lowered  }
0x19: {  	s23 =	simm.s32 $0x1BFF;
	s22 =	sshll.u32 s6, $0x1;
	s3 =	sadd.s32 s20, s19  }
0x1a: {  	s7 =	simm.s32 $0x0;
	s21 =	sshll.u32 s5, $0x1;
	s5 =	sadd.s32 s22, s3  }
0x1b: {  	[timem:s7], [sflag:s23] =	dma.local [hbm:s5], s21  }
0x1c: {  	_ =	swait.ge [sflag:s23], s21  }
0x1d: {  	s4 =	ssub.s32 $0x0, s21;
	[sflag:s23] =	ssyncset.done $0x0  }
0x1e: {  	[sflag:s23] =	ssyncadd.s32 s4;
	_ =	sdelay $0x1  }
0x1f: {  	s24 =	simm.s32 $0x1B8B  }
0x20: {  	_ =	swait.ge [sflag:s24], $0x1  }
0x21: {  	[sflag:s24] =	ssyncset.done $0x0  }
0x22: {  	s26 =	simm.s32 $0x1B8E;
	s25 =	sld [smem:$0x3FFE];
	[sflag:s24] =	ssyncadd.s32 $0xFFFFFFFF  }
0x23: {  	s27 =	simm.s32 $execute0_lowered;
	[smem:$0x3FD2] =	sst s26  }
0x24: {  	s5 =	sshll.u32 s27, $0x1;
	_ =	strace $0x80000046;
	[dreg:$0x1] =	wrdreg $0xFFFFFFFF  }
0x25: {  	s28 =	simm.s32 $_size_execute0_lowered;
	s3 =	sadd.s32 s3, s5;
	[dreg:$0x0] =	wrdreg $0x0  }
0x26: {  	s5 =	sshll.u32 s28, $0x1;
	[dreg:$0x2] =	wrdreg s3  }
0x27: {  	[dreg:$0x3] =	wrdreg s5  }
0x28: {  	[dreg:$0x4] =	wrdreg $0xC0  }
0x29: {  	_ =	task [dreg:s7], $0x5FFFF  }
0x2a: {  	[dreg:$0x1] =	wrdreg $0xFFFFFFFF  }
0x2b: {  	[dreg:$0x0] =	wrdreg $0x60  }
0x2c: {  	[dreg:$0x2] =	wrdreg s25  }
0x2d: {  	[dreg:$0x3] =	wrdreg s17  }
0x2e: {  	[dreg:$0x4] =	wrdreg $0x9  }
0x2f: {  	_ =	task.clear_ibuf [dreg:s7], $0x5FFFF;
	_ =	strace $0x90000046  }
0x30: {  	s29 =	simm.s32 $0x9;
	_ =	strace $0x80000048  }
0x31: {  	_ =	swait.ge [sflag:s29], $0x1  }
0x32: {  	[sflag:s29] =	ssyncadd.s32 $0xFFFFFFFF  }
0x33: {  	_ =	strace $0x90000048  }
0x34: {  	_ =	sfence  }
0x35: {  	s30 =	sld [smem:$0x0];
	_ =	sdelay $0x2  }
0x36: {  	s31 =	sshll.u32 s1, $0xD;
	s1 =	sshrl.u32 s1, $0x2  }
0x37: {  	s3 =	sand.u32 $0x4000, s31;
	s1 =	sadd.s32 s1, s30  }
0x38: {  	s0 =	sor.u32 s3, s0;
	s1 =	sshll.u32 s1, $0x11  }
0x39: {  	s0 =	sor.u32 s1, s0  }
0x3a: {  	s0 =	sadd.s32 $0x8F2B, s0  }
0x3b: {  	[sflag:s0] =	ssyncadd.remote.s32 $0x1  }
0x3c: {  	_ =	sfence.sel $0xFFFF  }
0x3d: {  	[dreg:$0x0] =	wrdreg $0xFFFFFFFF;
	(pc) =	sbr.abs _section_cstart, $3  }
0x3e: {  	[dreg:$0x1] =	wrdreg $0xFFFFFFFF  }
0x3f: {  	_ =	task.clear_ibuf [dreg:s7], $0x2FFFF;
	_ =	strace $0x9FFFFFFF  }
0x40: {  	(tm) =	ssettm $0x7FFFFFFF  }
0x41: {  	_ =	shalt  }
tec
execute0_lowered:
.L_overlay_start_1:
0x0: {  	(tag) =	ssettag $0x1  }
0x1: {  	s1 =	rddreg [dreg:$0x0]  }
0x2: {  	s2 =	rddreg [dreg:$0x1]  }
0x3: {  	s0 =	rddreg [dreg:$0x2];
	_ =	strace $0x80000047;
	s4 =	srdreg.scid  }
0x4: {  	s6 =	simm.s32 $0x2;
	s11 =	simm.s32 $0x0;
	p0 =	por $0x0, $0x0  }
.Ltmp0:
0x5: {  	s7 =	simm.s32 $0x1800;
	s12 =	simm.s32 $0x0;
	(pc) =	sbr.rel .LBB1_1-.Ltmp0, $4  }
0x6: {  	s9 =	simm.s32 $0x0;
	s3 =	sadd.s32 $0x1A00, s1;
	s5 =	sshll.u32 s4, $0x4  }
0x7: {  	s1 =	stileid.u32;
	s4 =	simm.s32 $0x1;
	s5 =	sand.u32 $0x10, s5  }
0x8: {  	s8 =	simm.s32 $0x0;
	[sflag:s4] =	ssyncpa.u1 $0x0;
	s5 =	sor.u32 s1, s5  }
0x9: {  	[sflag:s6] =	ssyncpa.u1 $0x0;
	s6 =	simm.s32 $0x800;
	s10 =	smov.u32 s5  }
.LBB1_7:
0xa: {  	s13 =	sadd.s32 $0x10, s9  }
0xb: {  	s11 =	sadd.s32 $0x20, s10;
	s15 =	smov.u32 s10;
	p2 =	sgt.s32 s13, $0x2F  }
0xc: {  	p1 =	slt.u32 s8, $0x2;
	s15 =	smov.u32 @p2 s11  }
0xd: {  	s8 =	sadd.s32 $0x1, s8;
	s13 =	simm.s32 @p2 $0x0;
	p2 =	sgt.s32 s15, $0xFF  }
0xe: {  	s15 =	smov.u32 @p2 s5;
	p2 =	sne.s32 s8, $0x1A  }
.Ltmp1:
0xf: {  	_ = 	snop;
	(pc) =	sbr.rel @!p2 .LBB1_8-.Ltmp1, $4  }
0x10: {  	s14 =	simm.s32 @!p1 $0x2  }
0x11: {  	s12 =	smov.u32 s10;
	_ =	swait.ge @!p1 [sflag:s14], $0x4000  }
0x12: {  	p0 =	por !p0, !p0;
	s11 =	smov.u32 s9;
	[sflag:s14] =	ssyncset.done @!p1 $0x0  }
0x13: {  	s9 =	smov.u32 s13;
	[sflag:s14] =	ssyncadd.s32 @!p1 $0xFFFFC000;
	s10 =	smov.u32 s15  }
.LBB1_1:
0x14: {  	p1 =	sgt.u32 s8, $0x17  }
0x15: {  	s13 =	smul.u32 @!p1 $0x1800, s10  }
0x16: {  	s14 =	sxor.u32 @!p1 $0xFFFFFFFF, s8  }
0x17: {  	s15 =	sshll.u32 @!p1 s9, $0x7;
	s14 =	sshll.u32 @!p1 s14, $0xE;
	s13 =	sadd.s32 @!p1 s3, s13  }
0x18: {  	s14 =	sand.u32 @!p1 $0x4000, s14;
	s13 =	sadd.s32 @!p1 s15, s13;
	s15 =	simm.s32 @!p1 $0x0  }
0x19: {  	[tilespmem:s14], [sflag:$0x1] =	stream.linear.gather @!p1 [hbm4b:s13+s15], $0x4000, $0x38;
	[tilespmem:$0x10000] =	vst v63  }
0x1a: {  	p1 =	seq.s32 s8, $0x0  }
0x1b: {  	p2 =	seq.s32 @!p1 s8, $0x19  }
0x1c: {  	p1 =	por p1, p2  }
.Ltmp2:
0x1d: {  	_ = 	snop;
	(pc) =	sbr.rel @p1 .LBB1_7-.Ltmp2, $1  }
0x1e: {  	_ =	sdelay $0x3  }
0x1f: {  	s13 =	simm.s32 $0x1;
	_ =	swait.ge [sflag:s4], $0x4000;
	s16 =	sshll.u32 s8, $0xE  }
0x20: {  	s13 =	simm.s32 @!p0 $0x0;
	[sflag:s4] =	ssyncset.done $0x0;
	s31 =	sand.u32 $0x4000, s16  }
0x21: {  	s16 =	simm.s32 $0x0;
	s13 =	sshll.u32 s13, $0xE;
	[sflag:s4] =	ssyncadd.s32 $0xFFFFC000  }
0x22: {  	s14 =	sor.u32 $0x8040, s13;
	s15 =	sor.u32 $0x40, s13;
	s13 =	sor.u32 $0x8000, s31  }
.LBB1_3:
0x23: {  	v0 =	vmov s15;
	_ =	sdelay $0x3  }
0x24: {  	s18 =	simm.s32 $0x0  }
0x25: {  	v6 =	vld.idx.msk [tilespmem:v0+s18+$0x30 ss:$0x1], $0xffff  }
0x26: {  	v7 =	vld.idx.msk [tilespmem:v0+s18+$0xFFFFFFC0 ss:$0x1], $0xffff  }
0x27: {  	v5 =	vld.idx.msk [tilespmem:v0+s18+$0xFFFFFFD0 ss:$0x1], $0xffff  }
0x28: {  	v4 =	vld.idx.msk [tilespmem:v0+s18+$0xFFFFFFE0 ss:$0x1], $0xffff  }
0x29: {  	v3 =	vld.idx.msk [tilespmem:v0+s18+$0xFFFFFFF0 ss:$0x1], $0xffff  }
0x2a: {  	v1 =	vld.idx.msk [tilespmem:v0+s18+$0x0 ss:$0x1], $0xffff  }
0x2b: {  	v2 =	vld.idx.msk [tilespmem:v0+s18+$0x10 ss:$0x1], $0xffff;
	[tilespmem:s14+$0x30] =	vst v6  }
0x2c: {  	s17 =	simm.s32 $0x80;
	s19 =	simm.s32 $0x400;
	[tilespmem:s14+$0xFFFFFFC0] =	vst v7;
	v6 =	vld.idx.msk [tilespmem:v0+s18+$0x20 ss:$0x1], $0xffff;
	s18 =	smov.u32 s14  }
.LBB1_4:
0x2d: {  	p1 =	sne.s32 s19, $0xE00;
	v7 =	vld.idx.msk [tilespmem:v0+s17+$0x30 ss:$0x1], $0xffff;
	[tilespmem:s18+$0xFFFFFFD0] =	vst v5  }
0x2e: {  	v8 =	vld.idx.msk [tilespmem:v0+s17+$0xFFFFFFC0 ss:$0x1], $0xffff;
	[tilespmem:s18+$0xFFFFFFE0] =	vst v4  }
0x2f: {  	v5 =	vld.idx.msk [tilespmem:v0+s17+$0xFFFFFFD0 ss:$0x1], $0xffff;
	[tilespmem:s18+$0xFFFFFFF0] =	vst v3  }
.Ltmp3:
0x30: {  	v4 =	vld.idx.msk [tilespmem:v0+s17+$0xFFFFFFE0 ss:$0x1], $0xffff;
	[tilespmem:s18+$0x0] =	vst v1;
	(pc) =	sbr.rel @p1 .LBB1_4-.Ltmp3, $4  }
0x31: {  	v3 =	vld.idx.msk [tilespmem:v0+s17+$0xFFFFFFF0 ss:$0x1], $0xffff;
	[tilespmem:s18+$0x10] =	vst v2  }
0x32: {  	v1 =	vld.idx.msk [tilespmem:v0+s17+$0x0 ss:$0x1], $0xffff;
	[tilespmem:s18+$0x20] =	vst v6;
	s18 =	sadd.s32 $0x800, s18  }
0x33: {  	v2 =	vld.idx.msk [tilespmem:v0+s17+$0x10 ss:$0x1], $0xffff;
	[tilespmem:s18+$0x30] =	vst v7  }
0x34: {  	[tilespmem:s18+$0xFFFFFFC0] =	vst v8;
	v6 =	vld.idx.msk [tilespmem:v0+s17+$0x20 ss:$0x1], $0xffff;
	s17 =	sshra.s32 s19, $0x2;
	s19 =	sadd.s32 $0x200, s19  }
0x35: {  	_ =	sdelay $0x2  }
0x36: {  	[tilespmem:s18+$0xFFFFFFD0] =	vst v5  }
0x37: {  	v56 =	vld.idx.msk [tilespmem:v0+s17+$0x30 ss:$0x1], $0xffff;
	[tilespmem:s18+$0xFFFFFFE0] =	vst v4  }
0x38: {  	v57 =	vld.idx.msk [tilespmem:v0+s17+$0xFFFFFFC0 ss:$0x1], $0xffff;
	[tilespmem:s18+$0xFFFFFFF0] =	vst v3  }
0x39: {  	v58 =	vld.idx.msk [tilespmem:v0+s17+$0xFFFFFFD0 ss:$0x1], $0xffff;
	[tilespmem:s18+$0x0] =	vst v1  }
0x3a: {  	v59 =	vld.idx.msk [tilespmem:v0+s17+$0xFFFFFFE0 ss:$0x1], $0xffff;
	[tilespmem:s18+$0x10] =	vst v2  }
0x3b: {  	v60 =	vld.idx.msk [tilespmem:v0+s17+$0xFFFFFFF0 ss:$0x1], $0xffff;
	s31 =	sadd.s32 $0x800, s18;
	[tilespmem:s18+$0x20] =	vst v6  }
0x3c: {  	v61 =	vld.idx.msk [tilespmem:v0+s17+$0x0 ss:$0x1], $0xffff;
	[tilespmem:s31+$0x30] =	vst v56  }
0x3d: {  	v62 =	vld.idx.msk [tilespmem:v0+s17+$0x10 ss:$0x1], $0xffff;
	s16 =	sadd.s32 $0x1, s16;
	[tilespmem:s31+$0xFFFFFFC0] =	vst v57  }
0x3e: {  	v63 =	vld.idx.msk [tilespmem:v0+s17+$0x20 ss:$0x1], $0xffff;
	p1 =	sne.s32 s16, $0x10;
	[tilespmem:s31+$0xFFFFFFD0] =	vst v58  }
.Ltmp4:
0x3f: {  	[tilespmem:s31+$0xFFFFFFE0] =	vst v59;
	(pc) =	sbr.rel @p1 .LBB1_3-.Ltmp4, $4  }
0x40: {  	[tilespmem:s31+$0xFFFFFFF0] =	vst v60  }
0x41: {  	[tilespmem:s31+$0x0] =	vst v61  }
0x42: {  	[tilespmem:s31+$0x10] =	vst v62  }
0x43: {  	s14 =	sadd.s32 $0x80, s14;
	s15 =	sadd.s32 $0x400, s15;
	[tilespmem:s31+$0x20] =	vst v63  }
0x44: {  	s11 =	sand.u32 $0x1FFFFFF, s11  }
0x45: {  	s14 =	smulhi.u32 $0x5555556, s11  }
0x46: {  	s12 =	smul.u32 $0x1800, s12  }
0x47: {  	s14 =	smul.u32 $0x30, s14  }
.Ltmp5:
0x48: {  	_ = 	snop;
	(pc) =	sbr.rel .LBB1_7-.Ltmp5, $4  }
0x49: {  	s11 =	ssub.s32 s11, s14  }
0x4a: {  	s12 =	sadd.s32 s2, s12;
	s11 =	sshll.u32 s11, $0x4  }
0x4b: {  	s11 =	sadd.s32 s11, s12  }
0x4c: {  	[hbm4b:s11+s6] =	stream.strided.scatter [tilespmem:s13], [sflag:$0x2], $0x4000, s7, s6, $0x38;
	[tilespmem:$0x10000] =	vst v63  }
.LBB1_8:
0x4d: {  	_ =	sfence.sel $0x180000  }
0x4e: {  	s2 =	simm.s32 $0x1;
	[bflag:$0x0] =	sbarrier.arrive $0xFFFF  }
0x4f: {  	s31 =	simm.s32 $0x2;
	[sflag:s2] =	ssyncpa.u1 $0x1  }
0x50: {  	[sflag:s31] =	ssyncpa.u1 $0x1  }
0x51: {  	p0 =	sne.s32 s1, $0x0;
	_ =	strace $0x90000047  }
0x52: {  	s0 =	sadd.s32 @!p0 $0x100000, s0;
	[bflag:$0x2] =	sbarrier.arrive $0xFFFF  }
0x53: {  	[sflag:s0] =	ssyncadd.tile.s32 @!p0 $0x1;
	_ =	shalt  }
.Lfunc_end1:
_tile_overlayer_lowered:
.L_overlay_start_2:
0x54: {  	(tag) =	ssettag $0x2  }
0x55: {  	s0 =	rddreg [dreg:$0x0];
	s2 =	stileid.u32  }
0x56: {  	s1 =	rddreg [dreg:$0x1];
	p0 =	sne.s32 s2, $0x0  }
0x57: {  	s3 =	rddreg [dreg:$0x2];
	[bflag:$0x3] =	sbarrier.arrive $0xFFFF;
	s2 =	simm.s32 @!p0 $0x1C01  }
0x58: {  	[timem:s3], [sflag:s2] =	dma.local @!p0 [hbm:s0], s1  }
0x59: {  	s0 =	simm.s32 @!p0 $0x1  }
0x5a: {  	_ =	swait.ge @!p0 [sflag:s0], s1  }
0x5b: {  	s1 =	ssub.s32 @!p0 $0x0, s1;
	[sflag:s0] =	ssyncset.done @!p0 $0x0  }
0x5c: {  	[sflag:s0] =	ssyncadd.s32 @!p0 s1  }
0x5d: {  	[bflag:$0x3] =	sbarrier.arrive $0xFFFF  }
0x5e: {  	_ =	shalt  }

</sc_bundles>
